<compile_context>
chip_gen: v7x
topology: tpu7x:2x2x1
jax: 0.10.2.dev20260603
libtpu: 0.0.44.dev20260713+nightly
codegen_flags: <defaults>
</compile_context>

<pallas_src>
import functools
import math

import jax
import jax.numpy as jnp
from jax import lax
from jax.experimental import pallas as pl
from jax.experimental.pallas import tpu as pltpu
from jax.experimental.pallas import tpu_sc as plsc

D = 128
D_E = 16
K = 10
H = 2
DQ = 2 * D
DK = 2 * D + D_E
NW = 32
CHUNK = 128
NB = 256



NBUF = 4


@functools.lru_cache(maxsize=None)
def _gather_call(specs, b_pad, tc_tiling):
    b_per_w = b_pad // NW
    n_chunks = b_per_w // CHUNK
    nt = len(specs)
    dtypes = [jnp.dtype(dn) for (_, _, dn) in specs]
    mesh = plsc.VectorSubcoreMesh(core_axis_name="c", subcore_axis_name="s")

    @functools.partial(
        pl.kernel,
        mesh=mesh,
        compiler_params=pltpu.CompilerParams(use_tc_tiling_on_sc=tc_tiling),
        out_type=[jax.ShapeDtypeStruct((b_pad, d), dt)
                  for (_, d, _), dt in zip(specs, dtypes)],
        scratch_types=(
            [pltpu.VMEM((n_chunks, CHUNK), jnp.int32)]
            + [pltpu.VMEM((NBUF, CHUNK, d), dt) for (_, d, _), dt in zip(specs, dtypes)]
            + [pltpu.SemaphoreType.DMA, pltpu.SemaphoreType.DMA]
        ),
    )
    def gk(*refs):
        tables = refs[:nt]
        idx_hbm = refs[nt]
        outs = refs[nt + 1:2 * nt + 1]
        idx_v = refs[2 * nt + 1]
        rows = refs[2 * nt + 2:3 * nt + 2]
        gsem, ssem = refs[3 * nt + 2:3 * nt + 4]

        wid = lax.axis_index("s") * 2 + lax.axis_index("c")
        base = wid * b_per_w
        pltpu.sync_copy(idx_hbm.at[wid], idx_v)

        def fire(c, slot):
            for t in range(nt):
                pltpu.async_copy(tables[t].at[idx_v.at[c]], rows[t].at[slot], gsem)

        def wait_gather(c, slot):
            for t in range(nt):
                pltpu.make_async_copy(tables[t].at[idx_v.at[c]], rows[t].at[slot],
                                      gsem).wait()

        def store(c, slot):
            for t in range(nt):
                pltpu.async_copy(rows[t].at[slot],
                                 outs[t].at[pl.ds(base + c * CHUNK, CHUNK)], ssem)

        def wait_store(c, slot):
            for t in range(nt):
                pltpu.make_async_copy(rows[t].at[slot],
                                      outs[t].at[pl.ds(base + c * CHUNK, CHUNK)],
                                      ssem).wait()

        for b in range(min(NBUF, n_chunks)):
            fire(b, b % NBUF)

        def body(c, carry):
            @pl.when(jnp.logical_and(c >= 1, c + NBUF - 1 < n_chunks))
            def _():
                wait_store(c - 1, (c - 1) % NBUF)
                fire(c + NBUF - 1, (c - 1) % NBUF)

            wait_gather(c, lax.rem(c, NBUF))
            store(c, lax.rem(c, NBUF))
            return carry

        lax.fori_loop(0, n_chunks, body, 0)
        for k in range(min(NBUF, n_chunks)):
            c = n_chunks - min(NBUF, n_chunks) + k
            wait_store(c, c % NBUF)

    return gk


def _sc_gather(tables, idx, tc_tiling):
    b = idx.shape[0]
    b_pad = -(-b // (NW * CHUNK)) * (NW * CHUNK)
    idx = idx.astype(jnp.int32)
    if b_pad != b:
        idx = jnp.concatenate([idx, jnp.zeros((b_pad - b,), jnp.int32)])
    idx3 = idx.reshape(NW, b_pad // NW // CHUNK, CHUNK)
    specs = tuple((t.shape[0], t.shape[1], str(t.dtype)) for t in tables)
    fn = _gather_call(specs, b_pad, tc_tiling)
    res = fn(*tables, idx3)
    return res if isinstance(res, (list, tuple)) else [res]



_INV_2PI = 0.15915493667125702
_TWO_PI = 6.283185307179586


def _fast_cos(x):
    m = x * _INV_2PI
    y = m - jnp.round(m)
    q = jnp.round(2.0 * y)
    r = y - 0.5 * q
    z2 = (_TWO_PI * _TWO_PI) * (r * r)
    c = 1.0 + z2 * (-0.5 + z2 * (1.0 / 24.0 + z2 * (-1.0 / 720.0 + z2 * (1.0 / 40320.0))))
    return c * (1.0 - 2.0 * q * q)


def _concat_body(a_ref, b_ref, c_ref, out_ref):
    out_ref[:, 0:K] = a_ref[...]
    out_ref[:, K:2 * K] = b_ref[...]
    out_ref[:, 2 * K:3 * K] = lax.bitcast_convert_type(c_ref[...], jnp.int32)
    out_ref[:, 3 * K:] = jnp.zeros_like(out_ref[:, 3 * K:])


def _build_combo(nbr_nodes, nbr_edges, nbr_times):
    n_nodes = nbr_nodes.shape[0]
    rb = 4000
    return pl.pallas_call(
        _concat_body,
        grid=(n_nodes // rb,),
        in_specs=[pl.BlockSpec((rb, K), lambda i: (i, 0))] * 3,
        out_specs=pl.BlockSpec((rb, 32), lambda i: (i, 0)),
        out_shape=jax.ShapeDtypeStruct((n_nodes, 32), jnp.int32),
    )(nbr_nodes, nbr_edges, nbr_times)


def _attn_body(*refs, head):
    (src_ref, *rest) = refs
    nbr_refs = rest[:K]
    ef_refs = rest[K:2 * K]
    (ts_ref, nts_ref, wq_ref, wk_ref, wv_ref,
     wo_ref, f1w_ref, f1b_ref, f2w_ref, f2b_ref, tw_ref, tb_ref) = rest[2 * K:2 * K + 12]
    if head:
        hw_ref, hb_ref = rest[2 * K + 12:2 * K + 14]
        out_ref = rest[-1]
    else:
        out_ref = rest[-1]

    src = src_ref[...]
    wq = wq_ref[...]
    wk = wk_ref[...]
    wv = wv_ref[...]
    tw = tw_ref[...]
    tb = tb_ref[...]
    src_t = _fast_cos(tb)
    q = jnp.dot(src, wq[:D], preferred_element_type=jnp.float32) \
        + jnp.dot(src_t, wq[D:], preferred_element_type=jnp.float32)
    ts = ts_ref[...]
    nts = nts_ref[...]
    inv = 1.0 / math.sqrt(D)

    s0_cols, s1_cols, vks = [], [], []
    for k in range(K):
        e_t = _fast_cos((ts - nts[:, k:k + 1]) * tw + tb)
        nb_k = nbr_refs[k][...]
        ef_k = ef_refs[k][...]
        kk = (jnp.dot(nb_k, wk[:D], preferred_element_type=jnp.float32)
              + jnp.dot(e_t, wk[D:2 * D], preferred_element_type=jnp.float32)
              + jnp.dot(ef_k, wk[2 * D:], preferred_element_type=jnp.float32))
        vk = (jnp.dot(nb_k, wv[:D], preferred_element_type=jnp.float32)
              + jnp.dot(e_t, wv[D:2 * D], preferred_element_type=jnp.float32)
              + jnp.dot(ef_k, wv[2 * D:], preferred_element_type=jnp.float32))
        vks.append(vk)
        s0_cols.append(jnp.sum(kk[:, :D] * q[:, :D], axis=1, keepdims=True))
        s1_cols.append(jnp.sum(kk[:, D:] * q[:, D:], axis=1, keepdims=True))

    s0 = jnp.concatenate(s0_cols, axis=1) * inv
    s1 = jnp.concatenate(s1_cols, axis=1) * inv
    a0 = jax.nn.softmax(s0, axis=-1)
    a1 = jax.nn.softmax(s1, axis=-1)
    o0 = a0[:, 0:1] * vks[0][:, :D]
    o1 = a1[:, 0:1] * vks[0][:, D:]
    for k in range(1, K):
        o0 = o0 + a0[:, k:k + 1] * vks[k][:, :D]
        o1 = o1 + a1[:, k:k + 1] * vks[k][:, D:]

    wo = wo_ref[...]
    att = jnp.dot(o0, wo[:D], preferred_element_type=jnp.float32) \
        + jnp.dot(o1, wo[D:], preferred_element_type=jnp.float32)
    f1w = f1w_ref[...]
    h = jnp.dot(att, f1w[:DQ], preferred_element_type=jnp.float32) \
        + jnp.dot(src, f1w[DQ:], preferred_element_type=jnp.float32) + f1b_ref[...]
    h = jax.nn.relu(h)
    out = jnp.dot(h, f2w_ref[...], preferred_element_type=jnp.float32) + f2b_ref[...]
    if head:
        out_ref[...] = jax.nn.sigmoid(
            jnp.dot(out, hw_ref[...], preferred_element_type=jnp.float32) + hb_ref[...])
    else:
        out_ref[...] = out


def _attn_layer(feat, ef, ts_col, nts, weights, n, ef_base_blk,
                head_w=None, head_b=None):
    nb = n // NB
    wq, wk, wv, wo, f1w, f1b, f2w, f2b, tw, tb = weights
    head = head_w is not None

    in_specs = [pl.BlockSpec((NB, D), lambda i: (i, 0))]
    in_specs += [pl.BlockSpec((NB, D), (lambda i, k=k: ((k + 1) * nb + i, 0)))
                 for k in range(K)]
    in_specs += [pl.BlockSpec((NB, D_E), (lambda i, k=k: (ef_base_blk + k * nb + i, 0)))
                 for k in range(K)]
    in_specs += [
        pl.BlockSpec((NB, 1), lambda i: (i, 0)),
        pl.BlockSpec((NB, K), lambda i: (i, 0)),
        pl.BlockSpec(wq.shape, lambda i: (0, 0)),
        pl.BlockSpec(wk.shape, lambda i: (0, 0)),
        pl.BlockSpec(wv.shape, lambda i: (0, 0)),
        pl.BlockSpec(wo.shape, lambda i: (0, 0)),
        pl.BlockSpec(f1w.shape, lambda i: (0, 0)),
        pl.BlockSpec(f1b.shape, lambda i: (0, 0)),
        pl.BlockSpec(f2w.shape, lambda i: (0, 0)),
        pl.BlockSpec(f2b.shape, lambda i: (0, 0)),
        pl.BlockSpec(tw.shape, lambda i: (0, 0)),
        pl.BlockSpec(tb.shape, lambda i: (0, 0)),
    ]
    args = [feat] + [feat] * K + [ef] * K + [ts_col, nts, wq, wk, wv, wo,
                                             f1w, f1b, f2w, f2b, tw, tb]
    if head:
        in_specs += [pl.BlockSpec(head_w.shape, lambda i: (0, 0)),
                     pl.BlockSpec(head_b.shape, lambda i: (0, 0))]
        args += [head_w, head_b]
        d_out = 1
    else:
        d_out = D

    return pl.pallas_call(
        functools.partial(_attn_body, head=head),
        grid=(nb,),
        in_specs=in_specs,
        out_specs=pl.BlockSpec((NB, d_out), lambda i: (i, 0)),
        out_shape=jax.ShapeDtypeStruct((n, d_out), jnp.float32),
    )(*args)



def kernel(source_nodes, destination_nodes, edge_times, edge_idxs, n_neighbors,
           nbr_nodes, nbr_edges, nbr_times, params):
    p = params
    b2 = 2 * source_nodes.shape[0]
    nodes_all = jnp.concatenate([source_nodes, destination_nodes]).astype(jnp.int32)
    ts_all = jnp.concatenate([edge_times, edge_times])
    combo = _build_combo(nbr_nodes.astype(jnp.int32), nbr_edges.astype(jnp.int32),
                         nbr_times)

    g2, = _sc_gather((combo,), nodes_all, tc_tiling=False)
    g2 = g2[:b2]
    nbrs2 = g2[:, :K]
    neids2 = g2[:, K:2 * K]
    ntimes2 = lax.bitcast_convert_type(g2[:, 2 * K:3 * K], jnp.float32)

    n1 = b2 * (1 + K)
    l1_nodes = jnp.concatenate([nodes_all, nbrs2.T.reshape(-1)])
    l1_ts = jnp.concatenate([ts_all, ntimes2.T.reshape(-1)])

    g1, = _sc_gather((combo,), l1_nodes, tc_tiling=False)
    g1 = g1[:n1]
    nbrs1 = g1[:, :K]
    neids1 = g1[:, K:2 * K]
    ntimes1 = lax.bitcast_convert_type(g1[:, 2 * K:3 * K], jnp.float32)

    nf_idx = jnp.concatenate([l1_nodes, nbrs1.T.reshape(-1)])
    nf, = _sc_gather((p['node_features'],), nf_idx, tc_tiling=True)
    ef_idx = jnp.concatenate([neids1.T.reshape(-1), neids2.T.reshape(-1)])
    ef, = _sc_gather((p['edge_features'],), ef_idx, tc_tiling=False)

    def wts(l):
        return (p['Wq%d' % l], p['Wk%d' % l], p['Wv%d' % l], p['Wo%d' % l],
                p['fc1w%d' % l], p['fc1b%d' % l].reshape(1, D),
                p['fc2w%d' % l], p['fc2b%d' % l].reshape(1, D),
                p['time_w'].reshape(1, D), p['time_b'].reshape(1, D))

    emb1 = _attn_layer(nf, ef, l1_ts.reshape(-1, 1), ntimes1, wts(0),
                       n=n1, ef_base_blk=0)
    probs = _attn_layer(emb1, ef, ts_all.reshape(-1, 1), ntimes2, wts(1),
                        n=b2, ef_base_blk=(K * n1) // NB,
                        head_w=p['w_out'], head_b=p['b_out'].reshape(1, 1))
    nsrc = source_nodes.shape[0]
    return probs[:nsrc], probs[nsrc:]

# --- scband reference (transcript-rebuilt; emitter-appended) ---
"""Pipeline reference for scband-tgn-35845797052659 (READ-ONLY COPY).

The authoritative reference and input builder live on the scoring server;
editing this copy changes nothing except your own understanding.
"""

import jax, jax.numpy as jnp
import numpy as np

N_NODES = 100000
N_EDGES = 1600000
D = 128
D_E = 16
K = 10
B = 512
H = 2
N_LAYERS = 2
DQ = 2 * D          # query dim = node feat dim + time feat dim
DK = 2 * D + D_E    # key dim = neighbor feat + time feat + edge feat


def setup_inputs(seed: int = 0) -> dict:
    key = jax.random.key(seed)
    ks = jax.random.split(key, 40)
    source_nodes = jax.random.randint(ks[0], (B,), 0, N_NODES)
    destination_nodes = jax.random.randint(ks[1], (B,), 0, N_NODES)
    edge_times = jax.random.uniform(ks[2], (B,), minval=500.0, maxval=1000.0, dtype=jnp.float32)
    edge_idxs = jax.random.randint(ks[3], (B,), 0, N_EDGES)
    # static temporal-neighbor tables standing in for the python NeighborFinder
    nbr_nodes = jax.random.randint(ks[4], (N_NODES, K), 0, N_NODES)
    nbr_edges = jax.random.randint(ks[5], (N_NODES, K), 0, N_EDGES)
    nbr_times = jnp.sort(jax.random.uniform(ks[6], (N_NODES, K), minval=0.0, maxval=500.0, dtype=jnp.float32), axis=1)

    def lin(k, fan_in, fan_out):
        return jax.random.normal(k, (fan_in, fan_out), dtype=jnp.float32) / np.sqrt(fan_in)

    params = {
        'node_features': jax.random.normal(ks[7], (N_NODES, D), dtype=jnp.float32) * 0.1,
        'edge_features': jax.random.normal(ks[8], (N_EDGES, D_E), dtype=jnp.float32) * 0.1,
        'time_w': jnp.asarray(1.0 / 10.0 ** np.linspace(0, 9, D), dtype=jnp.float32),
        'time_b': jnp.zeros((D,), dtype=jnp.float32),
        'w_out': lin(ks[9], D, 1),
        'b_out': jnp.zeros((1,), dtype=jnp.float32),
    }
    i = 10
    for l in range(N_LAYERS):
        params['Wq%d' % l] = lin(ks[i], DQ, DQ); i += 1
        params['Wk%d' % l] = lin(ks[i], DK, DQ); i += 1
        params['Wv%d' % l] = lin(ks[i], DK, DQ); i += 1
        params['Wo%d' % l] = lin(ks[i], DQ, DQ); i += 1
        params['fc1w%d' % l] = lin(ks[i], DQ + D, D); i += 1
        params['fc1b%d' % l] = jnp.zeros((D,), dtype=jnp.float32)
        params['fc2w%d' % l] = lin(ks[i], D, D); i += 1
        params['fc2b%d' % l] = jnp.zeros((D,), dtype=jnp.float32)
    return {
        'source_nodes': source_nodes,
        'destination_nodes': destination_nodes,
        'edge_times': edge_times,
        'edge_idxs': edge_idxs,
        'n_neighbors': K,
        'nbr_nodes': nbr_nodes,
        'nbr_edges': nbr_edges,
        'nbr_times': nbr_times,
        'params': params,
    }


def _tgn_embed(source_nodes, destination_nodes, edge_times, n_neighbors, nbr_nodes, nbr_edges, nbr_times, params):
    k_static = nbr_nodes.shape[1]

    def time_enc(t):
        # TimeEncode: cos(t * w + b), dimension = n_node_features
        return jnp.cos(t[..., None] * params['time_w'] + params['time_b'])

    def attn(l, src_emb, src_t_emb, nbr_emb, edge_t_emb, edge_f):
        # TemporalAttentionLayer: MHA(query=[src_emb, src_time], key=[nbr_emb, edge_time, edge_feat])
        q = jnp.concatenate([src_emb, src_t_emb], axis=-1)            # [n, DQ]
        kv = jnp.concatenate([nbr_emb, edge_t_emb, edge_f], axis=-1)  # [n, K, DK]
        Q = q @ params['Wq%d' % l]
        Kp = kv @ params['Wk%d' % l]
        V = kv @ params['Wv%d' % l]
        n = Q.shape[0]
        dh = DQ // H
        Qh = Q.reshape(n, H, dh)
        Kh = Kp.reshape(n, -1, H, dh)
        Vh = V.reshape(n, -1, H, dh)
        scores = jnp.einsum('nhd,nkhd->nhk', Qh, Kh) / np.sqrt(dh)
        a = jax.nn.softmax(scores, axis=-1)
        o = jnp.einsum('nhk,nkhd->nhd', a, Vh).reshape(n, DQ) @ params['Wo%d' % l]
        # MergeLayer(attn_out, src_node_features)
        h = jnp.concatenate([o, src_emb], axis=-1)
        h = jax.nn.relu(h @ params['fc1w%d' % l] + params['fc1b%d' % l])
        return h @ params['fc2w%d' % l] + params['fc2b%d' % l]

    def compute_embedding(nodes, ts, layer):
        if layer == 0:
            return jnp.take(params['node_features'], nodes, axis=0)
        src_lower = compute_embedding(nodes, ts, layer - 1)
        nbrs = jnp.take(nbr_nodes, nodes, axis=0)[:, :k_static]
        ntimes = jnp.take(nbr_times, nodes, axis=0)[:, :k_static]
        neids = jnp.take(nbr_edges, nodes, axis=0)[:, :k_static]
        deltas = ts[:, None] - ntimes
        nbr_emb = compute_embedding(nbrs.reshape(-1), ntimes.reshape(-1), layer - 1)
        nbr_emb = nbr_emb.reshape(nodes.shape[0], -1, D)
        src_t = time_enc(jnp.zeros_like(ts))
        e_t = time_enc(deltas)
        e_f = jnp.take(params['edge_features'], neids.reshape(-1), axis=0).reshape(nodes.shape[0], -1, D_E)
        return attn(layer - 1, src_lower, src_t, nbr_emb, e_t, e_f)

    nodes = jnp.concatenate([source_nodes, destination_nodes])
    ts = jnp.concatenate([edge_times, edge_times])
    ts = ts + jnp.asarray(n_neighbors - n_neighbors, dtype=ts.dtype)
    emb = compute_embedding(nodes, ts, N_LAYERS)
    n = source_nodes.shape[0]
    return emb[:n], emb[n:]


def reference(source_nodes, destination_nodes, edge_times, edge_idxs, n_neighbors, nbr_nodes, nbr_edges, nbr_times, params):
    src_e, dst_e = _tgn_embed(source_nodes, destination_nodes, edge_times, n_neighbors, nbr_nodes, nbr_edges, nbr_times, params)
    # data == 'DGraph' path: per-node probability via compute_pos_by_src_layer + sigmoid
    p_src = jax.nn.sigmoid(src_e @ params['w_out'] + params['b_out'])
    p_dst = jax.nn.sigmoid(dst_e @ params['w_out'] + params['b_out'])
    return p_src, p_dst

if __name__ == "__main__":
    import jax
    _d = setup_inputs()
    print(jax.jit(kernel)(*tuple(_d.values())))

</pallas_src>

<mosaic_0001>
#map = affine_map<(d0, d1) -> (0, 0)>
#map1 = affine_map<(d0, d1) -> (0, 0, 0)>
module attributes {stable_mosaic.version = 14 : i64} {
  func.func @gk(%arg0: i32, %arg1: i32, %arg2: memref<1600000x16xf32, #tpu.memory_space<hbm>>, %arg3: memref<32x30x128xi32, #tpu.memory_space<hbm>>, %arg4: memref<122880x16xf32, #tpu.memory_space<hbm>>, %arg5: memref<30x128xi32, #tpu.memory_space<vmem>>, %arg6: memref<4x128x16xf32, #tpu.memory_space<vmem>>, %arg7: memref<!tpu.dma_semaphore, #tpu.memory_space<semaphore_mem>>, %arg8: memref<!tpu.dma_semaphore, #tpu.memory_space<semaphore_mem>>) attributes {dimension_semantics = [#tpu.dimension_semantics<core_parallel>, #tpu.dimension_semantics<subcore_parallel>], iteration_bounds = array<i64: 2, 16>, scalar_prefetch = 0 : i64, scratch_operands = 4 : i64, tpu.core_type = #tpu.core_type<sc_vector_subcore>, window_params = [{transform_indices = #map}, {transform_indices = #map1}, {transform_indices = #map}]} {
    %mul3A = arith.constant 2 : i32
    %mul3A_0 = arith.muli %arg1, %mul3A : i32
    %add3A = arith.addi %mul3A_0, %arg0 : i32
    %mul3A_1 = arith.constant 3840 : i32
    %mul3A_2 = arith.muli %add3A, %mul3A_1 : i32
    "tpu.region"() ({
      %run_scoped3A = tpu.sem_alloc : memref<!tpu.dma_semaphore, #tpu.memory_space<semaphore_mem>>
      %dma_start3A_114 = arith.constant 0 : i32
      %dma_start3A_115 = arith.constant 0 : i32
      %dma_start3A_116 = tpu.memref_slice %arg3[%add3A, %dma_start3A_114, %dma_start3A_115] : memref<32x30x128xi32, #tpu.memory_space<hbm>> -> memref<1x30x128xi32, #tpu.memory_space<hbm>>
      %dma_start3A_117 = tpu.memref_squeeze %dma_start3A_116 : memref<1x30x128xi32, #tpu.memory_space<hbm>> -> memref<30x128xi32, #tpu.memory_space<hbm>>
      %dma_start3A_118 = arith.constant 0 : i32
      %dma_start3A_119 = arith.constant 0 : i32
      %dma_start3A_120 = tpu.memref_slice %arg3[%add3A, %dma_start3A_118, %dma_start3A_119] : memref<32x30x128xi32, #tpu.memory_space<hbm>> -> memref<1x30x128xi32, #tpu.memory_space<hbm>>
      %dma_start3A_121 = tpu.memref_squeeze %dma_start3A_120 : memref<1x30x128xi32, #tpu.memory_space<hbm>> -> memref<30x128xi32, #tpu.memory_space<hbm>>
      tpu.enqueue_dma source(%dma_start3A_121 : memref<30x128xi32, #tpu.memory_space<hbm>>) target(%arg5 : memref<30x128xi32, #tpu.memory_space<vmem>>) target_semaphore(%run_scoped3A : memref<!tpu.dma_semaphore, #tpu.memory_space<semaphore_mem>>)
      %dma_wait3A_122 = arith.constant 0 : i32
      %dma_wait3A_123 = arith.constant 0 : i32
      %dma_wait3A_124 = tpu.memref_slice %arg3[%add3A, %dma_wait3A_122, %dma_wait3A_123] : memref<32x30x128xi32, #tpu.memory_space<hbm>> -> memref<1x30x128xi32, #tpu.memory_space<hbm>>
      %dma_wait3A_125 = tpu.memref_squeeze %dma_wait3A_124 : memref<1x30x128xi32, #tpu.memory_space<hbm>> -> memref<30x128xi32, #tpu.memory_space<hbm>>
      %dma_wait3A_126 = arith.constant 0 : i32
      %dma_wait3A_127 = arith.constant 0 : i32
      %dma_wait3A_128 = tpu.memref_slice %arg3[%add3A, %dma_wait3A_126, %dma_wait3A_127] : memref<32x30x128xi32, #tpu.memory_space<hbm>> -> memref<1x30x128xi32, #tpu.memory_space<hbm>>
      %dma_wait3A_129 = tpu.memref_squeeze %dma_wait3A_128 : memref<1x30x128xi32, #tpu.memory_space<hbm>> -> memref<30x128xi32, #tpu.memory_space<hbm>>
      tpu.wait_dma2 semaphore(%run_scoped3A : memref<!tpu.dma_semaphore, #tpu.memory_space<semaphore_mem>>) src(%dma_wait3A_129 : memref<30x128xi32, #tpu.memory_space<hbm>>) dst(%arg5 : memref<30x128xi32, #tpu.memory_space<vmem>>)
      tpu.yield
    }) : () -> ()
    %dma_start3A = arith.constant 0 : i32
    %dma_start3A_3 = arith.constant 0 : i32
    %dma_start3A_4 = arith.constant 0 : i32
    %dma_start3A_5 = arith.constant 0 : i32
    %dma_start3A_6 = tpu.memref_slice %arg6[%dma_start3A_3, %dma_start3A_4, %dma_start3A_5] : memref<4x128x16xf32, #tpu.memory_space<vmem>> -> memref<1x128x16xf32, #tpu.memory_space<vmem>>
    %dma_start3A_7 = tpu.memref_squeeze %dma_start3A_6 : memref<1x128x16xf32, #tpu.memory_space<vmem>> -> memref<128x16xf32, #tpu.memory_space<vmem>>
    %dma_start3A_8 = arith.constant 0 : i32
    %dma_start3A_9 = tpu.memref_slice %arg5[%dma_start3A, %dma_start3A_8] : memref<30x128xi32, #tpu.memory_space<vmem>> -> memref<1x128xi32, #tpu.memory_space<vmem>>
    %dma_start3A_10 = tpu.memref_squeeze %dma_start3A_9 : memref<1x128xi32, #tpu.memory_space<vmem>> -> memref<128xi32, #tpu.memory_space<vmem>>
    %dma_start3A_11 = arith.constant 0 : i32
    %dma_start3A_12 = arith.constant 0 : i32
    %dma_start3A_13 = tpu.memref_slice %arg2[%dma_start3A_11, %dma_start3A_12] : memref<1600000x16xf32, #tpu.memory_space<hbm>> -> memref<1600000x16xf32, #tpu.memory_space<hbm>>
    tpu.enqueue_indirect_dma source(%dma_start3A_13 : memref<1600000x16xf32, #tpu.memory_space<hbm>>) target(%dma_start3A_7 : memref<128x16xf32, #tpu.memory_space<vmem>>) offsets(%dma_start3A_10 : memref<128xi32, #tpu.memory_space<vmem>>) semaphore(%arg7 : memref<!tpu.dma_semaphore, #tpu.memory_space<semaphore_mem>>)
    %dma_start3A_14 = arith.constant 1 : i32
    %dma_start3A_15 = arith.constant 1 : i32
    %dma_start3A_16 = arith.constant 0 : i32
    %dma_start3A_17 = arith.constant 0 : i32
    %dma_start3A_18 = tpu.memref_slice %arg6[%dma_start3A_15, %dma_start3A_16, %dma_start3A_17] : memref<4x128x16xf32, #tpu.memory_space<vmem>> -> memref<1x128x16xf32, #tpu.memory_space<vmem>>
    %dma_start3A_19 = tpu.memref_squeeze %dma_start3A_18 : memref<1x128x16xf32, #tpu.memory_space<vmem>> -> memref<128x16xf32, #tpu.memory_space<vmem>>
    %dma_start3A_20 = arith.constant 0 : i32
    %dma_start3A_21 = tpu.memref_slice %arg5[%dma_start3A_14, %dma_start3A_20] : memref<30x128xi32, #tpu.memory_space<vmem>> -> memref<1x128xi32, #tpu.memory_space<vmem>>
    %dma_start3A_22 = tpu.memref_squeeze %dma_start3A_21 : memref<1x128xi32, #tpu.memory_space<vmem>> -> memref<128xi32, #tpu.memory_space<vmem>>
    %dma_start3A_23 = arith.constant 0 : i32
    %dma_start3A_24 = arith.constant 0 : i32
    %dma_start3A_25 = tpu.memref_slice %arg2[%dma_start3A_23, %dma_start3A_24] : memref<1600000x16xf32, #tpu.memory_space<hbm>> -> memref<1600000x16xf32, #tpu.memory_space<hbm>>
    tpu.enqueue_indirect_dma source(%dma_start3A_25 : memref<1600000x16xf32, #tpu.memory_space<hbm>>) target(%dma_start3A_19 : memref<128x16xf32, #tpu.memory_space<vmem>>) offsets(%dma_start3A_22 : memref<128xi32, #tpu.memory_space<vmem>>) semaphore(%arg7 : memref<!tpu.dma_semaphore, #tpu.memory_space<semaphore_mem>>)
    %dma_start3A_26 = arith.constant 2 : i32
    %dma_start3A_27 = arith.constant 2 : i32
    %dma_start3A_28 = arith.constant 0 : i32
    %dma_start3A_29 = arith.constant 0 : i32
    %dma_start3A_30 = tpu.memref_slice %arg6[%dma_start3A_27, %dma_start3A_28, %dma_start3A_29] : memref<4x128x16xf32, #tpu.memory_space<vmem>> -> memref<1x128x16xf32, #tpu.memory_space<vmem>>
    %dma_start3A_31 = tpu.memref_squeeze %dma_start3A_30 : memref<1x128x16xf32, #tpu.memory_space<vmem>> -> memref<128x16xf32, #tpu.memory_space<vmem>>
    %dma_start3A_32 = arith.constant 0 : i32
    %dma_start3A_33 = tpu.memref_slice %arg5[%dma_start3A_26, %dma_start3A_32] : memref<30x128xi32, #tpu.memory_space<vmem>> -> memref<1x128xi32, #tpu.memory_space<vmem>>
    %dma_start3A_34 = tpu.memref_squeeze %dma_start3A_33 : memref<1x128xi32, #tpu.memory_space<vmem>> -> memref<128xi32, #tpu.memory_space<vmem>>
    %dma_start3A_35 = arith.constant 0 : i32
    %dma_start3A_36 = arith.constant 0 : i32
    %dma_start3A_37 = tpu.memref_slice %arg2[%dma_start3A_35, %dma_start3A_36] : memref<1600000x16xf32, #tpu.memory_space<hbm>> -> memref<1600000x16xf32, #tpu.memory_space<hbm>>
    tpu.enqueue_indirect_dma source(%dma_start3A_37 : memref<1600000x16xf32, #tpu.memory_space<hbm>>) target(%dma_start3A_31 : memref<128x16xf32, #tpu.memory_space<vmem>>) offsets(%dma_start3A_34 : memref<128xi32, #tpu.memory_space<vmem>>) semaphore(%arg7 : memref<!tpu.dma_semaphore, #tpu.memory_space<semaphore_mem>>)
    %dma_start3A_38 = arith.constant 3 : i32
    %dma_start3A_39 = arith.constant 3 : i32
    %dma_start3A_40 = arith.constant 0 : i32
    %dma_start3A_41 = arith.constant 0 : i32
    %dma_start3A_42 = tpu.memref_slice %arg6[%dma_start3A_39, %dma_start3A_40, %dma_start3A_41] : memref<4x128x16xf32, #tpu.memory_space<vmem>> -> memref<1x128x16xf32, #tpu.memory_space<vmem>>
    %dma_start3A_43 = tpu.memref_squeeze %dma_start3A_42 : memref<1x128x16xf32, #tpu.memory_space<vmem>> -> memref<128x16xf32, #tpu.memory_space<vmem>>
    %dma_start3A_44 = arith.constant 0 : i32
    %dma_start3A_45 = tpu.memref_slice %arg5[%dma_start3A_38, %dma_start3A_44] : memref<30x128xi32, #tpu.memory_space<vmem>> -> memref<1x128xi32, #tpu.memory_space<vmem>>
    %dma_start3A_46 = tpu.memref_squeeze %dma_start3A_45 : memref<1x128xi32, #tpu.memory_space<vmem>> -> memref<128xi32, #tpu.memory_space<vmem>>
    %dma_start3A_47 = arith.constant 0 : i32
    %dma_start3A_48 = arith.constant 0 : i32
    %dma_start3A_49 = tpu.memref_slice %arg2[%dma_start3A_47, %dma_start3A_48] : memref<1600000x16xf32, #tpu.memory_space<hbm>> -> memref<1600000x16xf32, #tpu.memory_space<hbm>>
    tpu.enqueue_indirect_dma source(%dma_start3A_49 : memref<1600000x16xf32, #tpu.memory_space<hbm>>) target(%dma_start3A_43 : memref<128x16xf32, #tpu.memory_space<vmem>>) offsets(%dma_start3A_46 : memref<128xi32, #tpu.memory_space<vmem>>) semaphore(%arg7 : memref<!tpu.dma_semaphore, #tpu.memory_space<semaphore_mem>>)
    %scan3A = arith.constant 0 : i32
    %scan3A_50 = arith.constant 0 : i32
    %scan3A_51 = arith.constant 30 : i32
    %scan3A_52 = arith.addi %scan3A_50, %scan3A_51 : i32
    %scan3A_53 = arith.constant 1 : i32
    scf.for %scan3A_114 = %scan3A_50 to %scan3A_52 step %scan3A_53  : i32 {
      %ge3A = arith.constant 1 : i32
      %ge3A_115 = arith.cmpi sge, %scan3A_114, %ge3A : i32
      %add3A_116 = arith.constant 4 : i32
      %add3A_117 = arith.addi %scan3A_114, %add3A_116 : i32
      %sub3A = arith.constant 1 : i32
      %sub3A_118 = arith.subi %add3A_117, %sub3A : i32
      %lt3A = arith.constant 30 : i32
      %lt3A_119 = arith.cmpi slt, %sub3A_118, %lt3A : i32
      %and3A = arith.andi %ge3A_115, %lt3A_119 : i1
      %convert_element_type3A = arith.extui %and3A : i1 to i32
      %cond3A = arith.constant 0 : i32
      %cond3A_120 = arith.cmpi ne, %convert_element_type3A, %cond3A : i32
      scf.if %cond3A_120 {
        %sub3A_149 = arith.constant 1 : i32
        %sub3A_150 = arith.subi %scan3A_114, %sub3A_149 : i32
        %sub3A_151 = arith.constant 1 : i32
        %sub3A_152 = arith.subi %scan3A_114, %sub3A_151 : i32
        %jit3A = arith.constant 4 : i32
        %eq3A = arith.constant 0 : i32
        %eq3A_153 = arith.cmpi eq, %jit3A, %eq3A : i32
        %jit3A_154 = arith.constant 1 : i32
        %select_n3A = arith.select %eq3A_153, %jit3A_154, %jit3A : i32
        %rem3A_155 = arith.remsi %sub3A_152, %select_n3A : i32
        %ne3A = arith.constant 0 : i32
        %ne3A_156 = arith.cmpi ne, %rem3A_155, %ne3A : i32
        %lt3A_157 = arith.constant 0 : i32
        %lt3A_158 = arith.cmpi slt, %rem3A_155, %lt3A_157 : i32
        %lt3A_159 = arith.constant 0 : i32
        %lt3A_160 = arith.cmpi slt, %select_n3A, %lt3A_159 : i32
        %ne3A_161 = arith.xori %lt3A_158, %lt3A_160 : i1
        %and3A_162 = arith.andi %ne3A_161, %ne3A_156 : i1
        %add3A_163 = arith.addi %rem3A_155, %select_n3A : i32
        %select_n3A_164 = arith.select %and3A_162, %add3A_163, %rem3A_155 : i32
        %mul3A_165 = arith.constant 128 : i32
        %mul3A_166 = arith.muli %sub3A_150, %mul3A_165 : i32
        %add3A_167 = arith.addi %mul3A_2, %mul3A_166 : i32
        %dma_wait3A_168 = arith.constant 0 : i32
        %dma_wait3A_169 = arith.constant 0 : i32
        %dma_wait3A_170 = tpu.memref_slice %arg6[%select_n3A_164, %dma_wait3A_168, %dma_wait3A_169] : memref<4x128x16xf32, #tpu.memory_space<vmem>> -> memref<1x128x16xf32, #tpu.memory_space<vmem>>
        %dma_wait3A_171 = tpu.memref_squeeze %dma_wait3A_170 : memref<1x128x16xf32, #tpu.memory_space<vmem>> -> memref<128x16xf32, #tpu.memory_space<vmem>>
        %dma_wait3A_172 = arith.constant 0 : i32
        %dma_wait3A_173 = tpu.memref_slice %arg4[%add3A_167, %dma_wait3A_172] : memref<122880x16xf32, #tpu.memory_space<hbm>> -> memref<128x16xf32, #tpu.memory_space<hbm>>
        %dma_wait3A_174 = arith.constant 0 : i32
        %dma_wait3A_175 = tpu.memref_slice %arg4[%add3A_167, %dma_wait3A_174] : memref<122880x16xf32, #tpu.memory_space<hbm>> -> memref<128x16xf32, #tpu.memory_space<hbm>>
        %dma_wait3A_176 = arith.constant 0 : i32
        %dma_wait3A_177 = arith.constant 0 : i32
        %dma_wait3A_178 = tpu.memref_slice %arg6[%select_n3A_164, %dma_wait3A_176, %dma_wait3A_177] : memref<4x128x16xf32, #tpu.memory_space<vmem>> -> memref<1x128x16xf32, #tpu.memory_space<vmem>>
        %dma_wait3A_179 = tpu.memref_squeeze %dma_wait3A_178 : memref<1x128x16xf32, #tpu.memory_space<vmem>> -> memref<128x16xf32, #tpu.memory_space<vmem>>
        tpu.wait_dma2 semaphore(%arg8 : memref<!tpu.dma_semaphore, #tpu.memory_space<semaphore_mem>>) src(%dma_wait3A_179 : memref<128x16xf32, #tpu.memory_space<vmem>>) dst(%dma_wait3A_175 : memref<128x16xf32, #tpu.memory_space<hbm>>)
        %add3A_180 = arith.constant 4 : i32
        %add3A_181 = arith.addi %scan3A_114, %add3A_180 : i32
        %sub3A_182 = arith.constant 1 : i32
        %sub3A_183 = arith.subi %add3A_181, %sub3A_182 : i32
        %sub3A_184 = arith.constant 1 : i32
        %sub3A_185 = arith.subi %scan3A_114, %sub3A_184 : i32
        %jit3A_186 = arith.constant 4 : i32
        %eq3A_187 = arith.constant 0 : i32
        %eq3A_188 = arith.cmpi eq, %jit3A_186, %eq3A_187 : i32
        %jit3A_189 = arith.constant 1 : i32
        %select_n3A_190 = arith.select %eq3A_188, %jit3A_189, %jit3A_186 : i32
        %rem3A_191 = arith.remsi %sub3A_185, %select_n3A_190 : i32
        %ne3A_192 = arith.constant 0 : i32
        %ne3A_193 = arith.cmpi ne, %rem3A_191, %ne3A_192 : i32
        %lt3A_194 = arith.constant 0 : i32
        %lt3A_195 = arith.cmpi slt, %rem3A_191, %lt3A_194 : i32
        %lt3A_196 = arith.constant 0 : i32
        %lt3A_197 = arith.cmpi slt, %select_n3A_190, %lt3A_196 : i32
        %ne3A_198 = arith.xori %lt3A_195, %lt3A_197 : i1
        %and3A_199 = arith.andi %ne3A_198, %ne3A_193 : i1
        %add3A_200 = arith.addi %rem3A_191, %select_n3A_190 : i32
        %select_n3A_201 = arith.select %and3A_199, %add3A_200, %rem3A_191 : i32
        %dma_start3A_202 = arith.constant 0 : i32
        %dma_start3A_203 = arith.constant 0 : i32
        %dma_start3A_204 = tpu.memref_slice %arg6[%select_n3A_201, %dma_start3A_202, %dma_start3A_203] : memref<4x128x16xf32, #tpu.memory_space<vmem>> -> memref<1x128x16xf32, #tpu.memory_space<vmem>>
        %dma_start3A_205 = tpu.memref_squeeze %dma_start3A_204 : memref<1x128x16xf32, #tpu.memory_space<vmem>> -> memref<128x16xf32, #tpu.memory_space<vmem>>
        %dma_start3A_206 = arith.constant 0 : i32
        %dma_start3A_207 = tpu.memref_slice %arg5[%sub3A_183, %dma_start3A_206] : memref<30x128xi32, #tpu.memory_space<vmem>> -> memref<1x128xi32, #tpu.memory_space<vmem>>
        %dma_start3A_208 = tpu.memref_squeeze %dma_start3A_207 : memref<1x128xi32, #tpu.memory_space<vmem>> -> memref<128xi32, #tpu.memory_space<vmem>>
        %dma_start3A_209 = arith.constant 0 : i32
        %dma_start3A_210 = arith.constant 0 : i32
        %dma_start3A_211 = tpu.memref_slice %arg2[%dma_start3A_209, %dma_start3A_210] : memref<1600000x16xf32, #tpu.memory_space<hbm>> -> memref<1600000x16xf32, #tpu.memory_space<hbm>>
        tpu.enqueue_indirect_dma source(%dma_start3A_211 : memref<1600000x16xf32, #tpu.memory_space<hbm>>) target(%dma_start3A_205 : memref<128x16xf32, #tpu.memory_space<vmem>>) offsets(%dma_start3A_208 : memref<128xi32, #tpu.memory_space<vmem>>) semaphore(%arg7 : memref<!tpu.dma_semaphore, #tpu.memory_space<semaphore_mem>>)
      } else {
      }
      %rem3A = arith.constant 4 : i32
      %rem3A_121 = arith.remsi %scan3A_114, %rem3A : i32
      %dma_wait3A_122 = arith.constant 0 : i32
      %dma_wait3A_123 = arith.constant 0 : i32
      %dma_wait3A_124 = tpu.memref_slice %arg6[%rem3A_121, %dma_wait3A_122, %dma_wait3A_123] : memref<4x128x16xf32, #tpu.memory_space<vmem>> -> memref<1x128x16xf32, #tpu.memory_space<vmem>>
      %dma_wait3A_125 = tpu.memref_squeeze %dma_wait3A_124 : memref<1x128x16xf32, #tpu.memory_space<vmem>> -> memref<128x16xf32, #tpu.memory_space<vmem>>
      %dma_wait3A_126 = arith.constant 0 : i32
      %dma_wait3A_127 = tpu.memref_slice %arg5[%scan3A_114, %dma_wait3A_126] : memref<30x128xi32, #tpu.memory_space<vmem>> -> memref<1x128xi32, #tpu.memory_space<vmem>>
      %dma_wait3A_128 = tpu.memref_squeeze %dma_wait3A_127 : memref<1x128xi32, #tpu.memory_space<vmem>> -> memref<128xi32, #tpu.memory_space<vmem>>
      %dma_wait3A_129 = arith.constant 0 : i32
      %dma_wait3A_130 = arith.constant 0 : i32
      %dma_wait3A_131 = tpu.memref_slice %arg2[%dma_wait3A_129, %dma_wait3A_130] : memref<1600000x16xf32, #tpu.memory_space<hbm>> -> memref<1600000x16xf32, #tpu.memory_space<hbm>>
      tpu.wait_indirect_dma semaphore(%arg7 : memref<!tpu.dma_semaphore, #tpu.memory_space<semaphore_mem>>) src(%dma_wait3A_131 : memref<1600000x16xf32, #tpu.memory_space<hbm>>) dst(%dma_wait3A_125 : memref<128x16xf32, #tpu.memory_space<vmem>>)
      %rem3A_132 = arith.constant 4 : i32
      %rem3A_133 = arith.remsi %scan3A_114, %rem3A_132 : i32
      %mul3A_134 = arith.constant 128 : i32
      %mul3A_135 = arith.muli %scan3A_114, %mul3A_134 : i32
      %add3A_136 = arith.addi %mul3A_2, %mul3A_135 : i32
      %dma_start3A_137 = arith.constant 0 : i32
      %dma_start3A_138 = arith.constant 0 : i32
      %dma_start3A_139 = tpu.memref_slice %arg6[%rem3A_133, %dma_start3A_137, %dma_start3A_138] : memref<4x128x16xf32, #tpu.memory_space<vmem>> -> memref<1x128x16xf32, #tpu.memory_space<vmem>>
      %dma_start3A_140 = tpu.memref_squeeze %dma_start3A_139 : memref<1x128x16xf32, #tpu.memory_space<vmem>> -> memref<128x16xf32, #tpu.memory_space<vmem>>
      %dma_start3A_141 = arith.constant 0 : i32
      %dma_start3A_142 = tpu.memref_slice %arg4[%add3A_136, %dma_start3A_141] : memref<122880x16xf32, #tpu.memory_space<hbm>> -> memref<128x16xf32, #tpu.memory_space<hbm>>
      %dma_start3A_143 = arith.constant 0 : i32
      %dma_start3A_144 = tpu.memref_slice %arg4[%add3A_136, %dma_start3A_143] : memref<122880x16xf32, #tpu.memory_space<hbm>> -> memref<128x16xf32, #tpu.memory_space<hbm>>
      %dma_start3A_145 = arith.constant 0 : i32
      %dma_start3A_146 = arith.constant 0 : i32
      %dma_start3A_147 = tpu.memref_slice %arg6[%rem3A_133, %dma_start3A_145, %dma_start3A_146] : memref<4x128x16xf32, #tpu.memory_space<vmem>> -> memref<1x128x16xf32, #tpu.memory_space<vmem>>
      %dma_start3A_148 = tpu.memref_squeeze %dma_start3A_147 : memref<1x128x16xf32, #tpu.memory_space<vmem>> -> memref<128x16xf32, #tpu.memory_space<vmem>>
      tpu.enqueue_dma source(%dma_start3A_148 : memref<128x16xf32, #tpu.memory_space<vmem>>) target(%dma_start3A_144 : memref<128x16xf32, #tpu.memory_space<hbm>>) target_semaphore(%arg8 : memref<!tpu.dma_semaphore, #tpu.memory_space<semaphore_mem>>)
    }
    %scan3A_54 = arith.constant 30 : i32
    %add3A_55 = arith.constant 3328 : i32
    %add3A_56 = arith.addi %mul3A_2, %add3A_55 : i32
    %dma_wait3A = arith.constant 2 : i32
    %dma_wait3A_57 = arith.constant 0 : i32
    %dma_wait3A_58 = arith.constant 0 : i32
    %dma_wait3A_59 = tpu.memref_slice %arg6[%dma_wait3A, %dma_wait3A_57, %dma_wait3A_58] : memref<4x128x16xf32, #tpu.memory_space<vmem>> -> memref<1x128x16xf32, #tpu.memory_space<vmem>>
    %dma_wait3A_60 = tpu.memref_squeeze %dma_wait3A_59 : memref<1x128x16xf32, #tpu.memory_space<vmem>> -> memref<128x16xf32, #tpu.memory_space<vmem>>
    %dma_wait3A_61 = arith.constant 0 : i32
    %dma_wait3A_62 = tpu.memref_slice %arg4[%add3A_56, %dma_wait3A_61] : memref<122880x16xf32, #tpu.memory_space<hbm>> -> memref<128x16xf32, #tpu.memory_space<hbm>>
    %dma_wait3A_63 = arith.constant 0 : i32
    %dma_wait3A_64 = tpu.memref_slice %arg4[%add3A_56, %dma_wait3A_63] : memref<122880x16xf32, #tpu.memory_space<hbm>> -> memref<128x16xf32, #tpu.memory_space<hbm>>
    %dma_wait3A_65 = arith.constant 0 : i32
    %dma_wait3A_66 = arith.constant 0 : i32
    %dma_wait3A_67 = tpu.memref_slice %arg6[%dma_wait3A, %dma_wait3A_65, %dma_wait3A_66] : memref<4x128x16xf32, #tpu.memory_space<vmem>> -> memref<1x128x16xf32, #tpu.memory_space<vmem>>
    %dma_wait3A_68 = tpu.memref_squeeze %dma_wait3A_67 : memref<1x128x16xf32, #tpu.memory_space<vmem>> -> memref<128x16xf32, #tpu.memory_space<vmem>>
    tpu.wait_dma2 semaphore(%arg8 : memref<!tpu.dma_semaphore, #tpu.memory_space<semaphore_mem>>) src(%dma_wait3A_68 : memref<128x16xf32, #tpu.memory_space<vmem>>) dst(%dma_wait3A_64 : memref<128x16xf32, #tpu.memory_space<hbm>>)
    %add3A_69 = arith.constant 3456 : i32
    %add3A_70 = arith.addi %mul3A_2, %add3A_69 : i32
    %dma_wait3A_71 = arith.constant 3 : i32
    %dma_wait3A_72 = arith.constant 0 : i32
    %dma_wait3A_73 = arith.constant 0 : i32
    %dma_wait3A_74 = tpu.memref_slice %arg6[%dma_wait3A_71, %dma_wait3A_72, %dma_wait3A_73] : memref<4x128x16xf32, #tpu.memory_space<vmem>> -> memref<1x128x16xf32, #tpu.memory_space<vmem>>
    %dma_wait3A_75 = tpu.memref_squeeze %dma_wait3A_74 : memref<1x128x16xf32, #tpu.memory_space<vmem>> -> memref<128x16xf32, #tpu.memory_space<vmem>>
    %dma_wait3A_76 = arith.constant 0 : i32
    %dma_wait3A_77 = tpu.memref_slice %arg4[%add3A_70, %dma_wait3A_76] : memref<122880x16xf32, #tpu.memory_space<hbm>> -> memref<128x16xf32, #tpu.memory_space<hbm>>
    %dma_wait3A_78 = arith.constant 0 : i32
    %dma_wait3A_79 = tpu.memref_slice %arg4[%add3A_70, %dma_wait3A_78] : memref<122880x16xf32, #tpu.memory_space<hbm>> -> memref<128x16xf32, #tpu.memory_space<hbm>>
    %dma_wait3A_80 = arith.constant 0 : i32
    %dma_wait3A_81 = arith.constant 0 : i32
    %dma_wait3A_82 = tpu.memref_slice %arg6[%dma_wait3A_71, %dma_wait3A_80, %dma_wait3A_81] : memref<4x128x16xf32, #tpu.memory_space<vmem>> -> memref<1x128x16xf32, #tpu.memory_space<vmem>>
    %dma_wait3A_83 = tpu.memref_squeeze %dma_wait3A_82 : memref<1x128x16xf32, #tpu.memory_space<vmem>> -> memref<128x16xf32, #tpu.memory_space<vmem>>
    tpu.wait_dma2 semaphore(%arg8 : memref<!tpu.dma_semaphore, #tpu.memory_space<semaphore_mem>>) src(%dma_wait3A_83 : memref<128x16xf32, #tpu.memory_space<vmem>>) dst(%dma_wait3A_79 : memref<128x16xf32, #tpu.memory_space<hbm>>)
    %add3A_84 = arith.constant 3584 : i32
    %add3A_85 = arith.addi %mul3A_2, %add3A_84 : i32
    %dma_wait3A_86 = arith.constant 0 : i32
    %dma_wait3A_87 = arith.constant 0 : i32
    %dma_wait3A_88 = arith.constant 0 : i32
    %dma_wait3A_89 = tpu.memref_slice %arg6[%dma_wait3A_86, %dma_wait3A_87, %dma_wait3A_88] : memref<4x128x16xf32, #tpu.memory_space<vmem>> -> memref<1x128x16xf32, #tpu.memory_space<vmem>>
    %dma_wait3A_90 = tpu.memref_squeeze %dma_wait3A_89 : memref<1x128x16xf32, #tpu.memory_space<vmem>> -> memref<128x16xf32, #tpu.memory_space<vmem>>
    %dma_wait3A_91 = arith.constant 0 : i32
    %dma_wait3A_92 = tpu.memref_slice %arg4[%add3A_85, %dma_wait3A_91] : memref<122880x16xf32, #tpu.memory_space<hbm>> -> memref<128x16xf32, #tpu.memory_space<hbm>>
    %dma_wait3A_93 = arith.constant 0 : i32
    %dma_wait3A_94 = tpu.memref_slice %arg4[%add3A_85, %dma_wait3A_93] : memref<122880x16xf32, #tpu.memory_space<hbm>> -> memref<128x16xf32, #tpu.memory_space<hbm>>
    %dma_wait3A_95 = arith.constant 0 : i32
    %dma_wait3A_96 = arith.constant 0 : i32
    %dma_wait3A_97 = tpu.memref_slice %arg6[%dma_wait3A_86, %dma_wait3A_95, %dma_wait3A_96] : memref<4x128x16xf32, #tpu.memory_space<vmem>> -> memref<1x128x16xf32, #tpu.memory_space<vmem>>
    %dma_wait3A_98 = tpu.memref_squeeze %dma_wait3A_97 : memref<1x128x16xf32, #tpu.memory_space<vmem>> -> memref<128x16xf32, #tpu.memory_space<vmem>>
    tpu.wait_dma2 semaphore(%arg8 : memref<!tpu.dma_semaphore, #tpu.memory_space<semaphore_mem>>) src(%dma_wait3A_98 : memref<128x16xf32, #tpu.memory_space<vmem>>) dst(%dma_wait3A_94 : memref<128x16xf32, #tpu.memory_space<hbm>>)
    %add3A_99 = arith.constant 3712 : i32
    %add3A_100 = arith.addi %mul3A_2, %add3A_99 : i32
    %dma_wait3A_101 = arith.constant 1 : i32
    %dma_wait3A_102 = arith.constant 0 : i32
    %dma_wait3A_103 = arith.constant 0 : i32
    %dma_wait3A_104 = tpu.memref_slice %arg6[%dma_wait3A_101, %dma_wait3A_102, %dma_wait3A_103] : memref<4x128x16xf32, #tpu.memory_space<vmem>> -> memref<1x128x16xf32, #tpu.memory_space<vmem>>
    %dma_wait3A_105 = tpu.memref_squeeze %dma_wait3A_104 : memref<1x128x16xf32, #tpu.memory_space<vmem>> -> memref<128x16xf32, #tpu.memory_space<vmem>>
    %dma_wait3A_106 = arith.constant 0 : i32
    %dma_wait3A_107 = tpu.memref_slice %arg4[%add3A_100, %dma_wait3A_106] : memref<122880x16xf32, #tpu.memory_space<hbm>> -> memref<128x16xf32, #tpu.memory_space<hbm>>
    %dma_wait3A_108 = arith.constant 0 : i32
    %dma_wait3A_109 = tpu.memref_slice %arg4[%add3A_100, %dma_wait3A_108] : memref<122880x16xf32, #tpu.memory_space<hbm>> -> memref<128x16xf32, #tpu.memory_space<hbm>>
    %dma_wait3A_110 = arith.constant 0 : i32
    %dma_wait3A_111 = arith.constant 0 : i32
    %dma_wait3A_112 = tpu.memref_slice %arg6[%dma_wait3A_101, %dma_wait3A_110, %dma_wait3A_111] : memref<4x128x16xf32, #tpu.memory_space<vmem>> -> memref<1x128x16xf32, #tpu.memory_space<vmem>>
    %dma_wait3A_113 = tpu.memref_squeeze %dma_wait3A_112 : memref<1x128x16xf32, #tpu.memory_space<vmem>> -> memref<128x16xf32, #tpu.memory_space<vmem>>
    tpu.wait_dma2 semaphore(%arg8 : memref<!tpu.dma_semaphore, #tpu.memory_space<semaphore_mem>>) src(%dma_wait3A_113 : memref<128x16xf32, #tpu.memory_space<vmem>>) dst(%dma_wait3A_109 : memref<128x16xf32, #tpu.memory_space<hbm>>)
    return
  }
}

#map = affine_map<(d0, d1) -> (0, 0)>
#map1 = affine_map<(d0, d1) -> (0, 0, 0)>
module attributes {stable_mosaic.version = 14 : i64} {
  func.func @gk(%arg0: i32, %arg1: i32, %arg2: memref<100000x32xi32, #tpu.memory_space<hbm>>, %arg3: memref<32x1x128xi32, #tpu.memory_space<hbm>>, %arg4: memref<4096x32xi32, #tpu.memory_space<hbm>>, %arg5: memref<1x128xi32, #tpu.memory_space<vmem>>, %arg6: memref<4x128x32xi32, #tpu.memory_space<vmem>>, %arg7: memref<!tpu.dma_semaphore, #tpu.memory_space<semaphore_mem>>, %arg8: memref<!tpu.dma_semaphore, #tpu.memory_space<semaphore_mem>>) attributes {dimension_semantics = [#tpu.dimension_semantics<core_parallel>, #tpu.dimension_semantics<subcore_parallel>], iteration_bounds = array<i64: 2, 16>, scalar_prefetch = 0 : i64, scratch_operands = 4 : i64, tpu.core_type = #tpu.core_type<sc_vector_subcore>, window_params = [{transform_indices = #map}, {transform_indices = #map1}, {transform_indices = #map}]} {
    %mul3A = arith.constant 2 : i32
    %mul3A_0 = arith.muli %arg1, %mul3A : i32
    %add3A = arith.addi %mul3A_0, %arg0 : i32
    %mul3A_1 = arith.constant 128 : i32
    %mul3A_2 = arith.muli %add3A, %mul3A_1 : i32
    "tpu.region"() ({
      %run_scoped3A = tpu.sem_alloc : memref<!tpu.dma_semaphore, #tpu.memory_space<semaphore_mem>>
      %dma_start3A_64 = arith.constant 0 : i32
      %dma_start3A_65 = arith.constant 0 : i32
      %dma_start3A_66 = tpu.memref_slice %arg3[%add3A, %dma_start3A_64, %dma_start3A_65] : memref<32x1x128xi32, #tpu.memory_space<hbm>> -> memref<1x1x128xi32, #tpu.memory_space<hbm>>
      %dma_start3A_67 = tpu.memref_squeeze %dma_start3A_66 : memref<1x1x128xi32, #tpu.memory_space<hbm>> -> memref<1x128xi32, #tpu.memory_space<hbm>>
      %dma_start3A_68 = arith.constant 0 : i32
      %dma_start3A_69 = arith.constant 0 : i32
      %dma_start3A_70 = tpu.memref_slice %arg3[%add3A, %dma_start3A_68, %dma_start3A_69] : memref<32x1x128xi32, #tpu.memory_space<hbm>> -> memref<1x1x128xi32, #tpu.memory_space<hbm>>
      %dma_start3A_71 = tpu.memref_squeeze %dma_start3A_70 : memref<1x1x128xi32, #tpu.memory_space<hbm>> -> memref<1x128xi32, #tpu.memory_space<hbm>>
      tpu.enqueue_dma source(%dma_start3A_71 : memref<1x128xi32, #tpu.memory_space<hbm>>) target(%arg5 : memref<1x128xi32, #tpu.memory_space<vmem>>) target_semaphore(%run_scoped3A : memref<!tpu.dma_semaphore, #tpu.memory_space<semaphore_mem>>)
      %dma_wait3A_72 = arith.constant 0 : i32
      %dma_wait3A_73 = arith.constant 0 : i32
      %dma_wait3A_74 = tpu.memref_slice %arg3[%add3A, %dma_wait3A_72, %dma_wait3A_73] : memref<32x1x128xi32, #tpu.memory_space<hbm>> -> memref<1x1x128xi32, #tpu.memory_space<hbm>>
      %dma_wait3A_75 = tpu.memref_squeeze %dma_wait3A_74 : memref<1x1x128xi32, #tpu.memory_space<hbm>> -> memref<1x128xi32, #tpu.memory_space<hbm>>
      %dma_wait3A_76 = arith.constant 0 : i32
      %dma_wait3A_77 = arith.constant 0 : i32
      %dma_wait3A_78 = tpu.memref_slice %arg3[%add3A, %dma_wait3A_76, %dma_wait3A_77] : memref<32x1x128xi32, #tpu.memory_space<hbm>> -> memref<1x1x128xi32, #tpu.memory_space<hbm>>
      %dma_wait3A_79 = tpu.memref_squeeze %dma_wait3A_78 : memref<1x1x128xi32, #tpu.memory_space<hbm>> -> memref<1x128xi32, #tpu.memory_space<hbm>>
      tpu.wait_dma2 semaphore(%run_scoped3A : memref<!tpu.dma_semaphore, #tpu.memory_space<semaphore_mem>>) src(%dma_wait3A_79 : memref<1x128xi32, #tpu.memory_space<hbm>>) dst(%arg5 : memref<1x128xi32, #tpu.memory_space<vmem>>)
      tpu.yield
    }) : () -> ()
    %dma_start3A = arith.constant 0 : i32
    %dma_start3A_3 = arith.constant 0 : i32
    %dma_start3A_4 = arith.constant 0 : i32
    %dma_start3A_5 = arith.constant 0 : i32
    %dma_start3A_6 = tpu.memref_slice %arg6[%dma_start3A_3, %dma_start3A_4, %dma_start3A_5] : memref<4x128x32xi32, #tpu.memory_space<vmem>> -> memref<1x128x32xi32, #tpu.memory_space<vmem>>
    %dma_start3A_7 = tpu.memref_squeeze %dma_start3A_6 : memref<1x128x32xi32, #tpu.memory_space<vmem>> -> memref<128x32xi32, #tpu.memory_space<vmem>>
    %dma_start3A_8 = arith.constant 0 : i32
    %dma_start3A_9 = tpu.memref_slice %arg5[%dma_start3A, %dma_start3A_8] : memref<1x128xi32, #tpu.memory_space<vmem>> -> memref<1x128xi32, #tpu.memory_space<vmem>>
    %dma_start3A_10 = tpu.memref_squeeze %dma_start3A_9 : memref<1x128xi32, #tpu.memory_space<vmem>> -> memref<128xi32, #tpu.memory_space<vmem>>
    %dma_start3A_11 = arith.constant 0 : i32
    %dma_start3A_12 = arith.constant 0 : i32
    %dma_start3A_13 = tpu.memref_slice %arg2[%dma_start3A_11, %dma_start3A_12] : memref<100000x32xi32, #tpu.memory_space<hbm>> -> memref<100000x32xi32, #tpu.memory_space<hbm>>
    tpu.enqueue_indirect_dma source(%dma_start3A_13 : memref<100000x32xi32, #tpu.memory_space<hbm>>) target(%dma_start3A_7 : memref<128x32xi32, #tpu.memory_space<vmem>>) offsets(%dma_start3A_10 : memref<128xi32, #tpu.memory_space<vmem>>) semaphore(%arg7 : memref<!tpu.dma_semaphore, #tpu.memory_space<semaphore_mem>>)
    %scan3A = arith.constant 0 : i32
    %scan3A_14 = arith.constant 0 : i32
    %ge3A = arith.constant 1 : i32
    %ge3A_15 = arith.cmpi sge, %scan3A_14, %ge3A : i32
    %add3A_16 = arith.constant 4 : i32
    %add3A_17 = arith.addi %scan3A_14, %add3A_16 : i32
    %sub3A = arith.constant 1 : i32
    %sub3A_18 = arith.subi %add3A_17, %sub3A : i32
    %lt3A = arith.constant 1 : i32
    %lt3A_19 = arith.cmpi slt, %sub3A_18, %lt3A : i32
    %and3A = arith.andi %ge3A_15, %lt3A_19 : i1
    %convert_element_type3A = arith.extui %and3A : i1 to i32
    %cond3A = arith.constant 0 : i32
    %cond3A_20 = arith.cmpi ne, %convert_element_type3A, %cond3A : i32
    scf.if %cond3A_20 {
      %sub3A_64 = arith.constant 1 : i32
      %sub3A_65 = arith.subi %scan3A_14, %sub3A_64 : i32
      %sub3A_66 = arith.constant 1 : i32
      %sub3A_67 = arith.subi %scan3A_14, %sub3A_66 : i32
      %jit3A = arith.constant 4 : i32
      %eq3A = arith.constant 0 : i32
      %eq3A_68 = arith.cmpi eq, %jit3A, %eq3A : i32
      %jit3A_69 = arith.constant 1 : i32
      %select_n3A = arith.select %eq3A_68, %jit3A_69, %jit3A : i32
      %rem3A_70 = arith.remsi %sub3A_67, %select_n3A : i32
      %ne3A = arith.constant 0 : i32
      %ne3A_71 = arith.cmpi ne, %rem3A_70, %ne3A : i32
      %lt3A_72 = arith.constant 0 : i32
      %lt3A_73 = arith.cmpi slt, %rem3A_70, %lt3A_72 : i32
      %lt3A_74 = arith.constant 0 : i32
      %lt3A_75 = arith.cmpi slt, %select_n3A, %lt3A_74 : i32
      %ne3A_76 = arith.xori %lt3A_73, %lt3A_75 : i1
      %and3A_77 = arith.andi %ne3A_76, %ne3A_71 : i1
      %add3A_78 = arith.addi %rem3A_70, %select_n3A : i32
      %select_n3A_79 = arith.select %and3A_77, %add3A_78, %rem3A_70 : i32
      %mul3A_80 = arith.constant 128 : i32
      %mul3A_81 = arith.muli %sub3A_65, %mul3A_80 : i32
      %add3A_82 = arith.addi %mul3A_2, %mul3A_81 : i32
      %dma_wait3A_83 = arith.constant 0 : i32
      %dma_wait3A_84 = arith.constant 0 : i32
      %dma_wait3A_85 = tpu.memref_slice %arg6[%select_n3A_79, %dma_wait3A_83, %dma_wait3A_84] : memref<4x128x32xi32, #tpu.memory_space<vmem>> -> memref<1x128x32xi32, #tpu.memory_space<vmem>>
      %dma_wait3A_86 = tpu.memref_squeeze %dma_wait3A_85 : memref<1x128x32xi32, #tpu.memory_space<vmem>> -> memref<128x32xi32, #tpu.memory_space<vmem>>
      %dma_wait3A_87 = arith.constant 0 : i32
      %dma_wait3A_88 = tpu.memref_slice %arg4[%add3A_82, %dma_wait3A_87] : memref<4096x32xi32, #tpu.memory_space<hbm>> -> memref<128x32xi32, #tpu.memory_space<hbm>>
      %dma_wait3A_89 = arith.constant 0 : i32
      %dma_wait3A_90 = tpu.memref_slice %arg4[%add3A_82, %dma_wait3A_89] : memref<4096x32xi32, #tpu.memory_space<hbm>> -> memref<128x32xi32, #tpu.memory_space<hbm>>
      %dma_wait3A_91 = arith.constant 0 : i32
      %dma_wait3A_92 = arith.constant 0 : i32
      %dma_wait3A_93 = tpu.memref_slice %arg6[%select_n3A_79, %dma_wait3A_91, %dma_wait3A_92] : memref<4x128x32xi32, #tpu.memory_space<vmem>> -> memref<1x128x32xi32, #tpu.memory_space<vmem>>
      %dma_wait3A_94 = tpu.memref_squeeze %dma_wait3A_93 : memref<1x128x32xi32, #tpu.memory_space<vmem>> -> memref<128x32xi32, #tpu.memory_space<vmem>>
      tpu.wait_dma2 semaphore(%arg8 : memref<!tpu.dma_semaphore, #tpu.memory_space<semaphore_mem>>) src(%dma_wait3A_94 : memref<128x32xi32, #tpu.memory_space<vmem>>) dst(%dma_wait3A_90 : memref<128x32xi32, #tpu.memory_space<hbm>>)
      %add3A_95 = arith.constant 4 : i32
      %add3A_96 = arith.addi %scan3A_14, %add3A_95 : i32
      %sub3A_97 = arith.constant 1 : i32
      %sub3A_98 = arith.subi %add3A_96, %sub3A_97 : i32
      %sub3A_99 = arith.constant 1 : i32
      %sub3A_100 = arith.subi %scan3A_14, %sub3A_99 : i32
      %jit3A_101 = arith.constant 4 : i32
      %eq3A_102 = arith.constant 0 : i32
      %eq3A_103 = arith.cmpi eq, %jit3A_101, %eq3A_102 : i32
      %jit3A_104 = arith.constant 1 : i32
      %select_n3A_105 = arith.select %eq3A_103, %jit3A_104, %jit3A_101 : i32
      %rem3A_106 = arith.remsi %sub3A_100, %select_n3A_105 : i32
      %ne3A_107 = arith.constant 0 : i32
      %ne3A_108 = arith.cmpi ne, %rem3A_106, %ne3A_107 : i32
      %lt3A_109 = arith.constant 0 : i32
      %lt3A_110 = arith.cmpi slt, %rem3A_106, %lt3A_109 : i32
      %lt3A_111 = arith.constant 0 : i32
      %lt3A_112 = arith.cmpi slt, %select_n3A_105, %lt3A_111 : i32
      %ne3A_113 = arith.xori %lt3A_110, %lt3A_112 : i1
      %and3A_114 = arith.andi %ne3A_113, %ne3A_108 : i1
      %add3A_115 = arith.addi %rem3A_106, %select_n3A_105 : i32
      %select_n3A_116 = arith.select %and3A_114, %add3A_115, %rem3A_106 : i32
      %dma_start3A_117 = arith.constant 0 : i32
      %dma_start3A_118 = arith.constant 0 : i32
      %dma_start3A_119 = tpu.memref_slice %arg6[%select_n3A_116, %dma_start3A_117, %dma_start3A_118] : memref<4x128x32xi32, #tpu.memory_space<vmem>> -> memref<1x128x32xi32, #tpu.memory_space<vmem>>
      %dma_start3A_120 = tpu.memref_squeeze %dma_start3A_119 : memref<1x128x32xi32, #tpu.memory_space<vmem>> -> memref<128x32xi32, #tpu.memory_space<vmem>>
      %dma_start3A_121 = arith.constant 0 : i32
      %dma_start3A_122 = tpu.memref_slice %arg5[%sub3A_98, %dma_start3A_121] : memref<1x128xi32, #tpu.memory_space<vmem>> -> memref<1x128xi32, #tpu.memory_space<vmem>>
      %dma_start3A_123 = tpu.memref_squeeze %dma_start3A_122 : memref<1x128xi32, #tpu.memory_space<vmem>> -> memref<128xi32, #tpu.memory_space<vmem>>
      %dma_start3A_124 = arith.constant 0 : i32
      %dma_start3A_125 = arith.constant 0 : i32
      %dma_start3A_126 = tpu.memref_slice %arg2[%dma_start3A_124, %dma_start3A_125] : memref<100000x32xi32, #tpu.memory_space<hbm>> -> memref<100000x32xi32, #tpu.memory_space<hbm>>
      tpu.enqueue_indirect_dma source(%dma_start3A_126 : memref<100000x32xi32, #tpu.memory_space<hbm>>) target(%dma_start3A_120 : memref<128x32xi32, #tpu.memory_space<vmem>>) offsets(%dma_start3A_123 : memref<128xi32, #tpu.memory_space<vmem>>) semaphore(%arg7 : memref<!tpu.dma_semaphore, #tpu.memory_space<semaphore_mem>>)
    } else {
    }
    %rem3A = arith.constant 4 : i32
    %rem3A_21 = arith.remsi %scan3A_14, %rem3A : i32
    %dma_wait3A = arith.constant 0 : i32
    %dma_wait3A_22 = arith.constant 0 : i32
    %dma_wait3A_23 = tpu.memref_slice %arg6[%rem3A_21, %dma_wait3A, %dma_wait3A_22] : memref<4x128x32xi32, #tpu.memory_space<vmem>> -> memref<1x128x32xi32, #tpu.memory_space<vmem>>
    %dma_wait3A_24 = tpu.memref_squeeze %dma_wait3A_23 : memref<1x128x32xi32, #tpu.memory_space<vmem>> -> memref<128x32xi32, #tpu.memory_space<vmem>>
    %dma_wait3A_25 = arith.constant 0 : i32
    %dma_wait3A_26 = tpu.memref_slice %arg5[%scan3A_14, %dma_wait3A_25] : memref<1x128xi32, #tpu.memory_space<vmem>> -> memref<1x128xi32, #tpu.memory_space<vmem>>
    %dma_wait3A_27 = tpu.memref_squeeze %dma_wait3A_26 : memref<1x128xi32, #tpu.memory_space<vmem>> -> memref<128xi32, #tpu.memory_space<vmem>>
    %dma_wait3A_28 = arith.constant 0 : i32
    %dma_wait3A_29 = arith.constant 0 : i32
    %dma_wait3A_30 = tpu.memref_slice %arg2[%dma_wait3A_28, %dma_wait3A_29] : memref<100000x32xi32, #tpu.memory_space<hbm>> -> memref<100000x32xi32, #tpu.memory_space<hbm>>
    tpu.wait_indirect_dma semaphore(%arg7 : memref<!tpu.dma_semaphore, #tpu.memory_space<semaphore_mem>>) src(%dma_wait3A_30 : memref<100000x32xi32, #tpu.memory_space<hbm>>) dst(%dma_wait3A_24 : memref<128x32xi32, #tpu.memory_space<vmem>>)
    %rem3A_31 = arith.constant 4 : i32
    %rem3A_32 = arith.remsi %scan3A_14, %rem3A_31 : i32
    %mul3A_33 = arith.constant 128 : i32
    %mul3A_34 = arith.muli %scan3A_14, %mul3A_33 : i32
    %add3A_35 = arith.addi %mul3A_2, %mul3A_34 : i32
    %dma_start3A_36 = arith.constant 0 : i32
    %dma_start3A_37 = arith.constant 0 : i32
    %dma_start3A_38 = tpu.memref_slice %arg6[%rem3A_32, %dma_start3A_36, %dma_start3A_37] : memref<4x128x32xi32, #tpu.memory_space<vmem>> -> memref<1x128x32xi32, #tpu.memory_space<vmem>>
    %dma_start3A_39 = tpu.memref_squeeze %dma_start3A_38 : memref<1x128x32xi32, #tpu.memory_space<vmem>> -> memref<128x32xi32, #tpu.memory_space<vmem>>
    %dma_start3A_40 = arith.constant 0 : i32
    %dma_start3A_41 = tpu.memref_slice %arg4[%add3A_35, %dma_start3A_40] : memref<4096x32xi32, #tpu.memory_space<hbm>> -> memref<128x32xi32, #tpu.memory_space<hbm>>
    %dma_start3A_42 = arith.constant 0 : i32
    %dma_start3A_43 = tpu.memref_slice %arg4[%add3A_35, %dma_start3A_42] : memref<4096x32xi32, #tpu.memory_space<hbm>> -> memref<128x32xi32, #tpu.memory_space<hbm>>
    %dma_start3A_44 = arith.constant 0 : i32
    %dma_start3A_45 = arith.constant 0 : i32
    %dma_start3A_46 = tpu.memref_slice %arg6[%rem3A_32, %dma_start3A_44, %dma_start3A_45] : memref<4x128x32xi32, #tpu.memory_space<vmem>> -> memref<1x128x32xi32, #tpu.memory_space<vmem>>
    %dma_start3A_47 = tpu.memref_squeeze %dma_start3A_46 : memref<1x128x32xi32, #tpu.memory_space<vmem>> -> memref<128x32xi32, #tpu.memory_space<vmem>>
    tpu.enqueue_dma source(%dma_start3A_47 : memref<128x32xi32, #tpu.memory_space<vmem>>) target(%dma_start3A_43 : memref<128x32xi32, #tpu.memory_space<hbm>>) target_semaphore(%arg8 : memref<!tpu.dma_semaphore, #tpu.memory_space<semaphore_mem>>)
    %scan3A_48 = arith.constant 1 : i32
    %add3A_49 = arith.constant 0 : i32
    %add3A_50 = arith.addi %mul3A_2, %add3A_49 : i32
    %dma_wait3A_51 = arith.constant 0 : i32
    %dma_wait3A_52 = arith.constant 0 : i32
    %dma_wait3A_53 = arith.constant 0 : i32
    %dma_wait3A_54 = tpu.memref_slice %arg6[%dma_wait3A_51, %dma_wait3A_52, %dma_wait3A_53] : memref<4x128x32xi32, #tpu.memory_space<vmem>> -> memref<1x128x32xi32, #tpu.memory_space<vmem>>
    %dma_wait3A_55 = tpu.memref_squeeze %dma_wait3A_54 : memref<1x128x32xi32, #tpu.memory_space<vmem>> -> memref<128x32xi32, #tpu.memory_space<vmem>>
    %dma_wait3A_56 = arith.constant 0 : i32
    %dma_wait3A_57 = tpu.memref_slice %arg4[%add3A_50, %dma_wait3A_56] : memref<4096x32xi32, #tpu.memory_space<hbm>> -> memref<128x32xi32, #tpu.memory_space<hbm>>
    %dma_wait3A_58 = arith.constant 0 : i32
    %dma_wait3A_59 = tpu.memref_slice %arg4[%add3A_50, %dma_wait3A_58] : memref<4096x32xi32, #tpu.memory_space<hbm>> -> memref<128x32xi32, #tpu.memory_space<hbm>>
    %dma_wait3A_60 = arith.constant 0 : i32
    %dma_wait3A_61 = arith.constant 0 : i32
    %dma_wait3A_62 = tpu.memref_slice %arg6[%dma_wait3A_51, %dma_wait3A_60, %dma_wait3A_61] : memref<4x128x32xi32, #tpu.memory_space<vmem>> -> memref<1x128x32xi32, #tpu.memory_space<vmem>>
    %dma_wait3A_63 = tpu.memref_squeeze %dma_wait3A_62 : memref<1x128x32xi32, #tpu.memory_space<vmem>> -> memref<128x32xi32, #tpu.memory_space<vmem>>
    tpu.wait_dma2 semaphore(%arg8 : memref<!tpu.dma_semaphore, #tpu.memory_space<semaphore_mem>>) src(%dma_wait3A_63 : memref<128x32xi32, #tpu.memory_space<vmem>>) dst(%dma_wait3A_59 : memref<128x32xi32, #tpu.memory_space<hbm>>)
    return
  }
}

#map = affine_map<(d0, d1) -> (0, 0)>
#map1 = affine_map<(d0, d1) -> (0, 0, 0)>
module attributes {stable_mosaic.version = 14 : i64} {
  func.func @gk(%arg0: i32, %arg1: i32, %arg2: memref<100000x32xi32, #tpu.memory_space<hbm>>, %arg3: memref<32x3x128xi32, #tpu.memory_space<hbm>>, %arg4: memref<12288x32xi32, #tpu.memory_space<hbm>>, %arg5: memref<3x128xi32, #tpu.memory_space<vmem>>, %arg6: memref<4x128x32xi32, #tpu.memory_space<vmem>>, %arg7: memref<!tpu.dma_semaphore, #tpu.memory_space<semaphore_mem>>, %arg8: memref<!tpu.dma_semaphore, #tpu.memory_space<semaphore_mem>>) attributes {dimension_semantics = [#tpu.dimension_semantics<core_parallel>, #tpu.dimension_semantics<subcore_parallel>], iteration_bounds = array<i64: 2, 16>, scalar_prefetch = 0 : i64, scratch_operands = 4 : i64, tpu.core_type = #tpu.core_type<sc_vector_subcore>, window_params = [{transform_indices = #map}, {transform_indices = #map1}, {transform_indices = #map}]} {
    %mul3A = arith.constant 2 : i32
    %mul3A_0 = arith.muli %arg1, %mul3A : i32
    %add3A = arith.addi %mul3A_0, %arg0 : i32
    %mul3A_1 = arith.constant 384 : i32
    %mul3A_2 = arith.muli %add3A, %mul3A_1 : i32
    "tpu.region"() ({
      %run_scoped3A = tpu.sem_alloc : memref<!tpu.dma_semaphore, #tpu.memory_space<semaphore_mem>>
      %dma_start3A_87 = arith.constant 0 : i32
      %dma_start3A_88 = arith.constant 0 : i32
      %dma_start3A_89 = tpu.memref_slice %arg3[%add3A, %dma_start3A_87, %dma_start3A_88] : memref<32x3x128xi32, #tpu.memory_space<hbm>> -> memref<1x3x128xi32, #tpu.memory_space<hbm>>
      %dma_start3A_90 = tpu.memref_squeeze %dma_start3A_89 : memref<1x3x128xi32, #tpu.memory_space<hbm>> -> memref<3x128xi32, #tpu.memory_space<hbm>>
      %dma_start3A_91 = arith.constant 0 : i32
      %dma_start3A_92 = arith.constant 0 : i32
      %dma_start3A_93 = tpu.memref_slice %arg3[%add3A, %dma_start3A_91, %dma_start3A_92] : memref<32x3x128xi32, #tpu.memory_space<hbm>> -> memref<1x3x128xi32, #tpu.memory_space<hbm>>
      %dma_start3A_94 = tpu.memref_squeeze %dma_start3A_93 : memref<1x3x128xi32, #tpu.memory_space<hbm>> -> memref<3x128xi32, #tpu.memory_space<hbm>>
      tpu.enqueue_dma source(%dma_start3A_94 : memref<3x128xi32, #tpu.memory_space<hbm>>) target(%arg5 : memref<3x128xi32, #tpu.memory_space<vmem>>) target_semaphore(%run_scoped3A : memref<!tpu.dma_semaphore, #tpu.memory_space<semaphore_mem>>)
      %dma_wait3A_95 = arith.constant 0 : i32
      %dma_wait3A_96 = arith.constant 0 : i32
      %dma_wait3A_97 = tpu.memref_slice %arg3[%add3A, %dma_wait3A_95, %dma_wait3A_96] : memref<32x3x128xi32, #tpu.memory_space<hbm>> -> memref<1x3x128xi32, #tpu.memory_space<hbm>>
      %dma_wait3A_98 = tpu.memref_squeeze %dma_wait3A_97 : memref<1x3x128xi32, #tpu.memory_space<hbm>> -> memref<3x128xi32, #tpu.memory_space<hbm>>
      %dma_wait3A_99 = arith.constant 0 : i32
      %dma_wait3A_100 = arith.constant 0 : i32
      %dma_wait3A_101 = tpu.memref_slice %arg3[%add3A, %dma_wait3A_99, %dma_wait3A_100] : memref<32x3x128xi32, #tpu.memory_space<hbm>> -> memref<1x3x128xi32, #tpu.memory_space<hbm>>
      %dma_wait3A_102 = tpu.memref_squeeze %dma_wait3A_101 : memref<1x3x128xi32, #tpu.memory_space<hbm>> -> memref<3x128xi32, #tpu.memory_space<hbm>>
      tpu.wait_dma2 semaphore(%run_scoped3A : memref<!tpu.dma_semaphore, #tpu.memory_space<semaphore_mem>>) src(%dma_wait3A_102 : memref<3x128xi32, #tpu.memory_space<hbm>>) dst(%arg5 : memref<3x128xi32, #tpu.memory_space<vmem>>)
      tpu.yield
    }) : () -> ()
    %dma_start3A = arith.constant 0 : i32
    %dma_start3A_3 = arith.constant 0 : i32
    %dma_start3A_4 = arith.constant 0 : i32
    %dma_start3A_5 = arith.constant 0 : i32
    %dma_start3A_6 = tpu.memref_slice %arg6[%dma_start3A_3, %dma_start3A_4, %dma_start3A_5] : memref<4x128x32xi32, #tpu.memory_space<vmem>> -> memref<1x128x32xi32, #tpu.memory_space<vmem>>
    %dma_start3A_7 = tpu.memref_squeeze %dma_start3A_6 : memref<1x128x32xi32, #tpu.memory_space<vmem>> -> memref<128x32xi32, #tpu.memory_space<vmem>>
    %dma_start3A_8 = arith.constant 0 : i32
    %dma_start3A_9 = tpu.memref_slice %arg5[%dma_start3A, %dma_start3A_8] : memref<3x128xi32, #tpu.memory_space<vmem>> -> memref<1x128xi32, #tpu.memory_space<vmem>>
    %dma_start3A_10 = tpu.memref_squeeze %dma_start3A_9 : memref<1x128xi32, #tpu.memory_space<vmem>> -> memref<128xi32, #tpu.memory_space<vmem>>
    %dma_start3A_11 = arith.constant 0 : i32
    %dma_start3A_12 = arith.constant 0 : i32
    %dma_start3A_13 = tpu.memref_slice %arg2[%dma_start3A_11, %dma_start3A_12] : memref<100000x32xi32, #tpu.memory_space<hbm>> -> memref<100000x32xi32, #tpu.memory_space<hbm>>
    tpu.enqueue_indirect_dma source(%dma_start3A_13 : memref<100000x32xi32, #tpu.memory_space<hbm>>) target(%dma_start3A_7 : memref<128x32xi32, #tpu.memory_space<vmem>>) offsets(%dma_start3A_10 : memref<128xi32, #tpu.memory_space<vmem>>) semaphore(%arg7 : memref<!tpu.dma_semaphore, #tpu.memory_space<semaphore_mem>>)
    %dma_start3A_14 = arith.constant 1 : i32
    %dma_start3A_15 = arith.constant 1 : i32
    %dma_start3A_16 = arith.constant 0 : i32
    %dma_start3A_17 = arith.constant 0 : i32
    %dma_start3A_18 = tpu.memref_slice %arg6[%dma_start3A_15, %dma_start3A_16, %dma_start3A_17] : memref<4x128x32xi32, #tpu.memory_space<vmem>> -> memref<1x128x32xi32, #tpu.memory_space<vmem>>
    %dma_start3A_19 = tpu.memref_squeeze %dma_start3A_18 : memref<1x128x32xi32, #tpu.memory_space<vmem>> -> memref<128x32xi32, #tpu.memory_space<vmem>>
    %dma_start3A_20 = arith.constant 0 : i32
    %dma_start3A_21 = tpu.memref_slice %arg5[%dma_start3A_14, %dma_start3A_20] : memref<3x128xi32, #tpu.memory_space<vmem>> -> memref<1x128xi32, #tpu.memory_space<vmem>>
    %dma_start3A_22 = tpu.memref_squeeze %dma_start3A_21 : memref<1x128xi32, #tpu.memory_space<vmem>> -> memref<128xi32, #tpu.memory_space<vmem>>
    %dma_start3A_23 = arith.constant 0 : i32
    %dma_start3A_24 = arith.constant 0 : i32
    %dma_start3A_25 = tpu.memref_slice %arg2[%dma_start3A_23, %dma_start3A_24] : memref<100000x32xi32, #tpu.memory_space<hbm>> -> memref<100000x32xi32, #tpu.memory_space<hbm>>
    tpu.enqueue_indirect_dma source(%dma_start3A_25 : memref<100000x32xi32, #tpu.memory_space<hbm>>) target(%dma_start3A_19 : memref<128x32xi32, #tpu.memory_space<vmem>>) offsets(%dma_start3A_22 : memref<128xi32, #tpu.memory_space<vmem>>) semaphore(%arg7 : memref<!tpu.dma_semaphore, #tpu.memory_space<semaphore_mem>>)
    %dma_start3A_26 = arith.constant 2 : i32
    %dma_start3A_27 = arith.constant 2 : i32
    %dma_start3A_28 = arith.constant 0 : i32
    %dma_start3A_29 = arith.constant 0 : i32
    %dma_start3A_30 = tpu.memref_slice %arg6[%dma_start3A_27, %dma_start3A_28, %dma_start3A_29] : memref<4x128x32xi32, #tpu.memory_space<vmem>> -> memref<1x128x32xi32, #tpu.memory_space<vmem>>
    %dma_start3A_31 = tpu.memref_squeeze %dma_start3A_30 : memref<1x128x32xi32, #tpu.memory_space<vmem>> -> memref<128x32xi32, #tpu.memory_space<vmem>>
    %dma_start3A_32 = arith.constant 0 : i32
    %dma_start3A_33 = tpu.memref_slice %arg5[%dma_start3A_26, %dma_start3A_32] : memref<3x128xi32, #tpu.memory_space<vmem>> -> memref<1x128xi32, #tpu.memory_space<vmem>>
    %dma_start3A_34 = tpu.memref_squeeze %dma_start3A_33 : memref<1x128xi32, #tpu.memory_space<vmem>> -> memref<128xi32, #tpu.memory_space<vmem>>
    %dma_start3A_35 = arith.constant 0 : i32
    %dma_start3A_36 = arith.constant 0 : i32
    %dma_start3A_37 = tpu.memref_slice %arg2[%dma_start3A_35, %dma_start3A_36] : memref<100000x32xi32, #tpu.memory_space<hbm>> -> memref<100000x32xi32, #tpu.memory_space<hbm>>
    tpu.enqueue_indirect_dma source(%dma_start3A_37 : memref<100000x32xi32, #tpu.memory_space<hbm>>) target(%dma_start3A_31 : memref<128x32xi32, #tpu.memory_space<vmem>>) offsets(%dma_start3A_34 : memref<128xi32, #tpu.memory_space<vmem>>) semaphore(%arg7 : memref<!tpu.dma_semaphore, #tpu.memory_space<semaphore_mem>>)
    %scan3A = arith.constant 0 : i32
    %scan3A_38 = arith.constant 0 : i32
    %scan3A_39 = arith.constant 3 : i32
    %scan3A_40 = arith.addi %scan3A_38, %scan3A_39 : i32
    %scan3A_41 = arith.constant 1 : i32
    scf.for %scan3A_87 = %scan3A_38 to %scan3A_40 step %scan3A_41  : i32 {
      %ge3A = arith.constant 1 : i32
      %ge3A_88 = arith.cmpi sge, %scan3A_87, %ge3A : i32
      %add3A_89 = arith.constant 4 : i32
      %add3A_90 = arith.addi %scan3A_87, %add3A_89 : i32
      %sub3A = arith.constant 1 : i32
      %sub3A_91 = arith.subi %add3A_90, %sub3A : i32
      %lt3A = arith.constant 3 : i32
      %lt3A_92 = arith.cmpi slt, %sub3A_91, %lt3A : i32
      %and3A = arith.andi %ge3A_88, %lt3A_92 : i1
      %convert_element_type3A = arith.extui %and3A : i1 to i32
      %cond3A = arith.constant 0 : i32
      %cond3A_93 = arith.cmpi ne, %convert_element_type3A, %cond3A : i32
      scf.if %cond3A_93 {
        %sub3A_122 = arith.constant 1 : i32
        %sub3A_123 = arith.subi %scan3A_87, %sub3A_122 : i32
        %sub3A_124 = arith.constant 1 : i32
        %sub3A_125 = arith.subi %scan3A_87, %sub3A_124 : i32
        %jit3A = arith.constant 4 : i32
        %eq3A = arith.constant 0 : i32
        %eq3A_126 = arith.cmpi eq, %jit3A, %eq3A : i32
        %jit3A_127 = arith.constant 1 : i32
        %select_n3A = arith.select %eq3A_126, %jit3A_127, %jit3A : i32
        %rem3A_128 = arith.remsi %sub3A_125, %select_n3A : i32
        %ne3A = arith.constant 0 : i32
        %ne3A_129 = arith.cmpi ne, %rem3A_128, %ne3A : i32
        %lt3A_130 = arith.constant 0 : i32
        %lt3A_131 = arith.cmpi slt, %rem3A_128, %lt3A_130 : i32
        %lt3A_132 = arith.constant 0 : i32
        %lt3A_133 = arith.cmpi slt, %select_n3A, %lt3A_132 : i32
        %ne3A_134 = arith.xori %lt3A_131, %lt3A_133 : i1
        %and3A_135 = arith.andi %ne3A_134, %ne3A_129 : i1
        %add3A_136 = arith.addi %rem3A_128, %select_n3A : i32
        %select_n3A_137 = arith.select %and3A_135, %add3A_136, %rem3A_128 : i32
        %mul3A_138 = arith.constant 128 : i32
        %mul3A_139 = arith.muli %sub3A_123, %mul3A_138 : i32
        %add3A_140 = arith.addi %mul3A_2, %mul3A_139 : i32
        %dma_wait3A_141 = arith.constant 0 : i32
        %dma_wait3A_142 = arith.constant 0 : i32
        %dma_wait3A_143 = tpu.memref_slice %arg6[%select_n3A_137, %dma_wait3A_141, %dma_wait3A_142] : memref<4x128x32xi32, #tpu.memory_space<vmem>> -> memref<1x128x32xi32, #tpu.memory_space<vmem>>
        %dma_wait3A_144 = tpu.memref_squeeze %dma_wait3A_143 : memref<1x128x32xi32, #tpu.memory_space<vmem>> -> memref<128x32xi32, #tpu.memory_space<vmem>>
        %dma_wait3A_145 = arith.constant 0 : i32
        %dma_wait3A_146 = tpu.memref_slice %arg4[%add3A_140, %dma_wait3A_145] : memref<12288x32xi32, #tpu.memory_space<hbm>> -> memref<128x32xi32, #tpu.memory_space<hbm>>
        %dma_wait3A_147 = arith.constant 0 : i32
        %dma_wait3A_148 = tpu.memref_slice %arg4[%add3A_140, %dma_wait3A_147] : memref<12288x32xi32, #tpu.memory_space<hbm>> -> memref<128x32xi32, #tpu.memory_space<hbm>>
        %dma_wait3A_149 = arith.constant 0 : i32
        %dma_wait3A_150 = arith.constant 0 : i32
        %dma_wait3A_151 = tpu.memref_slice %arg6[%select_n3A_137, %dma_wait3A_149, %dma_wait3A_150] : memref<4x128x32xi32, #tpu.memory_space<vmem>> -> memref<1x128x32xi32, #tpu.memory_space<vmem>>
        %dma_wait3A_152 = tpu.memref_squeeze %dma_wait3A_151 : memref<1x128x32xi32, #tpu.memory_space<vmem>> -> memref<128x32xi32, #tpu.memory_space<vmem>>
        tpu.wait_dma2 semaphore(%arg8 : memref<!tpu.dma_semaphore, #tpu.memory_space<semaphore_mem>>) src(%dma_wait3A_152 : memref<128x32xi32, #tpu.memory_space<vmem>>) dst(%dma_wait3A_148 : memref<128x32xi32, #tpu.memory_space<hbm>>)
        %add3A_153 = arith.constant 4 : i32
        %add3A_154 = arith.addi %scan3A_87, %add3A_153 : i32
        %sub3A_155 = arith.constant 1 : i32
        %sub3A_156 = arith.subi %add3A_154, %sub3A_155 : i32
        %sub3A_157 = arith.constant 1 : i32
        %sub3A_158 = arith.subi %scan3A_87, %sub3A_157 : i32
        %jit3A_159 = arith.constant 4 : i32
        %eq3A_160 = arith.constant 0 : i32
        %eq3A_161 = arith.cmpi eq, %jit3A_159, %eq3A_160 : i32
        %jit3A_162 = arith.constant 1 : i32
        %select_n3A_163 = arith.select %eq3A_161, %jit3A_162, %jit3A_159 : i32
        %rem3A_164 = arith.remsi %sub3A_158, %select_n3A_163 : i32
        %ne3A_165 = arith.constant 0 : i32
        %ne3A_166 = arith.cmpi ne, %rem3A_164, %ne3A_165 : i32
        %lt3A_167 = arith.constant 0 : i32
        %lt3A_168 = arith.cmpi slt, %rem3A_164, %lt3A_167 : i32
        %lt3A_169 = arith.constant 0 : i32
        %lt3A_170 = arith.cmpi slt, %select_n3A_163, %lt3A_169 : i32
        %ne3A_171 = arith.xori %lt3A_168, %lt3A_170 : i1
        %and3A_172 = arith.andi %ne3A_171, %ne3A_166 : i1
        %add3A_173 = arith.addi %rem3A_164, %select_n3A_163 : i32
        %select_n3A_174 = arith.select %and3A_172, %add3A_173, %rem3A_164 : i32
        %dma_start3A_175 = arith.constant 0 : i32
        %dma_start3A_176 = arith.constant 0 : i32
        %dma_start3A_177 = tpu.memref_slice %arg6[%select_n3A_174, %dma_start3A_175, %dma_start3A_176] : memref<4x128x32xi32, #tpu.memory_space<vmem>> -> memref<1x128x32xi32, #tpu.memory_space<vmem>>
        %dma_start3A_178 = tpu.memref_squeeze %dma_start3A_177 : memref<1x128x32xi32, #tpu.memory_space<vmem>> -> memref<128x32xi32, #tpu.memory_space<vmem>>
        %dma_start3A_179 = arith.constant 0 : i32
        %dma_start3A_180 = tpu.memref_slice %arg5[%sub3A_156, %dma_start3A_179] : memref<3x128xi32, #tpu.memory_space<vmem>> -> memref<1x128xi32, #tpu.memory_space<vmem>>
        %dma_start3A_181 = tpu.memref_squeeze %dma_start3A_180 : memref<1x128xi32, #tpu.memory_space<vmem>> -> memref<128xi32, #tpu.memory_space<vmem>>
        %dma_start3A_182 = arith.constant 0 : i32
        %dma_start3A_183 = arith.constant 0 : i32
        %dma_start3A_184 = tpu.memref_slice %arg2[%dma_start3A_182, %dma_start3A_183] : memref<100000x32xi32, #tpu.memory_space<hbm>> -> memref<100000x32xi32, #tpu.memory_space<hbm>>
        tpu.enqueue_indirect_dma source(%dma_start3A_184 : memref<100000x32xi32, #tpu.memory_space<hbm>>) target(%dma_start3A_178 : memref<128x32xi32, #tpu.memory_space<vmem>>) offsets(%dma_start3A_181 : memref<128xi32, #tpu.memory_space<vmem>>) semaphore(%arg7 : memref<!tpu.dma_semaphore, #tpu.memory_space<semaphore_mem>>)
      } else {
      }
      %rem3A = arith.constant 4 : i32
      %rem3A_94 = arith.remsi %scan3A_87, %rem3A : i32
      %dma_wait3A_95 = arith.constant 0 : i32
      %dma_wait3A_96 = arith.constant 0 : i32
      %dma_wait3A_97 = tpu.memref_slice %arg6[%rem3A_94, %dma_wait3A_95, %dma_wait3A_96] : memref<4x128x32xi32, #tpu.memory_space<vmem>> -> memref<1x128x32xi32, #tpu.memory_space<vmem>>
      %dma_wait3A_98 = tpu.memref_squeeze %dma_wait3A_97 : memref<1x128x32xi32, #tpu.memory_space<vmem>> -> memref<128x32xi32, #tpu.memory_space<vmem>>
      %dma_wait3A_99 = arith.constant 0 : i32
      %dma_wait3A_100 = tpu.memref_slice %arg5[%scan3A_87, %dma_wait3A_99] : memref<3x128xi32, #tpu.memory_space<vmem>> -> memref<1x128xi32, #tpu.memory_space<vmem>>
      %dma_wait3A_101 = tpu.memref_squeeze %dma_wait3A_100 : memref<1x128xi32, #tpu.memory_space<vmem>> -> memref<128xi32, #tpu.memory_space<vmem>>
      %dma_wait3A_102 = arith.constant 0 : i32
      %dma_wait3A_103 = arith.constant 0 : i32
      %dma_wait3A_104 = tpu.memref_slice %arg2[%dma_wait3A_102, %dma_wait3A_103] : memref<100000x32xi32, #tpu.memory_space<hbm>> -> memref<100000x32xi32, #tpu.memory_space<hbm>>
      tpu.wait_indirect_dma semaphore(%arg7 : memref<!tpu.dma_semaphore, #tpu.memory_space<semaphore_mem>>) src(%dma_wait3A_104 : memref<100000x32xi32, #tpu.memory_space<hbm>>) dst(%dma_wait3A_98 : memref<128x32xi32, #tpu.memory_space<vmem>>)
      %rem3A_105 = arith.constant 4 : i32
      %rem3A_106 = arith.remsi %scan3A_87, %rem3A_105 : i32
      %mul3A_107 = arith.constant 128 : i32
      %mul3A_108 = arith.muli %scan3A_87, %mul3A_107 : i32
      %add3A_109 = arith.addi %mul3A_2, %mul3A_108 : i32
      %dma_start3A_110 = arith.constant 0 : i32
      %dma_start3A_111 = arith.constant 0 : i32
      %dma_start3A_112 = tpu.memref_slice %arg6[%rem3A_106, %dma_start3A_110, %dma_start3A_111] : memref<4x128x32xi32, #tpu.memory_space<vmem>> -> memref<1x128x32xi32, #tpu.memory_space<vmem>>
      %dma_start3A_113 = tpu.memref_squeeze %dma_start3A_112 : memref<1x128x32xi32, #tpu.memory_space<vmem>> -> memref<128x32xi32, #tpu.memory_space<vmem>>
      %dma_start3A_114 = arith.constant 0 : i32
      %dma_start3A_115 = tpu.memref_slice %arg4[%add3A_109, %dma_start3A_114] : memref<12288x32xi32, #tpu.memory_space<hbm>> -> memref<128x32xi32, #tpu.memory_space<hbm>>
      %dma_start3A_116 = arith.constant 0 : i32
      %dma_start3A_117 = tpu.memref_slice %arg4[%add3A_109, %dma_start3A_116] : memref<12288x32xi32, #tpu.memory_space<hbm>> -> memref<128x32xi32, #tpu.memory_space<hbm>>
      %dma_start3A_118 = arith.constant 0 : i32
      %dma_start3A_119 = arith.constant 0 : i32
      %dma_start3A_120 = tpu.memref_slice %arg6[%rem3A_106, %dma_start3A_118, %dma_start3A_119] : memref<4x128x32xi32, #tpu.memory_space<vmem>> -> memref<1x128x32xi32, #tpu.memory_space<vmem>>
      %dma_start3A_121 = tpu.memref_squeeze %dma_start3A_120 : memref<1x128x32xi32, #tpu.memory_space<vmem>> -> memref<128x32xi32, #tpu.memory_space<vmem>>
      tpu.enqueue_dma source(%dma_start3A_121 : memref<128x32xi32, #tpu.memory_space<vmem>>) target(%dma_start3A_117 : memref<128x32xi32, #tpu.memory_space<hbm>>) target_semaphore(%arg8 : memref<!tpu.dma_semaphore, #tpu.memory_space<semaphore_mem>>)
    }
    %scan3A_42 = arith.constant 3 : i32
    %add3A_43 = arith.constant 0 : i32
    %add3A_44 = arith.addi %mul3A_2, %add3A_43 : i32
    %dma_wait3A = arith.constant 0 : i32
    %dma_wait3A_45 = arith.constant 0 : i32
    %dma_wait3A_46 = arith.constant 0 : i32
    %dma_wait3A_47 = tpu.memref_slice %arg6[%dma_wait3A, %dma_wait3A_45, %dma_wait3A_46] : memref<4x128x32xi32, #tpu.memory_space<vmem>> -> memref<1x128x32xi32, #tpu.memory_space<vmem>>
    %dma_wait3A_48 = tpu.memref_squeeze %dma_wait3A_47 : memref<1x128x32xi32, #tpu.memory_space<vmem>> -> memref<128x32xi32, #tpu.memory_space<vmem>>
    %dma_wait3A_49 = arith.constant 0 : i32
    %dma_wait3A_50 = tpu.memref_slice %arg4[%add3A_44, %dma_wait3A_49] : memref<12288x32xi32, #tpu.memory_space<hbm>> -> memref<128x32xi32, #tpu.memory_space<hbm>>
    %dma_wait3A_51 = arith.constant 0 : i32
    %dma_wait3A_52 = tpu.memref_slice %arg4[%add3A_44, %dma_wait3A_51] : memref<12288x32xi32, #tpu.memory_space<hbm>> -> memref<128x32xi32, #tpu.memory_space<hbm>>
    %dma_wait3A_53 = arith.constant 0 : i32
    %dma_wait3A_54 = arith.constant 0 : i32
    %dma_wait3A_55 = tpu.memref_slice %arg6[%dma_wait3A, %dma_wait3A_53, %dma_wait3A_54] : memref<4x128x32xi32, #tpu.memory_space<vmem>> -> memref<1x128x32xi32, #tpu.memory_space<vmem>>
    %dma_wait3A_56 = tpu.memref_squeeze %dma_wait3A_55 : memref<1x128x32xi32, #tpu.memory_space<vmem>> -> memref<128x32xi32, #tpu.memory_space<vmem>>
    tpu.wait_dma2 semaphore(%arg8 : memref<!tpu.dma_semaphore, #tpu.memory_space<semaphore_mem>>) src(%dma_wait3A_56 : memref<128x32xi32, #tpu.memory_space<vmem>>) dst(%dma_wait3A_52 : memref<128x32xi32, #tpu.memory_space<hbm>>)
    %add3A_57 = arith.constant 128 : i32
    %add3A_58 = arith.addi %mul3A_2, %add3A_57 : i32
    %dma_wait3A_59 = arith.constant 1 : i32
    %dma_wait3A_60 = arith.constant 0 : i32
    %dma_wait3A_61 = arith.constant 0 : i32
    %dma_wait3A_62 = tpu.memref_slice %arg6[%dma_wait3A_59, %dma_wait3A_60, %dma_wait3A_61] : memref<4x128x32xi32, #tpu.memory_space<vmem>> -> memref<1x128x32xi32, #tpu.memory_space<vmem>>
    %dma_wait3A_63 = tpu.memref_squeeze %dma_wait3A_62 : memref<1x128x32xi32, #tpu.memory_space<vmem>> -> memref<128x32xi32, #tpu.memory_space<vmem>>
    %dma_wait3A_64 = arith.constant 0 : i32
    %dma_wait3A_65 = tpu.memref_slice %arg4[%add3A_58, %dma_wait3A_64] : memref<12288x32xi32, #tpu.memory_space<hbm>> -> memref<128x32xi32, #tpu.memory_space<hbm>>
    %dma_wait3A_66 = arith.constant 0 : i32
    %dma_wait3A_67 = tpu.memref_slice %arg4[%add3A_58, %dma_wait3A_66] : memref<12288x32xi32, #tpu.memory_space<hbm>> -> memref<128x32xi32, #tpu.memory_space<hbm>>
    %dma_wait3A_68 = arith.constant 0 : i32
    %dma_wait3A_69 = arith.constant 0 : i32
    %dma_wait3A_70 = tpu.memref_slice %arg6[%dma_wait3A_59, %dma_wait3A_68, %dma_wait3A_69] : memref<4x128x32xi32, #tpu.memory_space<vmem>> -> memref<1x128x32xi32, #tpu.memory_space<vmem>>
    %dma_wait3A_71 = tpu.memref_squeeze %dma_wait3A_70 : memref<1x128x32xi32, #tpu.memory_space<vmem>> -> memref<128x32xi32, #tpu.memory_space<vmem>>
    tpu.wait_dma2 semaphore(%arg8 : memref<!tpu.dma_semaphore, #tpu.memory_space<semaphore_mem>>) src(%dma_wait3A_71 : memref<128x32xi32, #tpu.memory_space<vmem>>) dst(%dma_wait3A_67 : memref<128x32xi32, #tpu.memory_space<hbm>>)
    %add3A_72 = arith.constant 256 : i32
    %add3A_73 = arith.addi %mul3A_2, %add3A_72 : i32
    %dma_wait3A_74 = arith.constant 2 : i32
    %dma_wait3A_75 = arith.constant 0 : i32
    %dma_wait3A_76 = arith.constant 0 : i32
    %dma_wait3A_77 = tpu.memref_slice %arg6[%dma_wait3A_74, %dma_wait3A_75, %dma_wait3A_76] : memref<4x128x32xi32, #tpu.memory_space<vmem>> -> memref<1x128x32xi32, #tpu.memory_space<vmem>>
    %dma_wait3A_78 = tpu.memref_squeeze %dma_wait3A_77 : memref<1x128x32xi32, #tpu.memory_space<vmem>> -> memref<128x32xi32, #tpu.memory_space<vmem>>
    %dma_wait3A_79 = arith.constant 0 : i32
    %dma_wait3A_80 = tpu.memref_slice %arg4[%add3A_73, %dma_wait3A_79] : memref<12288x32xi32, #tpu.memory_space<hbm>> -> memref<128x32xi32, #tpu.memory_space<hbm>>
    %dma_wait3A_81 = arith.constant 0 : i32
    %dma_wait3A_82 = tpu.memref_slice %arg4[%add3A_73, %dma_wait3A_81] : memref<12288x32xi32, #tpu.memory_space<hbm>> -> memref<128x32xi32, #tpu.memory_space<hbm>>
    %dma_wait3A_83 = arith.constant 0 : i32
    %dma_wait3A_84 = arith.constant 0 : i32
    %dma_wait3A_85 = tpu.memref_slice %arg6[%dma_wait3A_74, %dma_wait3A_83, %dma_wait3A_84] : memref<4x128x32xi32, #tpu.memory_space<vmem>> -> memref<1x128x32xi32, #tpu.memory_space<vmem>>
    %dma_wait3A_86 = tpu.memref_squeeze %dma_wait3A_85 : memref<1x128x32xi32, #tpu.memory_space<vmem>> -> memref<128x32xi32, #tpu.memory_space<vmem>>
    tpu.wait_dma2 semaphore(%arg8 : memref<!tpu.dma_semaphore, #tpu.memory_space<semaphore_mem>>) src(%dma_wait3A_86 : memref<128x32xi32, #tpu.memory_space<vmem>>) dst(%dma_wait3A_82 : memref<128x32xi32, #tpu.memory_space<hbm>>)
    return
  }
}

#map = affine_map<(d0, d1) -> (0, 0)>
#map1 = affine_map<(d0, d1) -> (0, 0, 0)>
module attributes {stable_mosaic.version = 14 : i64} {
  func.func @gk(%arg0: i32, %arg1: i32, %arg2: memref<100000x128xf32, #tpu.memory_space<hbm>>, %arg3: memref<32x31x128xi32, #tpu.memory_space<hbm>>, %arg4: memref<126976x128xf32, #tpu.memory_space<hbm>>, %arg5: memref<31x128xi32, #tpu.memory_space<vmem>>, %arg6: memref<4x128x128xf32, #tpu.memory_space<vmem>>, %arg7: memref<!tpu.dma_semaphore, #tpu.memory_space<semaphore_mem>>, %arg8: memref<!tpu.dma_semaphore, #tpu.memory_space<semaphore_mem>>) attributes {dimension_semantics = [#tpu.dimension_semantics<core_parallel>, #tpu.dimension_semantics<subcore_parallel>], iteration_bounds = array<i64: 2, 16>, scalar_prefetch = 0 : i64, scratch_operands = 4 : i64, tpu.core_type = #tpu.core_type<sc_vector_subcore>, window_params = [{transform_indices = #map}, {transform_indices = #map1}, {transform_indices = #map}]} {
    %mul3A = arith.constant 2 : i32
    %mul3A_0 = arith.muli %arg1, %mul3A : i32
    %add3A = arith.addi %mul3A_0, %arg0 : i32
    %mul3A_1 = arith.constant 3968 : i32
    %mul3A_2 = arith.muli %add3A, %mul3A_1 : i32
    "tpu.region"() ({
      %run_scoped3A = tpu.sem_alloc : memref<!tpu.dma_semaphore, #tpu.memory_space<semaphore_mem>>
      %dma_start3A_114 = arith.constant 0 : i32
      %dma_start3A_115 = arith.constant 0 : i32
      %dma_start3A_116 = tpu.memref_slice %arg3[%add3A, %dma_start3A_114, %dma_start3A_115] : memref<32x31x128xi32, #tpu.memory_space<hbm>> -> memref<1x31x128xi32, #tpu.memory_space<hbm>>
      %dma_start3A_117 = tpu.memref_squeeze %dma_start3A_116 : memref<1x31x128xi32, #tpu.memory_space<hbm>> -> memref<31x128xi32, #tpu.memory_space<hbm>>
      %dma_start3A_118 = arith.constant 0 : i32
      %dma_start3A_119 = arith.constant 0 : i32
      %dma_start3A_120 = tpu.memref_slice %arg3[%add3A, %dma_start3A_118, %dma_start3A_119] : memref<32x31x128xi32, #tpu.memory_space<hbm>> -> memref<1x31x128xi32, #tpu.memory_space<hbm>>
      %dma_start3A_121 = tpu.memref_squeeze %dma_start3A_120 : memref<1x31x128xi32, #tpu.memory_space<hbm>> -> memref<31x128xi32, #tpu.memory_space<hbm>>
      tpu.enqueue_dma source(%dma_start3A_121 : memref<31x128xi32, #tpu.memory_space<hbm>>) target(%arg5 : memref<31x128xi32, #tpu.memory_space<vmem>>) target_semaphore(%run_scoped3A : memref<!tpu.dma_semaphore, #tpu.memory_space<semaphore_mem>>)
      %dma_wait3A_122 = arith.constant 0 : i32
      %dma_wait3A_123 = arith.constant 0 : i32
      %dma_wait3A_124 = tpu.memref_slice %arg3[%add3A, %dma_wait3A_122, %dma_wait3A_123] : memref<32x31x128xi32, #tpu.memory_space<hbm>> -> memref<1x31x128xi32, #tpu.memory_space<hbm>>
      %dma_wait3A_125 = tpu.memref_squeeze %dma_wait3A_124 : memref<1x31x128xi32, #tpu.memory_space<hbm>> -> memref<31x128xi32, #tpu.memory_space<hbm>>
      %dma_wait3A_126 = arith.constant 0 : i32
      %dma_wait3A_127 = arith.constant 0 : i32
      %dma_wait3A_128 = tpu.memref_slice %arg3[%add3A, %dma_wait3A_126, %dma_wait3A_127] : memref<32x31x128xi32, #tpu.memory_space<hbm>> -> memref<1x31x128xi32, #tpu.memory_space<hbm>>
      %dma_wait3A_129 = tpu.memref_squeeze %dma_wait3A_128 : memref<1x31x128xi32, #tpu.memory_space<hbm>> -> memref<31x128xi32, #tpu.memory_space<hbm>>
      tpu.wait_dma2 semaphore(%run_scoped3A : memref<!tpu.dma_semaphore, #tpu.memory_space<semaphore_mem>>) src(%dma_wait3A_129 : memref<31x128xi32, #tpu.memory_space<hbm>>) dst(%arg5 : memref<31x128xi32, #tpu.memory_space<vmem>>)
      tpu.yield
    }) : () -> ()
    %dma_start3A = arith.constant 0 : i32
    %dma_start3A_3 = arith.constant 0 : i32
    %dma_start3A_4 = arith.constant 0 : i32
    %dma_start3A_5 = arith.constant 0 : i32
    %dma_start3A_6 = tpu.memref_slice %arg6[%dma_start3A_3, %dma_start3A_4, %dma_start3A_5] : memref<4x128x128xf32, #tpu.memory_space<vmem>> -> memref<1x128x128xf32, #tpu.memory_space<vmem>>
    %dma_start3A_7 = tpu.memref_squeeze %dma_start3A_6 : memref<1x128x128xf32, #tpu.memory_space<vmem>> -> memref<128x128xf32, #tpu.memory_space<vmem>>
    %dma_start3A_8 = arith.constant 0 : i32
    %dma_start3A_9 = tpu.memref_slice %arg5[%dma_start3A, %dma_start3A_8] : memref<31x128xi32, #tpu.memory_space<vmem>> -> memref<1x128xi32, #tpu.memory_space<vmem>>
    %dma_start3A_10 = tpu.memref_squeeze %dma_start3A_9 : memref<1x128xi32, #tpu.memory_space<vmem>> -> memref<128xi32, #tpu.memory_space<vmem>>
    %dma_start3A_11 = arith.constant 0 : i32
    %dma_start3A_12 = arith.constant 0 : i32
    %dma_start3A_13 = tpu.memref_slice %arg2[%dma_start3A_11, %dma_start3A_12] : memref<100000x128xf32, #tpu.memory_space<hbm>> -> memref<100000x128xf32, #tpu.memory_space<hbm>>
    tpu.enqueue_indirect_dma source(%dma_start3A_13 : memref<100000x128xf32, #tpu.memory_space<hbm>>) target(%dma_start3A_7 : memref<128x128xf32, #tpu.memory_space<vmem>>) offsets(%dma_start3A_10 : memref<128xi32, #tpu.memory_space<vmem>>) semaphore(%arg7 : memref<!tpu.dma_semaphore, #tpu.memory_space<semaphore_mem>>)
    %dma_start3A_14 = arith.constant 1 : i32
    %dma_start3A_15 = arith.constant 1 : i32
    %dma_start3A_16 = arith.constant 0 : i32
    %dma_start3A_17 = arith.constant 0 : i32
    %dma_start3A_18 = tpu.memref_slice %arg6[%dma_start3A_15, %dma_start3A_16, %dma_start3A_17] : memref<4x128x128xf32, #tpu.memory_space<vmem>> -> memref<1x128x128xf32, #tpu.memory_space<vmem>>
    %dma_start3A_19 = tpu.memref_squeeze %dma_start3A_18 : memref<1x128x128xf32, #tpu.memory_space<vmem>> -> memref<128x128xf32, #tpu.memory_space<vmem>>
    %dma_start3A_20 = arith.constant 0 : i32
    %dma_start3A_21 = tpu.memref_slice %arg5[%dma_start3A_14, %dma_start3A_20] : memref<31x128xi32, #tpu.memory_space<vmem>> -> memref<1x128xi32, #tpu.memory_space<vmem>>
    %dma_start3A_22 = tpu.memref_squeeze %dma_start3A_21 : memref<1x128xi32, #tpu.memory_space<vmem>> -> memref<128xi32, #tpu.memory_space<vmem>>
    %dma_start3A_23 = arith.constant 0 : i32
    %dma_start3A_24 = arith.constant 0 : i32
    %dma_start3A_25 = tpu.memref_slice %arg2[%dma_start3A_23, %dma_start3A_24] : memref<100000x128xf32, #tpu.memory_space<hbm>> -> memref<100000x128xf32, #tpu.memory_space<hbm>>
    tpu.enqueue_indirect_dma source(%dma_start3A_25 : memref<100000x128xf32, #tpu.memory_space<hbm>>) target(%dma_start3A_19 : memref<128x128xf32, #tpu.memory_space<vmem>>) offsets(%dma_start3A_22 : memref<128xi32, #tpu.memory_space<vmem>>) semaphore(%arg7 : memref<!tpu.dma_semaphore, #tpu.memory_space<semaphore_mem>>)
    %dma_start3A_26 = arith.constant 2 : i32
    %dma_start3A_27 = arith.constant 2 : i32
    %dma_start3A_28 = arith.constant 0 : i32
    %dma_start3A_29 = arith.constant 0 : i32
    %dma_start3A_30 = tpu.memref_slice %arg6[%dma_start3A_27, %dma_start3A_28, %dma_start3A_29] : memref<4x128x128xf32, #tpu.memory_space<vmem>> -> memref<1x128x128xf32, #tpu.memory_space<vmem>>
    %dma_start3A_31 = tpu.memref_squeeze %dma_start3A_30 : memref<1x128x128xf32, #tpu.memory_space<vmem>> -> memref<128x128xf32, #tpu.memory_space<vmem>>
    %dma_start3A_32 = arith.constant 0 : i32
    %dma_start3A_33 = tpu.memref_slice %arg5[%dma_start3A_26, %dma_start3A_32] : memref<31x128xi32, #tpu.memory_space<vmem>> -> memref<1x128xi32, #tpu.memory_space<vmem>>
    %dma_start3A_34 = tpu.memref_squeeze %dma_start3A_33 : memref<1x128xi32, #tpu.memory_space<vmem>> -> memref<128xi32, #tpu.memory_space<vmem>>
    %dma_start3A_35 = arith.constant 0 : i32
    %dma_start3A_36 = arith.constant 0 : i32
    %dma_start3A_37 = tpu.memref_slice %arg2[%dma_start3A_35, %dma_start3A_36] : memref<100000x128xf32, #tpu.memory_space<hbm>> -> memref<100000x128xf32, #tpu.memory_space<hbm>>
    tpu.enqueue_indirect_dma source(%dma_start3A_37 : memref<100000x128xf32, #tpu.memory_space<hbm>>) target(%dma_start3A_31 : memref<128x128xf32, #tpu.memory_space<vmem>>) offsets(%dma_start3A_34 : memref<128xi32, #tpu.memory_space<vmem>>) semaphore(%arg7 : memref<!tpu.dma_semaphore, #tpu.memory_space<semaphore_mem>>)
    %dma_start3A_38 = arith.constant 3 : i32
    %dma_start3A_39 = arith.constant 3 : i32
    %dma_start3A_40 = arith.constant 0 : i32
    %dma_start3A_41 = arith.constant 0 : i32
    %dma_start3A_42 = tpu.memref_slice %arg6[%dma_start3A_39, %dma_start3A_40, %dma_start3A_41] : memref<4x128x128xf32, #tpu.memory_space<vmem>> -> memref<1x128x128xf32, #tpu.memory_space<vmem>>
    %dma_start3A_43 = tpu.memref_squeeze %dma_start3A_42 : memref<1x128x128xf32, #tpu.memory_space<vmem>> -> memref<128x128xf32, #tpu.memory_space<vmem>>
    %dma_start3A_44 = arith.constant 0 : i32
    %dma_start3A_45 = tpu.memref_slice %arg5[%dma_start3A_38, %dma_start3A_44] : memref<31x128xi32, #tpu.memory_space<vmem>> -> memref<1x128xi32, #tpu.memory_space<vmem>>
    %dma_start3A_46 = tpu.memref_squeeze %dma_start3A_45 : memref<1x128xi32, #tpu.memory_space<vmem>> -> memref<128xi32, #tpu.memory_space<vmem>>
    %dma_start3A_47 = arith.constant 0 : i32
    %dma_start3A_48 = arith.constant 0 : i32
    %dma_start3A_49 = tpu.memref_slice %arg2[%dma_start3A_47, %dma_start3A_48] : memref<100000x128xf32, #tpu.memory_space<hbm>> -> memref<100000x128xf32, #tpu.memory_space<hbm>>
    tpu.enqueue_indirect_dma source(%dma_start3A_49 : memref<100000x128xf32, #tpu.memory_space<hbm>>) target(%dma_start3A_43 : memref<128x128xf32, #tpu.memory_space<vmem>>) offsets(%dma_start3A_46 : memref<128xi32, #tpu.memory_space<vmem>>) semaphore(%arg7 : memref<!tpu.dma_semaphore, #tpu.memory_space<semaphore_mem>>)
    %scan3A = arith.constant 0 : i32
    %scan3A_50 = arith.constant 0 : i32
    %scan3A_51 = arith.constant 31 : i32
    %scan3A_52 = arith.addi %scan3A_50, %scan3A_51 : i32
    %scan3A_53 = arith.constant 1 : i32
    scf.for %scan3A_114 = %scan3A_50 to %scan3A_52 step %scan3A_53  : i32 {
      %ge3A = arith.constant 1 : i32
      %ge3A_115 = arith.cmpi sge, %scan3A_114, %ge3A : i32
      %add3A_116 = arith.constant 4 : i32
      %add3A_117 = arith.addi %scan3A_114, %add3A_116 : i32
      %sub3A = arith.constant 1 : i32
      %sub3A_118 = arith.subi %add3A_117, %sub3A : i32
      %lt3A = arith.constant 31 : i32
      %lt3A_119 = arith.cmpi slt, %sub3A_118, %lt3A : i32
      %and3A = arith.andi %ge3A_115, %lt3A_119 : i1
      %convert_element_type3A = arith.extui %and3A : i1 to i32
      %cond3A = arith.constant 0 : i32
      %cond3A_120 = arith.cmpi ne, %convert_element_type3A, %cond3A : i32
      scf.if %cond3A_120 {
        %sub3A_149 = arith.constant 1 : i32
        %sub3A_150 = arith.subi %scan3A_114, %sub3A_149 : i32
        %sub3A_151 = arith.constant 1 : i32
        %sub3A_152 = arith.subi %scan3A_114, %sub3A_151 : i32
        %jit3A = arith.constant 4 : i32
        %eq3A = arith.constant 0 : i32
        %eq3A_153 = arith.cmpi eq, %jit3A, %eq3A : i32
        %jit3A_154 = arith.constant 1 : i32
        %select_n3A = arith.select %eq3A_153, %jit3A_154, %jit3A : i32
        %rem3A_155 = arith.remsi %sub3A_152, %select_n3A : i32
        %ne3A = arith.constant 0 : i32
        %ne3A_156 = arith.cmpi ne, %rem3A_155, %ne3A : i32
        %lt3A_157 = arith.constant 0 : i32
        %lt3A_158 = arith.cmpi slt, %rem3A_155, %lt3A_157 : i32
        %lt3A_159 = arith.constant 0 : i32
        %lt3A_160 = arith.cmpi slt, %select_n3A, %lt3A_159 : i32
        %ne3A_161 = arith.xori %lt3A_158, %lt3A_160 : i1
        %and3A_162 = arith.andi %ne3A_161, %ne3A_156 : i1
        %add3A_163 = arith.addi %rem3A_155, %select_n3A : i32
        %select_n3A_164 = arith.select %and3A_162, %add3A_163, %rem3A_155 : i32
        %mul3A_165 = arith.constant 128 : i32
        %mul3A_166 = arith.muli %sub3A_150, %mul3A_165 : i32
        %add3A_167 = arith.addi %mul3A_2, %mul3A_166 : i32
        %dma_wait3A_168 = arith.constant 0 : i32
        %dma_wait3A_169 = arith.constant 0 : i32
        %dma_wait3A_170 = tpu.memref_slice %arg6[%select_n3A_164, %dma_wait3A_168, %dma_wait3A_169] : memref<4x128x128xf32, #tpu.memory_space<vmem>> -> memref<1x128x128xf32, #tpu.memory_space<vmem>>
        %dma_wait3A_171 = tpu.memref_squeeze %dma_wait3A_170 : memref<1x128x128xf32, #tpu.memory_space<vmem>> -> memref<128x128xf32, #tpu.memory_space<vmem>>
        %dma_wait3A_172 = arith.constant 0 : i32
        %dma_wait3A_173 = tpu.memref_slice %arg4[%add3A_167, %dma_wait3A_172] : memref<126976x128xf32, #tpu.memory_space<hbm>> -> memref<128x128xf32, #tpu.memory_space<hbm>>
        %dma_wait3A_174 = arith.constant 0 : i32
        %dma_wait3A_175 = tpu.memref_slice %arg4[%add3A_167, %dma_wait3A_174] : memref<126976x128xf32, #tpu.memory_space<hbm>> -> memref<128x128xf32, #tpu.memory_space<hbm>>
        %dma_wait3A_176 = arith.constant 0 : i32
        %dma_wait3A_177 = arith.constant 0 : i32
        %dma_wait3A_178 = tpu.memref_slice %arg6[%select_n3A_164, %dma_wait3A_176, %dma_wait3A_177] : memref<4x128x128xf32, #tpu.memory_space<vmem>> -> memref<1x128x128xf32, #tpu.memory_space<vmem>>
        %dma_wait3A_179 = tpu.memref_squeeze %dma_wait3A_178 : memref<1x128x128xf32, #tpu.memory_space<vmem>> -> memref<128x128xf32, #tpu.memory_space<vmem>>
        tpu.wait_dma2 semaphore(%arg8 : memref<!tpu.dma_semaphore, #tpu.memory_space<semaphore_mem>>) src(%dma_wait3A_179 : memref<128x128xf32, #tpu.memory_space<vmem>>) dst(%dma_wait3A_175 : memref<128x128xf32, #tpu.memory_space<hbm>>)
        %add3A_180 = arith.constant 4 : i32
        %add3A_181 = arith.addi %scan3A_114, %add3A_180 : i32
        %sub3A_182 = arith.constant 1 : i32
        %sub3A_183 = arith.subi %add3A_181, %sub3A_182 : i32
        %sub3A_184 = arith.constant 1 : i32
        %sub3A_185 = arith.subi %scan3A_114, %sub3A_184 : i32
        %jit3A_186 = arith.constant 4 : i32
        %eq3A_187 = arith.constant 0 : i32
        %eq3A_188 = arith.cmpi eq, %jit3A_186, %eq3A_187 : i32
        %jit3A_189 = arith.constant 1 : i32
        %select_n3A_190 = arith.select %eq3A_188, %jit3A_189, %jit3A_186 : i32
        %rem3A_191 = arith.remsi %sub3A_185, %select_n3A_190 : i32
        %ne3A_192 = arith.constant 0 : i32
        %ne3A_193 = arith.cmpi ne, %rem3A_191, %ne3A_192 : i32
        %lt3A_194 = arith.constant 0 : i32
        %lt3A_195 = arith.cmpi slt, %rem3A_191, %lt3A_194 : i32
        %lt3A_196 = arith.constant 0 : i32
        %lt3A_197 = arith.cmpi slt, %select_n3A_190, %lt3A_196 : i32
        %ne3A_198 = arith.xori %lt3A_195, %lt3A_197 : i1
        %and3A_199 = arith.andi %ne3A_198, %ne3A_193 : i1
        %add3A_200 = arith.addi %rem3A_191, %select_n3A_190 : i32
        %select_n3A_201 = arith.select %and3A_199, %add3A_200, %rem3A_191 : i32
        %dma_start3A_202 = arith.constant 0 : i32
        %dma_start3A_203 = arith.constant 0 : i32
        %dma_start3A_204 = tpu.memref_slice %arg6[%select_n3A_201, %dma_start3A_202, %dma_start3A_203] : memref<4x128x128xf32, #tpu.memory_space<vmem>> -> memref<1x128x128xf32, #tpu.memory_space<vmem>>
        %dma_start3A_205 = tpu.memref_squeeze %dma_start3A_204 : memref<1x128x128xf32, #tpu.memory_space<vmem>> -> memref<128x128xf32, #tpu.memory_space<vmem>>
        %dma_start3A_206 = arith.constant 0 : i32
        %dma_start3A_207 = tpu.memref_slice %arg5[%sub3A_183, %dma_start3A_206] : memref<31x128xi32, #tpu.memory_space<vmem>> -> memref<1x128xi32, #tpu.memory_space<vmem>>
        %dma_start3A_208 = tpu.memref_squeeze %dma_start3A_207 : memref<1x128xi32, #tpu.memory_space<vmem>> -> memref<128xi32, #tpu.memory_space<vmem>>
        %dma_start3A_209 = arith.constant 0 : i32
        %dma_start3A_210 = arith.constant 0 : i32
        %dma_start3A_211 = tpu.memref_slice %arg2[%dma_start3A_209, %dma_start3A_210] : memref<100000x128xf32, #tpu.memory_space<hbm>> -> memref<100000x128xf32, #tpu.memory_space<hbm>>
        tpu.enqueue_indirect_dma source(%dma_start3A_211 : memref<100000x128xf32, #tpu.memory_space<hbm>>) target(%dma_start3A_205 : memref<128x128xf32, #tpu.memory_space<vmem>>) offsets(%dma_start3A_208 : memref<128xi32, #tpu.memory_space<vmem>>) semaphore(%arg7 : memref<!tpu.dma_semaphore, #tpu.memory_space<semaphore_mem>>)
      } else {
      }
      %rem3A = arith.constant 4 : i32
      %rem3A_121 = arith.remsi %scan3A_114, %rem3A : i32
      %dma_wait3A_122 = arith.constant 0 : i32
      %dma_wait3A_123 = arith.constant 0 : i32
      %dma_wait3A_124 = tpu.memref_slice %arg6[%rem3A_121, %dma_wait3A_122, %dma_wait3A_123] : memref<4x128x128xf32, #tpu.memory_space<vmem>> -> memref<1x128x128xf32, #tpu.memory_space<vmem>>
      %dma_wait3A_125 = tpu.memref_squeeze %dma_wait3A_124 : memref<1x128x128xf32, #tpu.memory_space<vmem>> -> memref<128x128xf32, #tpu.memory_space<vmem>>
      %dma_wait3A_126 = arith.constant 0 : i32
      %dma_wait3A_127 = tpu.memref_slice %arg5[%scan3A_114, %dma_wait3A_126] : memref<31x128xi32, #tpu.memory_space<vmem>> -> memref<1x128xi32, #tpu.memory_space<vmem>>
      %dma_wait3A_128 = tpu.memref_squeeze %dma_wait3A_127 : memref<1x128xi32, #tpu.memory_space<vmem>> -> memref<128xi32, #tpu.memory_space<vmem>>
      %dma_wait3A_129 = arith.constant 0 : i32
      %dma_wait3A_130 = arith.constant 0 : i32
      %dma_wait3A_131 = tpu.memref_slice %arg2[%dma_wait3A_129, %dma_wait3A_130] : memref<100000x128xf32, #tpu.memory_space<hbm>> -> memref<100000x128xf32, #tpu.memory_space<hbm>>
      tpu.wait_indirect_dma semaphore(%arg7 : memref<!tpu.dma_semaphore, #tpu.memory_space<semaphore_mem>>) src(%dma_wait3A_131 : memref<100000x128xf32, #tpu.memory_space<hbm>>) dst(%dma_wait3A_125 : memref<128x128xf32, #tpu.memory_space<vmem>>)
      %rem3A_132 = arith.constant 4 : i32
      %rem3A_133 = arith.remsi %scan3A_114, %rem3A_132 : i32
      %mul3A_134 = arith.constant 128 : i32
      %mul3A_135 = arith.muli %scan3A_114, %mul3A_134 : i32
      %add3A_136 = arith.addi %mul3A_2, %mul3A_135 : i32
      %dma_start3A_137 = arith.constant 0 : i32
      %dma_start3A_138 = arith.constant 0 : i32
      %dma_start3A_139 = tpu.memref_slice %arg6[%rem3A_133, %dma_start3A_137, %dma_start3A_138] : memref<4x128x128xf32, #tpu.memory_space<vmem>> -> memref<1x128x128xf32, #tpu.memory_space<vmem>>
      %dma_start3A_140 = tpu.memref_squeeze %dma_start3A_139 : memref<1x128x128xf32, #tpu.memory_space<vmem>> -> memref<128x128xf32, #tpu.memory_space<vmem>>
      %dma_start3A_141 = arith.constant 0 : i32
      %dma_start3A_142 = tpu.memref_slice %arg4[%add3A_136, %dma_start3A_141] : memref<126976x128xf32, #tpu.memory_space<hbm>> -> memref<128x128xf32, #tpu.memory_space<hbm>>
      %dma_start3A_143 = arith.constant 0 : i32
      %dma_start3A_144 = tpu.memref_slice %arg4[%add3A_136, %dma_start3A_143] : memref<126976x128xf32, #tpu.memory_space<hbm>> -> memref<128x128xf32, #tpu.memory_space<hbm>>
      %dma_start3A_145 = arith.constant 0 : i32
      %dma_start3A_146 = arith.constant 0 : i32
      %dma_start3A_147 = tpu.memref_slice %arg6[%rem3A_133, %dma_start3A_145, %dma_start3A_146] : memref<4x128x128xf32, #tpu.memory_space<vmem>> -> memref<1x128x128xf32, #tpu.memory_space<vmem>>
      %dma_start3A_148 = tpu.memref_squeeze %dma_start3A_147 : memref<1x128x128xf32, #tpu.memory_space<vmem>> -> memref<128x128xf32, #tpu.memory_space<vmem>>
      tpu.enqueue_dma source(%dma_start3A_148 : memref<128x128xf32, #tpu.memory_space<vmem>>) target(%dma_start3A_144 : memref<128x128xf32, #tpu.memory_space<hbm>>) target_semaphore(%arg8 : memref<!tpu.dma_semaphore, #tpu.memory_space<semaphore_mem>>)
    }
    %scan3A_54 = arith.constant 31 : i32
    %add3A_55 = arith.constant 3456 : i32
    %add3A_56 = arith.addi %mul3A_2, %add3A_55 : i32
    %dma_wait3A = arith.constant 3 : i32
    %dma_wait3A_57 = arith.constant 0 : i32
    %dma_wait3A_58 = arith.constant 0 : i32
    %dma_wait3A_59 = tpu.memref_slice %arg6[%dma_wait3A, %dma_wait3A_57, %dma_wait3A_58] : memref<4x128x128xf32, #tpu.memory_space<vmem>> -> memref<1x128x128xf32, #tpu.memory_space<vmem>>
    %dma_wait3A_60 = tpu.memref_squeeze %dma_wait3A_59 : memref<1x128x128xf32, #tpu.memory_space<vmem>> -> memref<128x128xf32, #tpu.memory_space<vmem>>
    %dma_wait3A_61 = arith.constant 0 : i32
    %dma_wait3A_62 = tpu.memref_slice %arg4[%add3A_56, %dma_wait3A_61] : memref<126976x128xf32, #tpu.memory_space<hbm>> -> memref<128x128xf32, #tpu.memory_space<hbm>>
    %dma_wait3A_63 = arith.constant 0 : i32
    %dma_wait3A_64 = tpu.memref_slice %arg4[%add3A_56, %dma_wait3A_63] : memref<126976x128xf32, #tpu.memory_space<hbm>> -> memref<128x128xf32, #tpu.memory_space<hbm>>
    %dma_wait3A_65 = arith.constant 0 : i32
    %dma_wait3A_66 = arith.constant 0 : i32
    %dma_wait3A_67 = tpu.memref_slice %arg6[%dma_wait3A, %dma_wait3A_65, %dma_wait3A_66] : memref<4x128x128xf32, #tpu.memory_space<vmem>> -> memref<1x128x128xf32, #tpu.memory_space<vmem>>
    %dma_wait3A_68 = tpu.memref_squeeze %dma_wait3A_67 : memref<1x128x128xf32, #tpu.memory_space<vmem>> -> memref<128x128xf32, #tpu.memory_space<vmem>>
    tpu.wait_dma2 semaphore(%arg8 : memref<!tpu.dma_semaphore, #tpu.memory_space<semaphore_mem>>) src(%dma_wait3A_68 : memref<128x128xf32, #tpu.memory_space<vmem>>) dst(%dma_wait3A_64 : memref<128x128xf32, #tpu.memory_space<hbm>>)
    %add3A_69 = arith.constant 3584 : i32
    %add3A_70 = arith.addi %mul3A_2, %add3A_69 : i32
    %dma_wait3A_71 = arith.constant 0 : i32
    %dma_wait3A_72 = arith.constant 0 : i32
    %dma_wait3A_73 = arith.constant 0 : i32
    %dma_wait3A_74 = tpu.memref_slice %arg6[%dma_wait3A_71, %dma_wait3A_72, %dma_wait3A_73] : memref<4x128x128xf32, #tpu.memory_space<vmem>> -> memref<1x128x128xf32, #tpu.memory_space<vmem>>
    %dma_wait3A_75 = tpu.memref_squeeze %dma_wait3A_74 : memref<1x128x128xf32, #tpu.memory_space<vmem>> -> memref<128x128xf32, #tpu.memory_space<vmem>>
    %dma_wait3A_76 = arith.constant 0 : i32
    %dma_wait3A_77 = tpu.memref_slice %arg4[%add3A_70, %dma_wait3A_76] : memref<126976x128xf32, #tpu.memory_space<hbm>> -> memref<128x128xf32, #tpu.memory_space<hbm>>
    %dma_wait3A_78 = arith.constant 0 : i32
    %dma_wait3A_79 = tpu.memref_slice %arg4[%add3A_70, %dma_wait3A_78] : memref<126976x128xf32, #tpu.memory_space<hbm>> -> memref<128x128xf32, #tpu.memory_space<hbm>>
    %dma_wait3A_80 = arith.constant 0 : i32
    %dma_wait3A_81 = arith.constant 0 : i32
    %dma_wait3A_82 = tpu.memref_slice %arg6[%dma_wait3A_71, %dma_wait3A_80, %dma_wait3A_81] : memref<4x128x128xf32, #tpu.memory_space<vmem>> -> memref<1x128x128xf32, #tpu.memory_space<vmem>>
    %dma_wait3A_83 = tpu.memref_squeeze %dma_wait3A_82 : memref<1x128x128xf32, #tpu.memory_space<vmem>> -> memref<128x128xf32, #tpu.memory_space<vmem>>
    tpu.wait_dma2 semaphore(%arg8 : memref<!tpu.dma_semaphore, #tpu.memory_space<semaphore_mem>>) src(%dma_wait3A_83 : memref<128x128xf32, #tpu.memory_space<vmem>>) dst(%dma_wait3A_79 : memref<128x128xf32, #tpu.memory_space<hbm>>)
    %add3A_84 = arith.constant 3712 : i32
    %add3A_85 = arith.addi %mul3A_2, %add3A_84 : i32
    %dma_wait3A_86 = arith.constant 1 : i32
    %dma_wait3A_87 = arith.constant 0 : i32
    %dma_wait3A_88 = arith.constant 0 : i32
    %dma_wait3A_89 = tpu.memref_slice %arg6[%dma_wait3A_86, %dma_wait3A_87, %dma_wait3A_88] : memref<4x128x128xf32, #tpu.memory_space<vmem>> -> memref<1x128x128xf32, #tpu.memory_space<vmem>>
    %dma_wait3A_90 = tpu.memref_squeeze %dma_wait3A_89 : memref<1x128x128xf32, #tpu.memory_space<vmem>> -> memref<128x128xf32, #tpu.memory_space<vmem>>
    %dma_wait3A_91 = arith.constant 0 : i32
    %dma_wait3A_92 = tpu.memref_slice %arg4[%add3A_85, %dma_wait3A_91] : memref<126976x128xf32, #tpu.memory_space<hbm>> -> memref<128x128xf32, #tpu.memory_space<hbm>>
    %dma_wait3A_93 = arith.constant 0 : i32
    %dma_wait3A_94 = tpu.memref_slice %arg4[%add3A_85, %dma_wait3A_93] : memref<126976x128xf32, #tpu.memory_space<hbm>> -> memref<128x128xf32, #tpu.memory_space<hbm>>
    %dma_wait3A_95 = arith.constant 0 : i32
    %dma_wait3A_96 = arith.constant 0 : i32
    %dma_wait3A_97 = tpu.memref_slice %arg6[%dma_wait3A_86, %dma_wait3A_95, %dma_wait3A_96] : memref<4x128x128xf32, #tpu.memory_space<vmem>> -> memref<1x128x128xf32, #tpu.memory_space<vmem>>
    %dma_wait3A_98 = tpu.memref_squeeze %dma_wait3A_97 : memref<1x128x128xf32, #tpu.memory_space<vmem>> -> memref<128x128xf32, #tpu.memory_space<vmem>>
    tpu.wait_dma2 semaphore(%arg8 : memref<!tpu.dma_semaphore, #tpu.memory_space<semaphore_mem>>) src(%dma_wait3A_98 : memref<128x128xf32, #tpu.memory_space<vmem>>) dst(%dma_wait3A_94 : memref<128x128xf32, #tpu.memory_space<hbm>>)
    %add3A_99 = arith.constant 3840 : i32
    %add3A_100 = arith.addi %mul3A_2, %add3A_99 : i32
    %dma_wait3A_101 = arith.constant 2 : i32
    %dma_wait3A_102 = arith.constant 0 : i32
    %dma_wait3A_103 = arith.constant 0 : i32
    %dma_wait3A_104 = tpu.memref_slice %arg6[%dma_wait3A_101, %dma_wait3A_102, %dma_wait3A_103] : memref<4x128x128xf32, #tpu.memory_space<vmem>> -> memref<1x128x128xf32, #tpu.memory_space<vmem>>
    %dma_wait3A_105 = tpu.memref_squeeze %dma_wait3A_104 : memref<1x128x128xf32, #tpu.memory_space<vmem>> -> memref<128x128xf32, #tpu.memory_space<vmem>>
    %dma_wait3A_106 = arith.constant 0 : i32
    %dma_wait3A_107 = tpu.memref_slice %arg4[%add3A_100, %dma_wait3A_106] : memref<126976x128xf32, #tpu.memory_space<hbm>> -> memref<128x128xf32, #tpu.memory_space<hbm>>
    %dma_wait3A_108 = arith.constant 0 : i32
    %dma_wait3A_109 = tpu.memref_slice %arg4[%add3A_100, %dma_wait3A_108] : memref<126976x128xf32, #tpu.memory_space<hbm>> -> memref<128x128xf32, #tpu.memory_space<hbm>>
    %dma_wait3A_110 = arith.constant 0 : i32
    %dma_wait3A_111 = arith.constant 0 : i32
    %dma_wait3A_112 = tpu.memref_slice %arg6[%dma_wait3A_101, %dma_wait3A_110, %dma_wait3A_111] : memref<4x128x128xf32, #tpu.memory_space<vmem>> -> memref<1x128x128xf32, #tpu.memory_space<vmem>>
    %dma_wait3A_113 = tpu.memref_squeeze %dma_wait3A_112 : memref<1x128x128xf32, #tpu.memory_space<vmem>> -> memref<128x128xf32, #tpu.memory_space<vmem>>
    tpu.wait_dma2 semaphore(%arg8 : memref<!tpu.dma_semaphore, #tpu.memory_space<semaphore_mem>>) src(%dma_wait3A_113 : memref<128x128xf32, #tpu.memory_space<vmem>>) dst(%dma_wait3A_109 : memref<128x128xf32, #tpu.memory_space<hbm>>)
    return
  }
}

module attributes {stable_mosaic.version = 14 : i64} {
  func.func @_concat_body(%arg0: i32, %arg1: memref<4000x10xi32, #tpu.memory_space<vmem>>, %arg2: memref<4000x10xi32, #tpu.memory_space<vmem>>, %arg3: memref<4000x10xf32, #tpu.memory_space<vmem>>, %arg4: memref<4000x32xi32, #tpu.memory_space<vmem>>) attributes {dimension_semantics = [#tpu.dimension_semantics<arbitrary>], iteration_bounds = array<i64: 25>, scalar_prefetch = 0 : i64, scratch_operands = 0 : i64, tpu.core_type = #tpu.core_type<tc>, window_params = [{transform_indices = @transform_0, window_bounds = array<i64: 4000, 10>}, {transform_indices = @transform_1, window_bounds = array<i64: 4000, 10>}, {transform_indices = @transform_2, window_bounds = array<i64: 4000, 10>}, {transform_indices = @transform_3, window_bounds = array<i64: 4000, 32>}]} {
    %get3A = arith.constant 0 : index
    %get3A_0 = arith.constant 0 : index
    %get3A_1 = vector.load %arg1[%get3A, %get3A_0] : memref<4000x10xi32, #tpu.memory_space<vmem>>, vector<4000x10xi32>
    %swap3A = arith.constant 0 : index
    %swap3A_2 = arith.constant 0 : index
    %swap3A_3 = vector.load %arg4[%swap3A, %swap3A_2] : memref<4000x32xi32, #tpu.memory_space<vmem>>, vector<4000x10xi32>
    tpu.vector_store %arg4[%swap3A, %swap3A_2], %get3A_1 {strides = array<i32>} : memref<4000x32xi32, #tpu.memory_space<vmem>>, vector<4000x10xi32>,
    %get3A_4 = arith.constant 0 : index
    %get3A_5 = arith.constant 0 : index
    %get3A_6 = vector.load %arg2[%get3A_4, %get3A_5] : memref<4000x10xi32, #tpu.memory_space<vmem>>, vector<4000x10xi32>
    %swap3A_7 = arith.constant 0 : index
    %swap3A_8 = arith.constant 10 : index
    %swap3A_9 = vector.load %arg4[%swap3A_7, %swap3A_8] : memref<4000x32xi32, #tpu.memory_space<vmem>>, vector<4000x10xi32>
    tpu.vector_store %arg4[%swap3A_7, %swap3A_8], %get3A_6 {strides = array<i32>} : memref<4000x32xi32, #tpu.memory_space<vmem>>, vector<4000x10xi32>,
    %get3A_10 = arith.constant 0 : index
    %get3A_11 = arith.constant 0 : index
    %get3A_12 = vector.load %arg3[%get3A_10, %get3A_11] : memref<4000x10xf32, #tpu.memory_space<vmem>>, vector<4000x10xf32>
    %bitcast_convert_type3A = tpu.bitcast %get3A_12 : vector<4000x10xf32> -> vector<4000x10xi32>
    %swap3A_13 = arith.constant 0 : index
    %swap3A_14 = arith.constant 20 : index
    %swap3A_15 = vector.load %arg4[%swap3A_13, %swap3A_14] : memref<4000x32xi32, #tpu.memory_space<vmem>>, vector<4000x10xi32>
    tpu.vector_store %arg4[%swap3A_13, %swap3A_14], %bitcast_convert_type3A {strides = array<i32>} : memref<4000x32xi32, #tpu.memory_space<vmem>>, vector<4000x10xi32>,
    %broadcast_in_dim3A = arith.constant 0 : i32
    %broadcast_in_dim3A_16 = vector.broadcast %broadcast_in_dim3A : i32 to vector<4000x2xi32>
    %swap3A_17 = arith.constant 0 : index
    %swap3A_18 = arith.constant 30 : index
    %swap3A_19 = vector.load %arg4[%swap3A_17, %swap3A_18] : memref<4000x32xi32, #tpu.memory_space<vmem>>, vector<4000x2xi32>
    tpu.vector_store %arg4[%swap3A_17, %swap3A_18], %broadcast_in_dim3A_16 {strides = array<i32>} : memref<4000x32xi32, #tpu.memory_space<vmem>>, vector<4000x2xi32>,
    return
  }
  func.func @transform_0(%arg0: i32) -> (i32, i32) {
    %c0_i32 = arith.constant 0 : i32
    %c0_i32_0 = arith.constant 0 : i32
    return %arg0, %c0_i32 : i32, i32
  }
  func.func @transform_1(%arg0: i32) -> (i32, i32) {
    %c0_i32 = arith.constant 0 : i32
    %c0_i32_0 = arith.constant 0 : i32
    return %arg0, %c0_i32 : i32, i32
  }
  func.func @transform_2(%arg0: i32) -> (i32, i32) {
    %c0_i32 = arith.constant 0 : i32
    %c0_i32_0 = arith.constant 0 : i32
    return %arg0, %c0_i32 : i32, i32
  }
  func.func @transform_3(%arg0: i32) -> (i32, i32) {
    %c0_i32 = arith.constant 0 : i32
    %c0_i32_0 = arith.constant 0 : i32
    return %arg0, %c0_i32 : i32, i32
  }
}

module attributes {stable_mosaic.version = 14 : i64} {
  func.func @_attn_body(%arg0: i32, %arg1: memref<256x128xf32, #tpu.memory_space<vmem>>, %arg2: memref<256x128xf32, #tpu.memory_space<vmem>>, %arg3: memref<256x128xf32, #tpu.memory_space<vmem>>, %arg4: memref<256x128xf32, #tpu.memory_space<vmem>>, %arg5: memref<256x128xf32, #tpu.memory_space<vmem>>, %arg6: memref<256x128xf32, #tpu.memory_space<vmem>>, %arg7: memref<256x128xf32, #tpu.memory_space<vmem>>, %arg8: memref<256x128xf32, #tpu.memory_space<vmem>>, %arg9: memref<256x128xf32, #tpu.memory_space<vmem>>, %arg10: memref<256x128xf32, #tpu.memory_space<vmem>>, %arg11: memref<256x128xf32, #tpu.memory_space<vmem>>, %arg12: memref<256x16xf32, #tpu.memory_space<vmem>>, %arg13: memref<256x16xf32, #tpu.memory_space<vmem>>, %arg14: memref<256x16xf32, #tpu.memory_space<vmem>>, %arg15: memref<256x16xf32, #tpu.memory_space<vmem>>, %arg16: memref<256x16xf32, #tpu.memory_space<vmem>>, %arg17: memref<256x16xf32, #tpu.memory_space<vmem>>, %arg18: memref<256x16xf32, #tpu.memory_space<vmem>>, %arg19: memref<256x16xf32, #tpu.memory_space<vmem>>, %arg20: memref<256x16xf32, #tpu.memory_space<vmem>>, %arg21: memref<256x16xf32, #tpu.memory_space<vmem>>, %arg22: memref<256x1xf32, #tpu.memory_space<vmem>>, %arg23: memref<256x10xf32, #tpu.memory_space<vmem>>, %arg24: memref<256x256xf32, #tpu.memory_space<vmem>>, %arg25: memref<272x256xf32, #tpu.memory_space<vmem>>, %arg26: memref<272x256xf32, #tpu.memory_space<vmem>>, %arg27: memref<256x256xf32, #tpu.memory_space<vmem>>, %arg28: memref<384x128xf32, #tpu.memory_space<vmem>>, %arg29: memref<1x128xf32, #tpu.memory_space<vmem>>, %arg30: memref<128x128xf32, #tpu.memory_space<vmem>>, %arg31: memref<1x128xf32, #tpu.memory_space<vmem>>, %arg32: memref<1x128xf32, #tpu.memory_space<vmem>>, %arg33: memref<1x128xf32, #tpu.memory_space<vmem>>, %arg34: memref<256x128xf32, #tpu.memory_space<vmem>>) attributes {dimension_semantics = [#tpu.dimension_semantics<arbitrary>], iteration_bounds = array<i64: 44>, scalar_prefetch = 0 : i64, scratch_operands = 0 : i64, tpu.core_type = #tpu.core_type<tc>, window_params = [{transform_indices = @transform_0, window_bounds = array<i64: 256, 128>}, {transform_indices = @transform_1, window_bounds = array<i64: 256, 128>}, {transform_indices = @transform_2, window_bounds = array<i64: 256, 128>}, {transform_indices = @transform_3, window_bounds = array<i64: 256, 128>}, {transform_indices = @transform_4, window_bounds = array<i64: 256, 128>}, {transform_indices = @transform_5, window_bounds = array<i64: 256, 128>}, {transform_indices = @transform_6, window_bounds = array<i64: 256, 128>}, {transform_indices = @transform_7, window_bounds = array<i64: 256, 128>}, {transform_indices = @transform_8, window_bounds = array<i64: 256, 128>}, {transform_indices = @transform_9, window_bounds = array<i64: 256, 128>}, {transform_indices = @transform_10, window_bounds = array<i64: 256, 128>}, {transform_indices = @transform_11, window_bounds = array<i64: 256, 16>}, {transform_indices = @transform_12, window_bounds = array<i64: 256, 16>}, {transform_indices = @transform_13, window_bounds = array<i64: 256, 16>}, {transform_indices = @transform_14, window_bounds = array<i64: 256, 16>}, {transform_indices = @transform_15, window_bounds = array<i64: 256, 16>}, {transform_indices = @transform_16, window_bounds = array<i64: 256, 16>}, {transform_indices = @transform_17, window_bounds = array<i64: 256, 16>}, {transform_indices = @transform_18, window_bounds = array<i64: 256, 16>}, {transform_indices = @transform_19, window_bounds = array<i64: 256, 16>}, {transform_indices = @transform_20, window_bounds = array<i64: 256, 16>}, {transform_indices = @transform_21, window_bounds = array<i64: 256, 1>}, {transform_indices = @transform_22, window_bounds = array<i64: 256, 10>}, {pipeline_mode = #tpu.pipeline_mode<synchronous>, transform_indices = @transform_23, window_bounds = array<i64: 256, 256>}, {pipeline_mode = #tpu.pipeline_mode<synchronous>, transform_indices = @transform_24, window_bounds = array<i64: 272, 256>}, {pipeline_mode = #tpu.pipeline_mode<synchronous>, transform_indices = @transform_25, window_bounds = array<i64: 272, 256>}, {pipeline_mode = #tpu.pipeline_mode<synchronous>, transform_indices = @transform_26, window_bounds = array<i64: 256, 256>}, {pipeline_mode = #tpu.pipeline_mode<synchronous>, transform_indices = @transform_27, window_bounds = array<i64: 384, 128>}, {pipeline_mode = #tpu.pipeline_mode<synchronous>, transform_indices = @transform_28, window_bounds = array<i64: 1, 128>}, {pipeline_mode = #tpu.pipeline_mode<synchronous>, transform_indices = @transform_29, window_bounds = array<i64: 128, 128>}, {pipeline_mode = #tpu.pipeline_mode<synchronous>, transform_indices = @transform_30, window_bounds = array<i64: 1, 128>}, {pipeline_mode = #tpu.pipeline_mode<synchronous>, transform_indices = @transform_31, window_bounds = array<i64: 1, 128>}, {pipeline_mode = #tpu.pipeline_mode<synchronous>, transform_indices = @transform_32, window_bounds = array<i64: 1, 128>}, {transform_indices = @transform_33, window_bounds = array<i64: 256, 128>}]} {
    %get3A = arith.constant 0 : index
    %get3A_0 = arith.constant 0 : index
    %get3A_1 = vector.load %arg1[%get3A, %get3A_0] : memref<256x128xf32, #tpu.memory_space<vmem>>, vector<256x128xf32>
    %get3A_2 = arith.constant 0 : index
    %get3A_3 = arith.constant 0 : index
    %get3A_4 = vector.load %arg24[%get3A_2, %get3A_3] : memref<256x256xf32, #tpu.memory_space<vmem>>, vector<256x256xf32>
    %get3A_5 = arith.constant 0 : index
    %get3A_6 = arith.constant 0 : index
    %get3A_7 = vector.load %arg25[%get3A_5, %get3A_6] : memref<272x256xf32, #tpu.memory_space<vmem>>, vector<272x256xf32>
    %get3A_8 = arith.constant 0 : index
    %get3A_9 = arith.constant 0 : index
    %get3A_10 = vector.load %arg26[%get3A_8, %get3A_9] : memref<272x256xf32, #tpu.memory_space<vmem>>, vector<272x256xf32>
    %get3A_11 = arith.constant 0 : index
    %get3A_12 = arith.constant 0 : index
    %get3A_13 = vector.load %arg32[%get3A_11, %get3A_12] : memref<1x128xf32, #tpu.memory_space<vmem>>, vector<1x128xf32>
    %get3A_14 = arith.constant 0 : index
    %get3A_15 = arith.constant 0 : index
    %get3A_16 = vector.load %arg33[%get3A_14, %get3A_15] : memref<1x128xf32, #tpu.memory_space<vmem>>, vector<1x128xf32>
    %mul3A = arith.constant 0.159154937 : f32
    %mul3A_17 = vector.broadcast %mul3A : f32 to vector<1x128xf32>
    %mul3A_18 = arith.mulf %get3A_16, %mul3A_17 : vector<1x128xf32>
    %round3A = math.roundeven %mul3A_18 : vector<1x128xf32>
    %sub3A = arith.subf %mul3A_18, %round3A : vector<1x128xf32>
    %mul3A_19 = arith.constant 2.000000e+00 : f32
    %mul3A_20 = vector.broadcast %mul3A_19 : f32 to vector<1x128xf32>
    %mul3A_21 = arith.mulf %mul3A_20, %sub3A : vector<1x128xf32>
    %round3A_22 = math.roundeven %mul3A_21 : vector<1x128xf32>
    %mul3A_23 = arith.constant 5.000000e-01 : f32
    %mul3A_24 = vector.broadcast %mul3A_23 : f32 to vector<1x128xf32>
    %mul3A_25 = arith.mulf %mul3A_24, %round3A_22 : vector<1x128xf32>
    %sub3A_26 = arith.subf %sub3A, %mul3A_25 : vector<1x128xf32>
    %mul3A_27 = arith.mulf %sub3A_26, %sub3A_26 : vector<1x128xf32>
    %mul3A_28 = arith.constant 39.4784164 : f32
    %mul3A_29 = vector.broadcast %mul3A_28 : f32 to vector<1x128xf32>
    %mul3A_30 = arith.mulf %mul3A_29, %mul3A_27 : vector<1x128xf32>
    %mul3A_31 = arith.constant 2.48015876E-5 : f32
    %mul3A_32 = vector.broadcast %mul3A_31 : f32 to vector<1x128xf32>
    %mul3A_33 = arith.mulf %mul3A_30, %mul3A_32 : vector<1x128xf32>
    %add3A = arith.constant -0.00138888892 : f32
    %add3A_34 = vector.broadcast %add3A : f32 to vector<1x128xf32>
    %add3A_35 = arith.addf %add3A_34, %mul3A_33 : vector<1x128xf32>
    %mul3A_36 = arith.mulf %mul3A_30, %add3A_35 : vector<1x128xf32>
    %add3A_37 = arith.constant 0.0416666679 : f32
    %add3A_38 = vector.broadcast %add3A_37 : f32 to vector<1x128xf32>
    %add3A_39 = arith.addf %add3A_38, %mul3A_36 : vector<1x128xf32>
    %mul3A_40 = arith.mulf %mul3A_30, %add3A_39 : vector<1x128xf32>
    %add3A_41 = arith.constant -5.000000e-01 : f32
    %add3A_42 = vector.broadcast %add3A_41 : f32 to vector<1x128xf32>
    %add3A_43 = arith.addf %add3A_42, %mul3A_40 : vector<1x128xf32>
    %mul3A_44 = arith.mulf %mul3A_30, %add3A_43 : vector<1x128xf32>
    %add3A_45 = arith.constant 1.000000e+00 : f32
    %add3A_46 = vector.broadcast %add3A_45 : f32 to vector<1x128xf32>
    %add3A_47 = arith.addf %add3A_46, %mul3A_44 : vector<1x128xf32>
    %mul3A_48 = arith.constant 2.000000e+00 : f32
    %mul3A_49 = vector.broadcast %mul3A_48 : f32 to vector<1x128xf32>
    %mul3A_50 = arith.mulf %mul3A_49, %round3A_22 : vector<1x128xf32>
    %mul3A_51 = arith.mulf %mul3A_50, %round3A_22 : vector<1x128xf32>
    %sub3A_52 = arith.constant 1.000000e+00 : f32
    %sub3A_53 = vector.broadcast %sub3A_52 : f32 to vector<1x128xf32>
    %sub3A_54 = arith.subf %sub3A_53, %mul3A_51 : vector<1x128xf32>
    %mul3A_55 = arith.mulf %add3A_47, %sub3A_54 : vector<1x128xf32>
    %slice3A = vector.extract_strided_slice %get3A_4 {offsets = [0, 0], sizes = [128, 256], strides = [1, 1]} : vector<256x256xf32> to vector<128x256xf32>
    %dot_general3A = arith.constant dense<0.000000e+00> : vector<256x256xf32>
    %dot_general3A_56 = tpu.matmul %get3A_1, %slice3A, %dot_general3A {dimension_numbers = #tpu.dot_dimension_numbers<[1], [0], [0], [1], [0, 0, 1, 1], [], []>, transpose_lhs_hint = false} : vector<256x128xf32>, vector<128x256xf32>, vector<256x256xf32> -> vector<256x256xf32>
    %slice3A_57 = vector.extract_strided_slice %get3A_4 {offsets = [128, 0], sizes = [128, 256], strides = [1, 1]} : vector<256x256xf32> to vector<128x256xf32>
    %dot_general3A_58 = arith.constant dense<0.000000e+00> : vector<1x256xf32>
    %dot_general3A_59 = tpu.matmul %mul3A_55, %slice3A_57, %dot_general3A_58 {dimension_numbers = #tpu.dot_dimension_numbers<[1], [0], [0], [1], [0, 0, 1, 1], [], []>, transpose_lhs_hint = false} : vector<1x128xf32>, vector<128x256xf32>, vector<1x256xf32> -> vector<1x256xf32>
    %add3A_60 = vector.broadcast %dot_general3A_59 : vector<1x256xf32> to vector<256x256xf32>
    %add3A_61 = arith.addf %dot_general3A_56, %add3A_60 : vector<256x256xf32>
    %get3A_62 = arith.constant 0 : index
    %get3A_63 = arith.constant 0 : index
    %get3A_64 = vector.load %arg22[%get3A_62, %get3A_63] : memref<256x1xf32, #tpu.memory_space<vmem>>, vector<256x1xf32>
    %get3A_65 = arith.constant 0 : index
    %get3A_66 = arith.constant 0 : index
    %get3A_67 = vector.load %arg23[%get3A_65, %get3A_66] : memref<256x10xf32, #tpu.memory_space<vmem>>, vector<256x10xf32>
    %slice3A_68 = vector.extract_strided_slice %get3A_67 {offsets = [0, 0], sizes = [256, 1], strides = [1, 1]} : vector<256x10xf32> to vector<256x1xf32>
    %sub3A_69 = arith.subf %get3A_64, %slice3A_68 : vector<256x1xf32>
    %mul3A_70 = vector.broadcast %sub3A_69 : vector<256x1xf32> to vector<256x128xf32>
    %mul3A_71 = vector.broadcast %get3A_13 : vector<1x128xf32> to vector<256x128xf32>
    %mul3A_72 = arith.mulf %mul3A_70, %mul3A_71 : vector<256x128xf32>
    %add3A_73 = vector.broadcast %get3A_16 : vector<1x128xf32> to vector<256x128xf32>
    %add3A_74 = arith.addf %mul3A_72, %add3A_73 : vector<256x128xf32>
    %mul3A_75 = arith.constant 0.159154937 : f32
    %mul3A_76 = vector.broadcast %mul3A_75 : f32 to vector<256x128xf32>
    %mul3A_77 = arith.mulf %add3A_74, %mul3A_76 : vector<256x128xf32>
    %round3A_78 = math.roundeven %mul3A_77 : vector<256x128xf32>
    %sub3A_79 = arith.subf %mul3A_77, %round3A_78 : vector<256x128xf32>
    %mul3A_80 = arith.constant 2.000000e+00 : f32
    %mul3A_81 = vector.broadcast %mul3A_80 : f32 to vector<256x128xf32>
    %mul3A_82 = arith.mulf %mul3A_81, %sub3A_79 : vector<256x128xf32>
    %round3A_83 = math.roundeven %mul3A_82 : vector<256x128xf32>
    %mul3A_84 = arith.constant 5.000000e-01 : f32
    %mul3A_85 = vector.broadcast %mul3A_84 : f32 to vector<256x128xf32>
    %mul3A_86 = arith.mulf %mul3A_85, %round3A_83 : vector<256x128xf32>
    %sub3A_87 = arith.subf %sub3A_79, %mul3A_86 : vector<256x128xf32>
    %mul3A_88 = arith.mulf %sub3A_87, %sub3A_87 : vector<256x128xf32>
    %mul3A_89 = arith.constant 39.4784164 : f32
    %mul3A_90 = vector.broadcast %mul3A_89 : f32 to vector<256x128xf32>
    %mul3A_91 = arith.mulf %mul3A_90, %mul3A_88 : vector<256x128xf32>
    %mul3A_92 = arith.constant 2.48015876E-5 : f32
    %mul3A_93 = vector.broadcast %mul3A_92 : f32 to vector<256x128xf32>
    %mul3A_94 = arith.mulf %mul3A_91, %mul3A_93 : vector<256x128xf32>
    %add3A_95 = arith.constant -0.00138888892 : f32
    %add3A_96 = vector.broadcast %add3A_95 : f32 to vector<256x128xf32>
    %add3A_97 = arith.addf %add3A_96, %mul3A_94 : vector<256x128xf32>
    %mul3A_98 = arith.mulf %mul3A_91, %add3A_97 : vector<256x128xf32>
    %add3A_99 = arith.constant 0.0416666679 : f32
    %add3A_100 = vector.broadcast %add3A_99 : f32 to vector<256x128xf32>
    %add3A_101 = arith.addf %add3A_100, %mul3A_98 : vector<256x128xf32>
    %mul3A_102 = arith.mulf %mul3A_91, %add3A_101 : vector<256x128xf32>
    %add3A_103 = arith.constant -5.000000e-01 : f32
    %add3A_104 = vector.broadcast %add3A_103 : f32 to vector<256x128xf32>
    %add3A_105 = arith.addf %add3A_104, %mul3A_102 : vector<256x128xf32>
    %mul3A_106 = arith.mulf %mul3A_91, %add3A_105 : vector<256x128xf32>
    %add3A_107 = arith.constant 1.000000e+00 : f32
    %add3A_108 = vector.broadcast %add3A_107 : f32 to vector<256x128xf32>
    %add3A_109 = arith.addf %add3A_108, %mul3A_106 : vector<256x128xf32>
    %mul3A_110 = arith.constant 2.000000e+00 : f32
    %mul3A_111 = vector.broadcast %mul3A_110 : f32 to vector<256x128xf32>
    %mul3A_112 = arith.mulf %mul3A_111, %round3A_83 : vector<256x128xf32>
    %mul3A_113 = arith.mulf %mul3A_112, %round3A_83 : vector<256x128xf32>
    %sub3A_114 = arith.constant 1.000000e+00 : f32
    %sub3A_115 = vector.broadcast %sub3A_114 : f32 to vector<256x128xf32>
    %sub3A_116 = arith.subf %sub3A_115, %mul3A_113 : vector<256x128xf32>
    %mul3A_117 = arith.mulf %add3A_109, %sub3A_116 : vector<256x128xf32>
    %get3A_118 = arith.constant 0 : index
    %get3A_119 = arith.constant 0 : index
    %get3A_120 = vector.load %arg2[%get3A_118, %get3A_119] : memref<256x128xf32, #tpu.memory_space<vmem>>, vector<256x128xf32>
    %get3A_121 = arith.constant 0 : index
    %get3A_122 = arith.constant 0 : index
    %get3A_123 = vector.load %arg12[%get3A_121, %get3A_122] : memref<256x16xf32, #tpu.memory_space<vmem>>, vector<256x16xf32>
    %slice3A_124 = vector.extract_strided_slice %get3A_7 {offsets = [0, 0], sizes = [128, 256], strides = [1, 1]} : vector<272x256xf32> to vector<128x256xf32>
    %dot_general3A_125 = arith.constant dense<0.000000e+00> : vector<256x256xf32>
    %dot_general3A_126 = tpu.matmul %get3A_120, %slice3A_124, %dot_general3A_125 {dimension_numbers = #tpu.dot_dimension_numbers<[1], [0], [0], [1], [0, 0, 1, 1], [], []>, transpose_lhs_hint = false} : vector<256x128xf32>, vector<128x256xf32>, vector<256x256xf32> -> vector<256x256xf32>
    %slice3A_127 = vector.extract_strided_slice %get3A_7 {offsets = [128, 0], sizes = [128, 256], strides = [1, 1]} : vector<272x256xf32> to vector<128x256xf32>
    %dot_general3A_128 = arith.constant dense<0.000000e+00> : vector<256x256xf32>
    %dot_general3A_129 = tpu.matmul %mul3A_117, %slice3A_127, %dot_general3A_128 {dimension_numbers = #tpu.dot_dimension_numbers<[1], [0], [0], [1], [0, 0, 1, 1], [], []>, transpose_lhs_hint = false} : vector<256x128xf32>, vector<128x256xf32>, vector<256x256xf32> -> vector<256x256xf32>
    %add3A_130 = arith.addf %dot_general3A_126, %dot_general3A_129 : vector<256x256xf32>
    %slice3A_131 = vector.extract_strided_slice %get3A_7 {offsets = [256, 0], sizes = [16, 256], strides = [1, 1]} : vector<272x256xf32> to vector<16x256xf32>
    %dot_general3A_132 = arith.constant dense<0.000000e+00> : vector<256x256xf32>
    %dot_general3A_133 = tpu.matmul %get3A_123, %slice3A_131, %dot_general3A_132 {dimension_numbers = #tpu.dot_dimension_numbers<[1], [0], [0], [1], [0, 0, 1, 1], [], []>, transpose_lhs_hint = false} : vector<256x16xf32>, vector<16x256xf32>, vector<256x256xf32> -> vector<256x256xf32>
    %add3A_134 = arith.addf %add3A_130, %dot_general3A_133 : vector<256x256xf32>
    %slice3A_135 = vector.extract_strided_slice %get3A_10 {offsets = [0, 0], sizes = [128, 256], strides = [1, 1]} : vector<272x256xf32> to vector<128x256xf32>
    %dot_general3A_136 = arith.constant dense<0.000000e+00> : vector<256x256xf32>
    %dot_general3A_137 = tpu.matmul %get3A_120, %slice3A_135, %dot_general3A_136 {dimension_numbers = #tpu.dot_dimension_numbers<[1], [0], [0], [1], [0, 0, 1, 1], [], []>, transpose_lhs_hint = false} : vector<256x128xf32>, vector<128x256xf32>, vector<256x256xf32> -> vector<256x256xf32>
    %slice3A_138 = vector.extract_strided_slice %get3A_10 {offsets = [128, 0], sizes = [128, 256], strides = [1, 1]} : vector<272x256xf32> to vector<128x256xf32>
    %dot_general3A_139 = arith.constant dense<0.000000e+00> : vector<256x256xf32>
    %dot_general3A_140 = tpu.matmul %mul3A_117, %slice3A_138, %dot_general3A_139 {dimension_numbers = #tpu.dot_dimension_numbers<[1], [0], [0], [1], [0, 0, 1, 1], [], []>, transpose_lhs_hint = false} : vector<256x128xf32>, vector<128x256xf32>, vector<256x256xf32> -> vector<256x256xf32>
    %add3A_141 = arith.addf %dot_general3A_137, %dot_general3A_140 : vector<256x256xf32>
    %slice3A_142 = vector.extract_strided_slice %get3A_10 {offsets = [256, 0], sizes = [16, 256], strides = [1, 1]} : vector<272x256xf32> to vector<16x256xf32>
    %dot_general3A_143 = arith.constant dense<0.000000e+00> : vector<256x256xf32>
    %dot_general3A_144 = tpu.matmul %get3A_123, %slice3A_142, %dot_general3A_143 {dimension_numbers = #tpu.dot_dimension_numbers<[1], [0], [0], [1], [0, 0, 1, 1], [], []>, transpose_lhs_hint = false} : vector<256x16xf32>, vector<16x256xf32>, vector<256x256xf32> -> vector<256x256xf32>
    %add3A_145 = arith.addf %add3A_141, %dot_general3A_144 : vector<256x256xf32>
    %slice3A_146 = vector.extract_strided_slice %add3A_134 {offsets = [0, 0], sizes = [256, 128], strides = [1, 1]} : vector<256x256xf32> to vector<256x128xf32>
    %slice3A_147 = vector.extract_strided_slice %add3A_61 {offsets = [0, 0], sizes = [256, 128], strides = [1, 1]} : vector<256x256xf32> to vector<256x128xf32>
    %mul3A_148 = arith.mulf %slice3A_146, %slice3A_147 : vector<256x128xf32>
    %reduce_sum3A = arith.constant dense<0.000000e+00> : vector<256xf32>
    %reduce_sum3A_149 = vector.multi_reduction <add>, %mul3A_148, %reduce_sum3A [1] : vector<256x128xf32> to vector<256xf32>
    %broadcast_in_dim3A = vector.shape_cast %reduce_sum3A_149 : vector<256xf32> to vector<256x1xf32>
    %slice3A_150 = vector.extract_strided_slice %add3A_134 {offsets = [0, 128], sizes = [256, 128], strides = [1, 1]} : vector<256x256xf32> to vector<256x128xf32>
    %slice3A_151 = vector.extract_strided_slice %add3A_61 {offsets = [0, 128], sizes = [256, 128], strides = [1, 1]} : vector<256x256xf32> to vector<256x128xf32>
    %mul3A_152 = arith.mulf %slice3A_150, %slice3A_151 : vector<256x128xf32>
    %reduce_sum3A_153 = arith.constant dense<0.000000e+00> : vector<256xf32>
    %reduce_sum3A_154 = vector.multi_reduction <add>, %mul3A_152, %reduce_sum3A_153 [1] : vector<256x128xf32> to vector<256xf32>
    %broadcast_in_dim3A_155 = vector.shape_cast %reduce_sum3A_154 : vector<256xf32> to vector<256x1xf32>
    %slice3A_156 = vector.extract_strided_slice %get3A_67 {offsets = [0, 1], sizes = [256, 1], strides = [1, 1]} : vector<256x10xf32> to vector<256x1xf32>
    %sub3A_157 = arith.subf %get3A_64, %slice3A_156 : vector<256x1xf32>
    %mul3A_158 = vector.broadcast %sub3A_157 : vector<256x1xf32> to vector<256x128xf32>
    %mul3A_159 = vector.broadcast %get3A_13 : vector<1x128xf32> to vector<256x128xf32>
    %mul3A_160 = arith.mulf %mul3A_158, %mul3A_159 : vector<256x128xf32>
    %add3A_161 = vector.broadcast %get3A_16 : vector<1x128xf32> to vector<256x128xf32>
    %add3A_162 = arith.addf %mul3A_160, %add3A_161 : vector<256x128xf32>
    %mul3A_163 = arith.constant 0.159154937 : f32
    %mul3A_164 = vector.broadcast %mul3A_163 : f32 to vector<256x128xf32>
    %mul3A_165 = arith.mulf %add3A_162, %mul3A_164 : vector<256x128xf32>
    %round3A_166 = math.roundeven %mul3A_165 : vector<256x128xf32>
    %sub3A_167 = arith.subf %mul3A_165, %round3A_166 : vector<256x128xf32>
    %mul3A_168 = arith.constant 2.000000e+00 : f32
    %mul3A_169 = vector.broadcast %mul3A_168 : f32 to vector<256x128xf32>
    %mul3A_170 = arith.mulf %mul3A_169, %sub3A_167 : vector<256x128xf32>
    %round3A_171 = math.roundeven %mul3A_170 : vector<256x128xf32>
    %mul3A_172 = arith.constant 5.000000e-01 : f32
    %mul3A_173 = vector.broadcast %mul3A_172 : f32 to vector<256x128xf32>
    %mul3A_174 = arith.mulf %mul3A_173, %round3A_171 : vector<256x128xf32>
    %sub3A_175 = arith.subf %sub3A_167, %mul3A_174 : vector<256x128xf32>
    %mul3A_176 = arith.mulf %sub3A_175, %sub3A_175 : vector<256x128xf32>
    %mul3A_177 = arith.constant 39.4784164 : f32
    %mul3A_178 = vector.broadcast %mul3A_177 : f32 to vector<256x128xf32>
    %mul3A_179 = arith.mulf %mul3A_178, %mul3A_176 : vector<256x128xf32>
    %mul3A_180 = arith.constant 2.48015876E-5 : f32
    %mul3A_181 = vector.broadcast %mul3A_180 : f32 to vector<256x128xf32>
    %mul3A_182 = arith.mulf %mul3A_179, %mul3A_181 : vector<256x128xf32>
    %add3A_183 = arith.constant -0.00138888892 : f32
    %add3A_184 = vector.broadcast %add3A_183 : f32 to vector<256x128xf32>
    %add3A_185 = arith.addf %add3A_184, %mul3A_182 : vector<256x128xf32>
    %mul3A_186 = arith.mulf %mul3A_179, %add3A_185 : vector<256x128xf32>
    %add3A_187 = arith.constant 0.0416666679 : f32
    %add3A_188 = vector.broadcast %add3A_187 : f32 to vector<256x128xf32>
    %add3A_189 = arith.addf %add3A_188, %mul3A_186 : vector<256x128xf32>
    %mul3A_190 = arith.mulf %mul3A_179, %add3A_189 : vector<256x128xf32>
    %add3A_191 = arith.constant -5.000000e-01 : f32
    %add3A_192 = vector.broadcast %add3A_191 : f32 to vector<256x128xf32>
    %add3A_193 = arith.addf %add3A_192, %mul3A_190 : vector<256x128xf32>
    %mul3A_194 = arith.mulf %mul3A_179, %add3A_193 : vector<256x128xf32>
    %add3A_195 = arith.constant 1.000000e+00 : f32
    %add3A_196 = vector.broadcast %add3A_195 : f32 to vector<256x128xf32>
    %add3A_197 = arith.addf %add3A_196, %mul3A_194 : vector<256x128xf32>
    %mul3A_198 = arith.constant 2.000000e+00 : f32
    %mul3A_199 = vector.broadcast %mul3A_198 : f32 to vector<256x128xf32>
    %mul3A_200 = arith.mulf %mul3A_199, %round3A_171 : vector<256x128xf32>
    %mul3A_201 = arith.mulf %mul3A_200, %round3A_171 : vector<256x128xf32>
    %sub3A_202 = arith.constant 1.000000e+00 : f32
    %sub3A_203 = vector.broadcast %sub3A_202 : f32 to vector<256x128xf32>
    %sub3A_204 = arith.subf %sub3A_203, %mul3A_201 : vector<256x128xf32>
    %mul3A_205 = arith.mulf %add3A_197, %sub3A_204 : vector<256x128xf32>
    %get3A_206 = arith.constant 0 : index
    %get3A_207 = arith.constant 0 : index
    %get3A_208 = vector.load %arg3[%get3A_206, %get3A_207] : memref<256x128xf32, #tpu.memory_space<vmem>>, vector<256x128xf32>
    %get3A_209 = arith.constant 0 : index
    %get3A_210 = arith.constant 0 : index
    %get3A_211 = vector.load %arg13[%get3A_209, %get3A_210] : memref<256x16xf32, #tpu.memory_space<vmem>>, vector<256x16xf32>
    %slice3A_212 = vector.extract_strided_slice %get3A_7 {offsets = [0, 0], sizes = [128, 256], strides = [1, 1]} : vector<272x256xf32> to vector<128x256xf32>
    %dot_general3A_213 = arith.constant dense<0.000000e+00> : vector<256x256xf32>
    %dot_general3A_214 = tpu.matmul %get3A_208, %slice3A_212, %dot_general3A_213 {dimension_numbers = #tpu.dot_dimension_numbers<[1], [0], [0], [1], [0, 0, 1, 1], [], []>, transpose_lhs_hint = false} : vector<256x128xf32>, vector<128x256xf32>, vector<256x256xf32> -> vector<256x256xf32>
    %slice3A_215 = vector.extract_strided_slice %get3A_7 {offsets = [128, 0], sizes = [128, 256], strides = [1, 1]} : vector<272x256xf32> to vector<128x256xf32>
    %dot_general3A_216 = arith.constant dense<0.000000e+00> : vector<256x256xf32>
    %dot_general3A_217 = tpu.matmul %mul3A_205, %slice3A_215, %dot_general3A_216 {dimension_numbers = #tpu.dot_dimension_numbers<[1], [0], [0], [1], [0, 0, 1, 1], [], []>, transpose_lhs_hint = false} : vector<256x128xf32>, vector<128x256xf32>, vector<256x256xf32> -> vector<256x256xf32>
    %add3A_218 = arith.addf %dot_general3A_214, %dot_general3A_217 : vector<256x256xf32>
    %slice3A_219 = vector.extract_strided_slice %get3A_7 {offsets = [256, 0], sizes = [16, 256], strides = [1, 1]} : vector<272x256xf32> to vector<16x256xf32>
    %dot_general3A_220 = arith.constant dense<0.000000e+00> : vector<256x256xf32>
    %dot_general3A_221 = tpu.matmul %get3A_211, %slice3A_219, %dot_general3A_220 {dimension_numbers = #tpu.dot_dimension_numbers<[1], [0], [0], [1], [0, 0, 1, 1], [], []>, transpose_lhs_hint = false} : vector<256x16xf32>, vector<16x256xf32>, vector<256x256xf32> -> vector<256x256xf32>
    %add3A_222 = arith.addf %add3A_218, %dot_general3A_221 : vector<256x256xf32>
    %slice3A_223 = vector.extract_strided_slice %get3A_10 {offsets = [0, 0], sizes = [128, 256], strides = [1, 1]} : vector<272x256xf32> to vector<128x256xf32>
    %dot_general3A_224 = arith.constant dense<0.000000e+00> : vector<256x256xf32>
    %dot_general3A_225 = tpu.matmul %get3A_208, %slice3A_223, %dot_general3A_224 {dimension_numbers = #tpu.dot_dimension_numbers<[1], [0], [0], [1], [0, 0, 1, 1], [], []>, transpose_lhs_hint = false} : vector<256x128xf32>, vector<128x256xf32>, vector<256x256xf32> -> vector<256x256xf32>
    %slice3A_226 = vector.extract_strided_slice %get3A_10 {offsets = [128, 0], sizes = [128, 256], strides = [1, 1]} : vector<272x256xf32> to vector<128x256xf32>
    %dot_general3A_227 = arith.constant dense<0.000000e+00> : vector<256x256xf32>
    %dot_general3A_228 = tpu.matmul %mul3A_205, %slice3A_226, %dot_general3A_227 {dimension_numbers = #tpu.dot_dimension_numbers<[1], [0], [0], [1], [0, 0, 1, 1], [], []>, transpose_lhs_hint = false} : vector<256x128xf32>, vector<128x256xf32>, vector<256x256xf32> -> vector<256x256xf32>
    %add3A_229 = arith.addf %dot_general3A_225, %dot_general3A_228 : vector<256x256xf32>
    %slice3A_230 = vector.extract_strided_slice %get3A_10 {offsets = [256, 0], sizes = [16, 256], strides = [1, 1]} : vector<272x256xf32> to vector<16x256xf32>
    %dot_general3A_231 = arith.constant dense<0.000000e+00> : vector<256x256xf32>
    %dot_general3A_232 = tpu.matmul %get3A_211, %slice3A_230, %dot_general3A_231 {dimension_numbers = #tpu.dot_dimension_numbers<[1], [0], [0], [1], [0, 0, 1, 1], [], []>, transpose_lhs_hint = false} : vector<256x16xf32>, vector<16x256xf32>, vector<256x256xf32> -> vector<256x256xf32>
    %add3A_233 = arith.addf %add3A_229, %dot_general3A_232 : vector<256x256xf32>
    %slice3A_234 = vector.extract_strided_slice %add3A_222 {offsets = [0, 0], sizes = [256, 128], strides = [1, 1]} : vector<256x256xf32> to vector<256x128xf32>
    %slice3A_235 = vector.extract_strided_slice %add3A_61 {offsets = [0, 0], sizes = [256, 128], strides = [1, 1]} : vector<256x256xf32> to vector<256x128xf32>
    %mul3A_236 = arith.mulf %slice3A_234, %slice3A_235 : vector<256x128xf32>
    %reduce_sum3A_237 = arith.constant dense<0.000000e+00> : vector<256xf32>
    %reduce_sum3A_238 = vector.multi_reduction <add>, %mul3A_236, %reduce_sum3A_237 [1] : vector<256x128xf32> to vector<256xf32>
    %broadcast_in_dim3A_239 = vector.shape_cast %reduce_sum3A_238 : vector<256xf32> to vector<256x1xf32>
    %slice3A_240 = vector.extract_strided_slice %add3A_222 {offsets = [0, 128], sizes = [256, 128], strides = [1, 1]} : vector<256x256xf32> to vector<256x128xf32>
    %slice3A_241 = vector.extract_strided_slice %add3A_61 {offsets = [0, 128], sizes = [256, 128], strides = [1, 1]} : vector<256x256xf32> to vector<256x128xf32>
    %mul3A_242 = arith.mulf %slice3A_240, %slice3A_241 : vector<256x128xf32>
    %reduce_sum3A_243 = arith.constant dense<0.000000e+00> : vector<256xf32>
    %reduce_sum3A_244 = vector.multi_reduction <add>, %mul3A_242, %reduce_sum3A_243 [1] : vector<256x128xf32> to vector<256xf32>
    %broadcast_in_dim3A_245 = vector.shape_cast %reduce_sum3A_244 : vector<256xf32> to vector<256x1xf32>
    %slice3A_246 = vector.extract_strided_slice %get3A_67 {offsets = [0, 2], sizes = [256, 1], strides = [1, 1]} : vector<256x10xf32> to vector<256x1xf32>
    %sub3A_247 = arith.subf %get3A_64, %slice3A_246 : vector<256x1xf32>
    %mul3A_248 = vector.broadcast %sub3A_247 : vector<256x1xf32> to vector<256x128xf32>
    %mul3A_249 = vector.broadcast %get3A_13 : vector<1x128xf32> to vector<256x128xf32>
    %mul3A_250 = arith.mulf %mul3A_248, %mul3A_249 : vector<256x128xf32>
    %add3A_251 = vector.broadcast %get3A_16 : vector<1x128xf32> to vector<256x128xf32>
    %add3A_252 = arith.addf %mul3A_250, %add3A_251 : vector<256x128xf32>
    %mul3A_253 = arith.constant 0.159154937 : f32
    %mul3A_254 = vector.broadcast %mul3A_253 : f32 to vector<256x128xf32>
    %mul3A_255 = arith.mulf %add3A_252, %mul3A_254 : vector<256x128xf32>
    %round3A_256 = math.roundeven %mul3A_255 : vector<256x128xf32>
    %sub3A_257 = arith.subf %mul3A_255, %round3A_256 : vector<256x128xf32>
    %mul3A_258 = arith.constant 2.000000e+00 : f32
    %mul3A_259 = vector.broadcast %mul3A_258 : f32 to vector<256x128xf32>
    %mul3A_260 = arith.mulf %mul3A_259, %sub3A_257 : vector<256x128xf32>
    %round3A_261 = math.roundeven %mul3A_260 : vector<256x128xf32>
    %mul3A_262 = arith.constant 5.000000e-01 : f32
    %mul3A_263 = vector.broadcast %mul3A_262 : f32 to vector<256x128xf32>
    %mul3A_264 = arith.mulf %mul3A_263, %round3A_261 : vector<256x128xf32>
    %sub3A_265 = arith.subf %sub3A_257, %mul3A_264 : vector<256x128xf32>
    %mul3A_266 = arith.mulf %sub3A_265, %sub3A_265 : vector<256x128xf32>
    %mul3A_267 = arith.constant 39.4784164 : f32
    %mul3A_268 = vector.broadcast %mul3A_267 : f32 to vector<256x128xf32>
    %mul3A_269 = arith.mulf %mul3A_268, %mul3A_266 : vector<256x128xf32>
    %mul3A_270 = arith.constant 2.48015876E-5 : f32
    %mul3A_271 = vector.broadcast %mul3A_270 : f32 to vector<256x128xf32>
    %mul3A_272 = arith.mulf %mul3A_269, %mul3A_271 : vector<256x128xf32>
    %add3A_273 = arith.constant -0.00138888892 : f32
    %add3A_274 = vector.broadcast %add3A_273 : f32 to vector<256x128xf32>
    %add3A_275 = arith.addf %add3A_274, %mul3A_272 : vector<256x128xf32>
    %mul3A_276 = arith.mulf %mul3A_269, %add3A_275 : vector<256x128xf32>
    %add3A_277 = arith.constant 0.0416666679 : f32
    %add3A_278 = vector.broadcast %add3A_277 : f32 to vector<256x128xf32>
    %add3A_279 = arith.addf %add3A_278, %mul3A_276 : vector<256x128xf32>
    %mul3A_280 = arith.mulf %mul3A_269, %add3A_279 : vector<256x128xf32>
    %add3A_281 = arith.constant -5.000000e-01 : f32
    %add3A_282 = vector.broadcast %add3A_281 : f32 to vector<256x128xf32>
    %add3A_283 = arith.addf %add3A_282, %mul3A_280 : vector<256x128xf32>
    %mul3A_284 = arith.mulf %mul3A_269, %add3A_283 : vector<256x128xf32>
    %add3A_285 = arith.constant 1.000000e+00 : f32
    %add3A_286 = vector.broadcast %add3A_285 : f32 to vector<256x128xf32>
    %add3A_287 = arith.addf %add3A_286, %mul3A_284 : vector<256x128xf32>
    %mul3A_288 = arith.constant 2.000000e+00 : f32
    %mul3A_289 = vector.broadcast %mul3A_288 : f32 to vector<256x128xf32>
    %mul3A_290 = arith.mulf %mul3A_289, %round3A_261 : vector<256x128xf32>
    %mul3A_291 = arith.mulf %mul3A_290, %round3A_261 : vector<256x128xf32>
    %sub3A_292 = arith.constant 1.000000e+00 : f32
    %sub3A_293 = vector.broadcast %sub3A_292 : f32 to vector<256x128xf32>
    %sub3A_294 = arith.subf %sub3A_293, %mul3A_291 : vector<256x128xf32>
    %mul3A_295 = arith.mulf %add3A_287, %sub3A_294 : vector<256x128xf32>
    %get3A_296 = arith.constant 0 : index
    %get3A_297 = arith.constant 0 : index
    %get3A_298 = vector.load %arg4[%get3A_296, %get3A_297] : memref<256x128xf32, #tpu.memory_space<vmem>>, vector<256x128xf32>
    %get3A_299 = arith.constant 0 : index
    %get3A_300 = arith.constant 0 : index
    %get3A_301 = vector.load %arg14[%get3A_299, %get3A_300] : memref<256x16xf32, #tpu.memory_space<vmem>>, vector<256x16xf32>
    %slice3A_302 = vector.extract_strided_slice %get3A_7 {offsets = [0, 0], sizes = [128, 256], strides = [1, 1]} : vector<272x256xf32> to vector<128x256xf32>
    %dot_general3A_303 = arith.constant dense<0.000000e+00> : vector<256x256xf32>
    %dot_general3A_304 = tpu.matmul %get3A_298, %slice3A_302, %dot_general3A_303 {dimension_numbers = #tpu.dot_dimension_numbers<[1], [0], [0], [1], [0, 0, 1, 1], [], []>, transpose_lhs_hint = false} : vector<256x128xf32>, vector<128x256xf32>, vector<256x256xf32> -> vector<256x256xf32>
    %slice3A_305 = vector.extract_strided_slice %get3A_7 {offsets = [128, 0], sizes = [128, 256], strides = [1, 1]} : vector<272x256xf32> to vector<128x256xf32>
    %dot_general3A_306 = arith.constant dense<0.000000e+00> : vector<256x256xf32>
    %dot_general3A_307 = tpu.matmul %mul3A_295, %slice3A_305, %dot_general3A_306 {dimension_numbers = #tpu.dot_dimension_numbers<[1], [0], [0], [1], [0, 0, 1, 1], [], []>, transpose_lhs_hint = false} : vector<256x128xf32>, vector<128x256xf32>, vector<256x256xf32> -> vector<256x256xf32>
    %add3A_308 = arith.addf %dot_general3A_304, %dot_general3A_307 : vector<256x256xf32>
    %slice3A_309 = vector.extract_strided_slice %get3A_7 {offsets = [256, 0], sizes = [16, 256], strides = [1, 1]} : vector<272x256xf32> to vector<16x256xf32>
    %dot_general3A_310 = arith.constant dense<0.000000e+00> : vector<256x256xf32>
    %dot_general3A_311 = tpu.matmul %get3A_301, %slice3A_309, %dot_general3A_310 {dimension_numbers = #tpu.dot_dimension_numbers<[1], [0], [0], [1], [0, 0, 1, 1], [], []>, transpose_lhs_hint = false} : vector<256x16xf32>, vector<16x256xf32>, vector<256x256xf32> -> vector<256x256xf32>
    %add3A_312 = arith.addf %add3A_308, %dot_general3A_311 : vector<256x256xf32>
    %slice3A_313 = vector.extract_strided_slice %get3A_10 {offsets = [0, 0], sizes = [128, 256], strides = [1, 1]} : vector<272x256xf32> to vector<128x256xf32>
    %dot_general3A_314 = arith.constant dense<0.000000e+00> : vector<256x256xf32>
    %dot_general3A_315 = tpu.matmul %get3A_298, %slice3A_313, %dot_general3A_314 {dimension_numbers = #tpu.dot_dimension_numbers<[1], [0], [0], [1], [0, 0, 1, 1], [], []>, transpose_lhs_hint = false} : vector<256x128xf32>, vector<128x256xf32>, vector<256x256xf32> -> vector<256x256xf32>
    %slice3A_316 = vector.extract_strided_slice %get3A_10 {offsets = [128, 0], sizes = [128, 256], strides = [1, 1]} : vector<272x256xf32> to vector<128x256xf32>
    %dot_general3A_317 = arith.constant dense<0.000000e+00> : vector<256x256xf32>
    %dot_general3A_318 = tpu.matmul %mul3A_295, %slice3A_316, %dot_general3A_317 {dimension_numbers = #tpu.dot_dimension_numbers<[1], [0], [0], [1], [0, 0, 1, 1], [], []>, transpose_lhs_hint = false} : vector<256x128xf32>, vector<128x256xf32>, vector<256x256xf32> -> vector<256x256xf32>
    %add3A_319 = arith.addf %dot_general3A_315, %dot_general3A_318 : vector<256x256xf32>
    %slice3A_320 = vector.extract_strided_slice %get3A_10 {offsets = [256, 0], sizes = [16, 256], strides = [1, 1]} : vector<272x256xf32> to vector<16x256xf32>
    %dot_general3A_321 = arith.constant dense<0.000000e+00> : vector<256x256xf32>
    %dot_general3A_322 = tpu.matmul %get3A_301, %slice3A_320, %dot_general3A_321 {dimension_numbers = #tpu.dot_dimension_numbers<[1], [0], [0], [1], [0, 0, 1, 1], [], []>, transpose_lhs_hint = false} : vector<256x16xf32>, vector<16x256xf32>, vector<256x256xf32> -> vector<256x256xf32>
    %add3A_323 = arith.addf %add3A_319, %dot_general3A_322 : vector<256x256xf32>
    %slice3A_324 = vector.extract_strided_slice %add3A_312 {offsets = [0, 0], sizes = [256, 128], strides = [1, 1]} : vector<256x256xf32> to vector<256x128xf32>
    %slice3A_325 = vector.extract_strided_slice %add3A_61 {offsets = [0, 0], sizes = [256, 128], strides = [1, 1]} : vector<256x256xf32> to vector<256x128xf32>
    %mul3A_326 = arith.mulf %slice3A_324, %slice3A_325 : vector<256x128xf32>
    %reduce_sum3A_327 = arith.constant dense<0.000000e+00> : vector<256xf32>
    %reduce_sum3A_328 = vector.multi_reduction <add>, %mul3A_326, %reduce_sum3A_327 [1] : vector<256x128xf32> to vector<256xf32>
    %broadcast_in_dim3A_329 = vector.shape_cast %reduce_sum3A_328 : vector<256xf32> to vector<256x1xf32>
    %slice3A_330 = vector.extract_strided_slice %add3A_312 {offsets = [0, 128], sizes = [256, 128], strides = [1, 1]} : vector<256x256xf32> to vector<256x128xf32>
    %slice3A_331 = vector.extract_strided_slice %add3A_61 {offsets = [0, 128], sizes = [256, 128], strides = [1, 1]} : vector<256x256xf32> to vector<256x128xf32>
    %mul3A_332 = arith.mulf %slice3A_330, %slice3A_331 : vector<256x128xf32>
    %reduce_sum3A_333 = arith.constant dense<0.000000e+00> : vector<256xf32>
    %reduce_sum3A_334 = vector.multi_reduction <add>, %mul3A_332, %reduce_sum3A_333 [1] : vector<256x128xf32> to vector<256xf32>
    %broadcast_in_dim3A_335 = vector.shape_cast %reduce_sum3A_334 : vector<256xf32> to vector<256x1xf32>
    %slice3A_336 = vector.extract_strided_slice %get3A_67 {offsets = [0, 3], sizes = [256, 1], strides = [1, 1]} : vector<256x10xf32> to vector<256x1xf32>
    %sub3A_337 = arith.subf %get3A_64, %slice3A_336 : vector<256x1xf32>
    %mul3A_338 = vector.broadcast %sub3A_337 : vector<256x1xf32> to vector<256x128xf32>
    %mul3A_339 = vector.broadcast %get3A_13 : vector<1x128xf32> to vector<256x128xf32>
    %mul3A_340 = arith.mulf %mul3A_338, %mul3A_339 : vector<256x128xf32>
    %add3A_341 = vector.broadcast %get3A_16 : vector<1x128xf32> to vector<256x128xf32>
    %add3A_342 = arith.addf %mul3A_340, %add3A_341 : vector<256x128xf32>
    %mul3A_343 = arith.constant 0.159154937 : f32
    %mul3A_344 = vector.broadcast %mul3A_343 : f32 to vector<256x128xf32>
    %mul3A_345 = arith.mulf %add3A_342, %mul3A_344 : vector<256x128xf32>
    %round3A_346 = math.roundeven %mul3A_345 : vector<256x128xf32>
    %sub3A_347 = arith.subf %mul3A_345, %round3A_346 : vector<256x128xf32>
    %mul3A_348 = arith.constant 2.000000e+00 : f32
    %mul3A_349 = vector.broadcast %mul3A_348 : f32 to vector<256x128xf32>
    %mul3A_350 = arith.mulf %mul3A_349, %sub3A_347 : vector<256x128xf32>
    %round3A_351 = math.roundeven %mul3A_350 : vector<256x128xf32>
    %mul3A_352 = arith.constant 5.000000e-01 : f32
    %mul3A_353 = vector.broadcast %mul3A_352 : f32 to vector<256x128xf32>
    %mul3A_354 = arith.mulf %mul3A_353, %round3A_351 : vector<256x128xf32>
    %sub3A_355 = arith.subf %sub3A_347, %mul3A_354 : vector<256x128xf32>
    %mul3A_356 = arith.mulf %sub3A_355, %sub3A_355 : vector<256x128xf32>
    %mul3A_357 = arith.constant 39.4784164 : f32
    %mul3A_358 = vector.broadcast %mul3A_357 : f32 to vector<256x128xf32>
    %mul3A_359 = arith.mulf %mul3A_358, %mul3A_356 : vector<256x128xf32>
    %mul3A_360 = arith.constant 2.48015876E-5 : f32
    %mul3A_361 = vector.broadcast %mul3A_360 : f32 to vector<256x128xf32>
    %mul3A_362 = arith.mulf %mul3A_359, %mul3A_361 : vector<256x128xf32>
    %add3A_363 = arith.constant -0.00138888892 : f32
    %add3A_364 = vector.broadcast %add3A_363 : f32 to vector<256x128xf32>
    %add3A_365 = arith.addf %add3A_364, %mul3A_362 : vector<256x128xf32>
    %mul3A_366 = arith.mulf %mul3A_359, %add3A_365 : vector<256x128xf32>
    %add3A_367 = arith.constant 0.0416666679 : f32
    %add3A_368 = vector.broadcast %add3A_367 : f32 to vector<256x128xf32>
    %add3A_369 = arith.addf %add3A_368, %mul3A_366 : vector<256x128xf32>
    %mul3A_370 = arith.mulf %mul3A_359, %add3A_369 : vector<256x128xf32>
    %add3A_371 = arith.constant -5.000000e-01 : f32
    %add3A_372 = vector.broadcast %add3A_371 : f32 to vector<256x128xf32>
    %add3A_373 = arith.addf %add3A_372, %mul3A_370 : vector<256x128xf32>
    %mul3A_374 = arith.mulf %mul3A_359, %add3A_373 : vector<256x128xf32>
    %add3A_375 = arith.constant 1.000000e+00 : f32
    %add3A_376 = vector.broadcast %add3A_375 : f32 to vector<256x128xf32>
    %add3A_377 = arith.addf %add3A_376, %mul3A_374 : vector<256x128xf32>
    %mul3A_378 = arith.constant 2.000000e+00 : f32
    %mul3A_379 = vector.broadcast %mul3A_378 : f32 to vector<256x128xf32>
    %mul3A_380 = arith.mulf %mul3A_379, %round3A_351 : vector<256x128xf32>
    %mul3A_381 = arith.mulf %mul3A_380, %round3A_351 : vector<256x128xf32>
    %sub3A_382 = arith.constant 1.000000e+00 : f32
    %sub3A_383 = vector.broadcast %sub3A_382 : f32 to vector<256x128xf32>
    %sub3A_384 = arith.subf %sub3A_383, %mul3A_381 : vector<256x128xf32>
    %mul3A_385 = arith.mulf %add3A_377, %sub3A_384 : vector<256x128xf32>
    %get3A_386 = arith.constant 0 : index
    %get3A_387 = arith.constant 0 : index
    %get3A_388 = vector.load %arg5[%get3A_386, %get3A_387] : memref<256x128xf32, #tpu.memory_space<vmem>>, vector<256x128xf32>
    %get3A_389 = arith.constant 0 : index
    %get3A_390 = arith.constant 0 : index
    %get3A_391 = vector.load %arg15[%get3A_389, %get3A_390] : memref<256x16xf32, #tpu.memory_space<vmem>>, vector<256x16xf32>
    %slice3A_392 = vector.extract_strided_slice %get3A_7 {offsets = [0, 0], sizes = [128, 256], strides = [1, 1]} : vector<272x256xf32> to vector<128x256xf32>
    %dot_general3A_393 = arith.constant dense<0.000000e+00> : vector<256x256xf32>
    %dot_general3A_394 = tpu.matmul %get3A_388, %slice3A_392, %dot_general3A_393 {dimension_numbers = #tpu.dot_dimension_numbers<[1], [0], [0], [1], [0, 0, 1, 1], [], []>, transpose_lhs_hint = false} : vector<256x128xf32>, vector<128x256xf32>, vector<256x256xf32> -> vector<256x256xf32>
    %slice3A_395 = vector.extract_strided_slice %get3A_7 {offsets = [128, 0], sizes = [128, 256], strides = [1, 1]} : vector<272x256xf32> to vector<128x256xf32>
    %dot_general3A_396 = arith.constant dense<0.000000e+00> : vector<256x256xf32>
    %dot_general3A_397 = tpu.matmul %mul3A_385, %slice3A_395, %dot_general3A_396 {dimension_numbers = #tpu.dot_dimension_numbers<[1], [0], [0], [1], [0, 0, 1, 1], [], []>, transpose_lhs_hint = false} : vector<256x128xf32>, vector<128x256xf32>, vector<256x256xf32> -> vector<256x256xf32>
    %add3A_398 = arith.addf %dot_general3A_394, %dot_general3A_397 : vector<256x256xf32>
    %slice3A_399 = vector.extract_strided_slice %get3A_7 {offsets = [256, 0], sizes = [16, 256], strides = [1, 1]} : vector<272x256xf32> to vector<16x256xf32>
    %dot_general3A_400 = arith.constant dense<0.000000e+00> : vector<256x256xf32>
    %dot_general3A_401 = tpu.matmul %get3A_391, %slice3A_399, %dot_general3A_400 {dimension_numbers = #tpu.dot_dimension_numbers<[1], [0], [0], [1], [0, 0, 1, 1], [], []>, transpose_lhs_hint = false} : vector<256x16xf32>, vector<16x256xf32>, vector<256x256xf32> -> vector<256x256xf32>
    %add3A_402 = arith.addf %add3A_398, %dot_general3A_401 : vector<256x256xf32>
    %slice3A_403 = vector.extract_strided_slice %get3A_10 {offsets = [0, 0], sizes = [128, 256], strides = [1, 1]} : vector<272x256xf32> to vector<128x256xf32>
    %dot_general3A_404 = arith.constant dense<0.000000e+00> : vector<256x256xf32>
    %dot_general3A_405 = tpu.matmul %get3A_388, %slice3A_403, %dot_general3A_404 {dimension_numbers = #tpu.dot_dimension_numbers<[1], [0], [0], [1], [0, 0, 1, 1], [], []>, transpose_lhs_hint = false} : vector<256x128xf32>, vector<128x256xf32>, vector<256x256xf32> -> vector<256x256xf32>
    %slice3A_406 = vector.extract_strided_slice %get3A_10 {offsets = [128, 0], sizes = [128, 256], strides = [1, 1]} : vector<272x256xf32> to vector<128x256xf32>
    %dot_general3A_407 = arith.constant dense<0.000000e+00> : vector<256x256xf32>
    %dot_general3A_408 = tpu.matmul %mul3A_385, %slice3A_406, %dot_general3A_407 {dimension_numbers = #tpu.dot_dimension_numbers<[1], [0], [0], [1], [0, 0, 1, 1], [], []>, transpose_lhs_hint = false} : vector<256x128xf32>, vector<128x256xf32>, vector<256x256xf32> -> vector<256x256xf32>
    %add3A_409 = arith.addf %dot_general3A_405, %dot_general3A_408 : vector<256x256xf32>
    %slice3A_410 = vector.extract_strided_slice %get3A_10 {offsets = [256, 0], sizes = [16, 256], strides = [1, 1]} : vector<272x256xf32> to vector<16x256xf32>
    %dot_general3A_411 = arith.constant dense<0.000000e+00> : vector<256x256xf32>
    %dot_general3A_412 = tpu.matmul %get3A_391, %slice3A_410, %dot_general3A_411 {dimension_numbers = #tpu.dot_dimension_numbers<[1], [0], [0], [1], [0, 0, 1, 1], [], []>, transpose_lhs_hint = false} : vector<256x16xf32>, vector<16x256xf32>, vector<256x256xf32> -> vector<256x256xf32>
    %add3A_413 = arith.addf %add3A_409, %dot_general3A_412 : vector<256x256xf32>
    %slice3A_414 = vector.extract_strided_slice %add3A_402 {offsets = [0, 0], sizes = [256, 128], strides = [1, 1]} : vector<256x256xf32> to vector<256x128xf32>
    %slice3A_415 = vector.extract_strided_slice %add3A_61 {offsets = [0, 0], sizes = [256, 128], strides = [1, 1]} : vector<256x256xf32> to vector<256x128xf32>
    %mul3A_416 = arith.mulf %slice3A_414, %slice3A_415 : vector<256x128xf32>
    %reduce_sum3A_417 = arith.constant dense<0.000000e+00> : vector<256xf32>
    %reduce_sum3A_418 = vector.multi_reduction <add>, %mul3A_416, %reduce_sum3A_417 [1] : vector<256x128xf32> to vector<256xf32>
    %broadcast_in_dim3A_419 = vector.shape_cast %reduce_sum3A_418 : vector<256xf32> to vector<256x1xf32>
    %slice3A_420 = vector.extract_strided_slice %add3A_402 {offsets = [0, 128], sizes = [256, 128], strides = [1, 1]} : vector<256x256xf32> to vector<256x128xf32>
    %slice3A_421 = vector.extract_strided_slice %add3A_61 {offsets = [0, 128], sizes = [256, 128], strides = [1, 1]} : vector<256x256xf32> to vector<256x128xf32>
    %mul3A_422 = arith.mulf %slice3A_420, %slice3A_421 : vector<256x128xf32>
    %reduce_sum3A_423 = arith.constant dense<0.000000e+00> : vector<256xf32>
    %reduce_sum3A_424 = vector.multi_reduction <add>, %mul3A_422, %reduce_sum3A_423 [1] : vector<256x128xf32> to vector<256xf32>
    %broadcast_in_dim3A_425 = vector.shape_cast %reduce_sum3A_424 : vector<256xf32> to vector<256x1xf32>
    %slice3A_426 = vector.extract_strided_slice %get3A_67 {offsets = [0, 4], sizes = [256, 1], strides = [1, 1]} : vector<256x10xf32> to vector<256x1xf32>
    %sub3A_427 = arith.subf %get3A_64, %slice3A_426 : vector<256x1xf32>
    %mul3A_428 = vector.broadcast %sub3A_427 : vector<256x1xf32> to vector<256x128xf32>
    %mul3A_429 = vector.broadcast %get3A_13 : vector<1x128xf32> to vector<256x128xf32>
    %mul3A_430 = arith.mulf %mul3A_428, %mul3A_429 : vector<256x128xf32>
    %add3A_431 = vector.broadcast %get3A_16 : vector<1x128xf32> to vector<256x128xf32>
    %add3A_432 = arith.addf %mul3A_430, %add3A_431 : vector<256x128xf32>
    %mul3A_433 = arith.constant 0.159154937 : f32
    %mul3A_434 = vector.broadcast %mul3A_433 : f32 to vector<256x128xf32>
    %mul3A_435 = arith.mulf %add3A_432, %mul3A_434 : vector<256x128xf32>
    %round3A_436 = math.roundeven %mul3A_435 : vector<256x128xf32>
    %sub3A_437 = arith.subf %mul3A_435, %round3A_436 : vector<256x128xf32>
    %mul3A_438 = arith.constant 2.000000e+00 : f32
    %mul3A_439 = vector.broadcast %mul3A_438 : f32 to vector<256x128xf32>
    %mul3A_440 = arith.mulf %mul3A_439, %sub3A_437 : vector<256x128xf32>
    %round3A_441 = math.roundeven %mul3A_440 : vector<256x128xf32>
    %mul3A_442 = arith.constant 5.000000e-01 : f32
    %mul3A_443 = vector.broadcast %mul3A_442 : f32 to vector<256x128xf32>
    %mul3A_444 = arith.mulf %mul3A_443, %round3A_441 : vector<256x128xf32>
    %sub3A_445 = arith.subf %sub3A_437, %mul3A_444 : vector<256x128xf32>
    %mul3A_446 = arith.mulf %sub3A_445, %sub3A_445 : vector<256x128xf32>
    %mul3A_447 = arith.constant 39.4784164 : f32
    %mul3A_448 = vector.broadcast %mul3A_447 : f32 to vector<256x128xf32>
    %mul3A_449 = arith.mulf %mul3A_448, %mul3A_446 : vector<256x128xf32>
    %mul3A_450 = arith.constant 2.48015876E-5 : f32
    %mul3A_451 = vector.broadcast %mul3A_450 : f32 to vector<256x128xf32>
    %mul3A_452 = arith.mulf %mul3A_449, %mul3A_451 : vector<256x128xf32>
    %add3A_453 = arith.constant -0.00138888892 : f32
    %add3A_454 = vector.broadcast %add3A_453 : f32 to vector<256x128xf32>
    %add3A_455 = arith.addf %add3A_454, %mul3A_452 : vector<256x128xf32>
    %mul3A_456 = arith.mulf %mul3A_449, %add3A_455 : vector<256x128xf32>
    %add3A_457 = arith.constant 0.0416666679 : f32
    %add3A_458 = vector.broadcast %add3A_457 : f32 to vector<256x128xf32>
    %add3A_459 = arith.addf %add3A_458, %mul3A_456 : vector<256x128xf32>
    %mul3A_460 = arith.mulf %mul3A_449, %add3A_459 : vector<256x128xf32>
    %add3A_461 = arith.constant -5.000000e-01 : f32
    %add3A_462 = vector.broadcast %add3A_461 : f32 to vector<256x128xf32>
    %add3A_463 = arith.addf %add3A_462, %mul3A_460 : vector<256x128xf32>
    %mul3A_464 = arith.mulf %mul3A_449, %add3A_463 : vector<256x128xf32>
    %add3A_465 = arith.constant 1.000000e+00 : f32
    %add3A_466 = vector.broadcast %add3A_465 : f32 to vector<256x128xf32>
    %add3A_467 = arith.addf %add3A_466, %mul3A_464 : vector<256x128xf32>
    %mul3A_468 = arith.constant 2.000000e+00 : f32
    %mul3A_469 = vector.broadcast %mul3A_468 : f32 to vector<256x128xf32>
    %mul3A_470 = arith.mulf %mul3A_469, %round3A_441 : vector<256x128xf32>
    %mul3A_471 = arith.mulf %mul3A_470, %round3A_441 : vector<256x128xf32>
    %sub3A_472 = arith.constant 1.000000e+00 : f32
    %sub3A_473 = vector.broadcast %sub3A_472 : f32 to vector<256x128xf32>
    %sub3A_474 = arith.subf %sub3A_473, %mul3A_471 : vector<256x128xf32>
    %mul3A_475 = arith.mulf %add3A_467, %sub3A_474 : vector<256x128xf32>
    %get3A_476 = arith.constant 0 : index
    %get3A_477 = arith.constant 0 : index
    %get3A_478 = vector.load %arg6[%get3A_476, %get3A_477] : memref<256x128xf32, #tpu.memory_space<vmem>>, vector<256x128xf32>
    %get3A_479 = arith.constant 0 : index
    %get3A_480 = arith.constant 0 : index
    %get3A_481 = vector.load %arg16[%get3A_479, %get3A_480] : memref<256x16xf32, #tpu.memory_space<vmem>>, vector<256x16xf32>
    %slice3A_482 = vector.extract_strided_slice %get3A_7 {offsets = [0, 0], sizes = [128, 256], strides = [1, 1]} : vector<272x256xf32> to vector<128x256xf32>
    %dot_general3A_483 = arith.constant dense<0.000000e+00> : vector<256x256xf32>
    %dot_general3A_484 = tpu.matmul %get3A_478, %slice3A_482, %dot_general3A_483 {dimension_numbers = #tpu.dot_dimension_numbers<[1], [0], [0], [1], [0, 0, 1, 1], [], []>, transpose_lhs_hint = false} : vector<256x128xf32>, vector<128x256xf32>, vector<256x256xf32> -> vector<256x256xf32>
    %slice3A_485 = vector.extract_strided_slice %get3A_7 {offsets = [128, 0], sizes = [128, 256], strides = [1, 1]} : vector<272x256xf32> to vector<128x256xf32>
    %dot_general3A_486 = arith.constant dense<0.000000e+00> : vector<256x256xf32>
    %dot_general3A_487 = tpu.matmul %mul3A_475, %slice3A_485, %dot_general3A_486 {dimension_numbers = #tpu.dot_dimension_numbers<[1], [0], [0], [1], [0, 0, 1, 1], [], []>, transpose_lhs_hint = false} : vector<256x128xf32>, vector<128x256xf32>, vector<256x256xf32> -> vector<256x256xf32>
    %add3A_488 = arith.addf %dot_general3A_484, %dot_general3A_487 : vector<256x256xf32>
    %slice3A_489 = vector.extract_strided_slice %get3A_7 {offsets = [256, 0], sizes = [16, 256], strides = [1, 1]} : vector<272x256xf32> to vector<16x256xf32>
    %dot_general3A_490 = arith.constant dense<0.000000e+00> : vector<256x256xf32>
    %dot_general3A_491 = tpu.matmul %get3A_481, %slice3A_489, %dot_general3A_490 {dimension_numbers = #tpu.dot_dimension_numbers<[1], [0], [0], [1], [0, 0, 1, 1], [], []>, transpose_lhs_hint = false} : vector<256x16xf32>, vector<16x256xf32>, vector<256x256xf32> -> vector<256x256xf32>
    %add3A_492 = arith.addf %add3A_488, %dot_general3A_491 : vector<256x256xf32>
    %slice3A_493 = vector.extract_strided_slice %get3A_10 {offsets = [0, 0], sizes = [128, 256], strides = [1, 1]} : vector<272x256xf32> to vector<128x256xf32>
    %dot_general3A_494 = arith.constant dense<0.000000e+00> : vector<256x256xf32>
    %dot_general3A_495 = tpu.matmul %get3A_478, %slice3A_493, %dot_general3A_494 {dimension_numbers = #tpu.dot_dimension_numbers<[1], [0], [0], [1], [0, 0, 1, 1], [], []>, transpose_lhs_hint = false} : vector<256x128xf32>, vector<128x256xf32>, vector<256x256xf32> -> vector<256x256xf32>
    %slice3A_496 = vector.extract_strided_slice %get3A_10 {offsets = [128, 0], sizes = [128, 256], strides = [1, 1]} : vector<272x256xf32> to vector<128x256xf32>
    %dot_general3A_497 = arith.constant dense<0.000000e+00> : vector<256x256xf32>
    %dot_general3A_498 = tpu.matmul %mul3A_475, %slice3A_496, %dot_general3A_497 {dimension_numbers = #tpu.dot_dimension_numbers<[1], [0], [0], [1], [0, 0, 1, 1], [], []>, transpose_lhs_hint = false} : vector<256x128xf32>, vector<128x256xf32>, vector<256x256xf32> -> vector<256x256xf32>
    %add3A_499 = arith.addf %dot_general3A_495, %dot_general3A_498 : vector<256x256xf32>
    %slice3A_500 = vector.extract_strided_slice %get3A_10 {offsets = [256, 0], sizes = [16, 256], strides = [1, 1]} : vector<272x256xf32> to vector<16x256xf32>
    %dot_general3A_501 = arith.constant dense<0.000000e+00> : vector<256x256xf32>
    %dot_general3A_502 = tpu.matmul %get3A_481, %slice3A_500, %dot_general3A_501 {dimension_numbers = #tpu.dot_dimension_numbers<[1], [0], [0], [1], [0, 0, 1, 1], [], []>, transpose_lhs_hint = false} : vector<256x16xf32>, vector<16x256xf32>, vector<256x256xf32> -> vector<256x256xf32>
    %add3A_503 = arith.addf %add3A_499, %dot_general3A_502 : vector<256x256xf32>
    %slice3A_504 = vector.extract_strided_slice %add3A_492 {offsets = [0, 0], sizes = [256, 128], strides = [1, 1]} : vector<256x256xf32> to vector<256x128xf32>
    %slice3A_505 = vector.extract_strided_slice %add3A_61 {offsets = [0, 0], sizes = [256, 128], strides = [1, 1]} : vector<256x256xf32> to vector<256x128xf32>
    %mul3A_506 = arith.mulf %slice3A_504, %slice3A_505 : vector<256x128xf32>
    %reduce_sum3A_507 = arith.constant dense<0.000000e+00> : vector<256xf32>
    %reduce_sum3A_508 = vector.multi_reduction <add>, %mul3A_506, %reduce_sum3A_507 [1] : vector<256x128xf32> to vector<256xf32>
    %broadcast_in_dim3A_509 = vector.shape_cast %reduce_sum3A_508 : vector<256xf32> to vector<256x1xf32>
    %slice3A_510 = vector.extract_strided_slice %add3A_492 {offsets = [0, 128], sizes = [256, 128], strides = [1, 1]} : vector<256x256xf32> to vector<256x128xf32>
    %slice3A_511 = vector.extract_strided_slice %add3A_61 {offsets = [0, 128], sizes = [256, 128], strides = [1, 1]} : vector<256x256xf32> to vector<256x128xf32>
    %mul3A_512 = arith.mulf %slice3A_510, %slice3A_511 : vector<256x128xf32>
    %reduce_sum3A_513 = arith.constant dense<0.000000e+00> : vector<256xf32>
    %reduce_sum3A_514 = vector.multi_reduction <add>, %mul3A_512, %reduce_sum3A_513 [1] : vector<256x128xf32> to vector<256xf32>
    %broadcast_in_dim3A_515 = vector.shape_cast %reduce_sum3A_514 : vector<256xf32> to vector<256x1xf32>
    %slice3A_516 = vector.extract_strided_slice %get3A_67 {offsets = [0, 5], sizes = [256, 1], strides = [1, 1]} : vector<256x10xf32> to vector<256x1xf32>
    %sub3A_517 = arith.subf %get3A_64, %slice3A_516 : vector<256x1xf32>
    %mul3A_518 = vector.broadcast %sub3A_517 : vector<256x1xf32> to vector<256x128xf32>
    %mul3A_519 = vector.broadcast %get3A_13 : vector<1x128xf32> to vector<256x128xf32>
    %mul3A_520 = arith.mulf %mul3A_518, %mul3A_519 : vector<256x128xf32>
    %add3A_521 = vector.broadcast %get3A_16 : vector<1x128xf32> to vector<256x128xf32>
    %add3A_522 = arith.addf %mul3A_520, %add3A_521 : vector<256x128xf32>
    %mul3A_523 = arith.constant 0.159154937 : f32
    %mul3A_524 = vector.broadcast %mul3A_523 : f32 to vector<256x128xf32>
    %mul3A_525 = arith.mulf %add3A_522, %mul3A_524 : vector<256x128xf32>
    %round3A_526 = math.roundeven %mul3A_525 : vector<256x128xf32>
    %sub3A_527 = arith.subf %mul3A_525, %round3A_526 : vector<256x128xf32>
    %mul3A_528 = arith.constant 2.000000e+00 : f32
    %mul3A_529 = vector.broadcast %mul3A_528 : f32 to vector<256x128xf32>
    %mul3A_530 = arith.mulf %mul3A_529, %sub3A_527 : vector<256x128xf32>
    %round3A_531 = math.roundeven %mul3A_530 : vector<256x128xf32>
    %mul3A_532 = arith.constant 5.000000e-01 : f32
    %mul3A_533 = vector.broadcast %mul3A_532 : f32 to vector<256x128xf32>
    %mul3A_534 = arith.mulf %mul3A_533, %round3A_531 : vector<256x128xf32>
    %sub3A_535 = arith.subf %sub3A_527, %mul3A_534 : vector<256x128xf32>
    %mul3A_536 = arith.mulf %sub3A_535, %sub3A_535 : vector<256x128xf32>
    %mul3A_537 = arith.constant 39.4784164 : f32
    %mul3A_538 = vector.broadcast %mul3A_537 : f32 to vector<256x128xf32>
    %mul3A_539 = arith.mulf %mul3A_538, %mul3A_536 : vector<256x128xf32>
    %mul3A_540 = arith.constant 2.48015876E-5 : f32
    %mul3A_541 = vector.broadcast %mul3A_540 : f32 to vector<256x128xf32>
    %mul3A_542 = arith.mulf %mul3A_539, %mul3A_541 : vector<256x128xf32>
    %add3A_543 = arith.constant -0.00138888892 : f32
    %add3A_544 = vector.broadcast %add3A_543 : f32 to vector<256x128xf32>
    %add3A_545 = arith.addf %add3A_544, %mul3A_542 : vector<256x128xf32>
    %mul3A_546 = arith.mulf %mul3A_539, %add3A_545 : vector<256x128xf32>
    %add3A_547 = arith.constant 0.0416666679 : f32
    %add3A_548 = vector.broadcast %add3A_547 : f32 to vector<256x128xf32>
    %add3A_549 = arith.addf %add3A_548, %mul3A_546 : vector<256x128xf32>
    %mul3A_550 = arith.mulf %mul3A_539, %add3A_549 : vector<256x128xf32>
    %add3A_551 = arith.constant -5.000000e-01 : f32
    %add3A_552 = vector.broadcast %add3A_551 : f32 to vector<256x128xf32>
    %add3A_553 = arith.addf %add3A_552, %mul3A_550 : vector<256x128xf32>
    %mul3A_554 = arith.mulf %mul3A_539, %add3A_553 : vector<256x128xf32>
    %add3A_555 = arith.constant 1.000000e+00 : f32
    %add3A_556 = vector.broadcast %add3A_555 : f32 to vector<256x128xf32>
    %add3A_557 = arith.addf %add3A_556, %mul3A_554 : vector<256x128xf32>
    %mul3A_558 = arith.constant 2.000000e+00 : f32
    %mul3A_559 = vector.broadcast %mul3A_558 : f32 to vector<256x128xf32>
    %mul3A_560 = arith.mulf %mul3A_559, %round3A_531 : vector<256x128xf32>
    %mul3A_561 = arith.mulf %mul3A_560, %round3A_531 : vector<256x128xf32>
    %sub3A_562 = arith.constant 1.000000e+00 : f32
    %sub3A_563 = vector.broadcast %sub3A_562 : f32 to vector<256x128xf32>
    %sub3A_564 = arith.subf %sub3A_563, %mul3A_561 : vector<256x128xf32>
    %mul3A_565 = arith.mulf %add3A_557, %sub3A_564 : vector<256x128xf32>
    %get3A_566 = arith.constant 0 : index
    %get3A_567 = arith.constant 0 : index
    %get3A_568 = vector.load %arg7[%get3A_566, %get3A_567] : memref<256x128xf32, #tpu.memory_space<vmem>>, vector<256x128xf32>
    %get3A_569 = arith.constant 0 : index
    %get3A_570 = arith.constant 0 : index
    %get3A_571 = vector.load %arg17[%get3A_569, %get3A_570] : memref<256x16xf32, #tpu.memory_space<vmem>>, vector<256x16xf32>
    %slice3A_572 = vector.extract_strided_slice %get3A_7 {offsets = [0, 0], sizes = [128, 256], strides = [1, 1]} : vector<272x256xf32> to vector<128x256xf32>
    %dot_general3A_573 = arith.constant dense<0.000000e+00> : vector<256x256xf32>
    %dot_general3A_574 = tpu.matmul %get3A_568, %slice3A_572, %dot_general3A_573 {dimension_numbers = #tpu.dot_dimension_numbers<[1], [0], [0], [1], [0, 0, 1, 1], [], []>, transpose_lhs_hint = false} : vector<256x128xf32>, vector<128x256xf32>, vector<256x256xf32> -> vector<256x256xf32>
    %slice3A_575 = vector.extract_strided_slice %get3A_7 {offsets = [128, 0], sizes = [128, 256], strides = [1, 1]} : vector<272x256xf32> to vector<128x256xf32>
    %dot_general3A_576 = arith.constant dense<0.000000e+00> : vector<256x256xf32>
    %dot_general3A_577 = tpu.matmul %mul3A_565, %slice3A_575, %dot_general3A_576 {dimension_numbers = #tpu.dot_dimension_numbers<[1], [0], [0], [1], [0, 0, 1, 1], [], []>, transpose_lhs_hint = false} : vector<256x128xf32>, vector<128x256xf32>, vector<256x256xf32> -> vector<256x256xf32>
    %add3A_578 = arith.addf %dot_general3A_574, %dot_general3A_577 : vector<256x256xf32>
    %slice3A_579 = vector.extract_strided_slice %get3A_7 {offsets = [256, 0], sizes = [16, 256], strides = [1, 1]} : vector<272x256xf32> to vector<16x256xf32>
    %dot_general3A_580 = arith.constant dense<0.000000e+00> : vector<256x256xf32>
    %dot_general3A_581 = tpu.matmul %get3A_571, %slice3A_579, %dot_general3A_580 {dimension_numbers = #tpu.dot_dimension_numbers<[1], [0], [0], [1], [0, 0, 1, 1], [], []>, transpose_lhs_hint = false} : vector<256x16xf32>, vector<16x256xf32>, vector<256x256xf32> -> vector<256x256xf32>
    %add3A_582 = arith.addf %add3A_578, %dot_general3A_581 : vector<256x256xf32>
    %slice3A_583 = vector.extract_strided_slice %get3A_10 {offsets = [0, 0], sizes = [128, 256], strides = [1, 1]} : vector<272x256xf32> to vector<128x256xf32>
    %dot_general3A_584 = arith.constant dense<0.000000e+00> : vector<256x256xf32>
    %dot_general3A_585 = tpu.matmul %get3A_568, %slice3A_583, %dot_general3A_584 {dimension_numbers = #tpu.dot_dimension_numbers<[1], [0], [0], [1], [0, 0, 1, 1], [], []>, transpose_lhs_hint = false} : vector<256x128xf32>, vector<128x256xf32>, vector<256x256xf32> -> vector<256x256xf32>
    %slice3A_586 = vector.extract_strided_slice %get3A_10 {offsets = [128, 0], sizes = [128, 256], strides = [1, 1]} : vector<272x256xf32> to vector<128x256xf32>
    %dot_general3A_587 = arith.constant dense<0.000000e+00> : vector<256x256xf32>
    %dot_general3A_588 = tpu.matmul %mul3A_565, %slice3A_586, %dot_general3A_587 {dimension_numbers = #tpu.dot_dimension_numbers<[1], [0], [0], [1], [0, 0, 1, 1], [], []>, transpose_lhs_hint = false} : vector<256x128xf32>, vector<128x256xf32>, vector<256x256xf32> -> vector<256x256xf32>
    %add3A_589 = arith.addf %dot_general3A_585, %dot_general3A_588 : vector<256x256xf32>
    %slice3A_590 = vector.extract_strided_slice %get3A_10 {offsets = [256, 0], sizes = [16, 256], strides = [1, 1]} : vector<272x256xf32> to vector<16x256xf32>
    %dot_general3A_591 = arith.constant dense<0.000000e+00> : vector<256x256xf32>
    %dot_general3A_592 = tpu.matmul %get3A_571, %slice3A_590, %dot_general3A_591 {dimension_numbers = #tpu.dot_dimension_numbers<[1], [0], [0], [1], [0, 0, 1, 1], [], []>, transpose_lhs_hint = false} : vector<256x16xf32>, vector<16x256xf32>, vector<256x256xf32> -> vector<256x256xf32>
    %add3A_593 = arith.addf %add3A_589, %dot_general3A_592 : vector<256x256xf32>
    %slice3A_594 = vector.extract_strided_slice %add3A_582 {offsets = [0, 0], sizes = [256, 128], strides = [1, 1]} : vector<256x256xf32> to vector<256x128xf32>
    %slice3A_595 = vector.extract_strided_slice %add3A_61 {offsets = [0, 0], sizes = [256, 128], strides = [1, 1]} : vector<256x256xf32> to vector<256x128xf32>
    %mul3A_596 = arith.mulf %slice3A_594, %slice3A_595 : vector<256x128xf32>
    %reduce_sum3A_597 = arith.constant dense<0.000000e+00> : vector<256xf32>
    %reduce_sum3A_598 = vector.multi_reduction <add>, %mul3A_596, %reduce_sum3A_597 [1] : vector<256x128xf32> to vector<256xf32>
    %broadcast_in_dim3A_599 = vector.shape_cast %reduce_sum3A_598 : vector<256xf32> to vector<256x1xf32>
    %slice3A_600 = vector.extract_strided_slice %add3A_582 {offsets = [0, 128], sizes = [256, 128], strides = [1, 1]} : vector<256x256xf32> to vector<256x128xf32>
    %slice3A_601 = vector.extract_strided_slice %add3A_61 {offsets = [0, 128], sizes = [256, 128], strides = [1, 1]} : vector<256x256xf32> to vector<256x128xf32>
    %mul3A_602 = arith.mulf %slice3A_600, %slice3A_601 : vector<256x128xf32>
    %reduce_sum3A_603 = arith.constant dense<0.000000e+00> : vector<256xf32>
    %reduce_sum3A_604 = vector.multi_reduction <add>, %mul3A_602, %reduce_sum3A_603 [1] : vector<256x128xf32> to vector<256xf32>
    %broadcast_in_dim3A_605 = vector.shape_cast %reduce_sum3A_604 : vector<256xf32> to vector<256x1xf32>
    %slice3A_606 = vector.extract_strided_slice %get3A_67 {offsets = [0, 6], sizes = [256, 1], strides = [1, 1]} : vector<256x10xf32> to vector<256x1xf32>
    %sub3A_607 = arith.subf %get3A_64, %slice3A_606 : vector<256x1xf32>
    %mul3A_608 = vector.broadcast %sub3A_607 : vector<256x1xf32> to vector<256x128xf32>
    %mul3A_609 = vector.broadcast %get3A_13 : vector<1x128xf32> to vector<256x128xf32>
    %mul3A_610 = arith.mulf %mul3A_608, %mul3A_609 : vector<256x128xf32>
    %add3A_611 = vector.broadcast %get3A_16 : vector<1x128xf32> to vector<256x128xf32>
    %add3A_612 = arith.addf %mul3A_610, %add3A_611 : vector<256x128xf32>
    %mul3A_613 = arith.constant 0.159154937 : f32
    %mul3A_614 = vector.broadcast %mul3A_613 : f32 to vector<256x128xf32>
    %mul3A_615 = arith.mulf %add3A_612, %mul3A_614 : vector<256x128xf32>
    %round3A_616 = math.roundeven %mul3A_615 : vector<256x128xf32>
    %sub3A_617 = arith.subf %mul3A_615, %round3A_616 : vector<256x128xf32>
    %mul3A_618 = arith.constant 2.000000e+00 : f32
    %mul3A_619 = vector.broadcast %mul3A_618 : f32 to vector<256x128xf32>
    %mul3A_620 = arith.mulf %mul3A_619, %sub3A_617 : vector<256x128xf32>
    %round3A_621 = math.roundeven %mul3A_620 : vector<256x128xf32>
    %mul3A_622 = arith.constant 5.000000e-01 : f32
    %mul3A_623 = vector.broadcast %mul3A_622 : f32 to vector<256x128xf32>
    %mul3A_624 = arith.mulf %mul3A_623, %round3A_621 : vector<256x128xf32>
    %sub3A_625 = arith.subf %sub3A_617, %mul3A_624 : vector<256x128xf32>
    %mul3A_626 = arith.mulf %sub3A_625, %sub3A_625 : vector<256x128xf32>
    %mul3A_627 = arith.constant 39.4784164 : f32
    %mul3A_628 = vector.broadcast %mul3A_627 : f32 to vector<256x128xf32>
    %mul3A_629 = arith.mulf %mul3A_628, %mul3A_626 : vector<256x128xf32>
    %mul3A_630 = arith.constant 2.48015876E-5 : f32
    %mul3A_631 = vector.broadcast %mul3A_630 : f32 to vector<256x128xf32>
    %mul3A_632 = arith.mulf %mul3A_629, %mul3A_631 : vector<256x128xf32>
    %add3A_633 = arith.constant -0.00138888892 : f32
    %add3A_634 = vector.broadcast %add3A_633 : f32 to vector<256x128xf32>
    %add3A_635 = arith.addf %add3A_634, %mul3A_632 : vector<256x128xf32>
    %mul3A_636 = arith.mulf %mul3A_629, %add3A_635 : vector<256x128xf32>
    %add3A_637 = arith.constant 0.0416666679 : f32
    %add3A_638 = vector.broadcast %add3A_637 : f32 to vector<256x128xf32>
    %add3A_639 = arith.addf %add3A_638, %mul3A_636 : vector<256x128xf32>
    %mul3A_640 = arith.mulf %mul3A_629, %add3A_639 : vector<256x128xf32>
    %add3A_641 = arith.constant -5.000000e-01 : f32
    %add3A_642 = vector.broadcast %add3A_641 : f32 to vector<256x128xf32>
    %add3A_643 = arith.addf %add3A_642, %mul3A_640 : vector<256x128xf32>
    %mul3A_644 = arith.mulf %mul3A_629, %add3A_643 : vector<256x128xf32>
    %add3A_645 = arith.constant 1.000000e+00 : f32
    %add3A_646 = vector.broadcast %add3A_645 : f32 to vector<256x128xf32>
    %add3A_647 = arith.addf %add3A_646, %mul3A_644 : vector<256x128xf32>
    %mul3A_648 = arith.constant 2.000000e+00 : f32
    %mul3A_649 = vector.broadcast %mul3A_648 : f32 to vector<256x128xf32>
    %mul3A_650 = arith.mulf %mul3A_649, %round3A_621 : vector<256x128xf32>
    %mul3A_651 = arith.mulf %mul3A_650, %round3A_621 : vector<256x128xf32>
    %sub3A_652 = arith.constant 1.000000e+00 : f32
    %sub3A_653 = vector.broadcast %sub3A_652 : f32 to vector<256x128xf32>
    %sub3A_654 = arith.subf %sub3A_653, %mul3A_651 : vector<256x128xf32>
    %mul3A_655 = arith.mulf %add3A_647, %sub3A_654 : vector<256x128xf32>
    %get3A_656 = arith.constant 0 : index
    %get3A_657 = arith.constant 0 : index
    %get3A_658 = vector.load %arg8[%get3A_656, %get3A_657] : memref<256x128xf32, #tpu.memory_space<vmem>>, vector<256x128xf32>
    %get3A_659 = arith.constant 0 : index
    %get3A_660 = arith.constant 0 : index
    %get3A_661 = vector.load %arg18[%get3A_659, %get3A_660] : memref<256x16xf32, #tpu.memory_space<vmem>>, vector<256x16xf32>
    %slice3A_662 = vector.extract_strided_slice %get3A_7 {offsets = [0, 0], sizes = [128, 256], strides = [1, 1]} : vector<272x256xf32> to vector<128x256xf32>
    %dot_general3A_663 = arith.constant dense<0.000000e+00> : vector<256x256xf32>
    %dot_general3A_664 = tpu.matmul %get3A_658, %slice3A_662, %dot_general3A_663 {dimension_numbers = #tpu.dot_dimension_numbers<[1], [0], [0], [1], [0, 0, 1, 1], [], []>, transpose_lhs_hint = false} : vector<256x128xf32>, vector<128x256xf32>, vector<256x256xf32> -> vector<256x256xf32>
    %slice3A_665 = vector.extract_strided_slice %get3A_7 {offsets = [128, 0], sizes = [128, 256], strides = [1, 1]} : vector<272x256xf32> to vector<128x256xf32>
    %dot_general3A_666 = arith.constant dense<0.000000e+00> : vector<256x256xf32>
    %dot_general3A_667 = tpu.matmul %mul3A_655, %slice3A_665, %dot_general3A_666 {dimension_numbers = #tpu.dot_dimension_numbers<[1], [0], [0], [1], [0, 0, 1, 1], [], []>, transpose_lhs_hint = false} : vector<256x128xf32>, vector<128x256xf32>, vector<256x256xf32> -> vector<256x256xf32>
    %add3A_668 = arith.addf %dot_general3A_664, %dot_general3A_667 : vector<256x256xf32>
    %slice3A_669 = vector.extract_strided_slice %get3A_7 {offsets = [256, 0], sizes = [16, 256], strides = [1, 1]} : vector<272x256xf32> to vector<16x256xf32>
    %dot_general3A_670 = arith.constant dense<0.000000e+00> : vector<256x256xf32>
    %dot_general3A_671 = tpu.matmul %get3A_661, %slice3A_669, %dot_general3A_670 {dimension_numbers = #tpu.dot_dimension_numbers<[1], [0], [0], [1], [0, 0, 1, 1], [], []>, transpose_lhs_hint = false} : vector<256x16xf32>, vector<16x256xf32>, vector<256x256xf32> -> vector<256x256xf32>
    %add3A_672 = arith.addf %add3A_668, %dot_general3A_671 : vector<256x256xf32>
    %slice3A_673 = vector.extract_strided_slice %get3A_10 {offsets = [0, 0], sizes = [128, 256], strides = [1, 1]} : vector<272x256xf32> to vector<128x256xf32>
    %dot_general3A_674 = arith.constant dense<0.000000e+00> : vector<256x256xf32>
    %dot_general3A_675 = tpu.matmul %get3A_658, %slice3A_673, %dot_general3A_674 {dimension_numbers = #tpu.dot_dimension_numbers<[1], [0], [0], [1], [0, 0, 1, 1], [], []>, transpose_lhs_hint = false} : vector<256x128xf32>, vector<128x256xf32>, vector<256x256xf32> -> vector<256x256xf32>
    %slice3A_676 = vector.extract_strided_slice %get3A_10 {offsets = [128, 0], sizes = [128, 256], strides = [1, 1]} : vector<272x256xf32> to vector<128x256xf32>
    %dot_general3A_677 = arith.constant dense<0.000000e+00> : vector<256x256xf32>
    %dot_general3A_678 = tpu.matmul %mul3A_655, %slice3A_676, %dot_general3A_677 {dimension_numbers = #tpu.dot_dimension_numbers<[1], [0], [0], [1], [0, 0, 1, 1], [], []>, transpose_lhs_hint = false} : vector<256x128xf32>, vector<128x256xf32>, vector<256x256xf32> -> vector<256x256xf32>
    %add3A_679 = arith.addf %dot_general3A_675, %dot_general3A_678 : vector<256x256xf32>
    %slice3A_680 = vector.extract_strided_slice %get3A_10 {offsets = [256, 0], sizes = [16, 256], strides = [1, 1]} : vector<272x256xf32> to vector<16x256xf32>
    %dot_general3A_681 = arith.constant dense<0.000000e+00> : vector<256x256xf32>
    %dot_general3A_682 = tpu.matmul %get3A_661, %slice3A_680, %dot_general3A_681 {dimension_numbers = #tpu.dot_dimension_numbers<[1], [0], [0], [1], [0, 0, 1, 1], [], []>, transpose_lhs_hint = false} : vector<256x16xf32>, vector<16x256xf32>, vector<256x256xf32> -> vector<256x256xf32>
    %add3A_683 = arith.addf %add3A_679, %dot_general3A_682 : vector<256x256xf32>
    %slice3A_684 = vector.extract_strided_slice %add3A_672 {offsets = [0, 0], sizes = [256, 128], strides = [1, 1]} : vector<256x256xf32> to vector<256x128xf32>
    %slice3A_685 = vector.extract_strided_slice %add3A_61 {offsets = [0, 0], sizes = [256, 128], strides = [1, 1]} : vector<256x256xf32> to vector<256x128xf32>
    %mul3A_686 = arith.mulf %slice3A_684, %slice3A_685 : vector<256x128xf32>
    %reduce_sum3A_687 = arith.constant dense<0.000000e+00> : vector<256xf32>
    %reduce_sum3A_688 = vector.multi_reduction <add>, %mul3A_686, %reduce_sum3A_687 [1] : vector<256x128xf32> to vector<256xf32>
    %broadcast_in_dim3A_689 = vector.shape_cast %reduce_sum3A_688 : vector<256xf32> to vector<256x1xf32>
    %slice3A_690 = vector.extract_strided_slice %add3A_672 {offsets = [0, 128], sizes = [256, 128], strides = [1, 1]} : vector<256x256xf32> to vector<256x128xf32>
    %slice3A_691 = vector.extract_strided_slice %add3A_61 {offsets = [0, 128], sizes = [256, 128], strides = [1, 1]} : vector<256x256xf32> to vector<256x128xf32>
    %mul3A_692 = arith.mulf %slice3A_690, %slice3A_691 : vector<256x128xf32>
    %reduce_sum3A_693 = arith.constant dense<0.000000e+00> : vector<256xf32>
    %reduce_sum3A_694 = vector.multi_reduction <add>, %mul3A_692, %reduce_sum3A_693 [1] : vector<256x128xf32> to vector<256xf32>
    %broadcast_in_dim3A_695 = vector.shape_cast %reduce_sum3A_694 : vector<256xf32> to vector<256x1xf32>
    %slice3A_696 = vector.extract_strided_slice %get3A_67 {offsets = [0, 7], sizes = [256, 1], strides = [1, 1]} : vector<256x10xf32> to vector<256x1xf32>
    %sub3A_697 = arith.subf %get3A_64, %slice3A_696 : vector<256x1xf32>
    %mul3A_698 = vector.broadcast %sub3A_697 : vector<256x1xf32> to vector<256x128xf32>
    %mul3A_699 = vector.broadcast %get3A_13 : vector<1x128xf32> to vector<256x128xf32>
    %mul3A_700 = arith.mulf %mul3A_698, %mul3A_699 : vector<256x128xf32>
    %add3A_701 = vector.broadcast %get3A_16 : vector<1x128xf32> to vector<256x128xf32>
    %add3A_702 = arith.addf %mul3A_700, %add3A_701 : vector<256x128xf32>
    %mul3A_703 = arith.constant 0.159154937 : f32
    %mul3A_704 = vector.broadcast %mul3A_703 : f32 to vector<256x128xf32>
    %mul3A_705 = arith.mulf %add3A_702, %mul3A_704 : vector<256x128xf32>
    %round3A_706 = math.roundeven %mul3A_705 : vector<256x128xf32>
    %sub3A_707 = arith.subf %mul3A_705, %round3A_706 : vector<256x128xf32>
    %mul3A_708 = arith.constant 2.000000e+00 : f32
    %mul3A_709 = vector.broadcast %mul3A_708 : f32 to vector<256x128xf32>
    %mul3A_710 = arith.mulf %mul3A_709, %sub3A_707 : vector<256x128xf32>
    %round3A_711 = math.roundeven %mul3A_710 : vector<256x128xf32>
    %mul3A_712 = arith.constant 5.000000e-01 : f32
    %mul3A_713 = vector.broadcast %mul3A_712 : f32 to vector<256x128xf32>
    %mul3A_714 = arith.mulf %mul3A_713, %round3A_711 : vector<256x128xf32>
    %sub3A_715 = arith.subf %sub3A_707, %mul3A_714 : vector<256x128xf32>
    %mul3A_716 = arith.mulf %sub3A_715, %sub3A_715 : vector<256x128xf32>
    %mul3A_717 = arith.constant 39.4784164 : f32
    %mul3A_718 = vector.broadcast %mul3A_717 : f32 to vector<256x128xf32>
    %mul3A_719 = arith.mulf %mul3A_718, %mul3A_716 : vector<256x128xf32>
    %mul3A_720 = arith.constant 2.48015876E-5 : f32
    %mul3A_721 = vector.broadcast %mul3A_720 : f32 to vector<256x128xf32>
    %mul3A_722 = arith.mulf %mul3A_719, %mul3A_721 : vector<256x128xf32>
    %add3A_723 = arith.constant -0.00138888892 : f32
    %add3A_724 = vector.broadcast %add3A_723 : f32 to vector<256x128xf32>
    %add3A_725 = arith.addf %add3A_724, %mul3A_722 : vector<256x128xf32>
    %mul3A_726 = arith.mulf %mul3A_719, %add3A_725 : vector<256x128xf32>
    %add3A_727 = arith.constant 0.0416666679 : f32
    %add3A_728 = vector.broadcast %add3A_727 : f32 to vector<256x128xf32>
    %add3A_729 = arith.addf %add3A_728, %mul3A_726 : vector<256x128xf32>
    %mul3A_730 = arith.mulf %mul3A_719, %add3A_729 : vector<256x128xf32>
    %add3A_731 = arith.constant -5.000000e-01 : f32
    %add3A_732 = vector.broadcast %add3A_731 : f32 to vector<256x128xf32>
    %add3A_733 = arith.addf %add3A_732, %mul3A_730 : vector<256x128xf32>
    %mul3A_734 = arith.mulf %mul3A_719, %add3A_733 : vector<256x128xf32>
    %add3A_735 = arith.constant 1.000000e+00 : f32
    %add3A_736 = vector.broadcast %add3A_735 : f32 to vector<256x128xf32>
    %add3A_737 = arith.addf %add3A_736, %mul3A_734 : vector<256x128xf32>
    %mul3A_738 = arith.constant 2.000000e+00 : f32
    %mul3A_739 = vector.broadcast %mul3A_738 : f32 to vector<256x128xf32>
    %mul3A_740 = arith.mulf %mul3A_739, %round3A_711 : vector<256x128xf32>
    %mul3A_741 = arith.mulf %mul3A_740, %round3A_711 : vector<256x128xf32>
    %sub3A_742 = arith.constant 1.000000e+00 : f32
    %sub3A_743 = vector.broadcast %sub3A_742 : f32 to vector<256x128xf32>
    %sub3A_744 = arith.subf %sub3A_743, %mul3A_741 : vector<256x128xf32>
    %mul3A_745 = arith.mulf %add3A_737, %sub3A_744 : vector<256x128xf32>
    %get3A_746 = arith.constant 0 : index
    %get3A_747 = arith.constant 0 : index
    %get3A_748 = vector.load %arg9[%get3A_746, %get3A_747] : memref<256x128xf32, #tpu.memory_space<vmem>>, vector<256x128xf32>
    %get3A_749 = arith.constant 0 : index
    %get3A_750 = arith.constant 0 : index
    %get3A_751 = vector.load %arg19[%get3A_749, %get3A_750] : memref<256x16xf32, #tpu.memory_space<vmem>>, vector<256x16xf32>
    %slice3A_752 = vector.extract_strided_slice %get3A_7 {offsets = [0, 0], sizes = [128, 256], strides = [1, 1]} : vector<272x256xf32> to vector<128x256xf32>
    %dot_general3A_753 = arith.constant dense<0.000000e+00> : vector<256x256xf32>
    %dot_general3A_754 = tpu.matmul %get3A_748, %slice3A_752, %dot_general3A_753 {dimension_numbers = #tpu.dot_dimension_numbers<[1], [0], [0], [1], [0, 0, 1, 1], [], []>, transpose_lhs_hint = false} : vector<256x128xf32>, vector<128x256xf32>, vector<256x256xf32> -> vector<256x256xf32>
    %slice3A_755 = vector.extract_strided_slice %get3A_7 {offsets = [128, 0], sizes = [128, 256], strides = [1, 1]} : vector<272x256xf32> to vector<128x256xf32>
    %dot_general3A_756 = arith.constant dense<0.000000e+00> : vector<256x256xf32>
    %dot_general3A_757 = tpu.matmul %mul3A_745, %slice3A_755, %dot_general3A_756 {dimension_numbers = #tpu.dot_dimension_numbers<[1], [0], [0], [1], [0, 0, 1, 1], [], []>, transpose_lhs_hint = false} : vector<256x128xf32>, vector<128x256xf32>, vector<256x256xf32> -> vector<256x256xf32>
    %add3A_758 = arith.addf %dot_general3A_754, %dot_general3A_757 : vector<256x256xf32>
    %slice3A_759 = vector.extract_strided_slice %get3A_7 {offsets = [256, 0], sizes = [16, 256], strides = [1, 1]} : vector<272x256xf32> to vector<16x256xf32>
    %dot_general3A_760 = arith.constant dense<0.000000e+00> : vector<256x256xf32>
    %dot_general3A_761 = tpu.matmul %get3A_751, %slice3A_759, %dot_general3A_760 {dimension_numbers = #tpu.dot_dimension_numbers<[1], [0], [0], [1], [0, 0, 1, 1], [], []>, transpose_lhs_hint = false} : vector<256x16xf32>, vector<16x256xf32>, vector<256x256xf32> -> vector<256x256xf32>
    %add3A_762 = arith.addf %add3A_758, %dot_general3A_761 : vector<256x256xf32>
    %slice3A_763 = vector.extract_strided_slice %get3A_10 {offsets = [0, 0], sizes = [128, 256], strides = [1, 1]} : vector<272x256xf32> to vector<128x256xf32>
    %dot_general3A_764 = arith.constant dense<0.000000e+00> : vector<256x256xf32>
    %dot_general3A_765 = tpu.matmul %get3A_748, %slice3A_763, %dot_general3A_764 {dimension_numbers = #tpu.dot_dimension_numbers<[1], [0], [0], [1], [0, 0, 1, 1], [], []>, transpose_lhs_hint = false} : vector<256x128xf32>, vector<128x256xf32>, vector<256x256xf32> -> vector<256x256xf32>
    %slice3A_766 = vector.extract_strided_slice %get3A_10 {offsets = [128, 0], sizes = [128, 256], strides = [1, 1]} : vector<272x256xf32> to vector<128x256xf32>
    %dot_general3A_767 = arith.constant dense<0.000000e+00> : vector<256x256xf32>
    %dot_general3A_768 = tpu.matmul %mul3A_745, %slice3A_766, %dot_general3A_767 {dimension_numbers = #tpu.dot_dimension_numbers<[1], [0], [0], [1], [0, 0, 1, 1], [], []>, transpose_lhs_hint = false} : vector<256x128xf32>, vector<128x256xf32>, vector<256x256xf32> -> vector<256x256xf32>
    %add3A_769 = arith.addf %dot_general3A_765, %dot_general3A_768 : vector<256x256xf32>
    %slice3A_770 = vector.extract_strided_slice %get3A_10 {offsets = [256, 0], sizes = [16, 256], strides = [1, 1]} : vector<272x256xf32> to vector<16x256xf32>
    %dot_general3A_771 = arith.constant dense<0.000000e+00> : vector<256x256xf32>
    %dot_general3A_772 = tpu.matmul %get3A_751, %slice3A_770, %dot_general3A_771 {dimension_numbers = #tpu.dot_dimension_numbers<[1], [0], [0], [1], [0, 0, 1, 1], [], []>, transpose_lhs_hint = false} : vector<256x16xf32>, vector<16x256xf32>, vector<256x256xf32> -> vector<256x256xf32>
    %add3A_773 = arith.addf %add3A_769, %dot_general3A_772 : vector<256x256xf32>
    %slice3A_774 = vector.extract_strided_slice %add3A_762 {offsets = [0, 0], sizes = [256, 128], strides = [1, 1]} : vector<256x256xf32> to vector<256x128xf32>
    %slice3A_775 = vector.extract_strided_slice %add3A_61 {offsets = [0, 0], sizes = [256, 128], strides = [1, 1]} : vector<256x256xf32> to vector<256x128xf32>
    %mul3A_776 = arith.mulf %slice3A_774, %slice3A_775 : vector<256x128xf32>
    %reduce_sum3A_777 = arith.constant dense<0.000000e+00> : vector<256xf32>
    %reduce_sum3A_778 = vector.multi_reduction <add>, %mul3A_776, %reduce_sum3A_777 [1] : vector<256x128xf32> to vector<256xf32>
    %broadcast_in_dim3A_779 = vector.shape_cast %reduce_sum3A_778 : vector<256xf32> to vector<256x1xf32>
    %slice3A_780 = vector.extract_strided_slice %add3A_762 {offsets = [0, 128], sizes = [256, 128], strides = [1, 1]} : vector<256x256xf32> to vector<256x128xf32>
    %slice3A_781 = vector.extract_strided_slice %add3A_61 {offsets = [0, 128], sizes = [256, 128], strides = [1, 1]} : vector<256x256xf32> to vector<256x128xf32>
    %mul3A_782 = arith.mulf %slice3A_780, %slice3A_781 : vector<256x128xf32>
    %reduce_sum3A_783 = arith.constant dense<0.000000e+00> : vector<256xf32>
    %reduce_sum3A_784 = vector.multi_reduction <add>, %mul3A_782, %reduce_sum3A_783 [1] : vector<256x128xf32> to vector<256xf32>
    %broadcast_in_dim3A_785 = vector.shape_cast %reduce_sum3A_784 : vector<256xf32> to vector<256x1xf32>
    %slice3A_786 = vector.extract_strided_slice %get3A_67 {offsets = [0, 8], sizes = [256, 1], strides = [1, 1]} : vector<256x10xf32> to vector<256x1xf32>
    %sub3A_787 = arith.subf %get3A_64, %slice3A_786 : vector<256x1xf32>
    %mul3A_788 = vector.broadcast %sub3A_787 : vector<256x1xf32> to vector<256x128xf32>
    %mul3A_789 = vector.broadcast %get3A_13 : vector<1x128xf32> to vector<256x128xf32>
    %mul3A_790 = arith.mulf %mul3A_788, %mul3A_789 : vector<256x128xf32>
    %add3A_791 = vector.broadcast %get3A_16 : vector<1x128xf32> to vector<256x128xf32>
    %add3A_792 = arith.addf %mul3A_790, %add3A_791 : vector<256x128xf32>
    %mul3A_793 = arith.constant 0.159154937 : f32
    %mul3A_794 = vector.broadcast %mul3A_793 : f32 to vector<256x128xf32>
    %mul3A_795 = arith.mulf %add3A_792, %mul3A_794 : vector<256x128xf32>
    %round3A_796 = math.roundeven %mul3A_795 : vector<256x128xf32>
    %sub3A_797 = arith.subf %mul3A_795, %round3A_796 : vector<256x128xf32>
    %mul3A_798 = arith.constant 2.000000e+00 : f32
    %mul3A_799 = vector.broadcast %mul3A_798 : f32 to vector<256x128xf32>
    %mul3A_800 = arith.mulf %mul3A_799, %sub3A_797 : vector<256x128xf32>
    %round3A_801 = math.roundeven %mul3A_800 : vector<256x128xf32>
    %mul3A_802 = arith.constant 5.000000e-01 : f32
    %mul3A_803 = vector.broadcast %mul3A_802 : f32 to vector<256x128xf32>
    %mul3A_804 = arith.mulf %mul3A_803, %round3A_801 : vector<256x128xf32>
    %sub3A_805 = arith.subf %sub3A_797, %mul3A_804 : vector<256x128xf32>
    %mul3A_806 = arith.mulf %sub3A_805, %sub3A_805 : vector<256x128xf32>
    %mul3A_807 = arith.constant 39.4784164 : f32
    %mul3A_808 = vector.broadcast %mul3A_807 : f32 to vector<256x128xf32>
    %mul3A_809 = arith.mulf %mul3A_808, %mul3A_806 : vector<256x128xf32>
    %mul3A_810 = arith.constant 2.48015876E-5 : f32
    %mul3A_811 = vector.broadcast %mul3A_810 : f32 to vector<256x128xf32>
    %mul3A_812 = arith.mulf %mul3A_809, %mul3A_811 : vector<256x128xf32>
    %add3A_813 = arith.constant -0.00138888892 : f32
    %add3A_814 = vector.broadcast %add3A_813 : f32 to vector<256x128xf32>
    %add3A_815 = arith.addf %add3A_814, %mul3A_812 : vector<256x128xf32>
    %mul3A_816 = arith.mulf %mul3A_809, %add3A_815 : vector<256x128xf32>
    %add3A_817 = arith.constant 0.0416666679 : f32
    %add3A_818 = vector.broadcast %add3A_817 : f32 to vector<256x128xf32>
    %add3A_819 = arith.addf %add3A_818, %mul3A_816 : vector<256x128xf32>
    %mul3A_820 = arith.mulf %mul3A_809, %add3A_819 : vector<256x128xf32>
    %add3A_821 = arith.constant -5.000000e-01 : f32
    %add3A_822 = vector.broadcast %add3A_821 : f32 to vector<256x128xf32>
    %add3A_823 = arith.addf %add3A_822, %mul3A_820 : vector<256x128xf32>
    %mul3A_824 = arith.mulf %mul3A_809, %add3A_823 : vector<256x128xf32>
    %add3A_825 = arith.constant 1.000000e+00 : f32
    %add3A_826 = vector.broadcast %add3A_825 : f32 to vector<256x128xf32>
    %add3A_827 = arith.addf %add3A_826, %mul3A_824 : vector<256x128xf32>
    %mul3A_828 = arith.constant 2.000000e+00 : f32
    %mul3A_829 = vector.broadcast %mul3A_828 : f32 to vector<256x128xf32>
    %mul3A_830 = arith.mulf %mul3A_829, %round3A_801 : vector<256x128xf32>
    %mul3A_831 = arith.mulf %mul3A_830, %round3A_801 : vector<256x128xf32>
    %sub3A_832 = arith.constant 1.000000e+00 : f32
    %sub3A_833 = vector.broadcast %sub3A_832 : f32 to vector<256x128xf32>
    %sub3A_834 = arith.subf %sub3A_833, %mul3A_831 : vector<256x128xf32>
    %mul3A_835 = arith.mulf %add3A_827, %sub3A_834 : vector<256x128xf32>
    %get3A_836 = arith.constant 0 : index
    %get3A_837 = arith.constant 0 : index
    %get3A_838 = vector.load %arg10[%get3A_836, %get3A_837] : memref<256x128xf32, #tpu.memory_space<vmem>>, vector<256x128xf32>
    %get3A_839 = arith.constant 0 : index
    %get3A_840 = arith.constant 0 : index
    %get3A_841 = vector.load %arg20[%get3A_839, %get3A_840] : memref<256x16xf32, #tpu.memory_space<vmem>>, vector<256x16xf32>
    %slice3A_842 = vector.extract_strided_slice %get3A_7 {offsets = [0, 0], sizes = [128, 256], strides = [1, 1]} : vector<272x256xf32> to vector<128x256xf32>
    %dot_general3A_843 = arith.constant dense<0.000000e+00> : vector<256x256xf32>
    %dot_general3A_844 = tpu.matmul %get3A_838, %slice3A_842, %dot_general3A_843 {dimension_numbers = #tpu.dot_dimension_numbers<[1], [0], [0], [1], [0, 0, 1, 1], [], []>, transpose_lhs_hint = false} : vector<256x128xf32>, vector<128x256xf32>, vector<256x256xf32> -> vector<256x256xf32>
    %slice3A_845 = vector.extract_strided_slice %get3A_7 {offsets = [128, 0], sizes = [128, 256], strides = [1, 1]} : vector<272x256xf32> to vector<128x256xf32>
    %dot_general3A_846 = arith.constant dense<0.000000e+00> : vector<256x256xf32>
    %dot_general3A_847 = tpu.matmul %mul3A_835, %slice3A_845, %dot_general3A_846 {dimension_numbers = #tpu.dot_dimension_numbers<[1], [0], [0], [1], [0, 0, 1, 1], [], []>, transpose_lhs_hint = false} : vector<256x128xf32>, vector<128x256xf32>, vector<256x256xf32> -> vector<256x256xf32>
    %add3A_848 = arith.addf %dot_general3A_844, %dot_general3A_847 : vector<256x256xf32>
    %slice3A_849 = vector.extract_strided_slice %get3A_7 {offsets = [256, 0], sizes = [16, 256], strides = [1, 1]} : vector<272x256xf32> to vector<16x256xf32>
    %dot_general3A_850 = arith.constant dense<0.000000e+00> : vector<256x256xf32>
    %dot_general3A_851 = tpu.matmul %get3A_841, %slice3A_849, %dot_general3A_850 {dimension_numbers = #tpu.dot_dimension_numbers<[1], [0], [0], [1], [0, 0, 1, 1], [], []>, transpose_lhs_hint = false} : vector<256x16xf32>, vector<16x256xf32>, vector<256x256xf32> -> vector<256x256xf32>
    %add3A_852 = arith.addf %add3A_848, %dot_general3A_851 : vector<256x256xf32>
    %slice3A_853 = vector.extract_strided_slice %get3A_10 {offsets = [0, 0], sizes = [128, 256], strides = [1, 1]} : vector<272x256xf32> to vector<128x256xf32>
    %dot_general3A_854 = arith.constant dense<0.000000e+00> : vector<256x256xf32>
    %dot_general3A_855 = tpu.matmul %get3A_838, %slice3A_853, %dot_general3A_854 {dimension_numbers = #tpu.dot_dimension_numbers<[1], [0], [0], [1], [0, 0, 1, 1], [], []>, transpose_lhs_hint = false} : vector<256x128xf32>, vector<128x256xf32>, vector<256x256xf32> -> vector<256x256xf32>
    %slice3A_856 = vector.extract_strided_slice %get3A_10 {offsets = [128, 0], sizes = [128, 256], strides = [1, 1]} : vector<272x256xf32> to vector<128x256xf32>
    %dot_general3A_857 = arith.constant dense<0.000000e+00> : vector<256x256xf32>
    %dot_general3A_858 = tpu.matmul %mul3A_835, %slice3A_856, %dot_general3A_857 {dimension_numbers = #tpu.dot_dimension_numbers<[1], [0], [0], [1], [0, 0, 1, 1], [], []>, transpose_lhs_hint = false} : vector<256x128xf32>, vector<128x256xf32>, vector<256x256xf32> -> vector<256x256xf32>
    %add3A_859 = arith.addf %dot_general3A_855, %dot_general3A_858 : vector<256x256xf32>
    %slice3A_860 = vector.extract_strided_slice %get3A_10 {offsets = [256, 0], sizes = [16, 256], strides = [1, 1]} : vector<272x256xf32> to vector<16x256xf32>
    %dot_general3A_861 = arith.constant dense<0.000000e+00> : vector<256x256xf32>
    %dot_general3A_862 = tpu.matmul %get3A_841, %slice3A_860, %dot_general3A_861 {dimension_numbers = #tpu.dot_dimension_numbers<[1], [0], [0], [1], [0, 0, 1, 1], [], []>, transpose_lhs_hint = false} : vector<256x16xf32>, vector<16x256xf32>, vector<256x256xf32> -> vector<256x256xf32>
    %add3A_863 = arith.addf %add3A_859, %dot_general3A_862 : vector<256x256xf32>
    %slice3A_864 = vector.extract_strided_slice %add3A_852 {offsets = [0, 0], sizes = [256, 128], strides = [1, 1]} : vector<256x256xf32> to vector<256x128xf32>
    %slice3A_865 = vector.extract_strided_slice %add3A_61 {offsets = [0, 0], sizes = [256, 128], strides = [1, 1]} : vector<256x256xf32> to vector<256x128xf32>
    %mul3A_866 = arith.mulf %slice3A_864, %slice3A_865 : vector<256x128xf32>
    %reduce_sum3A_867 = arith.constant dense<0.000000e+00> : vector<256xf32>
    %reduce_sum3A_868 = vector.multi_reduction <add>, %mul3A_866, %reduce_sum3A_867 [1] : vector<256x128xf32> to vector<256xf32>
    %broadcast_in_dim3A_869 = vector.shape_cast %reduce_sum3A_868 : vector<256xf32> to vector<256x1xf32>
    %slice3A_870 = vector.extract_strided_slice %add3A_852 {offsets = [0, 128], sizes = [256, 128], strides = [1, 1]} : vector<256x256xf32> to vector<256x128xf32>
    %slice3A_871 = vector.extract_strided_slice %add3A_61 {offsets = [0, 128], sizes = [256, 128], strides = [1, 1]} : vector<256x256xf32> to vector<256x128xf32>
    %mul3A_872 = arith.mulf %slice3A_870, %slice3A_871 : vector<256x128xf32>
    %reduce_sum3A_873 = arith.constant dense<0.000000e+00> : vector<256xf32>
    %reduce_sum3A_874 = vector.multi_reduction <add>, %mul3A_872, %reduce_sum3A_873 [1] : vector<256x128xf32> to vector<256xf32>
    %broadcast_in_dim3A_875 = vector.shape_cast %reduce_sum3A_874 : vector<256xf32> to vector<256x1xf32>
    %slice3A_876 = vector.extract_strided_slice %get3A_67 {offsets = [0, 9], sizes = [256, 1], strides = [1, 1]} : vector<256x10xf32> to vector<256x1xf32>
    %sub3A_877 = arith.subf %get3A_64, %slice3A_876 : vector<256x1xf32>
    %mul3A_878 = vector.broadcast %sub3A_877 : vector<256x1xf32> to vector<256x128xf32>
    %mul3A_879 = vector.broadcast %get3A_13 : vector<1x128xf32> to vector<256x128xf32>
    %mul3A_880 = arith.mulf %mul3A_878, %mul3A_879 : vector<256x128xf32>
    %add3A_881 = vector.broadcast %get3A_16 : vector<1x128xf32> to vector<256x128xf32>
    %add3A_882 = arith.addf %mul3A_880, %add3A_881 : vector<256x128xf32>
    %mul3A_883 = arith.constant 0.159154937 : f32
    %mul3A_884 = vector.broadcast %mul3A_883 : f32 to vector<256x128xf32>
    %mul3A_885 = arith.mulf %add3A_882, %mul3A_884 : vector<256x128xf32>
    %round3A_886 = math.roundeven %mul3A_885 : vector<256x128xf32>
    %sub3A_887 = arith.subf %mul3A_885, %round3A_886 : vector<256x128xf32>
    %mul3A_888 = arith.constant 2.000000e+00 : f32
    %mul3A_889 = vector.broadcast %mul3A_888 : f32 to vector<256x128xf32>
    %mul3A_890 = arith.mulf %mul3A_889, %sub3A_887 : vector<256x128xf32>
    %round3A_891 = math.roundeven %mul3A_890 : vector<256x128xf32>
    %mul3A_892 = arith.constant 5.000000e-01 : f32
    %mul3A_893 = vector.broadcast %mul3A_892 : f32 to vector<256x128xf32>
    %mul3A_894 = arith.mulf %mul3A_893, %round3A_891 : vector<256x128xf32>
    %sub3A_895 = arith.subf %sub3A_887, %mul3A_894 : vector<256x128xf32>
    %mul3A_896 = arith.mulf %sub3A_895, %sub3A_895 : vector<256x128xf32>
    %mul3A_897 = arith.constant 39.4784164 : f32
    %mul3A_898 = vector.broadcast %mul3A_897 : f32 to vector<256x128xf32>
    %mul3A_899 = arith.mulf %mul3A_898, %mul3A_896 : vector<256x128xf32>
    %mul3A_900 = arith.constant 2.48015876E-5 : f32
    %mul3A_901 = vector.broadcast %mul3A_900 : f32 to vector<256x128xf32>
    %mul3A_902 = arith.mulf %mul3A_899, %mul3A_901 : vector<256x128xf32>
    %add3A_903 = arith.constant -0.00138888892 : f32
    %add3A_904 = vector.broadcast %add3A_903 : f32 to vector<256x128xf32>
    %add3A_905 = arith.addf %add3A_904, %mul3A_902 : vector<256x128xf32>
    %mul3A_906 = arith.mulf %mul3A_899, %add3A_905 : vector<256x128xf32>
    %add3A_907 = arith.constant 0.0416666679 : f32
    %add3A_908 = vector.broadcast %add3A_907 : f32 to vector<256x128xf32>
    %add3A_909 = arith.addf %add3A_908, %mul3A_906 : vector<256x128xf32>
    %mul3A_910 = arith.mulf %mul3A_899, %add3A_909 : vector<256x128xf32>
    %add3A_911 = arith.constant -5.000000e-01 : f32
    %add3A_912 = vector.broadcast %add3A_911 : f32 to vector<256x128xf32>
    %add3A_913 = arith.addf %add3A_912, %mul3A_910 : vector<256x128xf32>
    %mul3A_914 = arith.mulf %mul3A_899, %add3A_913 : vector<256x128xf32>
    %add3A_915 = arith.constant 1.000000e+00 : f32
    %add3A_916 = vector.broadcast %add3A_915 : f32 to vector<256x128xf32>
    %add3A_917 = arith.addf %add3A_916, %mul3A_914 : vector<256x128xf32>
    %mul3A_918 = arith.constant 2.000000e+00 : f32
    %mul3A_919 = vector.broadcast %mul3A_918 : f32 to vector<256x128xf32>
    %mul3A_920 = arith.mulf %mul3A_919, %round3A_891 : vector<256x128xf32>
    %mul3A_921 = arith.mulf %mul3A_920, %round3A_891 : vector<256x128xf32>
    %sub3A_922 = arith.constant 1.000000e+00 : f32
    %sub3A_923 = vector.broadcast %sub3A_922 : f32 to vector<256x128xf32>
    %sub3A_924 = arith.subf %sub3A_923, %mul3A_921 : vector<256x128xf32>
    %mul3A_925 = arith.mulf %add3A_917, %sub3A_924 : vector<256x128xf32>
    %get3A_926 = arith.constant 0 : index
    %get3A_927 = arith.constant 0 : index
    %get3A_928 = vector.load %arg11[%get3A_926, %get3A_927] : memref<256x128xf32, #tpu.memory_space<vmem>>, vector<256x128xf32>
    %get3A_929 = arith.constant 0 : index
    %get3A_930 = arith.constant 0 : index
    %get3A_931 = vector.load %arg21[%get3A_929, %get3A_930] : memref<256x16xf32, #tpu.memory_space<vmem>>, vector<256x16xf32>
    %slice3A_932 = vector.extract_strided_slice %get3A_7 {offsets = [0, 0], sizes = [128, 256], strides = [1, 1]} : vector<272x256xf32> to vector<128x256xf32>
    %dot_general3A_933 = arith.constant dense<0.000000e+00> : vector<256x256xf32>
    %dot_general3A_934 = tpu.matmul %get3A_928, %slice3A_932, %dot_general3A_933 {dimension_numbers = #tpu.dot_dimension_numbers<[1], [0], [0], [1], [0, 0, 1, 1], [], []>, transpose_lhs_hint = false} : vector<256x128xf32>, vector<128x256xf32>, vector<256x256xf32> -> vector<256x256xf32>
    %slice3A_935 = vector.extract_strided_slice %get3A_7 {offsets = [128, 0], sizes = [128, 256], strides = [1, 1]} : vector<272x256xf32> to vector<128x256xf32>
    %dot_general3A_936 = arith.constant dense<0.000000e+00> : vector<256x256xf32>
    %dot_general3A_937 = tpu.matmul %mul3A_925, %slice3A_935, %dot_general3A_936 {dimension_numbers = #tpu.dot_dimension_numbers<[1], [0], [0], [1], [0, 0, 1, 1], [], []>, transpose_lhs_hint = false} : vector<256x128xf32>, vector<128x256xf32>, vector<256x256xf32> -> vector<256x256xf32>
    %add3A_938 = arith.addf %dot_general3A_934, %dot_general3A_937 : vector<256x256xf32>
    %slice3A_939 = vector.extract_strided_slice %get3A_7 {offsets = [256, 0], sizes = [16, 256], strides = [1, 1]} : vector<272x256xf32> to vector<16x256xf32>
    %dot_general3A_940 = arith.constant dense<0.000000e+00> : vector<256x256xf32>
    %dot_general3A_941 = tpu.matmul %get3A_931, %slice3A_939, %dot_general3A_940 {dimension_numbers = #tpu.dot_dimension_numbers<[1], [0], [0], [1], [0, 0, 1, 1], [], []>, transpose_lhs_hint = false} : vector<256x16xf32>, vector<16x256xf32>, vector<256x256xf32> -> vector<256x256xf32>
    %add3A_942 = arith.addf %add3A_938, %dot_general3A_941 : vector<256x256xf32>
    %slice3A_943 = vector.extract_strided_slice %get3A_10 {offsets = [0, 0], sizes = [128, 256], strides = [1, 1]} : vector<272x256xf32> to vector<128x256xf32>
    %dot_general3A_944 = arith.constant dense<0.000000e+00> : vector<256x256xf32>
    %dot_general3A_945 = tpu.matmul %get3A_928, %slice3A_943, %dot_general3A_944 {dimension_numbers = #tpu.dot_dimension_numbers<[1], [0], [0], [1], [0, 0, 1, 1], [], []>, transpose_lhs_hint = false} : vector<256x128xf32>, vector<128x256xf32>, vector<256x256xf32> -> vector<256x256xf32>
    %slice3A_946 = vector.extract_strided_slice %get3A_10 {offsets = [128, 0], sizes = [128, 256], strides = [1, 1]} : vector<272x256xf32> to vector<128x256xf32>
    %dot_general3A_947 = arith.constant dense<0.000000e+00> : vector<256x256xf32>
    %dot_general3A_948 = tpu.matmul %mul3A_925, %slice3A_946, %dot_general3A_947 {dimension_numbers = #tpu.dot_dimension_numbers<[1], [0], [0], [1], [0, 0, 1, 1], [], []>, transpose_lhs_hint = false} : vector<256x128xf32>, vector<128x256xf32>, vector<256x256xf32> -> vector<256x256xf32>
    %add3A_949 = arith.addf %dot_general3A_945, %dot_general3A_948 : vector<256x256xf32>
    %slice3A_950 = vector.extract_strided_slice %get3A_10 {offsets = [256, 0], sizes = [16, 256], strides = [1, 1]} : vector<272x256xf32> to vector<16x256xf32>
    %dot_general3A_951 = arith.constant dense<0.000000e+00> : vector<256x256xf32>
    %dot_general3A_952 = tpu.matmul %get3A_931, %slice3A_950, %dot_general3A_951 {dimension_numbers = #tpu.dot_dimension_numbers<[1], [0], [0], [1], [0, 0, 1, 1], [], []>, transpose_lhs_hint = false} : vector<256x16xf32>, vector<16x256xf32>, vector<256x256xf32> -> vector<256x256xf32>
    %add3A_953 = arith.addf %add3A_949, %dot_general3A_952 : vector<256x256xf32>
    %slice3A_954 = vector.extract_strided_slice %add3A_942 {offsets = [0, 0], sizes = [256, 128], strides = [1, 1]} : vector<256x256xf32> to vector<256x128xf32>
    %slice3A_955 = vector.extract_strided_slice %add3A_61 {offsets = [0, 0], sizes = [256, 128], strides = [1, 1]} : vector<256x256xf32> to vector<256x128xf32>
    %mul3A_956 = arith.mulf %slice3A_954, %slice3A_955 : vector<256x128xf32>
    %reduce_sum3A_957 = arith.constant dense<0.000000e+00> : vector<256xf32>
    %reduce_sum3A_958 = vector.multi_reduction <add>, %mul3A_956, %reduce_sum3A_957 [1] : vector<256x128xf32> to vector<256xf32>
    %broadcast_in_dim3A_959 = vector.shape_cast %reduce_sum3A_958 : vector<256xf32> to vector<256x1xf32>
    %slice3A_960 = vector.extract_strided_slice %add3A_942 {offsets = [0, 128], sizes = [256, 128], strides = [1, 1]} : vector<256x256xf32> to vector<256x128xf32>
    %slice3A_961 = vector.extract_strided_slice %add3A_61 {offsets = [0, 128], sizes = [256, 128], strides = [1, 1]} : vector<256x256xf32> to vector<256x128xf32>
    %mul3A_962 = arith.mulf %slice3A_960, %slice3A_961 : vector<256x128xf32>
    %reduce_sum3A_963 = arith.constant dense<0.000000e+00> : vector<256xf32>
    %reduce_sum3A_964 = vector.multi_reduction <add>, %mul3A_962, %reduce_sum3A_963 [1] : vector<256x128xf32> to vector<256xf32>
    %broadcast_in_dim3A_965 = vector.shape_cast %reduce_sum3A_964 : vector<256xf32> to vector<256x1xf32>
    %concatenate3A = tpu.concatenate %broadcast_in_dim3A, %broadcast_in_dim3A_239, %broadcast_in_dim3A_329, %broadcast_in_dim3A_419, %broadcast_in_dim3A_509, %broadcast_in_dim3A_599, %broadcast_in_dim3A_689, %broadcast_in_dim3A_779, %broadcast_in_dim3A_869, %broadcast_in_dim3A_959 in 1 : vector<256x1xf32>, vector<256x1xf32>, vector<256x1xf32>, vector<256x1xf32>, vector<256x1xf32>, vector<256x1xf32>, vector<256x1xf32>, vector<256x1xf32>, vector<256x1xf32>, vector<256x1xf32> -> vector<256x10xf32>
    %mul3A_966 = arith.constant 0.0883883461 : f32
    %mul3A_967 = vector.broadcast %mul3A_966 : f32 to vector<256x10xf32>
    %mul3A_968 = arith.mulf %concatenate3A, %mul3A_967 : vector<256x10xf32>
    %concatenate3A_969 = tpu.concatenate %broadcast_in_dim3A_155, %broadcast_in_dim3A_245, %broadcast_in_dim3A_335, %broadcast_in_dim3A_425, %broadcast_in_dim3A_515, %broadcast_in_dim3A_605, %broadcast_in_dim3A_695, %broadcast_in_dim3A_785, %broadcast_in_dim3A_875, %broadcast_in_dim3A_965 in 1 : vector<256x1xf32>, vector<256x1xf32>, vector<256x1xf32>, vector<256x1xf32>, vector<256x1xf32>, vector<256x1xf32>, vector<256x1xf32>, vector<256x1xf32>, vector<256x1xf32>, vector<256x1xf32> -> vector<256x10xf32>
    %mul3A_970 = arith.constant 0.0883883461 : f32
    %mul3A_971 = vector.broadcast %mul3A_970 : f32 to vector<256x10xf32>
    %mul3A_972 = arith.mulf %concatenate3A_969, %mul3A_971 : vector<256x10xf32>
    %reduce_max3A = arith.constant dense<0xFF800000> : vector<256xf32>
    %reduce_max3A_973 = vector.multi_reduction <maximumf>, %mul3A_968, %reduce_max3A [1] : vector<256x10xf32> to vector<256xf32>
    %max3A = arith.constant 0xFF800000 : f32
    %max3A_974 = vector.broadcast %max3A : f32 to vector<256xf32>
    %max3A_975 = arith.maximumf %max3A_974, %reduce_max3A_973 : vector<256xf32>
    %broadcast_in_dim3A_976 = vector.shape_cast %max3A_975 : vector<256xf32> to vector<256x1xf32>
    %sub3A_977 = vector.broadcast %broadcast_in_dim3A_976 : vector<256x1xf32> to vector<256x10xf32>
    %sub3A_978 = arith.subf %mul3A_968, %sub3A_977 : vector<256x10xf32>
    %exp3A = math.exp %sub3A_978 : vector<256x10xf32>
    %reduce_sum3A_979 = arith.constant dense<0.000000e+00> : vector<256xf32>
    %reduce_sum3A_980 = vector.multi_reduction <add>, %exp3A, %reduce_sum3A_979 [1] : vector<256x10xf32> to vector<256xf32>
    %broadcast_in_dim3A_981 = vector.shape_cast %reduce_sum3A_980 : vector<256xf32> to vector<256x1xf32>
    %div3A = vector.broadcast %broadcast_in_dim3A_981 : vector<256x1xf32> to vector<256x10xf32>
    %div3A_982 = arith.divf %exp3A, %div3A : vector<256x10xf32>
    %reduce_max3A_983 = arith.constant dense<0xFF800000> : vector<256xf32>
    %reduce_max3A_984 = vector.multi_reduction <maximumf>, %mul3A_972, %reduce_max3A_983 [1] : vector<256x10xf32> to vector<256xf32>
    %max3A_985 = arith.constant 0xFF800000 : f32
    %max3A_986 = vector.broadcast %max3A_985 : f32 to vector<256xf32>
    %max3A_987 = arith.maximumf %max3A_986, %reduce_max3A_984 : vector<256xf32>
    %broadcast_in_dim3A_988 = vector.shape_cast %max3A_987 : vector<256xf32> to vector<256x1xf32>
    %sub3A_989 = vector.broadcast %broadcast_in_dim3A_988 : vector<256x1xf32> to vector<256x10xf32>
    %sub3A_990 = arith.subf %mul3A_972, %sub3A_989 : vector<256x10xf32>
    %exp3A_991 = math.exp %sub3A_990 : vector<256x10xf32>
    %reduce_sum3A_992 = arith.constant dense<0.000000e+00> : vector<256xf32>
    %reduce_sum3A_993 = vector.multi_reduction <add>, %exp3A_991, %reduce_sum3A_992 [1] : vector<256x10xf32> to vector<256xf32>
    %broadcast_in_dim3A_994 = vector.shape_cast %reduce_sum3A_993 : vector<256xf32> to vector<256x1xf32>
    %div3A_995 = vector.broadcast %broadcast_in_dim3A_994 : vector<256x1xf32> to vector<256x10xf32>
    %div3A_996 = arith.divf %exp3A_991, %div3A_995 : vector<256x10xf32>
    %slice3A_997 = vector.extract_strided_slice %div3A_982 {offsets = [0, 0], sizes = [256, 1], strides = [1, 1]} : vector<256x10xf32> to vector<256x1xf32>
    %slice3A_998 = vector.extract_strided_slice %add3A_145 {offsets = [0, 0], sizes = [256, 128], strides = [1, 1]} : vector<256x256xf32> to vector<256x128xf32>
    %mul3A_999 = vector.broadcast %slice3A_997 : vector<256x1xf32> to vector<256x128xf32>
    %mul3A_1000 = arith.mulf %mul3A_999, %slice3A_998 : vector<256x128xf32>
    %slice3A_1001 = vector.extract_strided_slice %div3A_996 {offsets = [0, 0], sizes = [256, 1], strides = [1, 1]} : vector<256x10xf32> to vector<256x1xf32>
    %slice3A_1002 = vector.extract_strided_slice %add3A_145 {offsets = [0, 128], sizes = [256, 128], strides = [1, 1]} : vector<256x256xf32> to vector<256x128xf32>
    %mul3A_1003 = vector.broadcast %slice3A_1001 : vector<256x1xf32> to vector<256x128xf32>
    %mul3A_1004 = arith.mulf %mul3A_1003, %slice3A_1002 : vector<256x128xf32>
    %slice3A_1005 = vector.extract_strided_slice %div3A_982 {offsets = [0, 1], sizes = [256, 1], strides = [1, 1]} : vector<256x10xf32> to vector<256x1xf32>
    %slice3A_1006 = vector.extract_strided_slice %add3A_233 {offsets = [0, 0], sizes = [256, 128], strides = [1, 1]} : vector<256x256xf32> to vector<256x128xf32>
    %mul3A_1007 = vector.broadcast %slice3A_1005 : vector<256x1xf32> to vector<256x128xf32>
    %mul3A_1008 = arith.mulf %mul3A_1007, %slice3A_1006 : vector<256x128xf32>
    %add3A_1009 = arith.addf %mul3A_1000, %mul3A_1008 : vector<256x128xf32>
    %slice3A_1010 = vector.extract_strided_slice %div3A_996 {offsets = [0, 1], sizes = [256, 1], strides = [1, 1]} : vector<256x10xf32> to vector<256x1xf32>
    %slice3A_1011 = vector.extract_strided_slice %add3A_233 {offsets = [0, 128], sizes = [256, 128], strides = [1, 1]} : vector<256x256xf32> to vector<256x128xf32>
    %mul3A_1012 = vector.broadcast %slice3A_1010 : vector<256x1xf32> to vector<256x128xf32>
    %mul3A_1013 = arith.mulf %mul3A_1012, %slice3A_1011 : vector<256x128xf32>
    %add3A_1014 = arith.addf %mul3A_1004, %mul3A_1013 : vector<256x128xf32>
    %slice3A_1015 = vector.extract_strided_slice %div3A_982 {offsets = [0, 2], sizes = [256, 1], strides = [1, 1]} : vector<256x10xf32> to vector<256x1xf32>
    %slice3A_1016 = vector.extract_strided_slice %add3A_323 {offsets = [0, 0], sizes = [256, 128], strides = [1, 1]} : vector<256x256xf32> to vector<256x128xf32>
    %mul3A_1017 = vector.broadcast %slice3A_1015 : vector<256x1xf32> to vector<256x128xf32>
    %mul3A_1018 = arith.mulf %mul3A_1017, %slice3A_1016 : vector<256x128xf32>
    %add3A_1019 = arith.addf %add3A_1009, %mul3A_1018 : vector<256x128xf32>
    %slice3A_1020 = vector.extract_strided_slice %div3A_996 {offsets = [0, 2], sizes = [256, 1], strides = [1, 1]} : vector<256x10xf32> to vector<256x1xf32>
    %slice3A_1021 = vector.extract_strided_slice %add3A_323 {offsets = [0, 128], sizes = [256, 128], strides = [1, 1]} : vector<256x256xf32> to vector<256x128xf32>
    %mul3A_1022 = vector.broadcast %slice3A_1020 : vector<256x1xf32> to vector<256x128xf32>
    %mul3A_1023 = arith.mulf %mul3A_1022, %slice3A_1021 : vector<256x128xf32>
    %add3A_1024 = arith.addf %add3A_1014, %mul3A_1023 : vector<256x128xf32>
    %slice3A_1025 = vector.extract_strided_slice %div3A_982 {offsets = [0, 3], sizes = [256, 1], strides = [1, 1]} : vector<256x10xf32> to vector<256x1xf32>
    %slice3A_1026 = vector.extract_strided_slice %add3A_413 {offsets = [0, 0], sizes = [256, 128], strides = [1, 1]} : vector<256x256xf32> to vector<256x128xf32>
    %mul3A_1027 = vector.broadcast %slice3A_1025 : vector<256x1xf32> to vector<256x128xf32>
    %mul3A_1028 = arith.mulf %mul3A_1027, %slice3A_1026 : vector<256x128xf32>
    %add3A_1029 = arith.addf %add3A_1019, %mul3A_1028 : vector<256x128xf32>
    %slice3A_1030 = vector.extract_strided_slice %div3A_996 {offsets = [0, 3], sizes = [256, 1], strides = [1, 1]} : vector<256x10xf32> to vector<256x1xf32>
    %slice3A_1031 = vector.extract_strided_slice %add3A_413 {offsets = [0, 128], sizes = [256, 128], strides = [1, 1]} : vector<256x256xf32> to vector<256x128xf32>
    %mul3A_1032 = vector.broadcast %slice3A_1030 : vector<256x1xf32> to vector<256x128xf32>
    %mul3A_1033 = arith.mulf %mul3A_1032, %slice3A_1031 : vector<256x128xf32>
    %add3A_1034 = arith.addf %add3A_1024, %mul3A_1033 : vector<256x128xf32>
    %slice3A_1035 = vector.extract_strided_slice %div3A_982 {offsets = [0, 4], sizes = [256, 1], strides = [1, 1]} : vector<256x10xf32> to vector<256x1xf32>
    %slice3A_1036 = vector.extract_strided_slice %add3A_503 {offsets = [0, 0], sizes = [256, 128], strides = [1, 1]} : vector<256x256xf32> to vector<256x128xf32>
    %mul3A_1037 = vector.broadcast %slice3A_1035 : vector<256x1xf32> to vector<256x128xf32>
    %mul3A_1038 = arith.mulf %mul3A_1037, %slice3A_1036 : vector<256x128xf32>
    %add3A_1039 = arith.addf %add3A_1029, %mul3A_1038 : vector<256x128xf32>
    %slice3A_1040 = vector.extract_strided_slice %div3A_996 {offsets = [0, 4], sizes = [256, 1], strides = [1, 1]} : vector<256x10xf32> to vector<256x1xf32>
    %slice3A_1041 = vector.extract_strided_slice %add3A_503 {offsets = [0, 128], sizes = [256, 128], strides = [1, 1]} : vector<256x256xf32> to vector<256x128xf32>
    %mul3A_1042 = vector.broadcast %slice3A_1040 : vector<256x1xf32> to vector<256x128xf32>
    %mul3A_1043 = arith.mulf %mul3A_1042, %slice3A_1041 : vector<256x128xf32>
    %add3A_1044 = arith.addf %add3A_1034, %mul3A_1043 : vector<256x128xf32>
    %slice3A_1045 = vector.extract_strided_slice %div3A_982 {offsets = [0, 5], sizes = [256, 1], strides = [1, 1]} : vector<256x10xf32> to vector<256x1xf32>
    %slice3A_1046 = vector.extract_strided_slice %add3A_593 {offsets = [0, 0], sizes = [256, 128], strides = [1, 1]} : vector<256x256xf32> to vector<256x128xf32>
    %mul3A_1047 = vector.broadcast %slice3A_1045 : vector<256x1xf32> to vector<256x128xf32>
    %mul3A_1048 = arith.mulf %mul3A_1047, %slice3A_1046 : vector<256x128xf32>
    %add3A_1049 = arith.addf %add3A_1039, %mul3A_1048 : vector<256x128xf32>
    %slice3A_1050 = vector.extract_strided_slice %div3A_996 {offsets = [0, 5], sizes = [256, 1], strides = [1, 1]} : vector<256x10xf32> to vector<256x1xf32>
    %slice3A_1051 = vector.extract_strided_slice %add3A_593 {offsets = [0, 128], sizes = [256, 128], strides = [1, 1]} : vector<256x256xf32> to vector<256x128xf32>
    %mul3A_1052 = vector.broadcast %slice3A_1050 : vector<256x1xf32> to vector<256x128xf32>
    %mul3A_1053 = arith.mulf %mul3A_1052, %slice3A_1051 : vector<256x128xf32>
    %add3A_1054 = arith.addf %add3A_1044, %mul3A_1053 : vector<256x128xf32>
    %slice3A_1055 = vector.extract_strided_slice %div3A_982 {offsets = [0, 6], sizes = [256, 1], strides = [1, 1]} : vector<256x10xf32> to vector<256x1xf32>
    %slice3A_1056 = vector.extract_strided_slice %add3A_683 {offsets = [0, 0], sizes = [256, 128], strides = [1, 1]} : vector<256x256xf32> to vector<256x128xf32>
    %mul3A_1057 = vector.broadcast %slice3A_1055 : vector<256x1xf32> to vector<256x128xf32>
    %mul3A_1058 = arith.mulf %mul3A_1057, %slice3A_1056 : vector<256x128xf32>
    %add3A_1059 = arith.addf %add3A_1049, %mul3A_1058 : vector<256x128xf32>
    %slice3A_1060 = vector.extract_strided_slice %div3A_996 {offsets = [0, 6], sizes = [256, 1], strides = [1, 1]} : vector<256x10xf32> to vector<256x1xf32>
    %slice3A_1061 = vector.extract_strided_slice %add3A_683 {offsets = [0, 128], sizes = [256, 128], strides = [1, 1]} : vector<256x256xf32> to vector<256x128xf32>
    %mul3A_1062 = vector.broadcast %slice3A_1060 : vector<256x1xf32> to vector<256x128xf32>
    %mul3A_1063 = arith.mulf %mul3A_1062, %slice3A_1061 : vector<256x128xf32>
    %add3A_1064 = arith.addf %add3A_1054, %mul3A_1063 : vector<256x128xf32>
    %slice3A_1065 = vector.extract_strided_slice %div3A_982 {offsets = [0, 7], sizes = [256, 1], strides = [1, 1]} : vector<256x10xf32> to vector<256x1xf32>
    %slice3A_1066 = vector.extract_strided_slice %add3A_773 {offsets = [0, 0], sizes = [256, 128], strides = [1, 1]} : vector<256x256xf32> to vector<256x128xf32>
    %mul3A_1067 = vector.broadcast %slice3A_1065 : vector<256x1xf32> to vector<256x128xf32>
    %mul3A_1068 = arith.mulf %mul3A_1067, %slice3A_1066 : vector<256x128xf32>
    %add3A_1069 = arith.addf %add3A_1059, %mul3A_1068 : vector<256x128xf32>
    %slice3A_1070 = vector.extract_strided_slice %div3A_996 {offsets = [0, 7], sizes = [256, 1], strides = [1, 1]} : vector<256x10xf32> to vector<256x1xf32>
    %slice3A_1071 = vector.extract_strided_slice %add3A_773 {offsets = [0, 128], sizes = [256, 128], strides = [1, 1]} : vector<256x256xf32> to vector<256x128xf32>
    %mul3A_1072 = vector.broadcast %slice3A_1070 : vector<256x1xf32> to vector<256x128xf32>
    %mul3A_1073 = arith.mulf %mul3A_1072, %slice3A_1071 : vector<256x128xf32>
    %add3A_1074 = arith.addf %add3A_1064, %mul3A_1073 : vector<256x128xf32>
    %slice3A_1075 = vector.extract_strided_slice %div3A_982 {offsets = [0, 8], sizes = [256, 1], strides = [1, 1]} : vector<256x10xf32> to vector<256x1xf32>
    %slice3A_1076 = vector.extract_strided_slice %add3A_863 {offsets = [0, 0], sizes = [256, 128], strides = [1, 1]} : vector<256x256xf32> to vector<256x128xf32>
    %mul3A_1077 = vector.broadcast %slice3A_1075 : vector<256x1xf32> to vector<256x128xf32>
    %mul3A_1078 = arith.mulf %mul3A_1077, %slice3A_1076 : vector<256x128xf32>
    %add3A_1079 = arith.addf %add3A_1069, %mul3A_1078 : vector<256x128xf32>
    %slice3A_1080 = vector.extract_strided_slice %div3A_996 {offsets = [0, 8], sizes = [256, 1], strides = [1, 1]} : vector<256x10xf32> to vector<256x1xf32>
    %slice3A_1081 = vector.extract_strided_slice %add3A_863 {offsets = [0, 128], sizes = [256, 128], strides = [1, 1]} : vector<256x256xf32> to vector<256x128xf32>
    %mul3A_1082 = vector.broadcast %slice3A_1080 : vector<256x1xf32> to vector<256x128xf32>
    %mul3A_1083 = arith.mulf %mul3A_1082, %slice3A_1081 : vector<256x128xf32>
    %add3A_1084 = arith.addf %add3A_1074, %mul3A_1083 : vector<256x128xf32>
    %slice3A_1085 = vector.extract_strided_slice %div3A_982 {offsets = [0, 9], sizes = [256, 1], strides = [1, 1]} : vector<256x10xf32> to vector<256x1xf32>
    %slice3A_1086 = vector.extract_strided_slice %add3A_953 {offsets = [0, 0], sizes = [256, 128], strides = [1, 1]} : vector<256x256xf32> to vector<256x128xf32>
    %mul3A_1087 = vector.broadcast %slice3A_1085 : vector<256x1xf32> to vector<256x128xf32>
    %mul3A_1088 = arith.mulf %mul3A_1087, %slice3A_1086 : vector<256x128xf32>
    %add3A_1089 = arith.addf %add3A_1079, %mul3A_1088 : vector<256x128xf32>
    %slice3A_1090 = vector.extract_strided_slice %div3A_996 {offsets = [0, 9], sizes = [256, 1], strides = [1, 1]} : vector<256x10xf32> to vector<256x1xf32>
    %slice3A_1091 = vector.extract_strided_slice %add3A_953 {offsets = [0, 128], sizes = [256, 128], strides = [1, 1]} : vector<256x256xf32> to vector<256x128xf32>
    %mul3A_1092 = vector.broadcast %slice3A_1090 : vector<256x1xf32> to vector<256x128xf32>
    %mul3A_1093 = arith.mulf %mul3A_1092, %slice3A_1091 : vector<256x128xf32>
    %add3A_1094 = arith.addf %add3A_1084, %mul3A_1093 : vector<256x128xf32>
    %get3A_1095 = arith.constant 0 : index
    %get3A_1096 = arith.constant 0 : index
    %get3A_1097 = vector.load %arg27[%get3A_1095, %get3A_1096] : memref<256x256xf32, #tpu.memory_space<vmem>>, vector<256x256xf32>
    %slice3A_1098 = vector.extract_strided_slice %get3A_1097 {offsets = [0, 0], sizes = [128, 256], strides = [1, 1]} : vector<256x256xf32> to vector<128x256xf32>
    %dot_general3A_1099 = arith.constant dense<0.000000e+00> : vector<256x256xf32>
    %dot_general3A_1100 = tpu.matmul %add3A_1089, %slice3A_1098, %dot_general3A_1099 {dimension_numbers = #tpu.dot_dimension_numbers<[1], [0], [0], [1], [0, 0, 1, 1], [], []>, transpose_lhs_hint = false} : vector<256x128xf32>, vector<128x256xf32>, vector<256x256xf32> -> vector<256x256xf32>
    %slice3A_1101 = vector.extract_strided_slice %get3A_1097 {offsets = [128, 0], sizes = [128, 256], strides = [1, 1]} : vector<256x256xf32> to vector<128x256xf32>
    %dot_general3A_1102 = arith.constant dense<0.000000e+00> : vector<256x256xf32>
    %dot_general3A_1103 = tpu.matmul %add3A_1094, %slice3A_1101, %dot_general3A_1102 {dimension_numbers = #tpu.dot_dimension_numbers<[1], [0], [0], [1], [0, 0, 1, 1], [], []>, transpose_lhs_hint = false} : vector<256x128xf32>, vector<128x256xf32>, vector<256x256xf32> -> vector<256x256xf32>
    %add3A_1104 = arith.addf %dot_general3A_1100, %dot_general3A_1103 : vector<256x256xf32>
    %get3A_1105 = arith.constant 0 : index
    %get3A_1106 = arith.constant 0 : index
    %get3A_1107 = vector.load %arg28[%get3A_1105, %get3A_1106] : memref<384x128xf32, #tpu.memory_space<vmem>>, vector<384x128xf32>
    %slice3A_1108 = vector.extract_strided_slice %get3A_1107 {offsets = [0, 0], sizes = [256, 128], strides = [1, 1]} : vector<384x128xf32> to vector<256x128xf32>
    %dot_general3A_1109 = arith.constant dense<0.000000e+00> : vector<256x128xf32>
    %dot_general3A_1110 = tpu.matmul %add3A_1104, %slice3A_1108, %dot_general3A_1109 {dimension_numbers = #tpu.dot_dimension_numbers<[1], [0], [0], [1], [0, 0, 1, 1], [], []>, transpose_lhs_hint = false} : vector<256x256xf32>, vector<256x128xf32>, vector<256x128xf32> -> vector<256x128xf32>
    %slice3A_1111 = vector.extract_strided_slice %get3A_1107 {offsets = [256, 0], sizes = [128, 128], strides = [1, 1]} : vector<384x128xf32> to vector<128x128xf32>
    %dot_general3A_1112 = arith.constant dense<0.000000e+00> : vector<256x128xf32>
    %dot_general3A_1113 = tpu.matmul %get3A_1, %slice3A_1111, %dot_general3A_1112 {dimension_numbers = #tpu.dot_dimension_numbers<[1], [0], [0], [1], [0, 0, 1, 1], [], []>, transpose_lhs_hint = false} : vector<256x128xf32>, vector<128x128xf32>, vector<256x128xf32> -> vector<256x128xf32>
    %add3A_1114 = arith.addf %dot_general3A_1110, %dot_general3A_1113 : vector<256x128xf32>
    %get3A_1115 = arith.constant 0 : index
    %get3A_1116 = arith.constant 0 : index
    %get3A_1117 = vector.load %arg29[%get3A_1115, %get3A_1116] : memref<1x128xf32, #tpu.memory_space<vmem>>, vector<1x128xf32>
    %add3A_1118 = vector.broadcast %get3A_1117 : vector<1x128xf32> to vector<256x128xf32>
    %add3A_1119 = arith.addf %add3A_1114, %add3A_1118 : vector<256x128xf32>
    %max3A_1120 = arith.constant 0.000000e+00 : f32
    %max3A_1121 = vector.broadcast %max3A_1120 : f32 to vector<256x128xf32>
    %max3A_1122 = arith.maximumf %add3A_1119, %max3A_1121 : vector<256x128xf32>
    %get3A_1123 = arith.constant 0 : index
    %get3A_1124 = arith.constant 0 : index
    %get3A_1125 = vector.load %arg30[%get3A_1123, %get3A_1124] : memref<128x128xf32, #tpu.memory_space<vmem>>, vector<128x128xf32>
    %dot_general3A_1126 = arith.constant dense<0.000000e+00> : vector<256x128xf32>
    %dot_general3A_1127 = tpu.matmul %max3A_1122, %get3A_1125, %dot_general3A_1126 {dimension_numbers = #tpu.dot_dimension_numbers<[1], [0], [0], [1], [0, 0, 1, 1], [], []>, transpose_lhs_hint = false} : vector<256x128xf32>, vector<128x128xf32>, vector<256x128xf32> -> vector<256x128xf32>
    %get3A_1128 = arith.constant 0 : index
    %get3A_1129 = arith.constant 0 : index
    %get3A_1130 = vector.load %arg31[%get3A_1128, %get3A_1129] : memref<1x128xf32, #tpu.memory_space<vmem>>, vector<1x128xf32>
    %add3A_1131 = vector.broadcast %get3A_1130 : vector<1x128xf32> to vector<256x128xf32>
    %add3A_1132 = arith.addf %dot_general3A_1127, %add3A_1131 : vector<256x128xf32>
    %swap3A = arith.constant 0 : index
    %swap3A_1133 = arith.constant 0 : index
    %swap3A_1134 = vector.load %arg34[%swap3A, %swap3A_1133] : memref<256x128xf32, #tpu.memory_space<vmem>>, vector<256x128xf32>
    tpu.vector_store %arg34[%swap3A, %swap3A_1133], %add3A_1132 {strides = array<i32>} : memref<256x128xf32, #tpu.memory_space<vmem>>, vector<256x128xf32>,
    return
  }
  func.func @transform_0(%arg0: i32) -> (i32, i32) {
    %c0_i32 = arith.constant 0 : i32
    %c0_i32_0 = arith.constant 0 : i32
    return %arg0, %c0_i32 : i32, i32
  }
  func.func @transform_1(%arg0: i32) -> (i32, i32) {
    %add3A = arith.constant 44 : i32
    %add3A_0 = arith.addi %add3A, %arg0 : i32
    %c0_i32 = arith.constant 0 : i32
    %c0_i32_1 = arith.constant 0 : i32
    return %add3A_0, %c0_i32 : i32, i32
  }
  func.func @transform_2(%arg0: i32) -> (i32, i32) {
    %add3A = arith.constant 88 : i32
    %add3A_0 = arith.addi %add3A, %arg0 : i32
    %c0_i32 = arith.constant 0 : i32
    %c0_i32_1 = arith.constant 0 : i32
    return %add3A_0, %c0_i32 : i32, i32
  }
  func.func @transform_3(%arg0: i32) -> (i32, i32) {
    %add3A = arith.constant 132 : i32
    %add3A_0 = arith.addi %add3A, %arg0 : i32
    %c0_i32 = arith.constant 0 : i32
    %c0_i32_1 = arith.constant 0 : i32
    return %add3A_0, %c0_i32 : i32, i32
  }
  func.func @transform_4(%arg0: i32) -> (i32, i32) {
    %add3A = arith.constant 176 : i32
    %add3A_0 = arith.addi %add3A, %arg0 : i32
    %c0_i32 = arith.constant 0 : i32
    %c0_i32_1 = arith.constant 0 : i32
    return %add3A_0, %c0_i32 : i32, i32
  }
  func.func @transform_5(%arg0: i32) -> (i32, i32) {
    %add3A = arith.constant 220 : i32
    %add3A_0 = arith.addi %add3A, %arg0 : i32
    %c0_i32 = arith.constant 0 : i32
    %c0_i32_1 = arith.constant 0 : i32
    return %add3A_0, %c0_i32 : i32, i32
  }
  func.func @transform_6(%arg0: i32) -> (i32, i32) {
    %add3A = arith.constant 264 : i32
    %add3A_0 = arith.addi %add3A, %arg0 : i32
    %c0_i32 = arith.constant 0 : i32
    %c0_i32_1 = arith.constant 0 : i32
    return %add3A_0, %c0_i32 : i32, i32
  }
  func.func @transform_7(%arg0: i32) -> (i32, i32) {
    %add3A = arith.constant 308 : i32
    %add3A_0 = arith.addi %add3A, %arg0 : i32
    %c0_i32 = arith.constant 0 : i32
    %c0_i32_1 = arith.constant 0 : i32
    return %add3A_0, %c0_i32 : i32, i32
  }
  func.func @transform_8(%arg0: i32) -> (i32, i32) {
    %add3A = arith.constant 352 : i32
    %add3A_0 = arith.addi %add3A, %arg0 : i32
    %c0_i32 = arith.constant 0 : i32
    %c0_i32_1 = arith.constant 0 : i32
    return %add3A_0, %c0_i32 : i32, i32
  }
  func.func @transform_9(%arg0: i32) -> (i32, i32) {
    %add3A = arith.constant 396 : i32
    %add3A_0 = arith.addi %add3A, %arg0 : i32
    %c0_i32 = arith.constant 0 : i32
    %c0_i32_1 = arith.constant 0 : i32
    return %add3A_0, %c0_i32 : i32, i32
  }
  func.func @transform_10(%arg0: i32) -> (i32, i32) {
    %add3A = arith.constant 440 : i32
    %add3A_0 = arith.addi %add3A, %arg0 : i32
    %c0_i32 = arith.constant 0 : i32
    %c0_i32_1 = arith.constant 0 : i32
    return %add3A_0, %c0_i32 : i32, i32
  }
  func.func @transform_11(%arg0: i32) -> (i32, i32) {
    %add3A = arith.constant 0 : i32
    %add3A_0 = arith.addi %add3A, %arg0 : i32
    %c0_i32 = arith.constant 0 : i32
    %c0_i32_1 = arith.constant 0 : i32
    return %add3A_0, %c0_i32 : i32, i32
  }
  func.func @transform_12(%arg0: i32) -> (i32, i32) {
    %add3A = arith.constant 44 : i32
    %add3A_0 = arith.addi %add3A, %arg0 : i32
    %c0_i32 = arith.constant 0 : i32
    %c0_i32_1 = arith.constant 0 : i32
    return %add3A_0, %c0_i32 : i32, i32
  }
  func.func @transform_13(%arg0: i32) -> (i32, i32) {
    %add3A = arith.constant 88 : i32
    %add3A_0 = arith.addi %add3A, %arg0 : i32
    %c0_i32 = arith.constant 0 : i32
    %c0_i32_1 = arith.constant 0 : i32
    return %add3A_0, %c0_i32 : i32, i32
  }
  func.func @transform_14(%arg0: i32) -> (i32, i32) {
    %add3A = arith.constant 132 : i32
    %add3A_0 = arith.addi %add3A, %arg0 : i32
    %c0_i32 = arith.constant 0 : i32
    %c0_i32_1 = arith.constant 0 : i32
    return %add3A_0, %c0_i32 : i32, i32
  }
  func.func @transform_15(%arg0: i32) -> (i32, i32) {
    %add3A = arith.constant 176 : i32
    %add3A_0 = arith.addi %add3A, %arg0 : i32
    %c0_i32 = arith.constant 0 : i32
    %c0_i32_1 = arith.constant 0 : i32
    return %add3A_0, %c0_i32 : i32, i32
  }
  func.func @transform_16(%arg0: i32) -> (i32, i32) {
    %add3A = arith.constant 220 : i32
    %add3A_0 = arith.addi %add3A, %arg0 : i32
    %c0_i32 = arith.constant 0 : i32
    %c0_i32_1 = arith.constant 0 : i32
    return %add3A_0, %c0_i32 : i32, i32
  }
  func.func @transform_17(%arg0: i32) -> (i32, i32) {
    %add3A = arith.constant 264 : i32
    %add3A_0 = arith.addi %add3A, %arg0 : i32
    %c0_i32 = arith.constant 0 : i32
    %c0_i32_1 = arith.constant 0 : i32
    return %add3A_0, %c0_i32 : i32, i32
  }
  func.func @transform_18(%arg0: i32) -> (i32, i32) {
    %add3A = arith.constant 308 : i32
    %add3A_0 = arith.addi %add3A, %arg0 : i32
    %c0_i32 = arith.constant 0 : i32
    %c0_i32_1 = arith.constant 0 : i32
    return %add3A_0, %c0_i32 : i32, i32
  }
  func.func @transform_19(%arg0: i32) -> (i32, i32) {
    %add3A = arith.constant 352 : i32
    %add3A_0 = arith.addi %add3A, %arg0 : i32
    %c0_i32 = arith.constant 0 : i32
    %c0_i32_1 = arith.constant 0 : i32
    return %add3A_0, %c0_i32 : i32, i32
  }
  func.func @transform_20(%arg0: i32) -> (i32, i32) {
    %add3A = arith.constant 396 : i32
    %add3A_0 = arith.addi %add3A, %arg0 : i32
    %c0_i32 = arith.constant 0 : i32
    %c0_i32_1 = arith.constant 0 : i32
    return %add3A_0, %c0_i32 : i32, i32
  }
  func.func @transform_21(%arg0: i32) -> (i32, i32) {
    %c0_i32 = arith.constant 0 : i32
    %c0_i32_0 = arith.constant 0 : i32
    return %arg0, %c0_i32 : i32, i32
  }
  func.func @transform_22(%arg0: i32) -> (i32, i32) {
    %c0_i32 = arith.constant 0 : i32
    %c0_i32_0 = arith.constant 0 : i32
    return %arg0, %c0_i32 : i32, i32
  }
  func.func @transform_23(%arg0: i32) -> (i32, i32) {
    %c0_i32 = arith.constant 0 : i32
    %c0_i32_0 = arith.constant 0 : i32
    %c0_i32_1 = arith.constant 0 : i32
    return %c0_i32, %c0_i32_0 : i32, i32
  }
  func.func @transform_24(%arg0: i32) -> (i32, i32) {
    %c0_i32 = arith.constant 0 : i32
    %c0_i32_0 = arith.constant 0 : i32
    %c0_i32_1 = arith.constant 0 : i32
    return %c0_i32, %c0_i32_0 : i32, i32
  }
  func.func @transform_25(%arg0: i32) -> (i32, i32) {
    %c0_i32 = arith.constant 0 : i32
    %c0_i32_0 = arith.constant 0 : i32
    %c0_i32_1 = arith.constant 0 : i32
    return %c0_i32, %c0_i32_0 : i32, i32
  }
  func.func @transform_26(%arg0: i32) -> (i32, i32) {
    %c0_i32 = arith.constant 0 : i32
    %c0_i32_0 = arith.constant 0 : i32
    %c0_i32_1 = arith.constant 0 : i32
    return %c0_i32, %c0_i32_0 : i32, i32
  }
  func.func @transform_27(%arg0: i32) -> (i32, i32) {
    %c0_i32 = arith.constant 0 : i32
    %c0_i32_0 = arith.constant 0 : i32
    %c0_i32_1 = arith.constant 0 : i32
    return %c0_i32, %c0_i32_0 : i32, i32
  }
  func.func @transform_28(%arg0: i32) -> (i32, i32) {
    %c0_i32 = arith.constant 0 : i32
    %c0_i32_0 = arith.constant 0 : i32
    %c0_i32_1 = arith.constant 0 : i32
    return %c0_i32, %c0_i32_0 : i32, i32
  }
  func.func @transform_29(%arg0: i32) -> (i32, i32) {
    %c0_i32 = arith.constant 0 : i32
    %c0_i32_0 = arith.constant 0 : i32
    %c0_i32_1 = arith.constant 0 : i32
    return %c0_i32, %c0_i32_0 : i32, i32
  }
  func.func @transform_30(%arg0: i32) -> (i32, i32) {
    %c0_i32 = arith.constant 0 : i32
    %c0_i32_0 = arith.constant 0 : i32
    %c0_i32_1 = arith.constant 0 : i32
    return %c0_i32, %c0_i32_0 : i32, i32
  }
  func.func @transform_31(%arg0: i32) -> (i32, i32) {
    %c0_i32 = arith.constant 0 : i32
    %c0_i32_0 = arith.constant 0 : i32
    %c0_i32_1 = arith.constant 0 : i32
    return %c0_i32, %c0_i32_0 : i32, i32
  }
  func.func @transform_32(%arg0: i32) -> (i32, i32) {
    %c0_i32 = arith.constant 0 : i32
    %c0_i32_0 = arith.constant 0 : i32
    %c0_i32_1 = arith.constant 0 : i32
    return %c0_i32, %c0_i32_0 : i32, i32
  }
  func.func @transform_33(%arg0: i32) -> (i32, i32) {
    %c0_i32 = arith.constant 0 : i32
    %c0_i32_0 = arith.constant 0 : i32
    return %arg0, %c0_i32 : i32, i32
  }
}

module attributes {stable_mosaic.version = 14 : i64} {
  func.func @_attn_body(%arg0: i32, %arg1: memref<256x128xf32, #tpu.memory_space<vmem>>, %arg2: memref<256x128xf32, #tpu.memory_space<vmem>>, %arg3: memref<256x128xf32, #tpu.memory_space<vmem>>, %arg4: memref<256x128xf32, #tpu.memory_space<vmem>>, %arg5: memref<256x128xf32, #tpu.memory_space<vmem>>, %arg6: memref<256x128xf32, #tpu.memory_space<vmem>>, %arg7: memref<256x128xf32, #tpu.memory_space<vmem>>, %arg8: memref<256x128xf32, #tpu.memory_space<vmem>>, %arg9: memref<256x128xf32, #tpu.memory_space<vmem>>, %arg10: memref<256x128xf32, #tpu.memory_space<vmem>>, %arg11: memref<256x128xf32, #tpu.memory_space<vmem>>, %arg12: memref<256x16xf32, #tpu.memory_space<vmem>>, %arg13: memref<256x16xf32, #tpu.memory_space<vmem>>, %arg14: memref<256x16xf32, #tpu.memory_space<vmem>>, %arg15: memref<256x16xf32, #tpu.memory_space<vmem>>, %arg16: memref<256x16xf32, #tpu.memory_space<vmem>>, %arg17: memref<256x16xf32, #tpu.memory_space<vmem>>, %arg18: memref<256x16xf32, #tpu.memory_space<vmem>>, %arg19: memref<256x16xf32, #tpu.memory_space<vmem>>, %arg20: memref<256x16xf32, #tpu.memory_space<vmem>>, %arg21: memref<256x16xf32, #tpu.memory_space<vmem>>, %arg22: memref<256x1xf32, #tpu.memory_space<vmem>>, %arg23: memref<256x10xf32, #tpu.memory_space<vmem>>, %arg24: memref<256x256xf32, #tpu.memory_space<vmem>>, %arg25: memref<272x256xf32, #tpu.memory_space<vmem>>, %arg26: memref<272x256xf32, #tpu.memory_space<vmem>>, %arg27: memref<256x256xf32, #tpu.memory_space<vmem>>, %arg28: memref<384x128xf32, #tpu.memory_space<vmem>>, %arg29: memref<1x128xf32, #tpu.memory_space<vmem>>, %arg30: memref<128x128xf32, #tpu.memory_space<vmem>>, %arg31: memref<1x128xf32, #tpu.memory_space<vmem>>, %arg32: memref<1x128xf32, #tpu.memory_space<vmem>>, %arg33: memref<1x128xf32, #tpu.memory_space<vmem>>, %arg34: memref<128x1xf32, #tpu.memory_space<vmem>>, %arg35: memref<1x1xf32, #tpu.memory_space<vmem>>, %arg36: memref<256x1xf32, #tpu.memory_space<vmem>>) attributes {dimension_semantics = [#tpu.dimension_semantics<arbitrary>], iteration_bounds = array<i64: 4>, scalar_prefetch = 0 : i64, scratch_operands = 0 : i64, tpu.core_type = #tpu.core_type<tc>, window_params = [{transform_indices = @transform_0, window_bounds = array<i64: 256, 128>}, {transform_indices = @transform_1, window_bounds = array<i64: 256, 128>}, {transform_indices = @transform_2, window_bounds = array<i64: 256, 128>}, {transform_indices = @transform_3, window_bounds = array<i64: 256, 128>}, {transform_indices = @transform_4, window_bounds = array<i64: 256, 128>}, {transform_indices = @transform_5, window_bounds = array<i64: 256, 128>}, {transform_indices = @transform_6, window_bounds = array<i64: 256, 128>}, {transform_indices = @transform_7, window_bounds = array<i64: 256, 128>}, {transform_indices = @transform_8, window_bounds = array<i64: 256, 128>}, {transform_indices = @transform_9, window_bounds = array<i64: 256, 128>}, {transform_indices = @transform_10, window_bounds = array<i64: 256, 128>}, {transform_indices = @transform_11, window_bounds = array<i64: 256, 16>}, {transform_indices = @transform_12, window_bounds = array<i64: 256, 16>}, {transform_indices = @transform_13, window_bounds = array<i64: 256, 16>}, {transform_indices = @transform_14, window_bounds = array<i64: 256, 16>}, {transform_indices = @transform_15, window_bounds = array<i64: 256, 16>}, {transform_indices = @transform_16, window_bounds = array<i64: 256, 16>}, {transform_indices = @transform_17, window_bounds = array<i64: 256, 16>}, {transform_indices = @transform_18, window_bounds = array<i64: 256, 16>}, {transform_indices = @transform_19, window_bounds = array<i64: 256, 16>}, {transform_indices = @transform_20, window_bounds = array<i64: 256, 16>}, {transform_indices = @transform_21, window_bounds = array<i64: 256, 1>}, {transform_indices = @transform_22, window_bounds = array<i64: 256, 10>}, {pipeline_mode = #tpu.pipeline_mode<synchronous>, transform_indices = @transform_23, window_bounds = array<i64: 256, 256>}, {pipeline_mode = #tpu.pipeline_mode<synchronous>, transform_indices = @transform_24, window_bounds = array<i64: 272, 256>}, {pipeline_mode = #tpu.pipeline_mode<synchronous>, transform_indices = @transform_25, window_bounds = array<i64: 272, 256>}, {pipeline_mode = #tpu.pipeline_mode<synchronous>, transform_indices = @transform_26, window_bounds = array<i64: 256, 256>}, {pipeline_mode = #tpu.pipeline_mode<synchronous>, transform_indices = @transform_27, window_bounds = array<i64: 384, 128>}, {pipeline_mode = #tpu.pipeline_mode<synchronous>, transform_indices = @transform_28, window_bounds = array<i64: 1, 128>}, {pipeline_mode = #tpu.pipeline_mode<synchronous>, transform_indices = @transform_29, window_bounds = array<i64: 128, 128>}, {pipeline_mode = #tpu.pipeline_mode<synchronous>, transform_indices = @transform_30, window_bounds = array<i64: 1, 128>}, {pipeline_mode = #tpu.pipeline_mode<synchronous>, transform_indices = @transform_31, window_bounds = array<i64: 1, 128>}, {pipeline_mode = #tpu.pipeline_mode<synchronous>, transform_indices = @transform_32, window_bounds = array<i64: 1, 128>}, {pipeline_mode = #tpu.pipeline_mode<synchronous>, transform_indices = @transform_33, window_bounds = array<i64: 128, 1>}, {pipeline_mode = #tpu.pipeline_mode<synchronous>, transform_indices = @transform_34, window_bounds = array<i64: 1, 1>}, {transform_indices = @transform_35, window_bounds = array<i64: 256, 1>}]} {
    %get3A = arith.constant 0 : index
    %get3A_0 = arith.constant 0 : index
    %get3A_1 = vector.load %arg1[%get3A, %get3A_0] : memref<256x128xf32, #tpu.memory_space<vmem>>, vector<256x128xf32>
    %get3A_2 = arith.constant 0 : index
    %get3A_3 = arith.constant 0 : index
    %get3A_4 = vector.load %arg24[%get3A_2, %get3A_3] : memref<256x256xf32, #tpu.memory_space<vmem>>, vector<256x256xf32>
    %get3A_5 = arith.constant 0 : index
    %get3A_6 = arith.constant 0 : index
    %get3A_7 = vector.load %arg25[%get3A_5, %get3A_6] : memref<272x256xf32, #tpu.memory_space<vmem>>, vector<272x256xf32>
    %get3A_8 = arith.constant 0 : index
    %get3A_9 = arith.constant 0 : index
    %get3A_10 = vector.load %arg26[%get3A_8, %get3A_9] : memref<272x256xf32, #tpu.memory_space<vmem>>, vector<272x256xf32>
    %get3A_11 = arith.constant 0 : index
    %get3A_12 = arith.constant 0 : index
    %get3A_13 = vector.load %arg32[%get3A_11, %get3A_12] : memref<1x128xf32, #tpu.memory_space<vmem>>, vector<1x128xf32>
    %get3A_14 = arith.constant 0 : index
    %get3A_15 = arith.constant 0 : index
    %get3A_16 = vector.load %arg33[%get3A_14, %get3A_15] : memref<1x128xf32, #tpu.memory_space<vmem>>, vector<1x128xf32>
    %mul3A = arith.constant 0.159154937 : f32
    %mul3A_17 = vector.broadcast %mul3A : f32 to vector<1x128xf32>
    %mul3A_18 = arith.mulf %get3A_16, %mul3A_17 : vector<1x128xf32>
    %round3A = math.roundeven %mul3A_18 : vector<1x128xf32>
    %sub3A = arith.subf %mul3A_18, %round3A : vector<1x128xf32>
    %mul3A_19 = arith.constant 2.000000e+00 : f32
    %mul3A_20 = vector.broadcast %mul3A_19 : f32 to vector<1x128xf32>
    %mul3A_21 = arith.mulf %mul3A_20, %sub3A : vector<1x128xf32>
    %round3A_22 = math.roundeven %mul3A_21 : vector<1x128xf32>
    %mul3A_23 = arith.constant 5.000000e-01 : f32
    %mul3A_24 = vector.broadcast %mul3A_23 : f32 to vector<1x128xf32>
    %mul3A_25 = arith.mulf %mul3A_24, %round3A_22 : vector<1x128xf32>
    %sub3A_26 = arith.subf %sub3A, %mul3A_25 : vector<1x128xf32>
    %mul3A_27 = arith.mulf %sub3A_26, %sub3A_26 : vector<1x128xf32>
    %mul3A_28 = arith.constant 39.4784164 : f32
    %mul3A_29 = vector.broadcast %mul3A_28 : f32 to vector<1x128xf32>
    %mul3A_30 = arith.mulf %mul3A_29, %mul3A_27 : vector<1x128xf32>
    %mul3A_31 = arith.constant 2.48015876E-5 : f32
    %mul3A_32 = vector.broadcast %mul3A_31 : f32 to vector<1x128xf32>
    %mul3A_33 = arith.mulf %mul3A_30, %mul3A_32 : vector<1x128xf32>
    %add3A = arith.constant -0.00138888892 : f32
    %add3A_34 = vector.broadcast %add3A : f32 to vector<1x128xf32>
    %add3A_35 = arith.addf %add3A_34, %mul3A_33 : vector<1x128xf32>
    %mul3A_36 = arith.mulf %mul3A_30, %add3A_35 : vector<1x128xf32>
    %add3A_37 = arith.constant 0.0416666679 : f32
    %add3A_38 = vector.broadcast %add3A_37 : f32 to vector<1x128xf32>
    %add3A_39 = arith.addf %add3A_38, %mul3A_36 : vector<1x128xf32>
    %mul3A_40 = arith.mulf %mul3A_30, %add3A_39 : vector<1x128xf32>
    %add3A_41 = arith.constant -5.000000e-01 : f32
    %add3A_42 = vector.broadcast %add3A_41 : f32 to vector<1x128xf32>
    %add3A_43 = arith.addf %add3A_42, %mul3A_40 : vector<1x128xf32>
    %mul3A_44 = arith.mulf %mul3A_30, %add3A_43 : vector<1x128xf32>
    %add3A_45 = arith.constant 1.000000e+00 : f32
    %add3A_46 = vector.broadcast %add3A_45 : f32 to vector<1x128xf32>
    %add3A_47 = arith.addf %add3A_46, %mul3A_44 : vector<1x128xf32>
    %mul3A_48 = arith.constant 2.000000e+00 : f32
    %mul3A_49 = vector.broadcast %mul3A_48 : f32 to vector<1x128xf32>
    %mul3A_50 = arith.mulf %mul3A_49, %round3A_22 : vector<1x128xf32>
    %mul3A_51 = arith.mulf %mul3A_50, %round3A_22 : vector<1x128xf32>
    %sub3A_52 = arith.constant 1.000000e+00 : f32
    %sub3A_53 = vector.broadcast %sub3A_52 : f32 to vector<1x128xf32>
    %sub3A_54 = arith.subf %sub3A_53, %mul3A_51 : vector<1x128xf32>
    %mul3A_55 = arith.mulf %add3A_47, %sub3A_54 : vector<1x128xf32>
    %slice3A = vector.extract_strided_slice %get3A_4 {offsets = [0, 0], sizes = [128, 256], strides = [1, 1]} : vector<256x256xf32> to vector<128x256xf32>
    %dot_general3A = arith.constant dense<0.000000e+00> : vector<256x256xf32>
    %dot_general3A_56 = tpu.matmul %get3A_1, %slice3A, %dot_general3A {dimension_numbers = #tpu.dot_dimension_numbers<[1], [0], [0], [1], [0, 0, 1, 1], [], []>, transpose_lhs_hint = false} : vector<256x128xf32>, vector<128x256xf32>, vector<256x256xf32> -> vector<256x256xf32>
    %slice3A_57 = vector.extract_strided_slice %get3A_4 {offsets = [128, 0], sizes = [128, 256], strides = [1, 1]} : vector<256x256xf32> to vector<128x256xf32>
    %dot_general3A_58 = arith.constant dense<0.000000e+00> : vector<1x256xf32>
    %dot_general3A_59 = tpu.matmul %mul3A_55, %slice3A_57, %dot_general3A_58 {dimension_numbers = #tpu.dot_dimension_numbers<[1], [0], [0], [1], [0, 0, 1, 1], [], []>, transpose_lhs_hint = false} : vector<1x128xf32>, vector<128x256xf32>, vector<1x256xf32> -> vector<1x256xf32>
    %add3A_60 = vector.broadcast %dot_general3A_59 : vector<1x256xf32> to vector<256x256xf32>
    %add3A_61 = arith.addf %dot_general3A_56, %add3A_60 : vector<256x256xf32>
    %get3A_62 = arith.constant 0 : index
    %get3A_63 = arith.constant 0 : index
    %get3A_64 = vector.load %arg22[%get3A_62, %get3A_63] : memref<256x1xf32, #tpu.memory_space<vmem>>, vector<256x1xf32>
    %get3A_65 = arith.constant 0 : index
    %get3A_66 = arith.constant 0 : index
    %get3A_67 = vector.load %arg23[%get3A_65, %get3A_66] : memref<256x10xf32, #tpu.memory_space<vmem>>, vector<256x10xf32>
    %slice3A_68 = vector.extract_strided_slice %get3A_67 {offsets = [0, 0], sizes = [256, 1], strides = [1, 1]} : vector<256x10xf32> to vector<256x1xf32>
    %sub3A_69 = arith.subf %get3A_64, %slice3A_68 : vector<256x1xf32>
    %mul3A_70 = vector.broadcast %sub3A_69 : vector<256x1xf32> to vector<256x128xf32>
    %mul3A_71 = vector.broadcast %get3A_13 : vector<1x128xf32> to vector<256x128xf32>
    %mul3A_72 = arith.mulf %mul3A_70, %mul3A_71 : vector<256x128xf32>
    %add3A_73 = vector.broadcast %get3A_16 : vector<1x128xf32> to vector<256x128xf32>
    %add3A_74 = arith.addf %mul3A_72, %add3A_73 : vector<256x128xf32>
    %mul3A_75 = arith.constant 0.159154937 : f32
    %mul3A_76 = vector.broadcast %mul3A_75 : f32 to vector<256x128xf32>
    %mul3A_77 = arith.mulf %add3A_74, %mul3A_76 : vector<256x128xf32>
    %round3A_78 = math.roundeven %mul3A_77 : vector<256x128xf32>
    %sub3A_79 = arith.subf %mul3A_77, %round3A_78 : vector<256x128xf32>
    %mul3A_80 = arith.constant 2.000000e+00 : f32
    %mul3A_81 = vector.broadcast %mul3A_80 : f32 to vector<256x128xf32>
    %mul3A_82 = arith.mulf %mul3A_81, %sub3A_79 : vector<256x128xf32>
    %round3A_83 = math.roundeven %mul3A_82 : vector<256x128xf32>
    %mul3A_84 = arith.constant 5.000000e-01 : f32
    %mul3A_85 = vector.broadcast %mul3A_84 : f32 to vector<256x128xf32>
    %mul3A_86 = arith.mulf %mul3A_85, %round3A_83 : vector<256x128xf32>
    %sub3A_87 = arith.subf %sub3A_79, %mul3A_86 : vector<256x128xf32>
    %mul3A_88 = arith.mulf %sub3A_87, %sub3A_87 : vector<256x128xf32>
    %mul3A_89 = arith.constant 39.4784164 : f32
    %mul3A_90 = vector.broadcast %mul3A_89 : f32 to vector<256x128xf32>
    %mul3A_91 = arith.mulf %mul3A_90, %mul3A_88 : vector<256x128xf32>
    %mul3A_92 = arith.constant 2.48015876E-5 : f32
    %mul3A_93 = vector.broadcast %mul3A_92 : f32 to vector<256x128xf32>
    %mul3A_94 = arith.mulf %mul3A_91, %mul3A_93 : vector<256x128xf32>
    %add3A_95 = arith.constant -0.00138888892 : f32
    %add3A_96 = vector.broadcast %add3A_95 : f32 to vector<256x128xf32>
    %add3A_97 = arith.addf %add3A_96, %mul3A_94 : vector<256x128xf32>
    %mul3A_98 = arith.mulf %mul3A_91, %add3A_97 : vector<256x128xf32>
    %add3A_99 = arith.constant 0.0416666679 : f32
    %add3A_100 = vector.broadcast %add3A_99 : f32 to vector<256x128xf32>
    %add3A_101 = arith.addf %add3A_100, %mul3A_98 : vector<256x128xf32>
    %mul3A_102 = arith.mulf %mul3A_91, %add3A_101 : vector<256x128xf32>
    %add3A_103 = arith.constant -5.000000e-01 : f32
    %add3A_104 = vector.broadcast %add3A_103 : f32 to vector<256x128xf32>
    %add3A_105 = arith.addf %add3A_104, %mul3A_102 : vector<256x128xf32>
    %mul3A_106 = arith.mulf %mul3A_91, %add3A_105 : vector<256x128xf32>
    %add3A_107 = arith.constant 1.000000e+00 : f32
    %add3A_108 = vector.broadcast %add3A_107 : f32 to vector<256x128xf32>
    %add3A_109 = arith.addf %add3A_108, %mul3A_106 : vector<256x128xf32>
    %mul3A_110 = arith.constant 2.000000e+00 : f32
    %mul3A_111 = vector.broadcast %mul3A_110 : f32 to vector<256x128xf32>
    %mul3A_112 = arith.mulf %mul3A_111, %round3A_83 : vector<256x128xf32>
    %mul3A_113 = arith.mulf %mul3A_112, %round3A_83 : vector<256x128xf32>
    %sub3A_114 = arith.constant 1.000000e+00 : f32
    %sub3A_115 = vector.broadcast %sub3A_114 : f32 to vector<256x128xf32>
    %sub3A_116 = arith.subf %sub3A_115, %mul3A_113 : vector<256x128xf32>
    %mul3A_117 = arith.mulf %add3A_109, %sub3A_116 : vector<256x128xf32>
    %get3A_118 = arith.constant 0 : index
    %get3A_119 = arith.constant 0 : index
    %get3A_120 = vector.load %arg2[%get3A_118, %get3A_119] : memref<256x128xf32, #tpu.memory_space<vmem>>, vector<256x128xf32>
    %get3A_121 = arith.constant 0 : index
    %get3A_122 = arith.constant 0 : index
    %get3A_123 = vector.load %arg12[%get3A_121, %get3A_122] : memref<256x16xf32, #tpu.memory_space<vmem>>, vector<256x16xf32>
    %slice3A_124 = vector.extract_strided_slice %get3A_7 {offsets = [0, 0], sizes = [128, 256], strides = [1, 1]} : vector<272x256xf32> to vector<128x256xf32>
    %dot_general3A_125 = arith.constant dense<0.000000e+00> : vector<256x256xf32>
    %dot_general3A_126 = tpu.matmul %get3A_120, %slice3A_124, %dot_general3A_125 {dimension_numbers = #tpu.dot_dimension_numbers<[1], [0], [0], [1], [0, 0, 1, 1], [], []>, transpose_lhs_hint = false} : vector<256x128xf32>, vector<128x256xf32>, vector<256x256xf32> -> vector<256x256xf32>
    %slice3A_127 = vector.extract_strided_slice %get3A_7 {offsets = [128, 0], sizes = [128, 256], strides = [1, 1]} : vector<272x256xf32> to vector<128x256xf32>
    %dot_general3A_128 = arith.constant dense<0.000000e+00> : vector<256x256xf32>
    %dot_general3A_129 = tpu.matmul %mul3A_117, %slice3A_127, %dot_general3A_128 {dimension_numbers = #tpu.dot_dimension_numbers<[1], [0], [0], [1], [0, 0, 1, 1], [], []>, transpose_lhs_hint = false} : vector<256x128xf32>, vector<128x256xf32>, vector<256x256xf32> -> vector<256x256xf32>
    %add3A_130 = arith.addf %dot_general3A_126, %dot_general3A_129 : vector<256x256xf32>
    %slice3A_131 = vector.extract_strided_slice %get3A_7 {offsets = [256, 0], sizes = [16, 256], strides = [1, 1]} : vector<272x256xf32> to vector<16x256xf32>
    %dot_general3A_132 = arith.constant dense<0.000000e+00> : vector<256x256xf32>
    %dot_general3A_133 = tpu.matmul %get3A_123, %slice3A_131, %dot_general3A_132 {dimension_numbers = #tpu.dot_dimension_numbers<[1], [0], [0], [1], [0, 0, 1, 1], [], []>, transpose_lhs_hint = false} : vector<256x16xf32>, vector<16x256xf32>, vector<256x256xf32> -> vector<256x256xf32>
    %add3A_134 = arith.addf %add3A_130, %dot_general3A_133 : vector<256x256xf32>
    %slice3A_135 = vector.extract_strided_slice %get3A_10 {offsets = [0, 0], sizes = [128, 256], strides = [1, 1]} : vector<272x256xf32> to vector<128x256xf32>
    %dot_general3A_136 = arith.constant dense<0.000000e+00> : vector<256x256xf32>
    %dot_general3A_137 = tpu.matmul %get3A_120, %slice3A_135, %dot_general3A_136 {dimension_numbers = #tpu.dot_dimension_numbers<[1], [0], [0], [1], [0, 0, 1, 1], [], []>, transpose_lhs_hint = false} : vector<256x128xf32>, vector<128x256xf32>, vector<256x256xf32> -> vector<256x256xf32>
    %slice3A_138 = vector.extract_strided_slice %get3A_10 {offsets = [128, 0], sizes = [128, 256], strides = [1, 1]} : vector<272x256xf32> to vector<128x256xf32>
    %dot_general3A_139 = arith.constant dense<0.000000e+00> : vector<256x256xf32>
    %dot_general3A_140 = tpu.matmul %mul3A_117, %slice3A_138, %dot_general3A_139 {dimension_numbers = #tpu.dot_dimension_numbers<[1], [0], [0], [1], [0, 0, 1, 1], [], []>, transpose_lhs_hint = false} : vector<256x128xf32>, vector<128x256xf32>, vector<256x256xf32> -> vector<256x256xf32>
    %add3A_141 = arith.addf %dot_general3A_137, %dot_general3A_140 : vector<256x256xf32>
    %slice3A_142 = vector.extract_strided_slice %get3A_10 {offsets = [256, 0], sizes = [16, 256], strides = [1, 1]} : vector<272x256xf32> to vector<16x256xf32>
    %dot_general3A_143 = arith.constant dense<0.000000e+00> : vector<256x256xf32>
    %dot_general3A_144 = tpu.matmul %get3A_123, %slice3A_142, %dot_general3A_143 {dimension_numbers = #tpu.dot_dimension_numbers<[1], [0], [0], [1], [0, 0, 1, 1], [], []>, transpose_lhs_hint = false} : vector<256x16xf32>, vector<16x256xf32>, vector<256x256xf32> -> vector<256x256xf32>
    %add3A_145 = arith.addf %add3A_141, %dot_general3A_144 : vector<256x256xf32>
    %slice3A_146 = vector.extract_strided_slice %add3A_134 {offsets = [0, 0], sizes = [256, 128], strides = [1, 1]} : vector<256x256xf32> to vector<256x128xf32>
    %slice3A_147 = vector.extract_strided_slice %add3A_61 {offsets = [0, 0], sizes = [256, 128], strides = [1, 1]} : vector<256x256xf32> to vector<256x128xf32>
    %mul3A_148 = arith.mulf %slice3A_146, %slice3A_147 : vector<256x128xf32>
    %reduce_sum3A = arith.constant dense<0.000000e+00> : vector<256xf32>
    %reduce_sum3A_149 = vector.multi_reduction <add>, %mul3A_148, %reduce_sum3A [1] : vector<256x128xf32> to vector<256xf32>
    %broadcast_in_dim3A = vector.shape_cast %reduce_sum3A_149 : vector<256xf32> to vector<256x1xf32>
    %slice3A_150 = vector.extract_strided_slice %add3A_134 {offsets = [0, 128], sizes = [256, 128], strides = [1, 1]} : vector<256x256xf32> to vector<256x128xf32>
    %slice3A_151 = vector.extract_strided_slice %add3A_61 {offsets = [0, 128], sizes = [256, 128], strides = [1, 1]} : vector<256x256xf32> to vector<256x128xf32>
    %mul3A_152 = arith.mulf %slice3A_150, %slice3A_151 : vector<256x128xf32>
    %reduce_sum3A_153 = arith.constant dense<0.000000e+00> : vector<256xf32>
    %reduce_sum3A_154 = vector.multi_reduction <add>, %mul3A_152, %reduce_sum3A_153 [1] : vector<256x128xf32> to vector<256xf32>
    %broadcast_in_dim3A_155 = vector.shape_cast %reduce_sum3A_154 : vector<256xf32> to vector<256x1xf32>
    %slice3A_156 = vector.extract_strided_slice %get3A_67 {offsets = [0, 1], sizes = [256, 1], strides = [1, 1]} : vector<256x10xf32> to vector<256x1xf32>
    %sub3A_157 = arith.subf %get3A_64, %slice3A_156 : vector<256x1xf32>
    %mul3A_158 = vector.broadcast %sub3A_157 : vector<256x1xf32> to vector<256x128xf32>
    %mul3A_159 = vector.broadcast %get3A_13 : vector<1x128xf32> to vector<256x128xf32>
    %mul3A_160 = arith.mulf %mul3A_158, %mul3A_159 : vector<256x128xf32>
    %add3A_161 = vector.broadcast %get3A_16 : vector<1x128xf32> to vector<256x128xf32>
    %add3A_162 = arith.addf %mul3A_160, %add3A_161 : vector<256x128xf32>
    %mul3A_163 = arith.constant 0.159154937 : f32
    %mul3A_164 = vector.broadcast %mul3A_163 : f32 to vector<256x128xf32>
    %mul3A_165 = arith.mulf %add3A_162, %mul3A_164 : vector<256x128xf32>
    %round3A_166 = math.roundeven %mul3A_165 : vector<256x128xf32>
    %sub3A_167 = arith.subf %mul3A_165, %round3A_166 : vector<256x128xf32>
    %mul3A_168 = arith.constant 2.000000e+00 : f32
    %mul3A_169 = vector.broadcast %mul3A_168 : f32 to vector<256x128xf32>
    %mul3A_170 = arith.mulf %mul3A_169, %sub3A_167 : vector<256x128xf32>
    %round3A_171 = math.roundeven %mul3A_170 : vector<256x128xf32>
    %mul3A_172 = arith.constant 5.000000e-01 : f32
    %mul3A_173 = vector.broadcast %mul3A_172 : f32 to vector<256x128xf32>
    %mul3A_174 = arith.mulf %mul3A_173, %round3A_171 : vector<256x128xf32>
    %sub3A_175 = arith.subf %sub3A_167, %mul3A_174 : vector<256x128xf32>
    %mul3A_176 = arith.mulf %sub3A_175, %sub3A_175 : vector<256x128xf32>
    %mul3A_177 = arith.constant 39.4784164 : f32
    %mul3A_178 = vector.broadcast %mul3A_177 : f32 to vector<256x128xf32>
    %mul3A_179 = arith.mulf %mul3A_178, %mul3A_176 : vector<256x128xf32>
    %mul3A_180 = arith.constant 2.48015876E-5 : f32
    %mul3A_181 = vector.broadcast %mul3A_180 : f32 to vector<256x128xf32>
    %mul3A_182 = arith.mulf %mul3A_179, %mul3A_181 : vector<256x128xf32>
    %add3A_183 = arith.constant -0.00138888892 : f32
    %add3A_184 = vector.broadcast %add3A_183 : f32 to vector<256x128xf32>
    %add3A_185 = arith.addf %add3A_184, %mul3A_182 : vector<256x128xf32>
    %mul3A_186 = arith.mulf %mul3A_179, %add3A_185 : vector<256x128xf32>
    %add3A_187 = arith.constant 0.0416666679 : f32
    %add3A_188 = vector.broadcast %add3A_187 : f32 to vector<256x128xf32>
    %add3A_189 = arith.addf %add3A_188, %mul3A_186 : vector<256x128xf32>
    %mul3A_190 = arith.mulf %mul3A_179, %add3A_189 : vector<256x128xf32>
    %add3A_191 = arith.constant -5.000000e-01 : f32
    %add3A_192 = vector.broadcast %add3A_191 : f32 to vector<256x128xf32>
    %add3A_193 = arith.addf %add3A_192, %mul3A_190 : vector<256x128xf32>
    %mul3A_194 = arith.mulf %mul3A_179, %add3A_193 : vector<256x128xf32>
    %add3A_195 = arith.constant 1.000000e+00 : f32
    %add3A_196 = vector.broadcast %add3A_195 : f32 to vector<256x128xf32>
    %add3A_197 = arith.addf %add3A_196, %mul3A_194 : vector<256x128xf32>
    %mul3A_198 = arith.constant 2.000000e+00 : f32
    %mul3A_199 = vector.broadcast %mul3A_198 : f32 to vector<256x128xf32>
    %mul3A_200 = arith.mulf %mul3A_199, %round3A_171 : vector<256x128xf32>
    %mul3A_201 = arith.mulf %mul3A_200, %round3A_171 : vector<256x128xf32>
    %sub3A_202 = arith.constant 1.000000e+00 : f32
    %sub3A_203 = vector.broadcast %sub3A_202 : f32 to vector<256x128xf32>
    %sub3A_204 = arith.subf %sub3A_203, %mul3A_201 : vector<256x128xf32>
    %mul3A_205 = arith.mulf %add3A_197, %sub3A_204 : vector<256x128xf32>
    %get3A_206 = arith.constant 0 : index
    %get3A_207 = arith.constant 0 : index
    %get3A_208 = vector.load %arg3[%get3A_206, %get3A_207] : memref<256x128xf32, #tpu.memory_space<vmem>>, vector<256x128xf32>
    %get3A_209 = arith.constant 0 : index
    %get3A_210 = arith.constant 0 : index
    %get3A_211 = vector.load %arg13[%get3A_209, %get3A_210] : memref<256x16xf32, #tpu.memory_space<vmem>>, vector<256x16xf32>
    %slice3A_212 = vector.extract_strided_slice %get3A_7 {offsets = [0, 0], sizes = [128, 256], strides = [1, 1]} : vector<272x256xf32> to vector<128x256xf32>
    %dot_general3A_213 = arith.constant dense<0.000000e+00> : vector<256x256xf32>
    %dot_general3A_214 = tpu.matmul %get3A_208, %slice3A_212, %dot_general3A_213 {dimension_numbers = #tpu.dot_dimension_numbers<[1], [0], [0], [1], [0, 0, 1, 1], [], []>, transpose_lhs_hint = false} : vector<256x128xf32>, vector<128x256xf32>, vector<256x256xf32> -> vector<256x256xf32>
    %slice3A_215 = vector.extract_strided_slice %get3A_7 {offsets = [128, 0], sizes = [128, 256], strides = [1, 1]} : vector<272x256xf32> to vector<128x256xf32>
    %dot_general3A_216 = arith.constant dense<0.000000e+00> : vector<256x256xf32>
    %dot_general3A_217 = tpu.matmul %mul3A_205, %slice3A_215, %dot_general3A_216 {dimension_numbers = #tpu.dot_dimension_numbers<[1], [0], [0], [1], [0, 0, 1, 1], [], []>, transpose_lhs_hint = false} : vector<256x128xf32>, vector<128x256xf32>, vector<256x256xf32> -> vector<256x256xf32>
    %add3A_218 = arith.addf %dot_general3A_214, %dot_general3A_217 : vector<256x256xf32>
    %slice3A_219 = vector.extract_strided_slice %get3A_7 {offsets = [256, 0], sizes = [16, 256], strides = [1, 1]} : vector<272x256xf32> to vector<16x256xf32>
    %dot_general3A_220 = arith.constant dense<0.000000e+00> : vector<256x256xf32>
    %dot_general3A_221 = tpu.matmul %get3A_211, %slice3A_219, %dot_general3A_220 {dimension_numbers = #tpu.dot_dimension_numbers<[1], [0], [0], [1], [0, 0, 1, 1], [], []>, transpose_lhs_hint = false} : vector<256x16xf32>, vector<16x256xf32>, vector<256x256xf32> -> vector<256x256xf32>
    %add3A_222 = arith.addf %add3A_218, %dot_general3A_221 : vector<256x256xf32>
    %slice3A_223 = vector.extract_strided_slice %get3A_10 {offsets = [0, 0], sizes = [128, 256], strides = [1, 1]} : vector<272x256xf32> to vector<128x256xf32>
    %dot_general3A_224 = arith.constant dense<0.000000e+00> : vector<256x256xf32>
    %dot_general3A_225 = tpu.matmul %get3A_208, %slice3A_223, %dot_general3A_224 {dimension_numbers = #tpu.dot_dimension_numbers<[1], [0], [0], [1], [0, 0, 1, 1], [], []>, transpose_lhs_hint = false} : vector<256x128xf32>, vector<128x256xf32>, vector<256x256xf32> -> vector<256x256xf32>
    %slice3A_226 = vector.extract_strided_slice %get3A_10 {offsets = [128, 0], sizes = [128, 256], strides = [1, 1]} : vector<272x256xf32> to vector<128x256xf32>
    %dot_general3A_227 = arith.constant dense<0.000000e+00> : vector<256x256xf32>
    %dot_general3A_228 = tpu.matmul %mul3A_205, %slice3A_226, %dot_general3A_227 {dimension_numbers = #tpu.dot_dimension_numbers<[1], [0], [0], [1], [0, 0, 1, 1], [], []>, transpose_lhs_hint = false} : vector<256x128xf32>, vector<128x256xf32>, vector<256x256xf32> -> vector<256x256xf32>
    %add3A_229 = arith.addf %dot_general3A_225, %dot_general3A_228 : vector<256x256xf32>
    %slice3A_230 = vector.extract_strided_slice %get3A_10 {offsets = [256, 0], sizes = [16, 256], strides = [1, 1]} : vector<272x256xf32> to vector<16x256xf32>
    %dot_general3A_231 = arith.constant dense<0.000000e+00> : vector<256x256xf32>
    %dot_general3A_232 = tpu.matmul %get3A_211, %slice3A_230, %dot_general3A_231 {dimension_numbers = #tpu.dot_dimension_numbers<[1], [0], [0], [1], [0, 0, 1, 1], [], []>, transpose_lhs_hint = false} : vector<256x16xf32>, vector<16x256xf32>, vector<256x256xf32> -> vector<256x256xf32>
    %add3A_233 = arith.addf %add3A_229, %dot_general3A_232 : vector<256x256xf32>
    %slice3A_234 = vector.extract_strided_slice %add3A_222 {offsets = [0, 0], sizes = [256, 128], strides = [1, 1]} : vector<256x256xf32> to vector<256x128xf32>
    %slice3A_235 = vector.extract_strided_slice %add3A_61 {offsets = [0, 0], sizes = [256, 128], strides = [1, 1]} : vector<256x256xf32> to vector<256x128xf32>
    %mul3A_236 = arith.mulf %slice3A_234, %slice3A_235 : vector<256x128xf32>
    %reduce_sum3A_237 = arith.constant dense<0.000000e+00> : vector<256xf32>
    %reduce_sum3A_238 = vector.multi_reduction <add>, %mul3A_236, %reduce_sum3A_237 [1] : vector<256x128xf32> to vector<256xf32>
    %broadcast_in_dim3A_239 = vector.shape_cast %reduce_sum3A_238 : vector<256xf32> to vector<256x1xf32>
    %slice3A_240 = vector.extract_strided_slice %add3A_222 {offsets = [0, 128], sizes = [256, 128], strides = [1, 1]} : vector<256x256xf32> to vector<256x128xf32>
    %slice3A_241 = vector.extract_strided_slice %add3A_61 {offsets = [0, 128], sizes = [256, 128], strides = [1, 1]} : vector<256x256xf32> to vector<256x128xf32>
    %mul3A_242 = arith.mulf %slice3A_240, %slice3A_241 : vector<256x128xf32>
    %reduce_sum3A_243 = arith.constant dense<0.000000e+00> : vector<256xf32>
    %reduce_sum3A_244 = vector.multi_reduction <add>, %mul3A_242, %reduce_sum3A_243 [1] : vector<256x128xf32> to vector<256xf32>
    %broadcast_in_dim3A_245 = vector.shape_cast %reduce_sum3A_244 : vector<256xf32> to vector<256x1xf32>
    %slice3A_246 = vector.extract_strided_slice %get3A_67 {offsets = [0, 2], sizes = [256, 1], strides = [1, 1]} : vector<256x10xf32> to vector<256x1xf32>
    %sub3A_247 = arith.subf %get3A_64, %slice3A_246 : vector<256x1xf32>
    %mul3A_248 = vector.broadcast %sub3A_247 : vector<256x1xf32> to vector<256x128xf32>
    %mul3A_249 = vector.broadcast %get3A_13 : vector<1x128xf32> to vector<256x128xf32>
    %mul3A_250 = arith.mulf %mul3A_248, %mul3A_249 : vector<256x128xf32>
    %add3A_251 = vector.broadcast %get3A_16 : vector<1x128xf32> to vector<256x128xf32>
    %add3A_252 = arith.addf %mul3A_250, %add3A_251 : vector<256x128xf32>
    %mul3A_253 = arith.constant 0.159154937 : f32
    %mul3A_254 = vector.broadcast %mul3A_253 : f32 to vector<256x128xf32>
    %mul3A_255 = arith.mulf %add3A_252, %mul3A_254 : vector<256x128xf32>
    %round3A_256 = math.roundeven %mul3A_255 : vector<256x128xf32>
    %sub3A_257 = arith.subf %mul3A_255, %round3A_256 : vector<256x128xf32>
    %mul3A_258 = arith.constant 2.000000e+00 : f32
    %mul3A_259 = vector.broadcast %mul3A_258 : f32 to vector<256x128xf32>
    %mul3A_260 = arith.mulf %mul3A_259, %sub3A_257 : vector<256x128xf32>
    %round3A_261 = math.roundeven %mul3A_260 : vector<256x128xf32>
    %mul3A_262 = arith.constant 5.000000e-01 : f32
    %mul3A_263 = vector.broadcast %mul3A_262 : f32 to vector<256x128xf32>
    %mul3A_264 = arith.mulf %mul3A_263, %round3A_261 : vector<256x128xf32>
    %sub3A_265 = arith.subf %sub3A_257, %mul3A_264 : vector<256x128xf32>
    %mul3A_266 = arith.mulf %sub3A_265, %sub3A_265 : vector<256x128xf32>
    %mul3A_267 = arith.constant 39.4784164 : f32
    %mul3A_268 = vector.broadcast %mul3A_267 : f32 to vector<256x128xf32>
    %mul3A_269 = arith.mulf %mul3A_268, %mul3A_266 : vector<256x128xf32>
    %mul3A_270 = arith.constant 2.48015876E-5 : f32
    %mul3A_271 = vector.broadcast %mul3A_270 : f32 to vector<256x128xf32>
    %mul3A_272 = arith.mulf %mul3A_269, %mul3A_271 : vector<256x128xf32>
    %add3A_273 = arith.constant -0.00138888892 : f32
    %add3A_274 = vector.broadcast %add3A_273 : f32 to vector<256x128xf32>
    %add3A_275 = arith.addf %add3A_274, %mul3A_272 : vector<256x128xf32>
    %mul3A_276 = arith.mulf %mul3A_269, %add3A_275 : vector<256x128xf32>
    %add3A_277 = arith.constant 0.0416666679 : f32
    %add3A_278 = vector.broadcast %add3A_277 : f32 to vector<256x128xf32>
    %add3A_279 = arith.addf %add3A_278, %mul3A_276 : vector<256x128xf32>
    %mul3A_280 = arith.mulf %mul3A_269, %add3A_279 : vector<256x128xf32>
    %add3A_281 = arith.constant -5.000000e-01 : f32
    %add3A_282 = vector.broadcast %add3A_281 : f32 to vector<256x128xf32>
    %add3A_283 = arith.addf %add3A_282, %mul3A_280 : vector<256x128xf32>
    %mul3A_284 = arith.mulf %mul3A_269, %add3A_283 : vector<256x128xf32>
    %add3A_285 = arith.constant 1.000000e+00 : f32
    %add3A_286 = vector.broadcast %add3A_285 : f32 to vector<256x128xf32>
    %add3A_287 = arith.addf %add3A_286, %mul3A_284 : vector<256x128xf32>
    %mul3A_288 = arith.constant 2.000000e+00 : f32
    %mul3A_289 = vector.broadcast %mul3A_288 : f32 to vector<256x128xf32>
    %mul3A_290 = arith.mulf %mul3A_289, %round3A_261 : vector<256x128xf32>
    %mul3A_291 = arith.mulf %mul3A_290, %round3A_261 : vector<256x128xf32>
    %sub3A_292 = arith.constant 1.000000e+00 : f32
    %sub3A_293 = vector.broadcast %sub3A_292 : f32 to vector<256x128xf32>
    %sub3A_294 = arith.subf %sub3A_293, %mul3A_291 : vector<256x128xf32>
    %mul3A_295 = arith.mulf %add3A_287, %sub3A_294 : vector<256x128xf32>
    %get3A_296 = arith.constant 0 : index
    %get3A_297 = arith.constant 0 : index
    %get3A_298 = vector.load %arg4[%get3A_296, %get3A_297] : memref<256x128xf32, #tpu.memory_space<vmem>>, vector<256x128xf32>
    %get3A_299 = arith.constant 0 : index
    %get3A_300 = arith.constant 0 : index
    %get3A_301 = vector.load %arg14[%get3A_299, %get3A_300] : memref<256x16xf32, #tpu.memory_space<vmem>>, vector<256x16xf32>
    %slice3A_302 = vector.extract_strided_slice %get3A_7 {offsets = [0, 0], sizes = [128, 256], strides = [1, 1]} : vector<272x256xf32> to vector<128x256xf32>
    %dot_general3A_303 = arith.constant dense<0.000000e+00> : vector<256x256xf32>
    %dot_general3A_304 = tpu.matmul %get3A_298, %slice3A_302, %dot_general3A_303 {dimension_numbers = #tpu.dot_dimension_numbers<[1], [0], [0], [1], [0, 0, 1, 1], [], []>, transpose_lhs_hint = false} : vector<256x128xf32>, vector<128x256xf32>, vector<256x256xf32> -> vector<256x256xf32>
    %slice3A_305 = vector.extract_strided_slice %get3A_7 {offsets = [128, 0], sizes = [128, 256], strides = [1, 1]} : vector<272x256xf32> to vector<128x256xf32>
    %dot_general3A_306 = arith.constant dense<0.000000e+00> : vector<256x256xf32>
    %dot_general3A_307 = tpu.matmul %mul3A_295, %slice3A_305, %dot_general3A_306 {dimension_numbers = #tpu.dot_dimension_numbers<[1], [0], [0], [1], [0, 0, 1, 1], [], []>, transpose_lhs_hint = false} : vector<256x128xf32>, vector<128x256xf32>, vector<256x256xf32> -> vector<256x256xf32>
    %add3A_308 = arith.addf %dot_general3A_304, %dot_general3A_307 : vector<256x256xf32>
    %slice3A_309 = vector.extract_strided_slice %get3A_7 {offsets = [256, 0], sizes = [16, 256], strides = [1, 1]} : vector<272x256xf32> to vector<16x256xf32>
    %dot_general3A_310 = arith.constant dense<0.000000e+00> : vector<256x256xf32>
    %dot_general3A_311 = tpu.matmul %get3A_301, %slice3A_309, %dot_general3A_310 {dimension_numbers = #tpu.dot_dimension_numbers<[1], [0], [0], [1], [0, 0, 1, 1], [], []>, transpose_lhs_hint = false} : vector<256x16xf32>, vector<16x256xf32>, vector<256x256xf32> -> vector<256x256xf32>
    %add3A_312 = arith.addf %add3A_308, %dot_general3A_311 : vector<256x256xf32>
    %slice3A_313 = vector.extract_strided_slice %get3A_10 {offsets = [0, 0], sizes = [128, 256], strides = [1, 1]} : vector<272x256xf32> to vector<128x256xf32>
    %dot_general3A_314 = arith.constant dense<0.000000e+00> : vector<256x256xf32>
    %dot_general3A_315 = tpu.matmul %get3A_298, %slice3A_313, %dot_general3A_314 {dimension_numbers = #tpu.dot_dimension_numbers<[1], [0], [0], [1], [0, 0, 1, 1], [], []>, transpose_lhs_hint = false} : vector<256x128xf32>, vector<128x256xf32>, vector<256x256xf32> -> vector<256x256xf32>
    %slice3A_316 = vector.extract_strided_slice %get3A_10 {offsets = [128, 0], sizes = [128, 256], strides = [1, 1]} : vector<272x256xf32> to vector<128x256xf32>
    %dot_general3A_317 = arith.constant dense<0.000000e+00> : vector<256x256xf32>
    %dot_general3A_318 = tpu.matmul %mul3A_295, %slice3A_316, %dot_general3A_317 {dimension_numbers = #tpu.dot_dimension_numbers<[1], [0], [0], [1], [0, 0, 1, 1], [], []>, transpose_lhs_hint = false} : vector<256x128xf32>, vector<128x256xf32>, vector<256x256xf32> -> vector<256x256xf32>
    %add3A_319 = arith.addf %dot_general3A_315, %dot_general3A_318 : vector<256x256xf32>
    %slice3A_320 = vector.extract_strided_slice %get3A_10 {offsets = [256, 0], sizes = [16, 256], strides = [1, 1]} : vector<272x256xf32> to vector<16x256xf32>
    %dot_general3A_321 = arith.constant dense<0.000000e+00> : vector<256x256xf32>
    %dot_general3A_322 = tpu.matmul %get3A_301, %slice3A_320, %dot_general3A_321 {dimension_numbers = #tpu.dot_dimension_numbers<[1], [0], [0], [1], [0, 0, 1, 1], [], []>, transpose_lhs_hint = false} : vector<256x16xf32>, vector<16x256xf32>, vector<256x256xf32> -> vector<256x256xf32>
    %add3A_323 = arith.addf %add3A_319, %dot_general3A_322 : vector<256x256xf32>
    %slice3A_324 = vector.extract_strided_slice %add3A_312 {offsets = [0, 0], sizes = [256, 128], strides = [1, 1]} : vector<256x256xf32> to vector<256x128xf32>
    %slice3A_325 = vector.extract_strided_slice %add3A_61 {offsets = [0, 0], sizes = [256, 128], strides = [1, 1]} : vector<256x256xf32> to vector<256x128xf32>
    %mul3A_326 = arith.mulf %slice3A_324, %slice3A_325 : vector<256x128xf32>
    %reduce_sum3A_327 = arith.constant dense<0.000000e+00> : vector<256xf32>
    %reduce_sum3A_328 = vector.multi_reduction <add>, %mul3A_326, %reduce_sum3A_327 [1] : vector<256x128xf32> to vector<256xf32>
    %broadcast_in_dim3A_329 = vector.shape_cast %reduce_sum3A_328 : vector<256xf32> to vector<256x1xf32>
    %slice3A_330 = vector.extract_strided_slice %add3A_312 {offsets = [0, 128], sizes = [256, 128], strides = [1, 1]} : vector<256x256xf32> to vector<256x128xf32>
    %slice3A_331 = vector.extract_strided_slice %add3A_61 {offsets = [0, 128], sizes = [256, 128], strides = [1, 1]} : vector<256x256xf32> to vector<256x128xf32>
    %mul3A_332 = arith.mulf %slice3A_330, %slice3A_331 : vector<256x128xf32>
    %reduce_sum3A_333 = arith.constant dense<0.000000e+00> : vector<256xf32>
    %reduce_sum3A_334 = vector.multi_reduction <add>, %mul3A_332, %reduce_sum3A_333 [1] : vector<256x128xf32> to vector<256xf32>
    %broadcast_in_dim3A_335 = vector.shape_cast %reduce_sum3A_334 : vector<256xf32> to vector<256x1xf32>
    %slice3A_336 = vector.extract_strided_slice %get3A_67 {offsets = [0, 3], sizes = [256, 1], strides = [1, 1]} : vector<256x10xf32> to vector<256x1xf32>
    %sub3A_337 = arith.subf %get3A_64, %slice3A_336 : vector<256x1xf32>
    %mul3A_338 = vector.broadcast %sub3A_337 : vector<256x1xf32> to vector<256x128xf32>
    %mul3A_339 = vector.broadcast %get3A_13 : vector<1x128xf32> to vector<256x128xf32>
    %mul3A_340 = arith.mulf %mul3A_338, %mul3A_339 : vector<256x128xf32>
    %add3A_341 = vector.broadcast %get3A_16 : vector<1x128xf32> to vector<256x128xf32>
    %add3A_342 = arith.addf %mul3A_340, %add3A_341 : vector<256x128xf32>
    %mul3A_343 = arith.constant 0.159154937 : f32
    %mul3A_344 = vector.broadcast %mul3A_343 : f32 to vector<256x128xf32>
    %mul3A_345 = arith.mulf %add3A_342, %mul3A_344 : vector<256x128xf32>
    %round3A_346 = math.roundeven %mul3A_345 : vector<256x128xf32>
    %sub3A_347 = arith.subf %mul3A_345, %round3A_346 : vector<256x128xf32>
    %mul3A_348 = arith.constant 2.000000e+00 : f32
    %mul3A_349 = vector.broadcast %mul3A_348 : f32 to vector<256x128xf32>
    %mul3A_350 = arith.mulf %mul3A_349, %sub3A_347 : vector<256x128xf32>
    %round3A_351 = math.roundeven %mul3A_350 : vector<256x128xf32>
    %mul3A_352 = arith.constant 5.000000e-01 : f32
    %mul3A_353 = vector.broadcast %mul3A_352 : f32 to vector<256x128xf32>
    %mul3A_354 = arith.mulf %mul3A_353, %round3A_351 : vector<256x128xf32>
    %sub3A_355 = arith.subf %sub3A_347, %mul3A_354 : vector<256x128xf32>
    %mul3A_356 = arith.mulf %sub3A_355, %sub3A_355 : vector<256x128xf32>
    %mul3A_357 = arith.constant 39.4784164 : f32
    %mul3A_358 = vector.broadcast %mul3A_357 : f32 to vector<256x128xf32>
    %mul3A_359 = arith.mulf %mul3A_358, %mul3A_356 : vector<256x128xf32>
    %mul3A_360 = arith.constant 2.48015876E-5 : f32
    %mul3A_361 = vector.broadcast %mul3A_360 : f32 to vector<256x128xf32>
    %mul3A_362 = arith.mulf %mul3A_359, %mul3A_361 : vector<256x128xf32>
    %add3A_363 = arith.constant -0.00138888892 : f32
    %add3A_364 = vector.broadcast %add3A_363 : f32 to vector<256x128xf32>
    %add3A_365 = arith.addf %add3A_364, %mul3A_362 : vector<256x128xf32>
    %mul3A_366 = arith.mulf %mul3A_359, %add3A_365 : vector<256x128xf32>
    %add3A_367 = arith.constant 0.0416666679 : f32
    %add3A_368 = vector.broadcast %add3A_367 : f32 to vector<256x128xf32>
    %add3A_369 = arith.addf %add3A_368, %mul3A_366 : vector<256x128xf32>
    %mul3A_370 = arith.mulf %mul3A_359, %add3A_369 : vector<256x128xf32>
    %add3A_371 = arith.constant -5.000000e-01 : f32
    %add3A_372 = vector.broadcast %add3A_371 : f32 to vector<256x128xf32>
    %add3A_373 = arith.addf %add3A_372, %mul3A_370 : vector<256x128xf32>
    %mul3A_374 = arith.mulf %mul3A_359, %add3A_373 : vector<256x128xf32>
    %add3A_375 = arith.constant 1.000000e+00 : f32
    %add3A_376 = vector.broadcast %add3A_375 : f32 to vector<256x128xf32>
    %add3A_377 = arith.addf %add3A_376, %mul3A_374 : vector<256x128xf32>
    %mul3A_378 = arith.constant 2.000000e+00 : f32
    %mul3A_379 = vector.broadcast %mul3A_378 : f32 to vector<256x128xf32>
    %mul3A_380 = arith.mulf %mul3A_379, %round3A_351 : vector<256x128xf32>
    %mul3A_381 = arith.mulf %mul3A_380, %round3A_351 : vector<256x128xf32>
    %sub3A_382 = arith.constant 1.000000e+00 : f32
    %sub3A_383 = vector.broadcast %sub3A_382 : f32 to vector<256x128xf32>
    %sub3A_384 = arith.subf %sub3A_383, %mul3A_381 : vector<256x128xf32>
    %mul3A_385 = arith.mulf %add3A_377, %sub3A_384 : vector<256x128xf32>
    %get3A_386 = arith.constant 0 : index
    %get3A_387 = arith.constant 0 : index
    %get3A_388 = vector.load %arg5[%get3A_386, %get3A_387] : memref<256x128xf32, #tpu.memory_space<vmem>>, vector<256x128xf32>
    %get3A_389 = arith.constant 0 : index
    %get3A_390 = arith.constant 0 : index
    %get3A_391 = vector.load %arg15[%get3A_389, %get3A_390] : memref<256x16xf32, #tpu.memory_space<vmem>>, vector<256x16xf32>
    %slice3A_392 = vector.extract_strided_slice %get3A_7 {offsets = [0, 0], sizes = [128, 256], strides = [1, 1]} : vector<272x256xf32> to vector<128x256xf32>
    %dot_general3A_393 = arith.constant dense<0.000000e+00> : vector<256x256xf32>
    %dot_general3A_394 = tpu.matmul %get3A_388, %slice3A_392, %dot_general3A_393 {dimension_numbers = #tpu.dot_dimension_numbers<[1], [0], [0], [1], [0, 0, 1, 1], [], []>, transpose_lhs_hint = false} : vector<256x128xf32>, vector<128x256xf32>, vector<256x256xf32> -> vector<256x256xf32>
    %slice3A_395 = vector.extract_strided_slice %get3A_7 {offsets = [128, 0], sizes = [128, 256], strides = [1, 1]} : vector<272x256xf32> to vector<128x256xf32>
    %dot_general3A_396 = arith.constant dense<0.000000e+00> : vector<256x256xf32>
    %dot_general3A_397 = tpu.matmul %mul3A_385, %slice3A_395, %dot_general3A_396 {dimension_numbers = #tpu.dot_dimension_numbers<[1], [0], [0], [1], [0, 0, 1, 1], [], []>, transpose_lhs_hint = false} : vector<256x128xf32>, vector<128x256xf32>, vector<256x256xf32> -> vector<256x256xf32>
    %add3A_398 = arith.addf %dot_general3A_394, %dot_general3A_397 : vector<256x256xf32>
    %slice3A_399 = vector.extract_strided_slice %get3A_7 {offsets = [256, 0], sizes = [16, 256], strides = [1, 1]} : vector<272x256xf32> to vector<16x256xf32>
    %dot_general3A_400 = arith.constant dense<0.000000e+00> : vector<256x256xf32>
    %dot_general3A_401 = tpu.matmul %get3A_391, %slice3A_399, %dot_general3A_400 {dimension_numbers = #tpu.dot_dimension_numbers<[1], [0], [0], [1], [0, 0, 1, 1], [], []>, transpose_lhs_hint = false} : vector<256x16xf32>, vector<16x256xf32>, vector<256x256xf32> -> vector<256x256xf32>
    %add3A_402 = arith.addf %add3A_398, %dot_general3A_401 : vector<256x256xf32>
    %slice3A_403 = vector.extract_strided_slice %get3A_10 {offsets = [0, 0], sizes = [128, 256], strides = [1, 1]} : vector<272x256xf32> to vector<128x256xf32>
    %dot_general3A_404 = arith.constant dense<0.000000e+00> : vector<256x256xf32>
    %dot_general3A_405 = tpu.matmul %get3A_388, %slice3A_403, %dot_general3A_404 {dimension_numbers = #tpu.dot_dimension_numbers<[1], [0], [0], [1], [0, 0, 1, 1], [], []>, transpose_lhs_hint = false} : vector<256x128xf32>, vector<128x256xf32>, vector<256x256xf32> -> vector<256x256xf32>
    %slice3A_406 = vector.extract_strided_slice %get3A_10 {offsets = [128, 0], sizes = [128, 256], strides = [1, 1]} : vector<272x256xf32> to vector<128x256xf32>
    %dot_general3A_407 = arith.constant dense<0.000000e+00> : vector<256x256xf32>
    %dot_general3A_408 = tpu.matmul %mul3A_385, %slice3A_406, %dot_general3A_407 {dimension_numbers = #tpu.dot_dimension_numbers<[1], [0], [0], [1], [0, 0, 1, 1], [], []>, transpose_lhs_hint = false} : vector<256x128xf32>, vector<128x256xf32>, vector<256x256xf32> -> vector<256x256xf32>
    %add3A_409 = arith.addf %dot_general3A_405, %dot_general3A_408 : vector<256x256xf32>
    %slice3A_410 = vector.extract_strided_slice %get3A_10 {offsets = [256, 0], sizes = [16, 256], strides = [1, 1]} : vector<272x256xf32> to vector<16x256xf32>
    %dot_general3A_411 = arith.constant dense<0.000000e+00> : vector<256x256xf32>
    %dot_general3A_412 = tpu.matmul %get3A_391, %slice3A_410, %dot_general3A_411 {dimension_numbers = #tpu.dot_dimension_numbers<[1], [0], [0], [1], [0, 0, 1, 1], [], []>, transpose_lhs_hint = false} : vector<256x16xf32>, vector<16x256xf32>, vector<256x256xf32> -> vector<256x256xf32>
    %add3A_413 = arith.addf %add3A_409, %dot_general3A_412 : vector<256x256xf32>
    %slice3A_414 = vector.extract_strided_slice %add3A_402 {offsets = [0, 0], sizes = [256, 128], strides = [1, 1]} : vector<256x256xf32> to vector<256x128xf32>
    %slice3A_415 = vector.extract_strided_slice %add3A_61 {offsets = [0, 0], sizes = [256, 128], strides = [1, 1]} : vector<256x256xf32> to vector<256x128xf32>
    %mul3A_416 = arith.mulf %slice3A_414, %slice3A_415 : vector<256x128xf32>
    %reduce_sum3A_417 = arith.constant dense<0.000000e+00> : vector<256xf32>
    %reduce_sum3A_418 = vector.multi_reduction <add>, %mul3A_416, %reduce_sum3A_417 [1] : vector<256x128xf32> to vector<256xf32>
    %broadcast_in_dim3A_419 = vector.shape_cast %reduce_sum3A_418 : vector<256xf32> to vector<256x1xf32>
    %slice3A_420 = vector.extract_strided_slice %add3A_402 {offsets = [0, 128], sizes = [256, 128], strides = [1, 1]} : vector<256x256xf32> to vector<256x128xf32>
    %slice3A_421 = vector.extract_strided_slice %add3A_61 {offsets = [0, 128], sizes = [256, 128], strides = [1, 1]} : vector<256x256xf32> to vector<256x128xf32>
    %mul3A_422 = arith.mulf %slice3A_420, %slice3A_421 : vector<256x128xf32>
    %reduce_sum3A_423 = arith.constant dense<0.000000e+00> : vector<256xf32>
    %reduce_sum3A_424 = vector.multi_reduction <add>, %mul3A_422, %reduce_sum3A_423 [1] : vector<256x128xf32> to vector<256xf32>
    %broadcast_in_dim3A_425 = vector.shape_cast %reduce_sum3A_424 : vector<256xf32> to vector<256x1xf32>
    %slice3A_426 = vector.extract_strided_slice %get3A_67 {offsets = [0, 4], sizes = [256, 1], strides = [1, 1]} : vector<256x10xf32> to vector<256x1xf32>
    %sub3A_427 = arith.subf %get3A_64, %slice3A_426 : vector<256x1xf32>
    %mul3A_428 = vector.broadcast %sub3A_427 : vector<256x1xf32> to vector<256x128xf32>
    %mul3A_429 = vector.broadcast %get3A_13 : vector<1x128xf32> to vector<256x128xf32>
    %mul3A_430 = arith.mulf %mul3A_428, %mul3A_429 : vector<256x128xf32>
    %add3A_431 = vector.broadcast %get3A_16 : vector<1x128xf32> to vector<256x128xf32>
    %add3A_432 = arith.addf %mul3A_430, %add3A_431 : vector<256x128xf32>
    %mul3A_433 = arith.constant 0.159154937 : f32
    %mul3A_434 = vector.broadcast %mul3A_433 : f32 to vector<256x128xf32>
    %mul3A_435 = arith.mulf %add3A_432, %mul3A_434 : vector<256x128xf32>
    %round3A_436 = math.roundeven %mul3A_435 : vector<256x128xf32>
    %sub3A_437 = arith.subf %mul3A_435, %round3A_436 : vector<256x128xf32>
    %mul3A_438 = arith.constant 2.000000e+00 : f32
    %mul3A_439 = vector.broadcast %mul3A_438 : f32 to vector<256x128xf32>
    %mul3A_440 = arith.mulf %mul3A_439, %sub3A_437 : vector<256x128xf32>
    %round3A_441 = math.roundeven %mul3A_440 : vector<256x128xf32>
    %mul3A_442 = arith.constant 5.000000e-01 : f32
    %mul3A_443 = vector.broadcast %mul3A_442 : f32 to vector<256x128xf32>
    %mul3A_444 = arith.mulf %mul3A_443, %round3A_441 : vector<256x128xf32>
    %sub3A_445 = arith.subf %sub3A_437, %mul3A_444 : vector<256x128xf32>
    %mul3A_446 = arith.mulf %sub3A_445, %sub3A_445 : vector<256x128xf32>
    %mul3A_447 = arith.constant 39.4784164 : f32
    %mul3A_448 = vector.broadcast %mul3A_447 : f32 to vector<256x128xf32>
    %mul3A_449 = arith.mulf %mul3A_448, %mul3A_446 : vector<256x128xf32>
    %mul3A_450 = arith.constant 2.48015876E-5 : f32
    %mul3A_451 = vector.broadcast %mul3A_450 : f32 to vector<256x128xf32>
    %mul3A_452 = arith.mulf %mul3A_449, %mul3A_451 : vector<256x128xf32>
    %add3A_453 = arith.constant -0.00138888892 : f32
    %add3A_454 = vector.broadcast %add3A_453 : f32 to vector<256x128xf32>
    %add3A_455 = arith.addf %add3A_454, %mul3A_452 : vector<256x128xf32>
    %mul3A_456 = arith.mulf %mul3A_449, %add3A_455 : vector<256x128xf32>
    %add3A_457 = arith.constant 0.0416666679 : f32
    %add3A_458 = vector.broadcast %add3A_457 : f32 to vector<256x128xf32>
    %add3A_459 = arith.addf %add3A_458, %mul3A_456 : vector<256x128xf32>
    %mul3A_460 = arith.mulf %mul3A_449, %add3A_459 : vector<256x128xf32>
    %add3A_461 = arith.constant -5.000000e-01 : f32
    %add3A_462 = vector.broadcast %add3A_461 : f32 to vector<256x128xf32>
    %add3A_463 = arith.addf %add3A_462, %mul3A_460 : vector<256x128xf32>
    %mul3A_464 = arith.mulf %mul3A_449, %add3A_463 : vector<256x128xf32>
    %add3A_465 = arith.constant 1.000000e+00 : f32
    %add3A_466 = vector.broadcast %add3A_465 : f32 to vector<256x128xf32>
    %add3A_467 = arith.addf %add3A_466, %mul3A_464 : vector<256x128xf32>
    %mul3A_468 = arith.constant 2.000000e+00 : f32
    %mul3A_469 = vector.broadcast %mul3A_468 : f32 to vector<256x128xf32>
    %mul3A_470 = arith.mulf %mul3A_469, %round3A_441 : vector<256x128xf32>
    %mul3A_471 = arith.mulf %mul3A_470, %round3A_441 : vector<256x128xf32>
    %sub3A_472 = arith.constant 1.000000e+00 : f32
    %sub3A_473 = vector.broadcast %sub3A_472 : f32 to vector<256x128xf32>
    %sub3A_474 = arith.subf %sub3A_473, %mul3A_471 : vector<256x128xf32>
    %mul3A_475 = arith.mulf %add3A_467, %sub3A_474 : vector<256x128xf32>
    %get3A_476 = arith.constant 0 : index
    %get3A_477 = arith.constant 0 : index
    %get3A_478 = vector.load %arg6[%get3A_476, %get3A_477] : memref<256x128xf32, #tpu.memory_space<vmem>>, vector<256x128xf32>
    %get3A_479 = arith.constant 0 : index
    %get3A_480 = arith.constant 0 : index
    %get3A_481 = vector.load %arg16[%get3A_479, %get3A_480] : memref<256x16xf32, #tpu.memory_space<vmem>>, vector<256x16xf32>
    %slice3A_482 = vector.extract_strided_slice %get3A_7 {offsets = [0, 0], sizes = [128, 256], strides = [1, 1]} : vector<272x256xf32> to vector<128x256xf32>
    %dot_general3A_483 = arith.constant dense<0.000000e+00> : vector<256x256xf32>
    %dot_general3A_484 = tpu.matmul %get3A_478, %slice3A_482, %dot_general3A_483 {dimension_numbers = #tpu.dot_dimension_numbers<[1], [0], [0], [1], [0, 0, 1, 1], [], []>, transpose_lhs_hint = false} : vector<256x128xf32>, vector<128x256xf32>, vector<256x256xf32> -> vector<256x256xf32>
    %slice3A_485 = vector.extract_strided_slice %get3A_7 {offsets = [128, 0], sizes = [128, 256], strides = [1, 1]} : vector<272x256xf32> to vector<128x256xf32>
    %dot_general3A_486 = arith.constant dense<0.000000e+00> : vector<256x256xf32>
    %dot_general3A_487 = tpu.matmul %mul3A_475, %slice3A_485, %dot_general3A_486 {dimension_numbers = #tpu.dot_dimension_numbers<[1], [0], [0], [1], [0, 0, 1, 1], [], []>, transpose_lhs_hint = false} : vector<256x128xf32>, vector<128x256xf32>, vector<256x256xf32> -> vector<256x256xf32>
    %add3A_488 = arith.addf %dot_general3A_484, %dot_general3A_487 : vector<256x256xf32>
    %slice3A_489 = vector.extract_strided_slice %get3A_7 {offsets = [256, 0], sizes = [16, 256], strides = [1, 1]} : vector<272x256xf32> to vector<16x256xf32>
    %dot_general3A_490 = arith.constant dense<0.000000e+00> : vector<256x256xf32>
    %dot_general3A_491 = tpu.matmul %get3A_481, %slice3A_489, %dot_general3A_490 {dimension_numbers = #tpu.dot_dimension_numbers<[1], [0], [0], [1], [0, 0, 1, 1], [], []>, transpose_lhs_hint = false} : vector<256x16xf32>, vector<16x256xf32>, vector<256x256xf32> -> vector<256x256xf32>
    %add3A_492 = arith.addf %add3A_488, %dot_general3A_491 : vector<256x256xf32>
    %slice3A_493 = vector.extract_strided_slice %get3A_10 {offsets = [0, 0], sizes = [128, 256], strides = [1, 1]} : vector<272x256xf32> to vector<128x256xf32>
    %dot_general3A_494 = arith.constant dense<0.000000e+00> : vector<256x256xf32>
    %dot_general3A_495 = tpu.matmul %get3A_478, %slice3A_493, %dot_general3A_494 {dimension_numbers = #tpu.dot_dimension_numbers<[1], [0], [0], [1], [0, 0, 1, 1], [], []>, transpose_lhs_hint = false} : vector<256x128xf32>, vector<128x256xf32>, vector<256x256xf32> -> vector<256x256xf32>
    %slice3A_496 = vector.extract_strided_slice %get3A_10 {offsets = [128, 0], sizes = [128, 256], strides = [1, 1]} : vector<272x256xf32> to vector<128x256xf32>
    %dot_general3A_497 = arith.constant dense<0.000000e+00> : vector<256x256xf32>
    %dot_general3A_498 = tpu.matmul %mul3A_475, %slice3A_496, %dot_general3A_497 {dimension_numbers = #tpu.dot_dimension_numbers<[1], [0], [0], [1], [0, 0, 1, 1], [], []>, transpose_lhs_hint = false} : vector<256x128xf32>, vector<128x256xf32>, vector<256x256xf32> -> vector<256x256xf32>
    %add3A_499 = arith.addf %dot_general3A_495, %dot_general3A_498 : vector<256x256xf32>
    %slice3A_500 = vector.extract_strided_slice %get3A_10 {offsets = [256, 0], sizes = [16, 256], strides = [1, 1]} : vector<272x256xf32> to vector<16x256xf32>
    %dot_general3A_501 = arith.constant dense<0.000000e+00> : vector<256x256xf32>
    %dot_general3A_502 = tpu.matmul %get3A_481, %slice3A_500, %dot_general3A_501 {dimension_numbers = #tpu.dot_dimension_numbers<[1], [0], [0], [1], [0, 0, 1, 1], [], []>, transpose_lhs_hint = false} : vector<256x16xf32>, vector<16x256xf32>, vector<256x256xf32> -> vector<256x256xf32>
    %add3A_503 = arith.addf %add3A_499, %dot_general3A_502 : vector<256x256xf32>
    %slice3A_504 = vector.extract_strided_slice %add3A_492 {offsets = [0, 0], sizes = [256, 128], strides = [1, 1]} : vector<256x256xf32> to vector<256x128xf32>
    %slice3A_505 = vector.extract_strided_slice %add3A_61 {offsets = [0, 0], sizes = [256, 128], strides = [1, 1]} : vector<256x256xf32> to vector<256x128xf32>
    %mul3A_506 = arith.mulf %slice3A_504, %slice3A_505 : vector<256x128xf32>
    %reduce_sum3A_507 = arith.constant dense<0.000000e+00> : vector<256xf32>
    %reduce_sum3A_508 = vector.multi_reduction <add>, %mul3A_506, %reduce_sum3A_507 [1] : vector<256x128xf32> to vector<256xf32>
    %broadcast_in_dim3A_509 = vector.shape_cast %reduce_sum3A_508 : vector<256xf32> to vector<256x1xf32>
    %slice3A_510 = vector.extract_strided_slice %add3A_492 {offsets = [0, 128], sizes = [256, 128], strides = [1, 1]} : vector<256x256xf32> to vector<256x128xf32>
    %slice3A_511 = vector.extract_strided_slice %add3A_61 {offsets = [0, 128], sizes = [256, 128], strides = [1, 1]} : vector<256x256xf32> to vector<256x128xf32>
    %mul3A_512 = arith.mulf %slice3A_510, %slice3A_511 : vector<256x128xf32>
    %reduce_sum3A_513 = arith.constant dense<0.000000e+00> : vector<256xf32>
    %reduce_sum3A_514 = vector.multi_reduction <add>, %mul3A_512, %reduce_sum3A_513 [1] : vector<256x128xf32> to vector<256xf32>
    %broadcast_in_dim3A_515 = vector.shape_cast %reduce_sum3A_514 : vector<256xf32> to vector<256x1xf32>
    %slice3A_516 = vector.extract_strided_slice %get3A_67 {offsets = [0, 5], sizes = [256, 1], strides = [1, 1]} : vector<256x10xf32> to vector<256x1xf32>
    %sub3A_517 = arith.subf %get3A_64, %slice3A_516 : vector<256x1xf32>
    %mul3A_518 = vector.broadcast %sub3A_517 : vector<256x1xf32> to vector<256x128xf32>
    %mul3A_519 = vector.broadcast %get3A_13 : vector<1x128xf32> to vector<256x128xf32>
    %mul3A_520 = arith.mulf %mul3A_518, %mul3A_519 : vector<256x128xf32>
    %add3A_521 = vector.broadcast %get3A_16 : vector<1x128xf32> to vector<256x128xf32>
    %add3A_522 = arith.addf %mul3A_520, %add3A_521 : vector<256x128xf32>
    %mul3A_523 = arith.constant 0.159154937 : f32
    %mul3A_524 = vector.broadcast %mul3A_523 : f32 to vector<256x128xf32>
    %mul3A_525 = arith.mulf %add3A_522, %mul3A_524 : vector<256x128xf32>
    %round3A_526 = math.roundeven %mul3A_525 : vector<256x128xf32>
    %sub3A_527 = arith.subf %mul3A_525, %round3A_526 : vector<256x128xf32>
    %mul3A_528 = arith.constant 2.000000e+00 : f32
    %mul3A_529 = vector.broadcast %mul3A_528 : f32 to vector<256x128xf32>
    %mul3A_530 = arith.mulf %mul3A_529, %sub3A_527 : vector<256x128xf32>
    %round3A_531 = math.roundeven %mul3A_530 : vector<256x128xf32>
    %mul3A_532 = arith.constant 5.000000e-01 : f32
    %mul3A_533 = vector.broadcast %mul3A_532 : f32 to vector<256x128xf32>
    %mul3A_534 = arith.mulf %mul3A_533, %round3A_531 : vector<256x128xf32>
    %sub3A_535 = arith.subf %sub3A_527, %mul3A_534 : vector<256x128xf32>
    %mul3A_536 = arith.mulf %sub3A_535, %sub3A_535 : vector<256x128xf32>
    %mul3A_537 = arith.constant 39.4784164 : f32
    %mul3A_538 = vector.broadcast %mul3A_537 : f32 to vector<256x128xf32>
    %mul3A_539 = arith.mulf %mul3A_538, %mul3A_536 : vector<256x128xf32>
    %mul3A_540 = arith.constant 2.48015876E-5 : f32
    %mul3A_541 = vector.broadcast %mul3A_540 : f32 to vector<256x128xf32>
    %mul3A_542 = arith.mulf %mul3A_539, %mul3A_541 : vector<256x128xf32>
    %add3A_543 = arith.constant -0.00138888892 : f32
    %add3A_544 = vector.broadcast %add3A_543 : f32 to vector<256x128xf32>
    %add3A_545 = arith.addf %add3A_544, %mul3A_542 : vector<256x128xf32>
    %mul3A_546 = arith.mulf %mul3A_539, %add3A_545 : vector<256x128xf32>
    %add3A_547 = arith.constant 0.0416666679 : f32
    %add3A_548 = vector.broadcast %add3A_547 : f32 to vector<256x128xf32>
    %add3A_549 = arith.addf %add3A_548, %mul3A_546 : vector<256x128xf32>
    %mul3A_550 = arith.mulf %mul3A_539, %add3A_549 : vector<256x128xf32>
    %add3A_551 = arith.constant -5.000000e-01 : f32
    %add3A_552 = vector.broadcast %add3A_551 : f32 to vector<256x128xf32>
    %add3A_553 = arith.addf %add3A_552, %mul3A_550 : vector<256x128xf32>
    %mul3A_554 = arith.mulf %mul3A_539, %add3A_553 : vector<256x128xf32>
    %add3A_555 = arith.constant 1.000000e+00 : f32
    %add3A_556 = vector.broadcast %add3A_555 : f32 to vector<256x128xf32>
    %add3A_557 = arith.addf %add3A_556, %mul3A_554 : vector<256x128xf32>
    %mul3A_558 = arith.constant 2.000000e+00 : f32
    %mul3A_559 = vector.broadcast %mul3A_558 : f32 to vector<256x128xf32>
    %mul3A_560 = arith.mulf %mul3A_559, %round3A_531 : vector<256x128xf32>
    %mul3A_561 = arith.mulf %mul3A_560, %round3A_531 : vector<256x128xf32>
    %sub3A_562 = arith.constant 1.000000e+00 : f32
    %sub3A_563 = vector.broadcast %sub3A_562 : f32 to vector<256x128xf32>
    %sub3A_564 = arith.subf %sub3A_563, %mul3A_561 : vector<256x128xf32>
    %mul3A_565 = arith.mulf %add3A_557, %sub3A_564 : vector<256x128xf32>
    %get3A_566 = arith.constant 0 : index
    %get3A_567 = arith.constant 0 : index
    %get3A_568 = vector.load %arg7[%get3A_566, %get3A_567] : memref<256x128xf32, #tpu.memory_space<vmem>>, vector<256x128xf32>
    %get3A_569 = arith.constant 0 : index
    %get3A_570 = arith.constant 0 : index
    %get3A_571 = vector.load %arg17[%get3A_569, %get3A_570] : memref<256x16xf32, #tpu.memory_space<vmem>>, vector<256x16xf32>
    %slice3A_572 = vector.extract_strided_slice %get3A_7 {offsets = [0, 0], sizes = [128, 256], strides = [1, 1]} : vector<272x256xf32> to vector<128x256xf32>
    %dot_general3A_573 = arith.constant dense<0.000000e+00> : vector<256x256xf32>
    %dot_general3A_574 = tpu.matmul %get3A_568, %slice3A_572, %dot_general3A_573 {dimension_numbers = #tpu.dot_dimension_numbers<[1], [0], [0], [1], [0, 0, 1, 1], [], []>, transpose_lhs_hint = false} : vector<256x128xf32>, vector<128x256xf32>, vector<256x256xf32> -> vector<256x256xf32>
    %slice3A_575 = vector.extract_strided_slice %get3A_7 {offsets = [128, 0], sizes = [128, 256], strides = [1, 1]} : vector<272x256xf32> to vector<128x256xf32>
    %dot_general3A_576 = arith.constant dense<0.000000e+00> : vector<256x256xf32>
    %dot_general3A_577 = tpu.matmul %mul3A_565, %slice3A_575, %dot_general3A_576 {dimension_numbers = #tpu.dot_dimension_numbers<[1], [0], [0], [1], [0, 0, 1, 1], [], []>, transpose_lhs_hint = false} : vector<256x128xf32>, vector<128x256xf32>, vector<256x256xf32> -> vector<256x256xf32>
    %add3A_578 = arith.addf %dot_general3A_574, %dot_general3A_577 : vector<256x256xf32>
    %slice3A_579 = vector.extract_strided_slice %get3A_7 {offsets = [256, 0], sizes = [16, 256], strides = [1, 1]} : vector<272x256xf32> to vector<16x256xf32>
    %dot_general3A_580 = arith.constant dense<0.000000e+00> : vector<256x256xf32>
    %dot_general3A_581 = tpu.matmul %get3A_571, %slice3A_579, %dot_general3A_580 {dimension_numbers = #tpu.dot_dimension_numbers<[1], [0], [0], [1], [0, 0, 1, 1], [], []>, transpose_lhs_hint = false} : vector<256x16xf32>, vector<16x256xf32>, vector<256x256xf32> -> vector<256x256xf32>
    %add3A_582 = arith.addf %add3A_578, %dot_general3A_581 : vector<256x256xf32>
    %slice3A_583 = vector.extract_strided_slice %get3A_10 {offsets = [0, 0], sizes = [128, 256], strides = [1, 1]} : vector<272x256xf32> to vector<128x256xf32>
    %dot_general3A_584 = arith.constant dense<0.000000e+00> : vector<256x256xf32>
    %dot_general3A_585 = tpu.matmul %get3A_568, %slice3A_583, %dot_general3A_584 {dimension_numbers = #tpu.dot_dimension_numbers<[1], [0], [0], [1], [0, 0, 1, 1], [], []>, transpose_lhs_hint = false} : vector<256x128xf32>, vector<128x256xf32>, vector<256x256xf32> -> vector<256x256xf32>
    %slice3A_586 = vector.extract_strided_slice %get3A_10 {offsets = [128, 0], sizes = [128, 256], strides = [1, 1]} : vector<272x256xf32> to vector<128x256xf32>
    %dot_general3A_587 = arith.constant dense<0.000000e+00> : vector<256x256xf32>
    %dot_general3A_588 = tpu.matmul %mul3A_565, %slice3A_586, %dot_general3A_587 {dimension_numbers = #tpu.dot_dimension_numbers<[1], [0], [0], [1], [0, 0, 1, 1], [], []>, transpose_lhs_hint = false} : vector<256x128xf32>, vector<128x256xf32>, vector<256x256xf32> -> vector<256x256xf32>
    %add3A_589 = arith.addf %dot_general3A_585, %dot_general3A_588 : vector<256x256xf32>
    %slice3A_590 = vector.extract_strided_slice %get3A_10 {offsets = [256, 0], sizes = [16, 256], strides = [1, 1]} : vector<272x256xf32> to vector<16x256xf32>
    %dot_general3A_591 = arith.constant dense<0.000000e+00> : vector<256x256xf32>
    %dot_general3A_592 = tpu.matmul %get3A_571, %slice3A_590, %dot_general3A_591 {dimension_numbers = #tpu.dot_dimension_numbers<[1], [0], [0], [1], [0, 0, 1, 1], [], []>, transpose_lhs_hint = false} : vector<256x16xf32>, vector<16x256xf32>, vector<256x256xf32> -> vector<256x256xf32>
    %add3A_593 = arith.addf %add3A_589, %dot_general3A_592 : vector<256x256xf32>
    %slice3A_594 = vector.extract_strided_slice %add3A_582 {offsets = [0, 0], sizes = [256, 128], strides = [1, 1]} : vector<256x256xf32> to vector<256x128xf32>
    %slice3A_595 = vector.extract_strided_slice %add3A_61 {offsets = [0, 0], sizes = [256, 128], strides = [1, 1]} : vector<256x256xf32> to vector<256x128xf32>
    %mul3A_596 = arith.mulf %slice3A_594, %slice3A_595 : vector<256x128xf32>
    %reduce_sum3A_597 = arith.constant dense<0.000000e+00> : vector<256xf32>
    %reduce_sum3A_598 = vector.multi_reduction <add>, %mul3A_596, %reduce_sum3A_597 [1] : vector<256x128xf32> to vector<256xf32>
    %broadcast_in_dim3A_599 = vector.shape_cast %reduce_sum3A_598 : vector<256xf32> to vector<256x1xf32>
    %slice3A_600 = vector.extract_strided_slice %add3A_582 {offsets = [0, 128], sizes = [256, 128], strides = [1, 1]} : vector<256x256xf32> to vector<256x128xf32>
    %slice3A_601 = vector.extract_strided_slice %add3A_61 {offsets = [0, 128], sizes = [256, 128], strides = [1, 1]} : vector<256x256xf32> to vector<256x128xf32>
    %mul3A_602 = arith.mulf %slice3A_600, %slice3A_601 : vector<256x128xf32>
    %reduce_sum3A_603 = arith.constant dense<0.000000e+00> : vector<256xf32>
    %reduce_sum3A_604 = vector.multi_reduction <add>, %mul3A_602, %reduce_sum3A_603 [1] : vector<256x128xf32> to vector<256xf32>
    %broadcast_in_dim3A_605 = vector.shape_cast %reduce_sum3A_604 : vector<256xf32> to vector<256x1xf32>
    %slice3A_606 = vector.extract_strided_slice %get3A_67 {offsets = [0, 6], sizes = [256, 1], strides = [1, 1]} : vector<256x10xf32> to vector<256x1xf32>
    %sub3A_607 = arith.subf %get3A_64, %slice3A_606 : vector<256x1xf32>
    %mul3A_608 = vector.broadcast %sub3A_607 : vector<256x1xf32> to vector<256x128xf32>
    %mul3A_609 = vector.broadcast %get3A_13 : vector<1x128xf32> to vector<256x128xf32>
    %mul3A_610 = arith.mulf %mul3A_608, %mul3A_609 : vector<256x128xf32>
    %add3A_611 = vector.broadcast %get3A_16 : vector<1x128xf32> to vector<256x128xf32>
    %add3A_612 = arith.addf %mul3A_610, %add3A_611 : vector<256x128xf32>
    %mul3A_613 = arith.constant 0.159154937 : f32
    %mul3A_614 = vector.broadcast %mul3A_613 : f32 to vector<256x128xf32>
    %mul3A_615 = arith.mulf %add3A_612, %mul3A_614 : vector<256x128xf32>
    %round3A_616 = math.roundeven %mul3A_615 : vector<256x128xf32>
    %sub3A_617 = arith.subf %mul3A_615, %round3A_616 : vector<256x128xf32>
    %mul3A_618 = arith.constant 2.000000e+00 : f32
    %mul3A_619 = vector.broadcast %mul3A_618 : f32 to vector<256x128xf32>
    %mul3A_620 = arith.mulf %mul3A_619, %sub3A_617 : vector<256x128xf32>
    %round3A_621 = math.roundeven %mul3A_620 : vector<256x128xf32>
    %mul3A_622 = arith.constant 5.000000e-01 : f32
    %mul3A_623 = vector.broadcast %mul3A_622 : f32 to vector<256x128xf32>
    %mul3A_624 = arith.mulf %mul3A_623, %round3A_621 : vector<256x128xf32>
    %sub3A_625 = arith.subf %sub3A_617, %mul3A_624 : vector<256x128xf32>
    %mul3A_626 = arith.mulf %sub3A_625, %sub3A_625 : vector<256x128xf32>
    %mul3A_627 = arith.constant 39.4784164 : f32
    %mul3A_628 = vector.broadcast %mul3A_627 : f32 to vector<256x128xf32>
    %mul3A_629 = arith.mulf %mul3A_628, %mul3A_626 : vector<256x128xf32>
    %mul3A_630 = arith.constant 2.48015876E-5 : f32
    %mul3A_631 = vector.broadcast %mul3A_630 : f32 to vector<256x128xf32>
    %mul3A_632 = arith.mulf %mul3A_629, %mul3A_631 : vector<256x128xf32>
    %add3A_633 = arith.constant -0.00138888892 : f32
    %add3A_634 = vector.broadcast %add3A_633 : f32 to vector<256x128xf32>
    %add3A_635 = arith.addf %add3A_634, %mul3A_632 : vector<256x128xf32>
    %mul3A_636 = arith.mulf %mul3A_629, %add3A_635 : vector<256x128xf32>
    %add3A_637 = arith.constant 0.0416666679 : f32
    %add3A_638 = vector.broadcast %add3A_637 : f32 to vector<256x128xf32>
    %add3A_639 = arith.addf %add3A_638, %mul3A_636 : vector<256x128xf32>
    %mul3A_640 = arith.mulf %mul3A_629, %add3A_639 : vector<256x128xf32>
    %add3A_641 = arith.constant -5.000000e-01 : f32
    %add3A_642 = vector.broadcast %add3A_641 : f32 to vector<256x128xf32>
    %add3A_643 = arith.addf %add3A_642, %mul3A_640 : vector<256x128xf32>
    %mul3A_644 = arith.mulf %mul3A_629, %add3A_643 : vector<256x128xf32>
    %add3A_645 = arith.constant 1.000000e+00 : f32
    %add3A_646 = vector.broadcast %add3A_645 : f32 to vector<256x128xf32>
    %add3A_647 = arith.addf %add3A_646, %mul3A_644 : vector<256x128xf32>
    %mul3A_648 = arith.constant 2.000000e+00 : f32
    %mul3A_649 = vector.broadcast %mul3A_648 : f32 to vector<256x128xf32>
    %mul3A_650 = arith.mulf %mul3A_649, %round3A_621 : vector<256x128xf32>
    %mul3A_651 = arith.mulf %mul3A_650, %round3A_621 : vector<256x128xf32>
    %sub3A_652 = arith.constant 1.000000e+00 : f32
    %sub3A_653 = vector.broadcast %sub3A_652 : f32 to vector<256x128xf32>
    %sub3A_654 = arith.subf %sub3A_653, %mul3A_651 : vector<256x128xf32>
    %mul3A_655 = arith.mulf %add3A_647, %sub3A_654 : vector<256x128xf32>
    %get3A_656 = arith.constant 0 : index
    %get3A_657 = arith.constant 0 : index
    %get3A_658 = vector.load %arg8[%get3A_656, %get3A_657] : memref<256x128xf32, #tpu.memory_space<vmem>>, vector<256x128xf32>
    %get3A_659 = arith.constant 0 : index
    %get3A_660 = arith.constant 0 : index
    %get3A_661 = vector.load %arg18[%get3A_659, %get3A_660] : memref<256x16xf32, #tpu.memory_space<vmem>>, vector<256x16xf32>
    %slice3A_662 = vector.extract_strided_slice %get3A_7 {offsets = [0, 0], sizes = [128, 256], strides = [1, 1]} : vector<272x256xf32> to vector<128x256xf32>
    %dot_general3A_663 = arith.constant dense<0.000000e+00> : vector<256x256xf32>
    %dot_general3A_664 = tpu.matmul %get3A_658, %slice3A_662, %dot_general3A_663 {dimension_numbers = #tpu.dot_dimension_numbers<[1], [0], [0], [1], [0, 0, 1, 1], [], []>, transpose_lhs_hint = false} : vector<256x128xf32>, vector<128x256xf32>, vector<256x256xf32> -> vector<256x256xf32>
    %slice3A_665 = vector.extract_strided_slice %get3A_7 {offsets = [128, 0], sizes = [128, 256], strides = [1, 1]} : vector<272x256xf32> to vector<128x256xf32>
    %dot_general3A_666 = arith.constant dense<0.000000e+00> : vector<256x256xf32>
    %dot_general3A_667 = tpu.matmul %mul3A_655, %slice3A_665, %dot_general3A_666 {dimension_numbers = #tpu.dot_dimension_numbers<[1], [0], [0], [1], [0, 0, 1, 1], [], []>, transpose_lhs_hint = false} : vector<256x128xf32>, vector<128x256xf32>, vector<256x256xf32> -> vector<256x256xf32>
    %add3A_668 = arith.addf %dot_general3A_664, %dot_general3A_667 : vector<256x256xf32>
    %slice3A_669 = vector.extract_strided_slice %get3A_7 {offsets = [256, 0], sizes = [16, 256], strides = [1, 1]} : vector<272x256xf32> to vector<16x256xf32>
    %dot_general3A_670 = arith.constant dense<0.000000e+00> : vector<256x256xf32>
    %dot_general3A_671 = tpu.matmul %get3A_661, %slice3A_669, %dot_general3A_670 {dimension_numbers = #tpu.dot_dimension_numbers<[1], [0], [0], [1], [0, 0, 1, 1], [], []>, transpose_lhs_hint = false} : vector<256x16xf32>, vector<16x256xf32>, vector<256x256xf32> -> vector<256x256xf32>
    %add3A_672 = arith.addf %add3A_668, %dot_general3A_671 : vector<256x256xf32>
    %slice3A_673 = vector.extract_strided_slice %get3A_10 {offsets = [0, 0], sizes = [128, 256], strides = [1, 1]} : vector<272x256xf32> to vector<128x256xf32>
    %dot_general3A_674 = arith.constant dense<0.000000e+00> : vector<256x256xf32>
    %dot_general3A_675 = tpu.matmul %get3A_658, %slice3A_673, %dot_general3A_674 {dimension_numbers = #tpu.dot_dimension_numbers<[1], [0], [0], [1], [0, 0, 1, 1], [], []>, transpose_lhs_hint = false} : vector<256x128xf32>, vector<128x256xf32>, vector<256x256xf32> -> vector<256x256xf32>
    %slice3A_676 = vector.extract_strided_slice %get3A_10 {offsets = [128, 0], sizes = [128, 256], strides = [1, 1]} : vector<272x256xf32> to vector<128x256xf32>
    %dot_general3A_677 = arith.constant dense<0.000000e+00> : vector<256x256xf32>
    %dot_general3A_678 = tpu.matmul %mul3A_655, %slice3A_676, %dot_general3A_677 {dimension_numbers = #tpu.dot_dimension_numbers<[1], [0], [0], [1], [0, 0, 1, 1], [], []>, transpose_lhs_hint = false} : vector<256x128xf32>, vector<128x256xf32>, vector<256x256xf32> -> vector<256x256xf32>
    %add3A_679 = arith.addf %dot_general3A_675, %dot_general3A_678 : vector<256x256xf32>
    %slice3A_680 = vector.extract_strided_slice %get3A_10 {offsets = [256, 0], sizes = [16, 256], strides = [1, 1]} : vector<272x256xf32> to vector<16x256xf32>
    %dot_general3A_681 = arith.constant dense<0.000000e+00> : vector<256x256xf32>
    %dot_general3A_682 = tpu.matmul %get3A_661, %slice3A_680, %dot_general3A_681 {dimension_numbers = #tpu.dot_dimension_numbers<[1], [0], [0], [1], [0, 0, 1, 1], [], []>, transpose_lhs_hint = false} : vector<256x16xf32>, vector<16x256xf32>, vector<256x256xf32> -> vector<256x256xf32>
    %add3A_683 = arith.addf %add3A_679, %dot_general3A_682 : vector<256x256xf32>
    %slice3A_684 = vector.extract_strided_slice %add3A_672 {offsets = [0, 0], sizes = [256, 128], strides = [1, 1]} : vector<256x256xf32> to vector<256x128xf32>
    %slice3A_685 = vector.extract_strided_slice %add3A_61 {offsets = [0, 0], sizes = [256, 128], strides = [1, 1]} : vector<256x256xf32> to vector<256x128xf32>
    %mul3A_686 = arith.mulf %slice3A_684, %slice3A_685 : vector<256x128xf32>
    %reduce_sum3A_687 = arith.constant dense<0.000000e+00> : vector<256xf32>
    %reduce_sum3A_688 = vector.multi_reduction <add>, %mul3A_686, %reduce_sum3A_687 [1] : vector<256x128xf32> to vector<256xf32>
    %broadcast_in_dim3A_689 = vector.shape_cast %reduce_sum3A_688 : vector<256xf32> to vector<256x1xf32>
    %slice3A_690 = vector.extract_strided_slice %add3A_672 {offsets = [0, 128], sizes = [256, 128], strides = [1, 1]} : vector<256x256xf32> to vector<256x128xf32>
    %slice3A_691 = vector.extract_strided_slice %add3A_61 {offsets = [0, 128], sizes = [256, 128], strides = [1, 1]} : vector<256x256xf32> to vector<256x128xf32>
    %mul3A_692 = arith.mulf %slice3A_690, %slice3A_691 : vector<256x128xf32>
    %reduce_sum3A_693 = arith.constant dense<0.000000e+00> : vector<256xf32>
    %reduce_sum3A_694 = vector.multi_reduction <add>, %mul3A_692, %reduce_sum3A_693 [1] : vector<256x128xf32> to vector<256xf32>
    %broadcast_in_dim3A_695 = vector.shape_cast %reduce_sum3A_694 : vector<256xf32> to vector<256x1xf32>
    %slice3A_696 = vector.extract_strided_slice %get3A_67 {offsets = [0, 7], sizes = [256, 1], strides = [1, 1]} : vector<256x10xf32> to vector<256x1xf32>
    %sub3A_697 = arith.subf %get3A_64, %slice3A_696 : vector<256x1xf32>
    %mul3A_698 = vector.broadcast %sub3A_697 : vector<256x1xf32> to vector<256x128xf32>
    %mul3A_699 = vector.broadcast %get3A_13 : vector<1x128xf32> to vector<256x128xf32>
    %mul3A_700 = arith.mulf %mul3A_698, %mul3A_699 : vector<256x128xf32>
    %add3A_701 = vector.broadcast %get3A_16 : vector<1x128xf32> to vector<256x128xf32>
    %add3A_702 = arith.addf %mul3A_700, %add3A_701 : vector<256x128xf32>
    %mul3A_703 = arith.constant 0.159154937 : f32
    %mul3A_704 = vector.broadcast %mul3A_703 : f32 to vector<256x128xf32>
    %mul3A_705 = arith.mulf %add3A_702, %mul3A_704 : vector<256x128xf32>
    %round3A_706 = math.roundeven %mul3A_705 : vector<256x128xf32>
    %sub3A_707 = arith.subf %mul3A_705, %round3A_706 : vector<256x128xf32>
    %mul3A_708 = arith.constant 2.000000e+00 : f32
    %mul3A_709 = vector.broadcast %mul3A_708 : f32 to vector<256x128xf32>
    %mul3A_710 = arith.mulf %mul3A_709, %sub3A_707 : vector<256x128xf32>
    %round3A_711 = math.roundeven %mul3A_710 : vector<256x128xf32>
    %mul3A_712 = arith.constant 5.000000e-01 : f32
    %mul3A_713 = vector.broadcast %mul3A_712 : f32 to vector<256x128xf32>
    %mul3A_714 = arith.mulf %mul3A_713, %round3A_711 : vector<256x128xf32>
    %sub3A_715 = arith.subf %sub3A_707, %mul3A_714 : vector<256x128xf32>
    %mul3A_716 = arith.mulf %sub3A_715, %sub3A_715 : vector<256x128xf32>
    %mul3A_717 = arith.constant 39.4784164 : f32
    %mul3A_718 = vector.broadcast %mul3A_717 : f32 to vector<256x128xf32>
    %mul3A_719 = arith.mulf %mul3A_718, %mul3A_716 : vector<256x128xf32>
    %mul3A_720 = arith.constant 2.48015876E-5 : f32
    %mul3A_721 = vector.broadcast %mul3A_720 : f32 to vector<256x128xf32>
    %mul3A_722 = arith.mulf %mul3A_719, %mul3A_721 : vector<256x128xf32>
    %add3A_723 = arith.constant -0.00138888892 : f32
    %add3A_724 = vector.broadcast %add3A_723 : f32 to vector<256x128xf32>
    %add3A_725 = arith.addf %add3A_724, %mul3A_722 : vector<256x128xf32>
    %mul3A_726 = arith.mulf %mul3A_719, %add3A_725 : vector<256x128xf32>
    %add3A_727 = arith.constant 0.0416666679 : f32
    %add3A_728 = vector.broadcast %add3A_727 : f32 to vector<256x128xf32>
    %add3A_729 = arith.addf %add3A_728, %mul3A_726 : vector<256x128xf32>
    %mul3A_730 = arith.mulf %mul3A_719, %add3A_729 : vector<256x128xf32>
    %add3A_731 = arith.constant -5.000000e-01 : f32
    %add3A_732 = vector.broadcast %add3A_731 : f32 to vector<256x128xf32>
    %add3A_733 = arith.addf %add3A_732, %mul3A_730 : vector<256x128xf32>
    %mul3A_734 = arith.mulf %mul3A_719, %add3A_733 : vector<256x128xf32>
    %add3A_735 = arith.constant 1.000000e+00 : f32
    %add3A_736 = vector.broadcast %add3A_735 : f32 to vector<256x128xf32>
    %add3A_737 = arith.addf %add3A_736, %mul3A_734 : vector<256x128xf32>
    %mul3A_738 = arith.constant 2.000000e+00 : f32
    %mul3A_739 = vector.broadcast %mul3A_738 : f32 to vector<256x128xf32>
    %mul3A_740 = arith.mulf %mul3A_739, %round3A_711 : vector<256x128xf32>
    %mul3A_741 = arith.mulf %mul3A_740, %round3A_711 : vector<256x128xf32>
    %sub3A_742 = arith.constant 1.000000e+00 : f32
    %sub3A_743 = vector.broadcast %sub3A_742 : f32 to vector<256x128xf32>
    %sub3A_744 = arith.subf %sub3A_743, %mul3A_741 : vector<256x128xf32>
    %mul3A_745 = arith.mulf %add3A_737, %sub3A_744 : vector<256x128xf32>
    %get3A_746 = arith.constant 0 : index
    %get3A_747 = arith.constant 0 : index
    %get3A_748 = vector.load %arg9[%get3A_746, %get3A_747] : memref<256x128xf32, #tpu.memory_space<vmem>>, vector<256x128xf32>
    %get3A_749 = arith.constant 0 : index
    %get3A_750 = arith.constant 0 : index
    %get3A_751 = vector.load %arg19[%get3A_749, %get3A_750] : memref<256x16xf32, #tpu.memory_space<vmem>>, vector<256x16xf32>
    %slice3A_752 = vector.extract_strided_slice %get3A_7 {offsets = [0, 0], sizes = [128, 256], strides = [1, 1]} : vector<272x256xf32> to vector<128x256xf32>
    %dot_general3A_753 = arith.constant dense<0.000000e+00> : vector<256x256xf32>
    %dot_general3A_754 = tpu.matmul %get3A_748, %slice3A_752, %dot_general3A_753 {dimension_numbers = #tpu.dot_dimension_numbers<[1], [0], [0], [1], [0, 0, 1, 1], [], []>, transpose_lhs_hint = false} : vector<256x128xf32>, vector<128x256xf32>, vector<256x256xf32> -> vector<256x256xf32>
    %slice3A_755 = vector.extract_strided_slice %get3A_7 {offsets = [128, 0], sizes = [128, 256], strides = [1, 1]} : vector<272x256xf32> to vector<128x256xf32>
    %dot_general3A_756 = arith.constant dense<0.000000e+00> : vector<256x256xf32>
    %dot_general3A_757 = tpu.matmul %mul3A_745, %slice3A_755, %dot_general3A_756 {dimension_numbers = #tpu.dot_dimension_numbers<[1], [0], [0], [1], [0, 0, 1, 1], [], []>, transpose_lhs_hint = false} : vector<256x128xf32>, vector<128x256xf32>, vector<256x256xf32> -> vector<256x256xf32>
    %add3A_758 = arith.addf %dot_general3A_754, %dot_general3A_757 : vector<256x256xf32>
    %slice3A_759 = vector.extract_strided_slice %get3A_7 {offsets = [256, 0], sizes = [16, 256], strides = [1, 1]} : vector<272x256xf32> to vector<16x256xf32>
    %dot_general3A_760 = arith.constant dense<0.000000e+00> : vector<256x256xf32>
    %dot_general3A_761 = tpu.matmul %get3A_751, %slice3A_759, %dot_general3A_760 {dimension_numbers = #tpu.dot_dimension_numbers<[1], [0], [0], [1], [0, 0, 1, 1], [], []>, transpose_lhs_hint = false} : vector<256x16xf32>, vector<16x256xf32>, vector<256x256xf32> -> vector<256x256xf32>
    %add3A_762 = arith.addf %add3A_758, %dot_general3A_761 : vector<256x256xf32>
    %slice3A_763 = vector.extract_strided_slice %get3A_10 {offsets = [0, 0], sizes = [128, 256], strides = [1, 1]} : vector<272x256xf32> to vector<128x256xf32>
    %dot_general3A_764 = arith.constant dense<0.000000e+00> : vector<256x256xf32>
    %dot_general3A_765 = tpu.matmul %get3A_748, %slice3A_763, %dot_general3A_764 {dimension_numbers = #tpu.dot_dimension_numbers<[1], [0], [0], [1], [0, 0, 1, 1], [], []>, transpose_lhs_hint = false} : vector<256x128xf32>, vector<128x256xf32>, vector<256x256xf32> -> vector<256x256xf32>
    %slice3A_766 = vector.extract_strided_slice %get3A_10 {offsets = [128, 0], sizes = [128, 256], strides = [1, 1]} : vector<272x256xf32> to vector<128x256xf32>
    %dot_general3A_767 = arith.constant dense<0.000000e+00> : vector<256x256xf32>
    %dot_general3A_768 = tpu.matmul %mul3A_745, %slice3A_766, %dot_general3A_767 {dimension_numbers = #tpu.dot_dimension_numbers<[1], [0], [0], [1], [0, 0, 1, 1], [], []>, transpose_lhs_hint = false} : vector<256x128xf32>, vector<128x256xf32>, vector<256x256xf32> -> vector<256x256xf32>
    %add3A_769 = arith.addf %dot_general3A_765, %dot_general3A_768 : vector<256x256xf32>
    %slice3A_770 = vector.extract_strided_slice %get3A_10 {offsets = [256, 0], sizes = [16, 256], strides = [1, 1]} : vector<272x256xf32> to vector<16x256xf32>
    %dot_general3A_771 = arith.constant dense<0.000000e+00> : vector<256x256xf32>
    %dot_general3A_772 = tpu.matmul %get3A_751, %slice3A_770, %dot_general3A_771 {dimension_numbers = #tpu.dot_dimension_numbers<[1], [0], [0], [1], [0, 0, 1, 1], [], []>, transpose_lhs_hint = false} : vector<256x16xf32>, vector<16x256xf32>, vector<256x256xf32> -> vector<256x256xf32>
    %add3A_773 = arith.addf %add3A_769, %dot_general3A_772 : vector<256x256xf32>
    %slice3A_774 = vector.extract_strided_slice %add3A_762 {offsets = [0, 0], sizes = [256, 128], strides = [1, 1]} : vector<256x256xf32> to vector<256x128xf32>
    %slice3A_775 = vector.extract_strided_slice %add3A_61 {offsets = [0, 0], sizes = [256, 128], strides = [1, 1]} : vector<256x256xf32> to vector<256x128xf32>
    %mul3A_776 = arith.mulf %slice3A_774, %slice3A_775 : vector<256x128xf32>
    %reduce_sum3A_777 = arith.constant dense<0.000000e+00> : vector<256xf32>
    %reduce_sum3A_778 = vector.multi_reduction <add>, %mul3A_776, %reduce_sum3A_777 [1] : vector<256x128xf32> to vector<256xf32>
    %broadcast_in_dim3A_779 = vector.shape_cast %reduce_sum3A_778 : vector<256xf32> to vector<256x1xf32>
    %slice3A_780 = vector.extract_strided_slice %add3A_762 {offsets = [0, 128], sizes = [256, 128], strides = [1, 1]} : vector<256x256xf32> to vector<256x128xf32>
    %slice3A_781 = vector.extract_strided_slice %add3A_61 {offsets = [0, 128], sizes = [256, 128], strides = [1, 1]} : vector<256x256xf32> to vector<256x128xf32>
    %mul3A_782 = arith.mulf %slice3A_780, %slice3A_781 : vector<256x128xf32>
    %reduce_sum3A_783 = arith.constant dense<0.000000e+00> : vector<256xf32>
    %reduce_sum3A_784 = vector.multi_reduction <add>, %mul3A_782, %reduce_sum3A_783 [1] : vector<256x128xf32> to vector<256xf32>
    %broadcast_in_dim3A_785 = vector.shape_cast %reduce_sum3A_784 : vector<256xf32> to vector<256x1xf32>
    %slice3A_786 = vector.extract_strided_slice %get3A_67 {offsets = [0, 8], sizes = [256, 1], strides = [1, 1]} : vector<256x10xf32> to vector<256x1xf32>
    %sub3A_787 = arith.subf %get3A_64, %slice3A_786 : vector<256x1xf32>
    %mul3A_788 = vector.broadcast %sub3A_787 : vector<256x1xf32> to vector<256x128xf32>
    %mul3A_789 = vector.broadcast %get3A_13 : vector<1x128xf32> to vector<256x128xf32>
    %mul3A_790 = arith.mulf %mul3A_788, %mul3A_789 : vector<256x128xf32>
    %add3A_791 = vector.broadcast %get3A_16 : vector<1x128xf32> to vector<256x128xf32>
    %add3A_792 = arith.addf %mul3A_790, %add3A_791 : vector<256x128xf32>
    %mul3A_793 = arith.constant 0.159154937 : f32
    %mul3A_794 = vector.broadcast %mul3A_793 : f32 to vector<256x128xf32>
    %mul3A_795 = arith.mulf %add3A_792, %mul3A_794 : vector<256x128xf32>
    %round3A_796 = math.roundeven %mul3A_795 : vector<256x128xf32>
    %sub3A_797 = arith.subf %mul3A_795, %round3A_796 : vector<256x128xf32>
    %mul3A_798 = arith.constant 2.000000e+00 : f32
    %mul3A_799 = vector.broadcast %mul3A_798 : f32 to vector<256x128xf32>
    %mul3A_800 = arith.mulf %mul3A_799, %sub3A_797 : vector<256x128xf32>
    %round3A_801 = math.roundeven %mul3A_800 : vector<256x128xf32>
    %mul3A_802 = arith.constant 5.000000e-01 : f32
    %mul3A_803 = vector.broadcast %mul3A_802 : f32 to vector<256x128xf32>
    %mul3A_804 = arith.mulf %mul3A_803, %round3A_801 : vector<256x128xf32>
    %sub3A_805 = arith.subf %sub3A_797, %mul3A_804 : vector<256x128xf32>
    %mul3A_806 = arith.mulf %sub3A_805, %sub3A_805 : vector<256x128xf32>
    %mul3A_807 = arith.constant 39.4784164 : f32
    %mul3A_808 = vector.broadcast %mul3A_807 : f32 to vector<256x128xf32>
    %mul3A_809 = arith.mulf %mul3A_808, %mul3A_806 : vector<256x128xf32>
    %mul3A_810 = arith.constant 2.48015876E-5 : f32
    %mul3A_811 = vector.broadcast %mul3A_810 : f32 to vector<256x128xf32>
    %mul3A_812 = arith.mulf %mul3A_809, %mul3A_811 : vector<256x128xf32>
    %add3A_813 = arith.constant -0.00138888892 : f32
    %add3A_814 = vector.broadcast %add3A_813 : f32 to vector<256x128xf32>
    %add3A_815 = arith.addf %add3A_814, %mul3A_812 : vector<256x128xf32>
    %mul3A_816 = arith.mulf %mul3A_809, %add3A_815 : vector<256x128xf32>
    %add3A_817 = arith.constant 0.0416666679 : f32
    %add3A_818 = vector.broadcast %add3A_817 : f32 to vector<256x128xf32>
    %add3A_819 = arith.addf %add3A_818, %mul3A_816 : vector<256x128xf32>
    %mul3A_820 = arith.mulf %mul3A_809, %add3A_819 : vector<256x128xf32>
    %add3A_821 = arith.constant -5.000000e-01 : f32
    %add3A_822 = vector.broadcast %add3A_821 : f32 to vector<256x128xf32>
    %add3A_823 = arith.addf %add3A_822, %mul3A_820 : vector<256x128xf32>
    %mul3A_824 = arith.mulf %mul3A_809, %add3A_823 : vector<256x128xf32>
    %add3A_825 = arith.constant 1.000000e+00 : f32
    %add3A_826 = vector.broadcast %add3A_825 : f32 to vector<256x128xf32>
    %add3A_827 = arith.addf %add3A_826, %mul3A_824 : vector<256x128xf32>
    %mul3A_828 = arith.constant 2.000000e+00 : f32
    %mul3A_829 = vector.broadcast %mul3A_828 : f32 to vector<256x128xf32>
    %mul3A_830 = arith.mulf %mul3A_829, %round3A_801 : vector<256x128xf32>
    %mul3A_831 = arith.mulf %mul3A_830, %round3A_801 : vector<256x128xf32>
    %sub3A_832 = arith.constant 1.000000e+00 : f32
    %sub3A_833 = vector.broadcast %sub3A_832 : f32 to vector<256x128xf32>
    %sub3A_834 = arith.subf %sub3A_833, %mul3A_831 : vector<256x128xf32>
    %mul3A_835 = arith.mulf %add3A_827, %sub3A_834 : vector<256x128xf32>
    %get3A_836 = arith.constant 0 : index
    %get3A_837 = arith.constant 0 : index
    %get3A_838 = vector.load %arg10[%get3A_836, %get3A_837] : memref<256x128xf32, #tpu.memory_space<vmem>>, vector<256x128xf32>
    %get3A_839 = arith.constant 0 : index
    %get3A_840 = arith.constant 0 : index
    %get3A_841 = vector.load %arg20[%get3A_839, %get3A_840] : memref<256x16xf32, #tpu.memory_space<vmem>>, vector<256x16xf32>
    %slice3A_842 = vector.extract_strided_slice %get3A_7 {offsets = [0, 0], sizes = [128, 256], strides = [1, 1]} : vector<272x256xf32> to vector<128x256xf32>
    %dot_general3A_843 = arith.constant dense<0.000000e+00> : vector<256x256xf32>
    %dot_general3A_844 = tpu.matmul %get3A_838, %slice3A_842, %dot_general3A_843 {dimension_numbers = #tpu.dot_dimension_numbers<[1], [0], [0], [1], [0, 0, 1, 1], [], []>, transpose_lhs_hint = false} : vector<256x128xf32>, vector<128x256xf32>, vector<256x256xf32> -> vector<256x256xf32>
    %slice3A_845 = vector.extract_strided_slice %get3A_7 {offsets = [128, 0], sizes = [128, 256], strides = [1, 1]} : vector<272x256xf32> to vector<128x256xf32>
    %dot_general3A_846 = arith.constant dense<0.000000e+00> : vector<256x256xf32>
    %dot_general3A_847 = tpu.matmul %mul3A_835, %slice3A_845, %dot_general3A_846 {dimension_numbers = #tpu.dot_dimension_numbers<[1], [0], [0], [1], [0, 0, 1, 1], [], []>, transpose_lhs_hint = false} : vector<256x128xf32>, vector<128x256xf32>, vector<256x256xf32> -> vector<256x256xf32>
    %add3A_848 = arith.addf %dot_general3A_844, %dot_general3A_847 : vector<256x256xf32>
    %slice3A_849 = vector.extract_strided_slice %get3A_7 {offsets = [256, 0], sizes = [16, 256], strides = [1, 1]} : vector<272x256xf32> to vector<16x256xf32>
    %dot_general3A_850 = arith.constant dense<0.000000e+00> : vector<256x256xf32>
    %dot_general3A_851 = tpu.matmul %get3A_841, %slice3A_849, %dot_general3A_850 {dimension_numbers = #tpu.dot_dimension_numbers<[1], [0], [0], [1], [0, 0, 1, 1], [], []>, transpose_lhs_hint = false} : vector<256x16xf32>, vector<16x256xf32>, vector<256x256xf32> -> vector<256x256xf32>
    %add3A_852 = arith.addf %add3A_848, %dot_general3A_851 : vector<256x256xf32>
    %slice3A_853 = vector.extract_strided_slice %get3A_10 {offsets = [0, 0], sizes = [128, 256], strides = [1, 1]} : vector<272x256xf32> to vector<128x256xf32>
    %dot_general3A_854 = arith.constant dense<0.000000e+00> : vector<256x256xf32>
    %dot_general3A_855 = tpu.matmul %get3A_838, %slice3A_853, %dot_general3A_854 {dimension_numbers = #tpu.dot_dimension_numbers<[1], [0], [0], [1], [0, 0, 1, 1], [], []>, transpose_lhs_hint = false} : vector<256x128xf32>, vector<128x256xf32>, vector<256x256xf32> -> vector<256x256xf32>
    %slice3A_856 = vector.extract_strided_slice %get3A_10 {offsets = [128, 0], sizes = [128, 256], strides = [1, 1]} : vector<272x256xf32> to vector<128x256xf32>
    %dot_general3A_857 = arith.constant dense<0.000000e+00> : vector<256x256xf32>
    %dot_general3A_858 = tpu.matmul %mul3A_835, %slice3A_856, %dot_general3A_857 {dimension_numbers = #tpu.dot_dimension_numbers<[1], [0], [0], [1], [0, 0, 1, 1], [], []>, transpose_lhs_hint = false} : vector<256x128xf32>, vector<128x256xf32>, vector<256x256xf32> -> vector<256x256xf32>
    %add3A_859 = arith.addf %dot_general3A_855, %dot_general3A_858 : vector<256x256xf32>
    %slice3A_860 = vector.extract_strided_slice %get3A_10 {offsets = [256, 0], sizes = [16, 256], strides = [1, 1]} : vector<272x256xf32> to vector<16x256xf32>
    %dot_general3A_861 = arith.constant dense<0.000000e+00> : vector<256x256xf32>
    %dot_general3A_862 = tpu.matmul %get3A_841, %slice3A_860, %dot_general3A_861 {dimension_numbers = #tpu.dot_dimension_numbers<[1], [0], [0], [1], [0, 0, 1, 1], [], []>, transpose_lhs_hint = false} : vector<256x16xf32>, vector<16x256xf32>, vector<256x256xf32> -> vector<256x256xf32>
    %add3A_863 = arith.addf %add3A_859, %dot_general3A_862 : vector<256x256xf32>
    %slice3A_864 = vector.extract_strided_slice %add3A_852 {offsets = [0, 0], sizes = [256, 128], strides = [1, 1]} : vector<256x256xf32> to vector<256x128xf32>
    %slice3A_865 = vector.extract_strided_slice %add3A_61 {offsets = [0, 0], sizes = [256, 128], strides = [1, 1]} : vector<256x256xf32> to vector<256x128xf32>
    %mul3A_866 = arith.mulf %slice3A_864, %slice3A_865 : vector<256x128xf32>
    %reduce_sum3A_867 = arith.constant dense<0.000000e+00> : vector<256xf32>
    %reduce_sum3A_868 = vector.multi_reduction <add>, %mul3A_866, %reduce_sum3A_867 [1] : vector<256x128xf32> to vector<256xf32>
    %broadcast_in_dim3A_869 = vector.shape_cast %reduce_sum3A_868 : vector<256xf32> to vector<256x1xf32>
    %slice3A_870 = vector.extract_strided_slice %add3A_852 {offsets = [0, 128], sizes = [256, 128], strides = [1, 1]} : vector<256x256xf32> to vector<256x128xf32>
    %slice3A_871 = vector.extract_strided_slice %add3A_61 {offsets = [0, 128], sizes = [256, 128], strides = [1, 1]} : vector<256x256xf32> to vector<256x128xf32>
    %mul3A_872 = arith.mulf %slice3A_870, %slice3A_871 : vector<256x128xf32>
    %reduce_sum3A_873 = arith.constant dense<0.000000e+00> : vector<256xf32>
    %reduce_sum3A_874 = vector.multi_reduction <add>, %mul3A_872, %reduce_sum3A_873 [1] : vector<256x128xf32> to vector<256xf32>
    %broadcast_in_dim3A_875 = vector.shape_cast %reduce_sum3A_874 : vector<256xf32> to vector<256x1xf32>
    %slice3A_876 = vector.extract_strided_slice %get3A_67 {offsets = [0, 9], sizes = [256, 1], strides = [1, 1]} : vector<256x10xf32> to vector<256x1xf32>
    %sub3A_877 = arith.subf %get3A_64, %slice3A_876 : vector<256x1xf32>
    %mul3A_878 = vector.broadcast %sub3A_877 : vector<256x1xf32> to vector<256x128xf32>
    %mul3A_879 = vector.broadcast %get3A_13 : vector<1x128xf32> to vector<256x128xf32>
    %mul3A_880 = arith.mulf %mul3A_878, %mul3A_879 : vector<256x128xf32>
    %add3A_881 = vector.broadcast %get3A_16 : vector<1x128xf32> to vector<256x128xf32>
    %add3A_882 = arith.addf %mul3A_880, %add3A_881 : vector<256x128xf32>
    %mul3A_883 = arith.constant 0.159154937 : f32
    %mul3A_884 = vector.broadcast %mul3A_883 : f32 to vector<256x128xf32>
    %mul3A_885 = arith.mulf %add3A_882, %mul3A_884 : vector<256x128xf32>
    %round3A_886 = math.roundeven %mul3A_885 : vector<256x128xf32>
    %sub3A_887 = arith.subf %mul3A_885, %round3A_886 : vector<256x128xf32>
    %mul3A_888 = arith.constant 2.000000e+00 : f32
    %mul3A_889 = vector.broadcast %mul3A_888 : f32 to vector<256x128xf32>
    %mul3A_890 = arith.mulf %mul3A_889, %sub3A_887 : vector<256x128xf32>
    %round3A_891 = math.roundeven %mul3A_890 : vector<256x128xf32>
    %mul3A_892 = arith.constant 5.000000e-01 : f32
    %mul3A_893 = vector.broadcast %mul3A_892 : f32 to vector<256x128xf32>
    %mul3A_894 = arith.mulf %mul3A_893, %round3A_891 : vector<256x128xf32>
    %sub3A_895 = arith.subf %sub3A_887, %mul3A_894 : vector<256x128xf32>
    %mul3A_896 = arith.mulf %sub3A_895, %sub3A_895 : vector<256x128xf32>
    %mul3A_897 = arith.constant 39.4784164 : f32
    %mul3A_898 = vector.broadcast %mul3A_897 : f32 to vector<256x128xf32>
    %mul3A_899 = arith.mulf %mul3A_898, %mul3A_896 : vector<256x128xf32>
    %mul3A_900 = arith.constant 2.48015876E-5 : f32
    %mul3A_901 = vector.broadcast %mul3A_900 : f32 to vector<256x128xf32>
    %mul3A_902 = arith.mulf %mul3A_899, %mul3A_901 : vector<256x128xf32>
    %add3A_903 = arith.constant -0.00138888892 : f32
    %add3A_904 = vector.broadcast %add3A_903 : f32 to vector<256x128xf32>
    %add3A_905 = arith.addf %add3A_904, %mul3A_902 : vector<256x128xf32>
    %mul3A_906 = arith.mulf %mul3A_899, %add3A_905 : vector<256x128xf32>
    %add3A_907 = arith.constant 0.0416666679 : f32
    %add3A_908 = vector.broadcast %add3A_907 : f32 to vector<256x128xf32>
    %add3A_909 = arith.addf %add3A_908, %mul3A_906 : vector<256x128xf32>
    %mul3A_910 = arith.mulf %mul3A_899, %add3A_909 : vector<256x128xf32>
    %add3A_911 = arith.constant -5.000000e-01 : f32
    %add3A_912 = vector.broadcast %add3A_911 : f32 to vector<256x128xf32>
    %add3A_913 = arith.addf %add3A_912, %mul3A_910 : vector<256x128xf32>
    %mul3A_914 = arith.mulf %mul3A_899, %add3A_913 : vector<256x128xf32>
    %add3A_915 = arith.constant 1.000000e+00 : f32
    %add3A_916 = vector.broadcast %add3A_915 : f32 to vector<256x128xf32>
    %add3A_917 = arith.addf %add3A_916, %mul3A_914 : vector<256x128xf32>
    %mul3A_918 = arith.constant 2.000000e+00 : f32
    %mul3A_919 = vector.broadcast %mul3A_918 : f32 to vector<256x128xf32>
    %mul3A_920 = arith.mulf %mul3A_919, %round3A_891 : vector<256x128xf32>
    %mul3A_921 = arith.mulf %mul3A_920, %round3A_891 : vector<256x128xf32>
    %sub3A_922 = arith.constant 1.000000e+00 : f32
    %sub3A_923 = vector.broadcast %sub3A_922 : f32 to vector<256x128xf32>
    %sub3A_924 = arith.subf %sub3A_923, %mul3A_921 : vector<256x128xf32>
    %mul3A_925 = arith.mulf %add3A_917, %sub3A_924 : vector<256x128xf32>
    %get3A_926 = arith.constant 0 : index
    %get3A_927 = arith.constant 0 : index
    %get3A_928 = vector.load %arg11[%get3A_926, %get3A_927] : memref<256x128xf32, #tpu.memory_space<vmem>>, vector<256x128xf32>
    %get3A_929 = arith.constant 0 : index
    %get3A_930 = arith.constant 0 : index
    %get3A_931 = vector.load %arg21[%get3A_929, %get3A_930] : memref<256x16xf32, #tpu.memory_space<vmem>>, vector<256x16xf32>
    %slice3A_932 = vector.extract_strided_slice %get3A_7 {offsets = [0, 0], sizes = [128, 256], strides = [1, 1]} : vector<272x256xf32> to vector<128x256xf32>
    %dot_general3A_933 = arith.constant dense<0.000000e+00> : vector<256x256xf32>
    %dot_general3A_934 = tpu.matmul %get3A_928, %slice3A_932, %dot_general3A_933 {dimension_numbers = #tpu.dot_dimension_numbers<[1], [0], [0], [1], [0, 0, 1, 1], [], []>, transpose_lhs_hint = false} : vector<256x128xf32>, vector<128x256xf32>, vector<256x256xf32> -> vector<256x256xf32>
    %slice3A_935 = vector.extract_strided_slice %get3A_7 {offsets = [128, 0], sizes = [128, 256], strides = [1, 1]} : vector<272x256xf32> to vector<128x256xf32>
    %dot_general3A_936 = arith.constant dense<0.000000e+00> : vector<256x256xf32>
    %dot_general3A_937 = tpu.matmul %mul3A_925, %slice3A_935, %dot_general3A_936 {dimension_numbers = #tpu.dot_dimension_numbers<[1], [0], [0], [1], [0, 0, 1, 1], [], []>, transpose_lhs_hint = false} : vector<256x128xf32>, vector<128x256xf32>, vector<256x256xf32> -> vector<256x256xf32>
    %add3A_938 = arith.addf %dot_general3A_934, %dot_general3A_937 : vector<256x256xf32>
    %slice3A_939 = vector.extract_strided_slice %get3A_7 {offsets = [256, 0], sizes = [16, 256], strides = [1, 1]} : vector<272x256xf32> to vector<16x256xf32>
    %dot_general3A_940 = arith.constant dense<0.000000e+00> : vector<256x256xf32>
    %dot_general3A_941 = tpu.matmul %get3A_931, %slice3A_939, %dot_general3A_940 {dimension_numbers = #tpu.dot_dimension_numbers<[1], [0], [0], [1], [0, 0, 1, 1], [], []>, transpose_lhs_hint = false} : vector<256x16xf32>, vector<16x256xf32>, vector<256x256xf32> -> vector<256x256xf32>
    %add3A_942 = arith.addf %add3A_938, %dot_general3A_941 : vector<256x256xf32>
    %slice3A_943 = vector.extract_strided_slice %get3A_10 {offsets = [0, 0], sizes = [128, 256], strides = [1, 1]} : vector<272x256xf32> to vector<128x256xf32>
    %dot_general3A_944 = arith.constant dense<0.000000e+00> : vector<256x256xf32>
    %dot_general3A_945 = tpu.matmul %get3A_928, %slice3A_943, %dot_general3A_944 {dimension_numbers = #tpu.dot_dimension_numbers<[1], [0], [0], [1], [0, 0, 1, 1], [], []>, transpose_lhs_hint = false} : vector<256x128xf32>, vector<128x256xf32>, vector<256x256xf32> -> vector<256x256xf32>
    %slice3A_946 = vector.extract_strided_slice %get3A_10 {offsets = [128, 0], sizes = [128, 256], strides = [1, 1]} : vector<272x256xf32> to vector<128x256xf32>
    %dot_general3A_947 = arith.constant dense<0.000000e+00> : vector<256x256xf32>
    %dot_general3A_948 = tpu.matmul %mul3A_925, %slice3A_946, %dot_general3A_947 {dimension_numbers = #tpu.dot_dimension_numbers<[1], [0], [0], [1], [0, 0, 1, 1], [], []>, transpose_lhs_hint = false} : vector<256x128xf32>, vector<128x256xf32>, vector<256x256xf32> -> vector<256x256xf32>
    %add3A_949 = arith.addf %dot_general3A_945, %dot_general3A_948 : vector<256x256xf32>
    %slice3A_950 = vector.extract_strided_slice %get3A_10 {offsets = [256, 0], sizes = [16, 256], strides = [1, 1]} : vector<272x256xf32> to vector<16x256xf32>
    %dot_general3A_951 = arith.constant dense<0.000000e+00> : vector<256x256xf32>
    %dot_general3A_952 = tpu.matmul %get3A_931, %slice3A_950, %dot_general3A_951 {dimension_numbers = #tpu.dot_dimension_numbers<[1], [0], [0], [1], [0, 0, 1, 1], [], []>, transpose_lhs_hint = false} : vector<256x16xf32>, vector<16x256xf32>, vector<256x256xf32> -> vector<256x256xf32>
    %add3A_953 = arith.addf %add3A_949, %dot_general3A_952 : vector<256x256xf32>
    %slice3A_954 = vector.extract_strided_slice %add3A_942 {offsets = [0, 0], sizes = [256, 128], strides = [1, 1]} : vector<256x256xf32> to vector<256x128xf32>
    %slice3A_955 = vector.extract_strided_slice %add3A_61 {offsets = [0, 0], sizes = [256, 128], strides = [1, 1]} : vector<256x256xf32> to vector<256x128xf32>
    %mul3A_956 = arith.mulf %slice3A_954, %slice3A_955 : vector<256x128xf32>
    %reduce_sum3A_957 = arith.constant dense<0.000000e+00> : vector<256xf32>
    %reduce_sum3A_958 = vector.multi_reduction <add>, %mul3A_956, %reduce_sum3A_957 [1] : vector<256x128xf32> to vector<256xf32>
    %broadcast_in_dim3A_959 = vector.shape_cast %reduce_sum3A_958 : vector<256xf32> to vector<256x1xf32>
    %slice3A_960 = vector.extract_strided_slice %add3A_942 {offsets = [0, 128], sizes = [256, 128], strides = [1, 1]} : vector<256x256xf32> to vector<256x128xf32>
    %slice3A_961 = vector.extract_strided_slice %add3A_61 {offsets = [0, 128], sizes = [256, 128], strides = [1, 1]} : vector<256x256xf32> to vector<256x128xf32>
    %mul3A_962 = arith.mulf %slice3A_960, %slice3A_961 : vector<256x128xf32>
    %reduce_sum3A_963 = arith.constant dense<0.000000e+00> : vector<256xf32>
    %reduce_sum3A_964 = vector.multi_reduction <add>, %mul3A_962, %reduce_sum3A_963 [1] : vector<256x128xf32> to vector<256xf32>
    %broadcast_in_dim3A_965 = vector.shape_cast %reduce_sum3A_964 : vector<256xf32> to vector<256x1xf32>
    %concatenate3A = tpu.concatenate %broadcast_in_dim3A, %broadcast_in_dim3A_239, %broadcast_in_dim3A_329, %broadcast_in_dim3A_419, %broadcast_in_dim3A_509, %broadcast_in_dim3A_599, %broadcast_in_dim3A_689, %broadcast_in_dim3A_779, %broadcast_in_dim3A_869, %broadcast_in_dim3A_959 in 1 : vector<256x1xf32>, vector<256x1xf32>, vector<256x1xf32>, vector<256x1xf32>, vector<256x1xf32>, vector<256x1xf32>, vector<256x1xf32>, vector<256x1xf32>, vector<256x1xf32>, vector<256x1xf32> -> vector<256x10xf32>
    %mul3A_966 = arith.constant 0.0883883461 : f32
    %mul3A_967 = vector.broadcast %mul3A_966 : f32 to vector<256x10xf32>
    %mul3A_968 = arith.mulf %concatenate3A, %mul3A_967 : vector<256x10xf32>
    %concatenate3A_969 = tpu.concatenate %broadcast_in_dim3A_155, %broadcast_in_dim3A_245, %broadcast_in_dim3A_335, %broadcast_in_dim3A_425, %broadcast_in_dim3A_515, %broadcast_in_dim3A_605, %broadcast_in_dim3A_695, %broadcast_in_dim3A_785, %broadcast_in_dim3A_875, %broadcast_in_dim3A_965 in 1 : vector<256x1xf32>, vector<256x1xf32>, vector<256x1xf32>, vector<256x1xf32>, vector<256x1xf32>, vector<256x1xf32>, vector<256x1xf32>, vector<256x1xf32>, vector<256x1xf32>, vector<256x1xf32> -> vector<256x10xf32>
    %mul3A_970 = arith.constant 0.0883883461 : f32
    %mul3A_971 = vector.broadcast %mul3A_970 : f32 to vector<256x10xf32>
    %mul3A_972 = arith.mulf %concatenate3A_969, %mul3A_971 : vector<256x10xf32>
    %reduce_max3A = arith.constant dense<0xFF800000> : vector<256xf32>
    %reduce_max3A_973 = vector.multi_reduction <maximumf>, %mul3A_968, %reduce_max3A [1] : vector<256x10xf32> to vector<256xf32>
    %max3A = arith.constant 0xFF800000 : f32
    %max3A_974 = vector.broadcast %max3A : f32 to vector<256xf32>
    %max3A_975 = arith.maximumf %max3A_974, %reduce_max3A_973 : vector<256xf32>
    %broadcast_in_dim3A_976 = vector.shape_cast %max3A_975 : vector<256xf32> to vector<256x1xf32>
    %sub3A_977 = vector.broadcast %broadcast_in_dim3A_976 : vector<256x1xf32> to vector<256x10xf32>
    %sub3A_978 = arith.subf %mul3A_968, %sub3A_977 : vector<256x10xf32>
    %exp3A = math.exp %sub3A_978 : vector<256x10xf32>
    %reduce_sum3A_979 = arith.constant dense<0.000000e+00> : vector<256xf32>
    %reduce_sum3A_980 = vector.multi_reduction <add>, %exp3A, %reduce_sum3A_979 [1] : vector<256x10xf32> to vector<256xf32>
    %broadcast_in_dim3A_981 = vector.shape_cast %reduce_sum3A_980 : vector<256xf32> to vector<256x1xf32>
    %div3A = vector.broadcast %broadcast_in_dim3A_981 : vector<256x1xf32> to vector<256x10xf32>
    %div3A_982 = arith.divf %exp3A, %div3A : vector<256x10xf32>
    %reduce_max3A_983 = arith.constant dense<0xFF800000> : vector<256xf32>
    %reduce_max3A_984 = vector.multi_reduction <maximumf>, %mul3A_972, %reduce_max3A_983 [1] : vector<256x10xf32> to vector<256xf32>
    %max3A_985 = arith.constant 0xFF800000 : f32
    %max3A_986 = vector.broadcast %max3A_985 : f32 to vector<256xf32>
    %max3A_987 = arith.maximumf %max3A_986, %reduce_max3A_984 : vector<256xf32>
    %broadcast_in_dim3A_988 = vector.shape_cast %max3A_987 : vector<256xf32> to vector<256x1xf32>
    %sub3A_989 = vector.broadcast %broadcast_in_dim3A_988 : vector<256x1xf32> to vector<256x10xf32>
    %sub3A_990 = arith.subf %mul3A_972, %sub3A_989 : vector<256x10xf32>
    %exp3A_991 = math.exp %sub3A_990 : vector<256x10xf32>
    %reduce_sum3A_992 = arith.constant dense<0.000000e+00> : vector<256xf32>
    %reduce_sum3A_993 = vector.multi_reduction <add>, %exp3A_991, %reduce_sum3A_992 [1] : vector<256x10xf32> to vector<256xf32>
    %broadcast_in_dim3A_994 = vector.shape_cast %reduce_sum3A_993 : vector<256xf32> to vector<256x1xf32>
    %div3A_995 = vector.broadcast %broadcast_in_dim3A_994 : vector<256x1xf32> to vector<256x10xf32>
    %div3A_996 = arith.divf %exp3A_991, %div3A_995 : vector<256x10xf32>
    %slice3A_997 = vector.extract_strided_slice %div3A_982 {offsets = [0, 0], sizes = [256, 1], strides = [1, 1]} : vector<256x10xf32> to vector<256x1xf32>
    %slice3A_998 = vector.extract_strided_slice %add3A_145 {offsets = [0, 0], sizes = [256, 128], strides = [1, 1]} : vector<256x256xf32> to vector<256x128xf32>
    %mul3A_999 = vector.broadcast %slice3A_997 : vector<256x1xf32> to vector<256x128xf32>
    %mul3A_1000 = arith.mulf %mul3A_999, %slice3A_998 : vector<256x128xf32>
    %slice3A_1001 = vector.extract_strided_slice %div3A_996 {offsets = [0, 0], sizes = [256, 1], strides = [1, 1]} : vector<256x10xf32> to vector<256x1xf32>
    %slice3A_1002 = vector.extract_strided_slice %add3A_145 {offsets = [0, 128], sizes = [256, 128], strides = [1, 1]} : vector<256x256xf32> to vector<256x128xf32>
    %mul3A_1003 = vector.broadcast %slice3A_1001 : vector<256x1xf32> to vector<256x128xf32>
    %mul3A_1004 = arith.mulf %mul3A_1003, %slice3A_1002 : vector<256x128xf32>
    %slice3A_1005 = vector.extract_strided_slice %div3A_982 {offsets = [0, 1], sizes = [256, 1], strides = [1, 1]} : vector<256x10xf32> to vector<256x1xf32>
    %slice3A_1006 = vector.extract_strided_slice %add3A_233 {offsets = [0, 0], sizes = [256, 128], strides = [1, 1]} : vector<256x256xf32> to vector<256x128xf32>
    %mul3A_1007 = vector.broadcast %slice3A_1005 : vector<256x1xf32> to vector<256x128xf32>
    %mul3A_1008 = arith.mulf %mul3A_1007, %slice3A_1006 : vector<256x128xf32>
    %add3A_1009 = arith.addf %mul3A_1000, %mul3A_1008 : vector<256x128xf32>
    %slice3A_1010 = vector.extract_strided_slice %div3A_996 {offsets = [0, 1], sizes = [256, 1], strides = [1, 1]} : vector<256x10xf32> to vector<256x1xf32>
    %slice3A_1011 = vector.extract_strided_slice %add3A_233 {offsets = [0, 128], sizes = [256, 128], strides = [1, 1]} : vector<256x256xf32> to vector<256x128xf32>
    %mul3A_1012 = vector.broadcast %slice3A_1010 : vector<256x1xf32> to vector<256x128xf32>
    %mul3A_1013 = arith.mulf %mul3A_1012, %slice3A_1011 : vector<256x128xf32>
    %add3A_1014 = arith.addf %mul3A_1004, %mul3A_1013 : vector<256x128xf32>
    %slice3A_1015 = vector.extract_strided_slice %div3A_982 {offsets = [0, 2], sizes = [256, 1], strides = [1, 1]} : vector<256x10xf32> to vector<256x1xf32>
    %slice3A_1016 = vector.extract_strided_slice %add3A_323 {offsets = [0, 0], sizes = [256, 128], strides = [1, 1]} : vector<256x256xf32> to vector<256x128xf32>
    %mul3A_1017 = vector.broadcast %slice3A_1015 : vector<256x1xf32> to vector<256x128xf32>
    %mul3A_1018 = arith.mulf %mul3A_1017, %slice3A_1016 : vector<256x128xf32>
    %add3A_1019 = arith.addf %add3A_1009, %mul3A_1018 : vector<256x128xf32>
    %slice3A_1020 = vector.extract_strided_slice %div3A_996 {offsets = [0, 2], sizes = [256, 1], strides = [1, 1]} : vector<256x10xf32> to vector<256x1xf32>
    %slice3A_1021 = vector.extract_strided_slice %add3A_323 {offsets = [0, 128], sizes = [256, 128], strides = [1, 1]} : vector<256x256xf32> to vector<256x128xf32>
    %mul3A_1022 = vector.broadcast %slice3A_1020 : vector<256x1xf32> to vector<256x128xf32>
    %mul3A_1023 = arith.mulf %mul3A_1022, %slice3A_1021 : vector<256x128xf32>
    %add3A_1024 = arith.addf %add3A_1014, %mul3A_1023 : vector<256x128xf32>
    %slice3A_1025 = vector.extract_strided_slice %div3A_982 {offsets = [0, 3], sizes = [256, 1], strides = [1, 1]} : vector<256x10xf32> to vector<256x1xf32>
    %slice3A_1026 = vector.extract_strided_slice %add3A_413 {offsets = [0, 0], sizes = [256, 128], strides = [1, 1]} : vector<256x256xf32> to vector<256x128xf32>
    %mul3A_1027 = vector.broadcast %slice3A_1025 : vector<256x1xf32> to vector<256x128xf32>
    %mul3A_1028 = arith.mulf %mul3A_1027, %slice3A_1026 : vector<256x128xf32>
    %add3A_1029 = arith.addf %add3A_1019, %mul3A_1028 : vector<256x128xf32>
    %slice3A_1030 = vector.extract_strided_slice %div3A_996 {offsets = [0, 3], sizes = [256, 1], strides = [1, 1]} : vector<256x10xf32> to vector<256x1xf32>
    %slice3A_1031 = vector.extract_strided_slice %add3A_413 {offsets = [0, 128], sizes = [256, 128], strides = [1, 1]} : vector<256x256xf32> to vector<256x128xf32>
    %mul3A_1032 = vector.broadcast %slice3A_1030 : vector<256x1xf32> to vector<256x128xf32>
    %mul3A_1033 = arith.mulf %mul3A_1032, %slice3A_1031 : vector<256x128xf32>
    %add3A_1034 = arith.addf %add3A_1024, %mul3A_1033 : vector<256x128xf32>
    %slice3A_1035 = vector.extract_strided_slice %div3A_982 {offsets = [0, 4], sizes = [256, 1], strides = [1, 1]} : vector<256x10xf32> to vector<256x1xf32>
    %slice3A_1036 = vector.extract_strided_slice %add3A_503 {offsets = [0, 0], sizes = [256, 128], strides = [1, 1]} : vector<256x256xf32> to vector<256x128xf32>
    %mul3A_1037 = vector.broadcast %slice3A_1035 : vector<256x1xf32> to vector<256x128xf32>
    %mul3A_1038 = arith.mulf %mul3A_1037, %slice3A_1036 : vector<256x128xf32>
    %add3A_1039 = arith.addf %add3A_1029, %mul3A_1038 : vector<256x128xf32>
    %slice3A_1040 = vector.extract_strided_slice %div3A_996 {offsets = [0, 4], sizes = [256, 1], strides = [1, 1]} : vector<256x10xf32> to vector<256x1xf32>
    %slice3A_1041 = vector.extract_strided_slice %add3A_503 {offsets = [0, 128], sizes = [256, 128], strides = [1, 1]} : vector<256x256xf32> to vector<256x128xf32>
    %mul3A_1042 = vector.broadcast %slice3A_1040 : vector<256x1xf32> to vector<256x128xf32>
    %mul3A_1043 = arith.mulf %mul3A_1042, %slice3A_1041 : vector<256x128xf32>
    %add3A_1044 = arith.addf %add3A_1034, %mul3A_1043 : vector<256x128xf32>
    %slice3A_1045 = vector.extract_strided_slice %div3A_982 {offsets = [0, 5], sizes = [256, 1], strides = [1, 1]} : vector<256x10xf32> to vector<256x1xf32>
    %slice3A_1046 = vector.extract_strided_slice %add3A_593 {offsets = [0, 0], sizes = [256, 128], strides = [1, 1]} : vector<256x256xf32> to vector<256x128xf32>
    %mul3A_1047 = vector.broadcast %slice3A_1045 : vector<256x1xf32> to vector<256x128xf32>
    %mul3A_1048 = arith.mulf %mul3A_1047, %slice3A_1046 : vector<256x128xf32>
    %add3A_1049 = arith.addf %add3A_1039, %mul3A_1048 : vector<256x128xf32>
    %slice3A_1050 = vector.extract_strided_slice %div3A_996 {offsets = [0, 5], sizes = [256, 1], strides = [1, 1]} : vector<256x10xf32> to vector<256x1xf32>
    %slice3A_1051 = vector.extract_strided_slice %add3A_593 {offsets = [0, 128], sizes = [256, 128], strides = [1, 1]} : vector<256x256xf32> to vector<256x128xf32>
    %mul3A_1052 = vector.broadcast %slice3A_1050 : vector<256x1xf32> to vector<256x128xf32>
    %mul3A_1053 = arith.mulf %mul3A_1052, %slice3A_1051 : vector<256x128xf32>
    %add3A_1054 = arith.addf %add3A_1044, %mul3A_1053 : vector<256x128xf32>
    %slice3A_1055 = vector.extract_strided_slice %div3A_982 {offsets = [0, 6], sizes = [256, 1], strides = [1, 1]} : vector<256x10xf32> to vector<256x1xf32>
    %slice3A_1056 = vector.extract_strided_slice %add3A_683 {offsets = [0, 0], sizes = [256, 128], strides = [1, 1]} : vector<256x256xf32> to vector<256x128xf32>
    %mul3A_1057 = vector.broadcast %slice3A_1055 : vector<256x1xf32> to vector<256x128xf32>
    %mul3A_1058 = arith.mulf %mul3A_1057, %slice3A_1056 : vector<256x128xf32>
    %add3A_1059 = arith.addf %add3A_1049, %mul3A_1058 : vector<256x128xf32>
    %slice3A_1060 = vector.extract_strided_slice %div3A_996 {offsets = [0, 6], sizes = [256, 1], strides = [1, 1]} : vector<256x10xf32> to vector<256x1xf32>
    %slice3A_1061 = vector.extract_strided_slice %add3A_683 {offsets = [0, 128], sizes = [256, 128], strides = [1, 1]} : vector<256x256xf32> to vector<256x128xf32>
    %mul3A_1062 = vector.broadcast %slice3A_1060 : vector<256x1xf32> to vector<256x128xf32>
    %mul3A_1063 = arith.mulf %mul3A_1062, %slice3A_1061 : vector<256x128xf32>
    %add3A_1064 = arith.addf %add3A_1054, %mul3A_1063 : vector<256x128xf32>
    %slice3A_1065 = vector.extract_strided_slice %div3A_982 {offsets = [0, 7], sizes = [256, 1], strides = [1, 1]} : vector<256x10xf32> to vector<256x1xf32>
    %slice3A_1066 = vector.extract_strided_slice %add3A_773 {offsets = [0, 0], sizes = [256, 128], strides = [1, 1]} : vector<256x256xf32> to vector<256x128xf32>
    %mul3A_1067 = vector.broadcast %slice3A_1065 : vector<256x1xf32> to vector<256x128xf32>
    %mul3A_1068 = arith.mulf %mul3A_1067, %slice3A_1066 : vector<256x128xf32>
    %add3A_1069 = arith.addf %add3A_1059, %mul3A_1068 : vector<256x128xf32>
    %slice3A_1070 = vector.extract_strided_slice %div3A_996 {offsets = [0, 7], sizes = [256, 1], strides = [1, 1]} : vector<256x10xf32> to vector<256x1xf32>
    %slice3A_1071 = vector.extract_strided_slice %add3A_773 {offsets = [0, 128], sizes = [256, 128], strides = [1, 1]} : vector<256x256xf32> to vector<256x128xf32>
    %mul3A_1072 = vector.broadcast %slice3A_1070 : vector<256x1xf32> to vector<256x128xf32>
    %mul3A_1073 = arith.mulf %mul3A_1072, %slice3A_1071 : vector<256x128xf32>
    %add3A_1074 = arith.addf %add3A_1064, %mul3A_1073 : vector<256x128xf32>
    %slice3A_1075 = vector.extract_strided_slice %div3A_982 {offsets = [0, 8], sizes = [256, 1], strides = [1, 1]} : vector<256x10xf32> to vector<256x1xf32>
    %slice3A_1076 = vector.extract_strided_slice %add3A_863 {offsets = [0, 0], sizes = [256, 128], strides = [1, 1]} : vector<256x256xf32> to vector<256x128xf32>
    %mul3A_1077 = vector.broadcast %slice3A_1075 : vector<256x1xf32> to vector<256x128xf32>
    %mul3A_1078 = arith.mulf %mul3A_1077, %slice3A_1076 : vector<256x128xf32>
    %add3A_1079 = arith.addf %add3A_1069, %mul3A_1078 : vector<256x128xf32>
    %slice3A_1080 = vector.extract_strided_slice %div3A_996 {offsets = [0, 8], sizes = [256, 1], strides = [1, 1]} : vector<256x10xf32> to vector<256x1xf32>
    %slice3A_1081 = vector.extract_strided_slice %add3A_863 {offsets = [0, 128], sizes = [256, 128], strides = [1, 1]} : vector<256x256xf32> to vector<256x128xf32>
    %mul3A_1082 = vector.broadcast %slice3A_1080 : vector<256x1xf32> to vector<256x128xf32>
    %mul3A_1083 = arith.mulf %mul3A_1082, %slice3A_1081 : vector<256x128xf32>
    %add3A_1084 = arith.addf %add3A_1074, %mul3A_1083 : vector<256x128xf32>
    %slice3A_1085 = vector.extract_strided_slice %div3A_982 {offsets = [0, 9], sizes = [256, 1], strides = [1, 1]} : vector<256x10xf32> to vector<256x1xf32>
    %slice3A_1086 = vector.extract_strided_slice %add3A_953 {offsets = [0, 0], sizes = [256, 128], strides = [1, 1]} : vector<256x256xf32> to vector<256x128xf32>
    %mul3A_1087 = vector.broadcast %slice3A_1085 : vector<256x1xf32> to vector<256x128xf32>
    %mul3A_1088 = arith.mulf %mul3A_1087, %slice3A_1086 : vector<256x128xf32>
    %add3A_1089 = arith.addf %add3A_1079, %mul3A_1088 : vector<256x128xf32>
    %slice3A_1090 = vector.extract_strided_slice %div3A_996 {offsets = [0, 9], sizes = [256, 1], strides = [1, 1]} : vector<256x10xf32> to vector<256x1xf32>
    %slice3A_1091 = vector.extract_strided_slice %add3A_953 {offsets = [0, 128], sizes = [256, 128], strides = [1, 1]} : vector<256x256xf32> to vector<256x128xf32>
    %mul3A_1092 = vector.broadcast %slice3A_1090 : vector<256x1xf32> to vector<256x128xf32>
    %mul3A_1093 = arith.mulf %mul3A_1092, %slice3A_1091 : vector<256x128xf32>
    %add3A_1094 = arith.addf %add3A_1084, %mul3A_1093 : vector<256x128xf32>
    %get3A_1095 = arith.constant 0 : index
    %get3A_1096 = arith.constant 0 : index
    %get3A_1097 = vector.load %arg27[%get3A_1095, %get3A_1096] : memref<256x256xf32, #tpu.memory_space<vmem>>, vector<256x256xf32>
    %slice3A_1098 = vector.extract_strided_slice %get3A_1097 {offsets = [0, 0], sizes = [128, 256], strides = [1, 1]} : vector<256x256xf32> to vector<128x256xf32>
    %dot_general3A_1099 = arith.constant dense<0.000000e+00> : vector<256x256xf32>
    %dot_general3A_1100 = tpu.matmul %add3A_1089, %slice3A_1098, %dot_general3A_1099 {dimension_numbers = #tpu.dot_dimension_numbers<[1], [0], [0], [1], [0, 0, 1, 1], [], []>, transpose_lhs_hint = false} : vector<256x128xf32>, vector<128x256xf32>, vector<256x256xf32> -> vector<256x256xf32>
    %slice3A_1101 = vector.extract_strided_slice %get3A_1097 {offsets = [128, 0], sizes = [128, 256], strides = [1, 1]} : vector<256x256xf32> to vector<128x256xf32>
    %dot_general3A_1102 = arith.constant dense<0.000000e+00> : vector<256x256xf32>
    %dot_general3A_1103 = tpu.matmul %add3A_1094, %slice3A_1101, %dot_general3A_1102 {dimension_numbers = #tpu.dot_dimension_numbers<[1], [0], [0], [1], [0, 0, 1, 1], [], []>, transpose_lhs_hint = false} : vector<256x128xf32>, vector<128x256xf32>, vector<256x256xf32> -> vector<256x256xf32>
    %add3A_1104 = arith.addf %dot_general3A_1100, %dot_general3A_1103 : vector<256x256xf32>
    %get3A_1105 = arith.constant 0 : index
    %get3A_1106 = arith.constant 0 : index
    %get3A_1107 = vector.load %arg28[%get3A_1105, %get3A_1106] : memref<384x128xf32, #tpu.memory_space<vmem>>, vector<384x128xf32>
    %slice3A_1108 = vector.extract_strided_slice %get3A_1107 {offsets = [0, 0], sizes = [256, 128], strides = [1, 1]} : vector<384x128xf32> to vector<256x128xf32>
    %dot_general3A_1109 = arith.constant dense<0.000000e+00> : vector<256x128xf32>
    %dot_general3A_1110 = tpu.matmul %add3A_1104, %slice3A_1108, %dot_general3A_1109 {dimension_numbers = #tpu.dot_dimension_numbers<[1], [0], [0], [1], [0, 0, 1, 1], [], []>, transpose_lhs_hint = false} : vector<256x256xf32>, vector<256x128xf32>, vector<256x128xf32> -> vector<256x128xf32>
    %slice3A_1111 = vector.extract_strided_slice %get3A_1107 {offsets = [256, 0], sizes = [128, 128], strides = [1, 1]} : vector<384x128xf32> to vector<128x128xf32>
    %dot_general3A_1112 = arith.constant dense<0.000000e+00> : vector<256x128xf32>
    %dot_general3A_1113 = tpu.matmul %get3A_1, %slice3A_1111, %dot_general3A_1112 {dimension_numbers = #tpu.dot_dimension_numbers<[1], [0], [0], [1], [0, 0, 1, 1], [], []>, transpose_lhs_hint = false} : vector<256x128xf32>, vector<128x128xf32>, vector<256x128xf32> -> vector<256x128xf32>
    %add3A_1114 = arith.addf %dot_general3A_1110, %dot_general3A_1113 : vector<256x128xf32>
    %get3A_1115 = arith.constant 0 : index
    %get3A_1116 = arith.constant 0 : index
    %get3A_1117 = vector.load %arg29[%get3A_1115, %get3A_1116] : memref<1x128xf32, #tpu.memory_space<vmem>>, vector<1x128xf32>
    %add3A_1118 = vector.broadcast %get3A_1117 : vector<1x128xf32> to vector<256x128xf32>
    %add3A_1119 = arith.addf %add3A_1114, %add3A_1118 : vector<256x128xf32>
    %max3A_1120 = arith.constant 0.000000e+00 : f32
    %max3A_1121 = vector.broadcast %max3A_1120 : f32 to vector<256x128xf32>
    %max3A_1122 = arith.maximumf %add3A_1119, %max3A_1121 : vector<256x128xf32>
    %get3A_1123 = arith.constant 0 : index
    %get3A_1124 = arith.constant 0 : index
    %get3A_1125 = vector.load %arg30[%get3A_1123, %get3A_1124] : memref<128x128xf32, #tpu.memory_space<vmem>>, vector<128x128xf32>
    %dot_general3A_1126 = arith.constant dense<0.000000e+00> : vector<256x128xf32>
    %dot_general3A_1127 = tpu.matmul %max3A_1122, %get3A_1125, %dot_general3A_1126 {dimension_numbers = #tpu.dot_dimension_numbers<[1], [0], [0], [1], [0, 0, 1, 1], [], []>, transpose_lhs_hint = false} : vector<256x128xf32>, vector<128x128xf32>, vector<256x128xf32> -> vector<256x128xf32>
    %get3A_1128 = arith.constant 0 : index
    %get3A_1129 = arith.constant 0 : index
    %get3A_1130 = vector.load %arg31[%get3A_1128, %get3A_1129] : memref<1x128xf32, #tpu.memory_space<vmem>>, vector<1x128xf32>
    %add3A_1131 = vector.broadcast %get3A_1130 : vector<1x128xf32> to vector<256x128xf32>
    %add3A_1132 = arith.addf %dot_general3A_1127, %add3A_1131 : vector<256x128xf32>
    %get3A_1133 = arith.constant 0 : index
    %get3A_1134 = arith.constant 0 : index
    %get3A_1135 = vector.load %arg34[%get3A_1133, %get3A_1134] : memref<128x1xf32, #tpu.memory_space<vmem>>, vector<128x1xf32>
    %dot_general3A_1136 = arith.constant dense<0.000000e+00> : vector<256x1xf32>
    %dot_general3A_1137 = tpu.matmul %add3A_1132, %get3A_1135, %dot_general3A_1136 {dimension_numbers = #tpu.dot_dimension_numbers<[1], [0], [0], [1], [0, 0, 1, 1], [], []>, transpose_lhs_hint = false} : vector<256x128xf32>, vector<128x1xf32>, vector<256x1xf32> -> vector<256x1xf32>
    %get3A_1138 = arith.constant 0 : index
    %get3A_1139 = arith.constant 0 : index
    %get3A_1140 = vector.load %arg35[%get3A_1138, %get3A_1139] : memref<1x1xf32, #tpu.memory_space<vmem>>, vector<1x1xf32>
    %add3A_1141 = vector.broadcast %get3A_1140 : vector<1x1xf32> to vector<256x1xf32>
    %add3A_1142 = arith.addf %dot_general3A_1137, %add3A_1141 : vector<256x1xf32>
    %logistic3A = arith.negf %add3A_1142 : vector<256x1xf32>
    %logistic3A_1143 = math.exp %logistic3A : vector<256x1xf32>
    %logistic3A_1144 = arith.constant 1.000000e+00 : f32
    %logistic3A_1145 = vector.broadcast %logistic3A_1144 : f32 to vector<256x1xf32>
    %logistic3A_1146 = arith.addf %logistic3A_1145, %logistic3A_1143 : vector<256x1xf32>
    %logistic3A_1147 = arith.divf %logistic3A_1145, %logistic3A_1146 : vector<256x1xf32>
    %swap3A = arith.constant 0 : index
    %swap3A_1148 = arith.constant 0 : index
    %swap3A_1149 = vector.load %arg36[%swap3A, %swap3A_1148] : memref<256x1xf32, #tpu.memory_space<vmem>>, vector<256x1xf32>
    tpu.vector_store %arg36[%swap3A, %swap3A_1148], %logistic3A_1147 {strides = array<i32>} : memref<256x1xf32, #tpu.memory_space<vmem>>, vector<256x1xf32>,
    return
  }
  func.func @transform_0(%arg0: i32) -> (i32, i32) {
    %c0_i32 = arith.constant 0 : i32
    %c0_i32_0 = arith.constant 0 : i32
    return %arg0, %c0_i32 : i32, i32
  }
  func.func @transform_1(%arg0: i32) -> (i32, i32) {
    %add3A = arith.constant 4 : i32
    %add3A_0 = arith.addi %add3A, %arg0 : i32
    %c0_i32 = arith.constant 0 : i32
    %c0_i32_1 = arith.constant 0 : i32
    return %add3A_0, %c0_i32 : i32, i32
  }
  func.func @transform_2(%arg0: i32) -> (i32, i32) {
    %add3A = arith.constant 8 : i32
    %add3A_0 = arith.addi %add3A, %arg0 : i32
    %c0_i32 = arith.constant 0 : i32
    %c0_i32_1 = arith.constant 0 : i32
    return %add3A_0, %c0_i32 : i32, i32
  }
  func.func @transform_3(%arg0: i32) -> (i32, i32) {
    %add3A = arith.constant 12 : i32
    %add3A_0 = arith.addi %add3A, %arg0 : i32
    %c0_i32 = arith.constant 0 : i32
    %c0_i32_1 = arith.constant 0 : i32
    return %add3A_0, %c0_i32 : i32, i32
  }
  func.func @transform_4(%arg0: i32) -> (i32, i32) {
    %add3A = arith.constant 16 : i32
    %add3A_0 = arith.addi %add3A, %arg0 : i32
    %c0_i32 = arith.constant 0 : i32
    %c0_i32_1 = arith.constant 0 : i32
    return %add3A_0, %c0_i32 : i32, i32
  }
  func.func @transform_5(%arg0: i32) -> (i32, i32) {
    %add3A = arith.constant 20 : i32
    %add3A_0 = arith.addi %add3A, %arg0 : i32
    %c0_i32 = arith.constant 0 : i32
    %c0_i32_1 = arith.constant 0 : i32
    return %add3A_0, %c0_i32 : i32, i32
  }
  func.func @transform_6(%arg0: i32) -> (i32, i32) {
    %add3A = arith.constant 24 : i32
    %add3A_0 = arith.addi %add3A, %arg0 : i32
    %c0_i32 = arith.constant 0 : i32
    %c0_i32_1 = arith.constant 0 : i32
    return %add3A_0, %c0_i32 : i32, i32
  }
  func.func @transform_7(%arg0: i32) -> (i32, i32) {
    %add3A = arith.constant 28 : i32
    %add3A_0 = arith.addi %add3A, %arg0 : i32
    %c0_i32 = arith.constant 0 : i32
    %c0_i32_1 = arith.constant 0 : i32
    return %add3A_0, %c0_i32 : i32, i32
  }
  func.func @transform_8(%arg0: i32) -> (i32, i32) {
    %add3A = arith.constant 32 : i32
    %add3A_0 = arith.addi %add3A, %arg0 : i32
    %c0_i32 = arith.constant 0 : i32
    %c0_i32_1 = arith.constant 0 : i32
    return %add3A_0, %c0_i32 : i32, i32
  }
  func.func @transform_9(%arg0: i32) -> (i32, i32) {
    %add3A = arith.constant 36 : i32
    %add3A_0 = arith.addi %add3A, %arg0 : i32
    %c0_i32 = arith.constant 0 : i32
    %c0_i32_1 = arith.constant 0 : i32
    return %add3A_0, %c0_i32 : i32, i32
  }
  func.func @transform_10(%arg0: i32) -> (i32, i32) {
    %add3A = arith.constant 40 : i32
    %add3A_0 = arith.addi %add3A, %arg0 : i32
    %c0_i32 = arith.constant 0 : i32
    %c0_i32_1 = arith.constant 0 : i32
    return %add3A_0, %c0_i32 : i32, i32
  }
  func.func @transform_11(%arg0: i32) -> (i32, i32) {
    %add3A = arith.constant 440 : i32
    %add3A_0 = arith.addi %add3A, %arg0 : i32
    %c0_i32 = arith.constant 0 : i32
    %c0_i32_1 = arith.constant 0 : i32
    return %add3A_0, %c0_i32 : i32, i32
  }
  func.func @transform_12(%arg0: i32) -> (i32, i32) {
    %add3A = arith.constant 444 : i32
    %add3A_0 = arith.addi %add3A, %arg0 : i32
    %c0_i32 = arith.constant 0 : i32
    %c0_i32_1 = arith.constant 0 : i32
    return %add3A_0, %c0_i32 : i32, i32
  }
  func.func @transform_13(%arg0: i32) -> (i32, i32) {
    %add3A = arith.constant 448 : i32
    %add3A_0 = arith.addi %add3A, %arg0 : i32
    %c0_i32 = arith.constant 0 : i32
    %c0_i32_1 = arith.constant 0 : i32
    return %add3A_0, %c0_i32 : i32, i32
  }
  func.func @transform_14(%arg0: i32) -> (i32, i32) {
    %add3A = arith.constant 452 : i32
    %add3A_0 = arith.addi %add3A, %arg0 : i32
    %c0_i32 = arith.constant 0 : i32
    %c0_i32_1 = arith.constant 0 : i32
    return %add3A_0, %c0_i32 : i32, i32
  }
  func.func @transform_15(%arg0: i32) -> (i32, i32) {
    %add3A = arith.constant 456 : i32
    %add3A_0 = arith.addi %add3A, %arg0 : i32
    %c0_i32 = arith.constant 0 : i32
    %c0_i32_1 = arith.constant 0 : i32
    return %add3A_0, %c0_i32 : i32, i32
  }
  func.func @transform_16(%arg0: i32) -> (i32, i32) {
    %add3A = arith.constant 460 : i32
    %add3A_0 = arith.addi %add3A, %arg0 : i32
    %c0_i32 = arith.constant 0 : i32
    %c0_i32_1 = arith.constant 0 : i32
    return %add3A_0, %c0_i32 : i32, i32
  }
  func.func @transform_17(%arg0: i32) -> (i32, i32) {
    %add3A = arith.constant 464 : i32
    %add3A_0 = arith.addi %add3A, %arg0 : i32
    %c0_i32 = arith.constant 0 : i32
    %c0_i32_1 = arith.constant 0 : i32
    return %add3A_0, %c0_i32 : i32, i32
  }
  func.func @transform_18(%arg0: i32) -> (i32, i32) {
    %add3A = arith.constant 468 : i32
    %add3A_0 = arith.addi %add3A, %arg0 : i32
    %c0_i32 = arith.constant 0 : i32
    %c0_i32_1 = arith.constant 0 : i32
    return %add3A_0, %c0_i32 : i32, i32
  }
  func.func @transform_19(%arg0: i32) -> (i32, i32) {
    %add3A = arith.constant 472 : i32
    %add3A_0 = arith.addi %add3A, %arg0 : i32
    %c0_i32 = arith.constant 0 : i32
    %c0_i32_1 = arith.constant 0 : i32
    return %add3A_0, %c0_i32 : i32, i32
  }
  func.func @transform_20(%arg0: i32) -> (i32, i32) {
    %add3A = arith.constant 476 : i32
    %add3A_0 = arith.addi %add3A, %arg0 : i32
    %c0_i32 = arith.constant 0 : i32
    %c0_i32_1 = arith.constant 0 : i32
    return %add3A_0, %c0_i32 : i32, i32
  }
  func.func @transform_21(%arg0: i32) -> (i32, i32) {
    %c0_i32 = arith.constant 0 : i32
    %c0_i32_0 = arith.constant 0 : i32
    return %arg0, %c0_i32 : i32, i32
  }
  func.func @transform_22(%arg0: i32) -> (i32, i32) {
    %c0_i32 = arith.constant 0 : i32
    %c0_i32_0 = arith.constant 0 : i32
    return %arg0, %c0_i32 : i32, i32
  }
  func.func @transform_23(%arg0: i32) -> (i32, i32) {
    %c0_i32 = arith.constant 0 : i32
    %c0_i32_0 = arith.constant 0 : i32
    %c0_i32_1 = arith.constant 0 : i32
    return %c0_i32, %c0_i32_0 : i32, i32
  }
  func.func @transform_24(%arg0: i32) -> (i32, i32) {
    %c0_i32 = arith.constant 0 : i32
    %c0_i32_0 = arith.constant 0 : i32
    %c0_i32_1 = arith.constant 0 : i32
    return %c0_i32, %c0_i32_0 : i32, i32
  }
  func.func @transform_25(%arg0: i32) -> (i32, i32) {
    %c0_i32 = arith.constant 0 : i32
    %c0_i32_0 = arith.constant 0 : i32
    %c0_i32_1 = arith.constant 0 : i32
    return %c0_i32, %c0_i32_0 : i32, i32
  }
  func.func @transform_26(%arg0: i32) -> (i32, i32) {
    %c0_i32 = arith.constant 0 : i32
    %c0_i32_0 = arith.constant 0 : i32
    %c0_i32_1 = arith.constant 0 : i32
    return %c0_i32, %c0_i32_0 : i32, i32
  }
  func.func @transform_27(%arg0: i32) -> (i32, i32) {
    %c0_i32 = arith.constant 0 : i32
    %c0_i32_0 = arith.constant 0 : i32
    %c0_i32_1 = arith.constant 0 : i32
    return %c0_i32, %c0_i32_0 : i32, i32
  }
  func.func @transform_28(%arg0: i32) -> (i32, i32) {
    %c0_i32 = arith.constant 0 : i32
    %c0_i32_0 = arith.constant 0 : i32
    %c0_i32_1 = arith.constant 0 : i32
    return %c0_i32, %c0_i32_0 : i32, i32
  }
  func.func @transform_29(%arg0: i32) -> (i32, i32) {
    %c0_i32 = arith.constant 0 : i32
    %c0_i32_0 = arith.constant 0 : i32
    %c0_i32_1 = arith.constant 0 : i32
    return %c0_i32, %c0_i32_0 : i32, i32
  }
  func.func @transform_30(%arg0: i32) -> (i32, i32) {
    %c0_i32 = arith.constant 0 : i32
    %c0_i32_0 = arith.constant 0 : i32
    %c0_i32_1 = arith.constant 0 : i32
    return %c0_i32, %c0_i32_0 : i32, i32
  }
  func.func @transform_31(%arg0: i32) -> (i32, i32) {
    %c0_i32 = arith.constant 0 : i32
    %c0_i32_0 = arith.constant 0 : i32
    %c0_i32_1 = arith.constant 0 : i32
    return %c0_i32, %c0_i32_0 : i32, i32
  }
  func.func @transform_32(%arg0: i32) -> (i32, i32) {
    %c0_i32 = arith.constant 0 : i32
    %c0_i32_0 = arith.constant 0 : i32
    %c0_i32_1 = arith.constant 0 : i32
    return %c0_i32, %c0_i32_0 : i32, i32
  }
  func.func @transform_33(%arg0: i32) -> (i32, i32) {
    %c0_i32 = arith.constant 0 : i32
    %c0_i32_0 = arith.constant 0 : i32
    %c0_i32_1 = arith.constant 0 : i32
    return %c0_i32, %c0_i32_0 : i32, i32
  }
  func.func @transform_34(%arg0: i32) -> (i32, i32) {
    %c0_i32 = arith.constant 0 : i32
    %c0_i32_0 = arith.constant 0 : i32
    %c0_i32_1 = arith.constant 0 : i32
    return %c0_i32, %c0_i32_0 : i32, i32
  }
  func.func @transform_35(%arg0: i32) -> (i32, i32) {
    %c0_i32 = arith.constant 0 : i32
    %c0_i32_0 = arith.constant 0 : i32
    return %arg0, %c0_i32 : i32, i32
  }
}

</mosaic_0001>

<sc_bundles>
// kernel: kernel.12.cloned.1.call-start
scs
__scs_entry_jumppad:
0x0: {  	(pc) =	sbr.rel $0x88, $3  }
0x1: {  	(tag) =	ssettag $0x0;
	lr =	simm.s32 $0x1  }
0x2: {  	[smem:$0x3F85] =	sst lr;
	_ =	strace $0xD0000000  }
0x3: {  	_ = 	snop  }
0x4: {  	_ = 	snop  }
0x5: {  	_ = 	snop  }
0x6: {  	_ = 	snop  }
0x7: {  	_ = 	snop  }
__scs_overlays_trampoline_lowered:
0x8: {  	[smem:$0x3F94] =	sst s0  }
0x9: {  	[smem:$0x3F95] =	sst s1  }
0xa: {  	[smem:$0x3F96] =	sst s2  }
0xb: {  	[smem:$0x3F97] =	sst s3  }
0xc: {  	[smem:$0x3F98] =	sst s4  }
0xd: {  	[smem:$0x3F99] =	sst s5  }
0xe: {  	[smem:$0x3F9A] =	sst s6  }
0xf: {  	[smem:$0x3F9B] =	sst s7  }
0x10: {  	[smem:$0x3F9C] =	sst s8  }
0x11: {  	[smem:$0x3F9D] =	sst s9;
	s0 =	simm.s32 @!p0 $0x0  }
0x12: {  	s1 =	sld [smem:$0x3F83];
	s0 =	simm.s32 @p0 $0x1  }
0x13: {  	[smem:$0x3F9E] =	sst s0;
	s0 =	simm.s32 @!p1 $0x0  }
0x14: {  	s2 =	sld [smem:$0x3F82];
	s0 =	simm.s32 @p1 $0x1  }
0x15: {  	[smem:$0x3F9F] =	sst s0;
	s0 =	simm.s32 @!p2 $0x0  }
0x16: {  	s3 =	sld [smem:$0x3FDB];
	s0 =	simm.s32 @p2 $0x1  }
0x17: {  	s4 =	simm.s32 $0x1BF5;
	[smem:$0x3FA1] =	sst s0  }
0x18: {  	s0 =	sld [smem:$0x3F84];
	_ =	swait.ge [sflag:s4], $0x0  }
0x19: {  	s7 =	sld [smem:$0x3F85]  }
0x1a: {  	s8 =	sadd.s32 $0xFFFFE003, lr  }
0x1b: {  	s9 =	sadd.s32 $0xFFFFFEF7, lr;
	s5 =	simm.s32 $0xFFFFFFFF;
	p2 =	slt.u32 s8, $0xFFFFF086  }
0x1c: {  	p1 =	slt.u32 s9, $0xF7A;
	s5 =	simm.s32 @!p2 $0x0  }
0x1d: {  	s5 =	simm.s32 @p1 $0x1;
	p0 =	seq.s32 s7, s2  }
0x1e: {  	s7 =	smul.u32 @!p0 $0xF7A, s2;
	p2 =	seq.s32 @!p0 s5, $0x0  }
0x1f: {  	s9 =	smul.u32 $0xF7A, s1;
	s8 =	simm.s32 @!p0 $0x1BF5;
	p2 =	por !p2, p0  }
0x20: {  	[sflag:s8] =	ssyncset.s32 @!p0 $0xFFFFF086;
	s6 =	sadd.s32 @!p0 s3, s7;
	s7 =	simm.s32 @!p0 $0x108  }
0x21: {  	s3 =	sadd.s32 s3, s9;
	s6 =	sadd.s32 @!p0 $0x88, s6;
	s7 =	simm.s32 @p2 $0x1082  }
0x22: {  	[simem:s7], [sflag:s8] =	dma.local @!p0 [hbm:s6], $0xF7A  }
0x23: {  	s9 =	sor.u32 $0xD0000000, s2;
	s6 =	simm.s32 $0x108;
	_ =	swait.ge @!p0 [sflag:s8], $0x0  }
0x24: {  	s3 =	sadd.s32 $0x88, s3;
	s6 =	simm.s32 @!p1 $0x1082;
	[sflag:s4] =	ssyncset.s32 $0xFFFFF086  }
0x25: {  	[simem:s6], [sflag:s4] =	dma.local [hbm:s3], $0xF7A  }
0x26: {  	[smem:$0x3F85] =	sst s1;
	(tag) =	ssettag s2;
	_ =	strace s9  }
0x27: {  	s1 =	sld [smem:$0x3F95]  }
0x28: {  	s2 =	sld [smem:$0x3F96]  }
0x29: {  	s4 =	sld [smem:$0x3F98]  }
0x2a: {  	p0 =	seq.s32 s5, $0x0;
	s5 =	sld [smem:$0x3F99]  }
0x2b: {  	s6 =	sld [smem:$0x3F9A]  }
0x2c: {  	s7 =	sld [smem:$0x3F9B]  }
0x2d: {  	s3 =	simm.s32 $0x108;
	s8 =	sld [smem:$0x3F9C]  }
0x2e: {  	s3 =	simm.s32 @!p0 $0x1082;
	s9 =	sld [smem:$0x3F9D]  }
0x2f: {  	lr =	sadd.s32 s0, s3;
	s0 =	sld [smem:$0x3F94]  }
0x30: {  	s3 =	sld [smem:$0x3F97]  }
0x31: {  	[smem:$0x3FA0] =	sst s10  }
0x32: {  	s10 =	sld [smem:$0x3F9E];
	_ =	sdelay $0x3  }
0x33: {  	p0 =	seq.s32 s10, $0x1;
	s10 =	sld [smem:$0x3FA0];
	_ =	sdelay $0x3  }
0x34: {  	[smem:$0x3FA0] =	sst s10  }
0x35: {  	s10 =	sld [smem:$0x3F9F];
	_ =	sdelay $0x3  }
0x36: {  	p1 =	seq.s32 s10, $0x1;
	s10 =	sld [smem:$0x3FA0];
	_ =	sdelay $0x3  }
0x37: {  	[smem:$0x3FA0] =	sst s10  }
0x38: {  	s10 =	sld [smem:$0x3FA1]  }
0x39: {  	_ = 	snop;
	(pc) =	sbr.ind lr, $3  }
0x3a: {  	_ = 	snop  }
0x3b: {  	_ = 	snop  }
0x3c: {  	p2 =	seq.s32 s10, $0x1;
	s10 =	sld [smem:$0x3FA0]  }
0x3d: {  	_ =	shalt  }
0x3e: {  	_ =	shalt  }
0x3f: {  	_ =	shalt  }
0x40: {  	_ =	shalt  }
0x41: {  	_ =	shalt  }
0x42: {  	_ =	shalt  }
0x43: {  	_ =	shalt  }
0x44: {  	_ =	shalt  }
0x45: {  	_ =	shalt  }
0x46: {  	_ =	shalt  }
0x47: {  	_ =	shalt  }
0x48: {  	_ =	shalt  }
0x49: {  	_ =	shalt  }
0x4a: {  	_ =	shalt  }
0x4b: {  	_ =	shalt  }
0x4c: {  	_ =	shalt  }
0x4d: {  	_ =	shalt  }
0x4e: {  	_ =	shalt  }
0x4f: {  	_ =	shalt  }
0x50: {  	_ =	shalt  }
0x51: {  	_ =	shalt  }
0x52: {  	_ =	shalt  }
0x53: {  	_ =	shalt  }
0x54: {  	_ =	shalt  }
0x55: {  	_ =	shalt  }
0x56: {  	_ =	shalt  }
0x57: {  	_ =	shalt  }
0x58: {  	_ =	shalt  }
0x59: {  	_ =	shalt  }
0x5a: {  	_ =	shalt  }
0x5b: {  	_ =	shalt  }
0x5c: {  	_ =	shalt  }
0x5d: {  	_ =	shalt  }
0x5e: {  	_ =	shalt  }
0x5f: {  	_ =	shalt  }
0x60: {  	_ =	shalt  }
0x61: {  	_ =	shalt  }
0x62: {  	_ =	shalt  }
0x63: {  	_ =	shalt  }
0x64: {  	_ =	shalt  }
0x65: {  	_ =	shalt  }
0x66: {  	_ =	shalt  }
0x67: {  	_ =	shalt  }
0x68: {  	_ =	shalt  }
0x69: {  	_ =	shalt  }
0x6a: {  	_ =	shalt  }
0x6b: {  	_ =	shalt  }
0x6c: {  	_ =	shalt  }
0x6d: {  	_ =	shalt  }
0x6e: {  	_ =	shalt  }
0x6f: {  	_ =	shalt  }
0x70: {  	_ =	shalt  }
0x71: {  	_ =	shalt  }
0x72: {  	_ =	shalt  }
0x73: {  	_ =	shalt  }
0x74: {  	_ =	shalt  }
0x75: {  	_ =	shalt  }
0x76: {  	_ =	shalt  }
0x77: {  	_ =	shalt  }
0x78: {  	_ =	shalt  }
0x79: {  	_ =	shalt  }
0x7a: {  	_ =	shalt  }
0x7b: {  	_ =	shalt  }
0x7c: {  	_ =	shalt  }
0x7d: {  	_ =	shalt  }
0x7e: {  	_ =	shalt  }
0x7f: {  	_ =	shalt  }
0x80: {  	_ =	shalt  }
0x81: {  	_ =	shalt  }
0x82: {  	_ =	shalt  }
0x83: {  	_ =	shalt  }
0x84: {  	_ =	shalt  }
0x85: {  	_ =	shalt  }
0x86: {  	_ =	shalt  }
0x87: {  	_ =	shalt  }
.Lfunc_end0:
.L_simem_size_0:
called_computation.2_lowered:
.L_overlay_start_0:
0x88: {  	s2 =	sld [smem:$0x3FD9]  }
0x89: {  	s3 =	sld [smem:$0x3FFE];
	_ =	sdelay $0x1  }
0x8a: {  	s1 =	srdreg.scid  }
0x8b: {  	s0 =	sand.u32 $0x1, s1  }
0x8c: {  	s17 =	sshll.u32 s0, $0xA;
	s2 =	sadd.s32 s3, s2  }
0x8d: {  	s2 =	sadd.s32 s2, s17  }
0x8e: {  	[smem:$0x3FAC] =	sst s2  }
0x8f: {  	_ = 	snop  }
0x90: {  	(tm) =	ssettm $0x1  }
0x91: {  	s18 =	sld [smem:$0x3FFB];
	_ =	sdelay $0x3  }
0x92: {  	_ =	strace s18  }
0x93: {  	s2 =	sld [smem:$0x3FFC];
	_ =	sdelay $0x3  }
0x94: {  	_ =	strace s2  }
0x95: {  	s2 =	sld [smem:$0x3FFD];
	_ =	sdelay $0x3  }
0x96: {  	_ =	strace s2  }
0x97: {  	_ =	strace $0x8FFFFFFF  }
0x98: {  	s19 =	sld [smem:$0x3FDB];
	_ =	sdelay $0x1  }
0x99: {  	s20 =	simm.s32 $_scs_section_size  }
0x9a: {  	s4 =	simm.s32 $_size__tile_overlayer_lowered;
	s5 =	simm.s32 $_tile_overlayer_lowered  }
0x9b: {  	s6 =	simm.s32 $0x1BFF;
	s21 =	sshll.u32 s5, $0x1;
	s3 =	sadd.s32 s20, s19  }
0x9c: {  	s22 =	simm.s32 $0x0;
	s4 =	sshll.u32 s4, $0x1;
	s5 =	sadd.s32 s21, s3  }
0x9d: {  	[timem:s22], [sflag:s6] =	dma.local [hbm:s5], s4  }
0x9e: {  	_ =	swait.ge [sflag:s6], s4  }
0x9f: {  	s4 =	ssub.s32 $0x0, s4;
	[sflag:s6] =	ssyncset.done $0x0  }
0xa0: {  	[sflag:s6] =	ssyncadd.s32 s4;
	_ =	sdelay $0x1  }
0xa1: {  	s23 =	simm.s32 $0x1B8B  }
0xa2: {  	_ =	swait.ge [sflag:s23], $0x1  }
0xa3: {  	[sflag:s23] =	ssyncset.done $0x0  }
0xa4: {  	[sflag:s23] =	ssyncadd.s32 $0xFFFFFFFF  }
0xa5: {  	s4 =	sld [smem:$0x0]  }
0xa6: {  	s5 =	sand.u32 $0xFFFFFFFE, s1  }
0xa7: {  	p0 =	sne.s32 s1, s5  }
0xa8: {  	s5 =	sshll.u32 @p0 s5, $0xE  }
0xa9: {  	s5 =	sadd.s32 @p0 $0x11B8D, s5;
	s6 =	sshll.u32 @p0 s4, $0x11  }
0xaa: {  	s5 =	sor.u32 @p0 s6, s5  }
0xab: {  	[sflag:s5] =	ssyncadd.remote.s32 @p0 $0x1;
	_ =	sdelay $0x1  }
0xac: {  	s5 =	simm.s32 @p0 $0x1B8D  }
0xad: {  	_ =	swait.eq @p0 [sflag:s5], $0x1  }
0xae: {  	[sflag:s5] =	ssyncadd.s32 @p0 $0xFFFFFFFF  }
0xaf: {  	s6 =	sshll.u32 @!p0 s1, $0xE  }
0xb0: {  	s6 =	sor.u32 @!p0 $0x4000, s6;
	s5 =	simm.s32 @!p0 $0x1B8D  }
0xb1: {  	s4 =	sshll.u32 @!p0 s4, $0x11;
	s6 =	sadd.s32 @!p0 $0x11B8D, s6;
	_ =	swait.eq @!p0 [sflag:s5], $0x1  }
0xb2: {  	s4 =	sor.u32 @!p0 s4, s6;
	[sflag:s5] =	ssyncadd.s32 @!p0 $0xFFFFFFFF  }
0xb3: {  	s25 =	simm.s32 $0x1B8E;
	s24 =	sld [smem:$0x3FFE];
	[sflag:s4] =	ssyncadd.remote.s32 @!p0 $0x1  }
0xb4: {  	s26 =	simm.s32 $execute0_lowered;
	[smem:$0x3FD2] =	sst s25  }
0xb5: {  	s5 =	sshll.u32 s26, $0x1;
	_ =	strace $0x8000004C;
	[dreg:$0x1] =	wrdreg $0xFFFFFFFF  }
0xb6: {  	s28 =	simm.s32 $_size_execute0_lowered;
	s3 =	sadd.s32 s3, s5;
	[dreg:$0x0] =	wrdreg $0x0  }
0xb7: {  	s5 =	sshll.u32 s28, $0x1;
	[dreg:$0x2] =	wrdreg s3  }
0xb8: {  	[dreg:$0x3] =	wrdreg s5  }
0xb9: {  	[dreg:$0x4] =	wrdreg $0xC0  }
0xba: {  	_ =	task [dreg:s22], $0x5FFFF  }
0xbb: {  	[dreg:$0x1] =	wrdreg $0xFFFFFFFF  }
0xbc: {  	[dreg:$0x0] =	wrdreg $0x60  }
0xbd: {  	[dreg:$0x2] =	wrdreg s24  }
0xbe: {  	[dreg:$0x3] =	wrdreg $0xA  }
0xbf: {  	_ =	task.clear_ibuf [dreg:s22], $0x4FFFF;
	_ =	strace $0x9000004C  }
0xc0: {  	s29 =	simm.s32 $0xA;
	_ =	strace $0x8000004E  }
0xc1: {  	_ =	swait.ge [sflag:s29], $0x1  }
0xc2: {  	[sflag:s29] =	ssyncadd.s32 $0xFFFFFFFF  }
0xc3: {  	_ =	strace $0x9000004E  }
0xc4: {  	_ =	sfence  }
0xc5: {  	s30 =	sld [smem:$0x0];
	_ =	sdelay $0x2  }
0xc6: {  	s31 =	sshll.u32 s1, $0xD;
	s1 =	sshrl.u32 s1, $0x2  }
0xc7: {  	s4 =	sand.u32 $0x4000, s31;
	s1 =	sadd.s32 s1, s30  }
0xc8: {  	s0 =	sor.u32 s4, s0;
	s1 =	sshll.u32 s1, $0x11  }
0xc9: {  	s0 =	sor.u32 s1, s0  }
0xca: {  	s0 =	sadd.s32 $0x8F2B, s0  }
0xcb: {  	[sflag:s0] =	ssyncadd.remote.s32 $0x1  }
0xcc: {  	_ =	sfence.sel $0xFFFF  }
0xcd: {  	[dreg:$0x0] =	wrdreg $0xFFFFFFFF;
	(pc) =	sbr.abs _section_cstart, $3  }
0xce: {  	[dreg:$0x1] =	wrdreg $0xFFFFFFFF  }
0xcf: {  	_ =	task.clear_ibuf [dreg:s22], $0x2FFFF;
	_ =	strace $0x9FFFFFFF  }
0xd0: {  	(tm) =	ssettm $0x7FFFFFFF  }
0xd1: {  	_ =	shalt  }
tec
execute0_lowered:
.L_overlay_start_1:
0x0: {  	(tag) =	ssettag $0x1  }
0x1: {  	s1 =	srdreg.scid;
	s0 =	stileid.u32  }
0x2: {  	s16 =	sand.u32 $0x1, s1;
	s31 =	sshll.u32 s0, $0x1  }
0x3: {  	s8 =	sor.u32 s16, s31  }
0x4: {  	s3 =	smul.u32 $0x30, s8  }
0x5: {  	s12 =	rddreg [dreg:$0x0];
	s2 =	simm.s32 $0x0  }
0x6: {  	s4 =	simm.s32 $0x3;
	[smem:$0x7FF] =	sst s2;
	s3 =	sadd.s32 s3, s12  }
0x7: {  	s1 =	rddreg [dreg:$0x1];
	_ =	strace $0x8000004D;
	s3 =	sadd.s32 $0x18E7000, s3  }
0x8: {  	[tilespmem:s2], [sflag:$0x3] =	stream.linear.gather [hbm4b:s3+s2], $0x180, $0x38;
	[tilespmem:$0x4180] =	vst v63  }
0x9: {  	_ =	swait.ge [sflag:s4], $0x180  }
0xa: {  	s6 =	simm.s32 $0x80;
	[sflag:s4] =	ssyncset.done $0x0  }
0xb: {  	s7 =	simm.s32 $0x180;
	s5 =	sadd.s32 $0x6C00, s12;
	[sflag:s4] =	ssyncadd.s32 $0xFFFFFE80  }
0xc: {  	[tilespmem:s7], [sflag:$0x1] =	stream.indirect.gather [hbm4b:s5+s6], $0x20, s2, s6, $0xb8;
	[tilespmem:$0x4180] =	vst v63  }
0xd: {  	s13 =	smul.u32 $0x3000, s8;
	s8 =	simm.s32 $0x1180  }
0xe: {  	[tilespmem:s8], [sflag:$0x1] =	stream.indirect.gather [hbm4b:s5+s6], $0x20, s6, s6, $0xb8;
	[tilespmem:$0x4180] =	vst v63  }
0xf: {  	s9 =	simm.s32 $0x100;
	s10 =	simm.s32 $0x2180;
	s11 =	simm.s32 $0x1  }
0x10: {  	[tilespmem:s10], [sflag:$0x1] =	stream.indirect.gather [hbm4b:s5+s6], $0x20, s9, s6, $0xb8;
	[tilespmem:$0x4180] =	vst v63  }
0x11: {  	s13 =	sshrl.u32 s13, $0x3;
	_ =	swait.ge [sflag:s11], $0x1000  }
0x12: {  	s14 =	sadd.s32 s13, s12;
	[sflag:s11] =	ssyncset.done $0x0  }
0x13: {  	s12 =	sadd.s32 $0x18E7600, s14;
	[sflag:s11] =	ssyncadd.s32 $0xFFFFF000  }
0x14: {  	[hbm4b:s12+s2] =	stream.linear.scatter [tilespmem:s7], [sflag:$0x2], $0x1000, $0x38;
	[tilespmem:$0x4180] =	vst v63  }
0x15: {  	_ =	swait.ge [sflag:s11], $0x1000  }
0x16: {  	[sflag:s11] =	ssyncset.done $0x0  }
0x17: {  	s13 =	sadd.s32 $0x18E7800, s14;
	[sflag:s11] =	ssyncadd.s32 $0xFFFFF000  }
0x18: {  	[hbm4b:s13+s2] =	stream.linear.scatter [tilespmem:s8], [sflag:$0x2], $0x1000, $0x38;
	[tilespmem:$0x4180] =	vst v63  }
0x19: {  	s16 =	ssub.s32 $0x2, s16;
	_ =	swait.ge [sflag:s11], $0x1000  }
0x1a: {  	s17 =	sshrl.u32 s16, $0x1;
	[sflag:s11] =	ssyncset.done $0x0  }
0x1b: {  	s15 =	sadd.s32 $0x18E7A00, s14;
	s14 =	simm.s32 $0x2;
	[sflag:s11] =	ssyncadd.s32 $0xFFFFF000  }
0x1c: {  	[hbm4b:s15+s2] =	stream.linear.scatter [tilespmem:s10], [sflag:$0x2], $0x1000, $0x38;
	[tilespmem:$0x4180] =	vst v63  }
0x1d: {  	s16 =	ssub.s32 s16, s17;
	_ =	swait.ge [sflag:s14], $0x1000  }
0x1e: {  	s16 =	smax.u32 s16, $0x1;
	[sflag:s14] =	ssyncset.done $0x0  }
0x1f: {  	p0 =	sne.s32 s16, $0x1;
	[sflag:s14] =	ssyncadd.s32 $0xFFFFF000  }
.Ltmp0:
0x20: {  	_ =	swait.ge [sflag:s14], $0x1000;
	(pc) =	sbr.rel @!p0 .LBB2_2-.Ltmp0, $4  }
0x21: {  	[sflag:s14] =	ssyncset.done $0x0  }
0x22: {  	[sflag:s14] =	ssyncadd.s32 $0xFFFFF000  }
0x23: {  	_ =	swait.ge [sflag:s14], $0x1000  }
0x24: {  	s16 =	sadd.s32 $0xFFFFFFFF, s16;
	[sflag:s14] =	ssyncset.done $0x0  }
.LBB2_1:
0x25: {  	p0 =	sne.s32 s16, $0x1;
	s16 =	sadd.s32 $0xFFFFFFFF, s16;
	[sflag:s14] =	ssyncadd.s32 $0xFFFFF000  }
0x26: {  	[tilespmem:s2], [sflag:$0x3] =	stream.linear.gather [hbm4b:s3+s2], $0x180, $0x38;
	[tilespmem:$0x4180] =	vst v63  }
0x27: {  	_ =	swait.ge [sflag:s4], $0x180  }
0x28: {  	[sflag:s4] =	ssyncset.done $0x0  }
0x29: {  	[sflag:s4] =	ssyncadd.s32 $0xFFFFFE80  }
0x2a: {  	[tilespmem:s7], [sflag:$0x1] =	stream.indirect.gather [hbm4b:s5+s6], $0x20, s2, s6, $0xb8;
	[tilespmem:$0x4180] =	vst v63  }
0x2b: {  	_ = 	snop  }
0x2c: {  	[tilespmem:s8], [sflag:$0x1] =	stream.indirect.gather [hbm4b:s5+s6], $0x20, s6, s6, $0xb8;
	[tilespmem:$0x4180] =	vst v63  }
0x2d: {  	_ = 	snop  }
0x2e: {  	[tilespmem:s10], [sflag:$0x1] =	stream.indirect.gather [hbm4b:s5+s6], $0x20, s9, s6, $0xb8;
	[tilespmem:$0x4180] =	vst v63  }
0x2f: {  	_ =	swait.ge [sflag:s11], $0x1000  }
0x30: {  	[sflag:s11] =	ssyncset.done $0x0  }
0x31: {  	[sflag:s11] =	ssyncadd.s32 $0xFFFFF000  }
0x32: {  	[hbm4b:s12+s2] =	stream.linear.scatter [tilespmem:s7], [sflag:$0x2], $0x1000, $0x38;
	[tilespmem:$0x4180] =	vst v63  }
0x33: {  	_ =	swait.ge [sflag:s11], $0x1000  }
0x34: {  	[sflag:s11] =	ssyncset.done $0x0  }
0x35: {  	[sflag:s11] =	ssyncadd.s32 $0xFFFFF000  }
0x36: {  	[hbm4b:s13+s2] =	stream.linear.scatter [tilespmem:s8], [sflag:$0x2], $0x1000, $0x38;
	[tilespmem:$0x4180] =	vst v63  }
0x37: {  	_ =	swait.ge [sflag:s11], $0x1000  }
0x38: {  	[sflag:s11] =	ssyncset.done $0x0  }
0x39: {  	[sflag:s11] =	ssyncadd.s32 $0xFFFFF000  }
0x3a: {  	[hbm4b:s15+s2] =	stream.linear.scatter [tilespmem:s10], [sflag:$0x2], $0x1000, $0x38;
	[tilespmem:$0x4180] =	vst v63  }
0x3b: {  	_ =	swait.ge [sflag:s14], $0x1000  }
0x3c: {  	[sflag:s14] =	ssyncset.done $0x0  }
0x3d: {  	[sflag:s14] =	ssyncadd.s32 $0xFFFFF000  }
.Ltmp1:
0x3e: {  	_ =	swait.ge [sflag:s14], $0x1000;
	(pc) =	sbr.rel @p0 .LBB2_1-.Ltmp1, $4  }
0x3f: {  	[sflag:s14] =	ssyncset.done $0x0  }
0x40: {  	[sflag:s14] =	ssyncadd.s32 $0xFFFFF000  }
0x41: {  	_ =	swait.ge [sflag:s14], $0x1000  }
0x42: {  	[sflag:s14] =	ssyncset.done $0x0  }
.LBB2_2:
0x43: {  	[sflag:s14] =	ssyncadd.s32 $0xFFFFF000  }
0x44: {  	_ =	sfence.sel $0x180000  }
0x45: {  	[bflag:$0x0] =	sbarrier.arrive $0xFFFF  }
0x46: {  	p0 =	sne.s32 s0, $0x0;
	_ =	strace $0x9000004D  }
0x47: {  	s0 =	sadd.s32 @!p0 $0x100000, s1;
	[bflag:$0x2] =	sbarrier.arrive $0xFFFF  }
0x48: {  	[sflag:s0] =	ssyncadd.tile.s32 @!p0 $0x1;
	_ =	shalt  }
.Lfunc_end2:
_tile_overlayer_lowered:
.L_overlay_start_2:
0x49: {  	(tag) =	ssettag $0x2  }
0x4a: {  	s0 =	rddreg [dreg:$0x0];
	s2 =	stileid.u32  }
0x4b: {  	s1 =	rddreg [dreg:$0x1];
	p0 =	sne.s32 s2, $0x0  }
0x4c: {  	s3 =	rddreg [dreg:$0x2];
	[bflag:$0x3] =	sbarrier.arrive $0xFFFF;
	s2 =	simm.s32 @!p0 $0x1C03  }
0x4d: {  	[timem:s3], [sflag:s2] =	dma.local @!p0 [hbm:s0], s1  }
0x4e: {  	s0 =	simm.s32 @!p0 $0x3  }
0x4f: {  	_ =	swait.ge @!p0 [sflag:s0], s1  }
0x50: {  	s1 =	ssub.s32 @!p0 $0x0, s1;
	[sflag:s0] =	ssyncset.done @!p0 $0x0  }
0x51: {  	[sflag:s0] =	ssyncadd.s32 @!p0 s1  }
0x52: {  	[bflag:$0x3] =	sbarrier.arrive $0xFFFF  }
0x53: {  	_ =	shalt  }

// kernel: kernel.15.cloned.1.call-start
scs
__scs_entry_jumppad:
0x0: {  	(pc) =	sbr.rel $0x88, $3  }
0x1: {  	(tag) =	ssettag $0x0;
	lr =	simm.s32 $0x1  }
0x2: {  	[smem:$0x3F85] =	sst lr;
	_ =	strace $0xD0000000  }
0x3: {  	_ = 	snop  }
0x4: {  	_ = 	snop  }
0x5: {  	_ = 	snop  }
0x6: {  	_ = 	snop  }
0x7: {  	_ = 	snop  }
__scs_overlays_trampoline_lowered:
0x8: {  	[smem:$0x3F94] =	sst s0  }
0x9: {  	[smem:$0x3F95] =	sst s1  }
0xa: {  	[smem:$0x3F96] =	sst s2  }
0xb: {  	[smem:$0x3F97] =	sst s3  }
0xc: {  	[smem:$0x3F98] =	sst s4  }
0xd: {  	[smem:$0x3F99] =	sst s5  }
0xe: {  	[smem:$0x3F9A] =	sst s6  }
0xf: {  	[smem:$0x3F9B] =	sst s7  }
0x10: {  	[smem:$0x3F9C] =	sst s8  }
0x11: {  	[smem:$0x3F9D] =	sst s9;
	s0 =	simm.s32 @!p0 $0x0  }
0x12: {  	s1 =	sld [smem:$0x3F83];
	s0 =	simm.s32 @p0 $0x1  }
0x13: {  	[smem:$0x3F9E] =	sst s0;
	s0 =	simm.s32 @!p1 $0x0  }
0x14: {  	s2 =	sld [smem:$0x3F82];
	s0 =	simm.s32 @p1 $0x1  }
0x15: {  	[smem:$0x3F9F] =	sst s0;
	s0 =	simm.s32 @!p2 $0x0  }
0x16: {  	s3 =	sld [smem:$0x3FDB];
	s0 =	simm.s32 @p2 $0x1  }
0x17: {  	s4 =	simm.s32 $0x1BF5;
	[smem:$0x3FA1] =	sst s0  }
0x18: {  	s0 =	sld [smem:$0x3F84];
	_ =	swait.ge [sflag:s4], $0x0  }
0x19: {  	s7 =	sld [smem:$0x3F85]  }
0x1a: {  	s8 =	sadd.s32 $0xFFFFE003, lr  }
0x1b: {  	s9 =	sadd.s32 $0xFFFFFEF7, lr;
	s5 =	simm.s32 $0xFFFFFFFF;
	p2 =	slt.u32 s8, $0xFFFFF086  }
0x1c: {  	p1 =	slt.u32 s9, $0xF7A;
	s5 =	simm.s32 @!p2 $0x0  }
0x1d: {  	s5 =	simm.s32 @p1 $0x1;
	p0 =	seq.s32 s7, s2  }
0x1e: {  	s7 =	smul.u32 @!p0 $0xF7A, s2;
	p2 =	seq.s32 @!p0 s5, $0x0  }
0x1f: {  	s9 =	smul.u32 $0xF7A, s1;
	s8 =	simm.s32 @!p0 $0x1BF5;
	p2 =	por !p2, p0  }
0x20: {  	[sflag:s8] =	ssyncset.s32 @!p0 $0xFFFFF086;
	s6 =	sadd.s32 @!p0 s3, s7;
	s7 =	simm.s32 @!p0 $0x108  }
0x21: {  	s3 =	sadd.s32 s3, s9;
	s6 =	sadd.s32 @!p0 $0x88, s6;
	s7 =	simm.s32 @p2 $0x1082  }
0x22: {  	[simem:s7], [sflag:s8] =	dma.local @!p0 [hbm:s6], $0xF7A  }
0x23: {  	s9 =	sor.u32 $0xD0000000, s2;
	s6 =	simm.s32 $0x108;
	_ =	swait.ge @!p0 [sflag:s8], $0x0  }
0x24: {  	s3 =	sadd.s32 $0x88, s3;
	s6 =	simm.s32 @!p1 $0x1082;
	[sflag:s4] =	ssyncset.s32 $0xFFFFF086  }
0x25: {  	[simem:s6], [sflag:s4] =	dma.local [hbm:s3], $0xF7A  }
0x26: {  	[smem:$0x3F85] =	sst s1;
	(tag) =	ssettag s2;
	_ =	strace s9  }
0x27: {  	s1 =	sld [smem:$0x3F95]  }
0x28: {  	s2 =	sld [smem:$0x3F96]  }
0x29: {  	s4 =	sld [smem:$0x3F98]  }
0x2a: {  	p0 =	seq.s32 s5, $0x0;
	s5 =	sld [smem:$0x3F99]  }
0x2b: {  	s6 =	sld [smem:$0x3F9A]  }
0x2c: {  	s7 =	sld [smem:$0x3F9B]  }
0x2d: {  	s3 =	simm.s32 $0x108;
	s8 =	sld [smem:$0x3F9C]  }
0x2e: {  	s3 =	simm.s32 @!p0 $0x1082;
	s9 =	sld [smem:$0x3F9D]  }
0x2f: {  	lr =	sadd.s32 s0, s3;
	s0 =	sld [smem:$0x3F94]  }
0x30: {  	s3 =	sld [smem:$0x3F97]  }
0x31: {  	[smem:$0x3FA0] =	sst s10  }
0x32: {  	s10 =	sld [smem:$0x3F9E];
	_ =	sdelay $0x3  }
0x33: {  	p0 =	seq.s32 s10, $0x1;
	s10 =	sld [smem:$0x3FA0];
	_ =	sdelay $0x3  }
0x34: {  	[smem:$0x3FA0] =	sst s10  }
0x35: {  	s10 =	sld [smem:$0x3F9F];
	_ =	sdelay $0x3  }
0x36: {  	p1 =	seq.s32 s10, $0x1;
	s10 =	sld [smem:$0x3FA0];
	_ =	sdelay $0x3  }
0x37: {  	[smem:$0x3FA0] =	sst s10  }
0x38: {  	s10 =	sld [smem:$0x3FA1]  }
0x39: {  	_ = 	snop;
	(pc) =	sbr.ind lr, $3  }
0x3a: {  	_ = 	snop  }
0x3b: {  	_ = 	snop  }
0x3c: {  	p2 =	seq.s32 s10, $0x1;
	s10 =	sld [smem:$0x3FA0]  }
0x3d: {  	_ =	shalt  }
0x3e: {  	_ =	shalt  }
0x3f: {  	_ =	shalt  }
0x40: {  	_ =	shalt  }
0x41: {  	_ =	shalt  }
0x42: {  	_ =	shalt  }
0x43: {  	_ =	shalt  }
0x44: {  	_ =	shalt  }
0x45: {  	_ =	shalt  }
0x46: {  	_ =	shalt  }
0x47: {  	_ =	shalt  }
0x48: {  	_ =	shalt  }
0x49: {  	_ =	shalt  }
0x4a: {  	_ =	shalt  }
0x4b: {  	_ =	shalt  }
0x4c: {  	_ =	shalt  }
0x4d: {  	_ =	shalt  }
0x4e: {  	_ =	shalt  }
0x4f: {  	_ =	shalt  }
0x50: {  	_ =	shalt  }
0x51: {  	_ =	shalt  }
0x52: {  	_ =	shalt  }
0x53: {  	_ =	shalt  }
0x54: {  	_ =	shalt  }
0x55: {  	_ =	shalt  }
0x56: {  	_ =	shalt  }
0x57: {  	_ =	shalt  }
0x58: {  	_ =	shalt  }
0x59: {  	_ =	shalt  }
0x5a: {  	_ =	shalt  }
0x5b: {  	_ =	shalt  }
0x5c: {  	_ =	shalt  }
0x5d: {  	_ =	shalt  }
0x5e: {  	_ =	shalt  }
0x5f: {  	_ =	shalt  }
0x60: {  	_ =	shalt  }
0x61: {  	_ =	shalt  }
0x62: {  	_ =	shalt  }
0x63: {  	_ =	shalt  }
0x64: {  	_ =	shalt  }
0x65: {  	_ =	shalt  }
0x66: {  	_ =	shalt  }
0x67: {  	_ =	shalt  }
0x68: {  	_ =	shalt  }
0x69: {  	_ =	shalt  }
0x6a: {  	_ =	shalt  }
0x6b: {  	_ =	shalt  }
0x6c: {  	_ =	shalt  }
0x6d: {  	_ =	shalt  }
0x6e: {  	_ =	shalt  }
0x6f: {  	_ =	shalt  }
0x70: {  	_ =	shalt  }
0x71: {  	_ =	shalt  }
0x72: {  	_ =	shalt  }
0x73: {  	_ =	shalt  }
0x74: {  	_ =	shalt  }
0x75: {  	_ =	shalt  }
0x76: {  	_ =	shalt  }
0x77: {  	_ =	shalt  }
0x78: {  	_ =	shalt  }
0x79: {  	_ =	shalt  }
0x7a: {  	_ =	shalt  }
0x7b: {  	_ =	shalt  }
0x7c: {  	_ =	shalt  }
0x7d: {  	_ =	shalt  }
0x7e: {  	_ =	shalt  }
0x7f: {  	_ =	shalt  }
0x80: {  	_ =	shalt  }
0x81: {  	_ =	shalt  }
0x82: {  	_ =	shalt  }
0x83: {  	_ =	shalt  }
0x84: {  	_ =	shalt  }
0x85: {  	_ =	shalt  }
0x86: {  	_ =	shalt  }
0x87: {  	_ =	shalt  }
.Lfunc_end0:
.L_simem_size_0:
called_computation.3_lowered:
.L_overlay_start_0:
0x88: {  	s2 =	sld [smem:$0x3FD9]  }
0x89: {  	s3 =	sld [smem:$0x3FFE];
	_ =	sdelay $0x1  }
0x8a: {  	s1 =	srdreg.scid  }
0x8b: {  	s0 =	sand.u32 $0x1, s1  }
0x8c: {  	s17 =	sshll.u32 s0, $0xA;
	s2 =	sadd.s32 s3, s2  }
0x8d: {  	s2 =	sadd.s32 s2, s17  }
0x8e: {  	[smem:$0x3FAC] =	sst s2  }
0x8f: {  	_ = 	snop  }
0x90: {  	s18 =	sld [smem:$0x3FB1];
	(tm) =	ssettm $0x1  }
0x91: {  	s19 =	sld [smem:$0x3FFB];
	_ =	sdelay $0x3  }
0x92: {  	_ =	strace s19  }
0x93: {  	s2 =	sld [smem:$0x3FFC];
	_ =	sdelay $0x3  }
0x94: {  	_ =	strace s2  }
0x95: {  	s2 =	sld [smem:$0x3FFD];
	_ =	sdelay $0x3  }
0x96: {  	_ =	strace s2  }
0x97: {  	_ =	strace $0x8FFFFFFF  }
0x98: {  	s20 =	sld [smem:$0x3FDB];
	_ =	sdelay $0x1  }
0x99: {  	s4 =	simm.s32 $_scs_section_size  }
0x9a: {  	s5 =	simm.s32 $_size__tile_overlayer_lowered;
	s6 =	simm.s32 $_tile_overlayer_lowered  }
0x9b: {  	s7 =	simm.s32 $0x1BFF;
	s21 =	sshll.u32 s6, $0x1;
	s4 =	sadd.s32 s4, s20  }
0x9c: {  	s22 =	simm.s32 $0x0;
	s5 =	sshll.u32 s5, $0x1;
	s6 =	sadd.s32 s21, s4  }
0x9d: {  	[timem:s22], [sflag:s7] =	dma.local [hbm:s6], s5  }
0x9e: {  	_ =	swait.ge [sflag:s7], s5  }
0x9f: {  	s5 =	ssub.s32 $0x0, s5;
	[sflag:s7] =	ssyncset.done $0x0  }
0xa0: {  	[sflag:s7] =	ssyncadd.s32 s5;
	_ =	sdelay $0x1  }
0xa1: {  	s23 =	simm.s32 $0x1B8B  }
0xa2: {  	_ =	swait.ge [sflag:s23], $0x1  }
0xa3: {  	[sflag:s23] =	ssyncset.done $0x0  }
0xa4: {  	[sflag:s23] =	ssyncadd.s32 $0xFFFFFFFF  }
0xa5: {  	s5 =	sld [smem:$0x0]  }
0xa6: {  	s6 =	sand.u32 $0xFFFFFFFE, s1  }
0xa7: {  	p0 =	sne.s32 s1, s6  }
0xa8: {  	s6 =	sshll.u32 @p0 s6, $0xE  }
0xa9: {  	s6 =	sadd.s32 @p0 $0x11B8D, s6;
	s7 =	sshll.u32 @p0 s5, $0x11  }
0xaa: {  	s6 =	sor.u32 @p0 s7, s6  }
0xab: {  	[sflag:s6] =	ssyncadd.remote.s32 @p0 $0x1;
	_ =	sdelay $0x1  }
0xac: {  	s6 =	simm.s32 @p0 $0x1B8D  }
0xad: {  	_ =	swait.eq @p0 [sflag:s6], $0x1  }
0xae: {  	[sflag:s6] =	ssyncadd.s32 @p0 $0xFFFFFFFF  }
0xaf: {  	s7 =	sshll.u32 @!p0 s1, $0xE  }
0xb0: {  	s7 =	sor.u32 @!p0 $0x4000, s7;
	s6 =	simm.s32 @!p0 $0x1B8D  }
0xb1: {  	s5 =	sshll.u32 @!p0 s5, $0x11;
	s7 =	sadd.s32 @!p0 $0x11B8D, s7;
	_ =	swait.eq @!p0 [sflag:s6], $0x1  }
0xb2: {  	s5 =	sor.u32 @!p0 s5, s7;
	[sflag:s6] =	ssyncadd.s32 @!p0 $0xFFFFFFFF  }
0xb3: {  	s25 =	simm.s32 $0x1B8E;
	s24 =	sld [smem:$0x3FFE];
	[sflag:s5] =	ssyncadd.remote.s32 @!p0 $0x1  }
0xb4: {  	s26 =	simm.s32 $execute0_lowered;
	[smem:$0x3FD2] =	sst s25  }
0xb5: {  	s6 =	sshll.u32 s26, $0x1;
	_ =	strace $0x80000052;
	[dreg:$0x1] =	wrdreg $0xFFFFFFFF  }
0xb6: {  	s28 =	simm.s32 $_size_execute0_lowered;
	s4 =	sadd.s32 s4, s6;
	[dreg:$0x0] =	wrdreg $0x0  }
0xb7: {  	s6 =	sshll.u32 s28, $0x1;
	[dreg:$0x2] =	wrdreg s4  }
0xb8: {  	[dreg:$0x3] =	wrdreg s6  }
0xb9: {  	[dreg:$0x4] =	wrdreg $0xC0  }
0xba: {  	_ =	task [dreg:s22], $0x5FFFF  }
0xbb: {  	[dreg:$0x1] =	wrdreg $0xFFFFFFFF  }
0xbc: {  	[dreg:$0x0] =	wrdreg $0x60  }
0xbd: {  	[dreg:$0x2] =	wrdreg s18  }
0xbe: {  	[dreg:$0x3] =	wrdreg s24  }
0xbf: {  	[dreg:$0x4] =	wrdreg $0x9  }
0xc0: {  	_ =	task.clear_ibuf [dreg:s22], $0x5FFFF;
	_ =	strace $0x90000052  }
0xc1: {  	s29 =	simm.s32 $0x9;
	_ =	strace $0x80000054  }
0xc2: {  	_ =	swait.ge [sflag:s29], $0x1  }
0xc3: {  	[sflag:s29] =	ssyncadd.s32 $0xFFFFFFFF  }
0xc4: {  	_ =	strace $0x90000054  }
0xc5: {  	_ =	sfence  }
0xc6: {  	s30 =	sld [smem:$0x0];
	_ =	sdelay $0x2  }
0xc7: {  	s31 =	sshll.u32 s1, $0xD;
	s1 =	sshrl.u32 s1, $0x2  }
0xc8: {  	s4 =	sand.u32 $0x4000, s31;
	s1 =	sadd.s32 s1, s30  }
0xc9: {  	s0 =	sor.u32 s4, s0;
	s1 =	sshll.u32 s1, $0x11  }
0xca: {  	s0 =	sor.u32 s1, s0  }
0xcb: {  	s0 =	sadd.s32 $0x8F2B, s0  }
0xcc: {  	[sflag:s0] =	ssyncadd.remote.s32 $0x1  }
0xcd: {  	_ =	sfence.sel $0xFFFF  }
0xce: {  	[dreg:$0x0] =	wrdreg $0xFFFFFFFF;
	(pc) =	sbr.abs _section_cstart, $3  }
0xcf: {  	[dreg:$0x1] =	wrdreg $0xFFFFFFFF  }
0xd0: {  	_ =	task.clear_ibuf [dreg:s22], $0x2FFFF;
	_ =	strace $0x9FFFFFFF  }
0xd1: {  	(tm) =	ssettm $0x7FFFFFFF  }
tec
execute0_lowered:
.L_overlay_start_1:
0x0: {  	(tag) =	ssettag $0x1  }
0x1: {  	s2 =	rddreg [dreg:$0x0]  }
0x2: {  	s4 =	rddreg [dreg:$0x1]  }
0x3: {  	s0 =	rddreg [dreg:$0x2];
	s5 =	srdreg.scid  }
0x4: {  	s1 =	stileid.u32;
	s3 =	simm.s32 $0x0;
	s10 =	simm.s32 $0x5000  }
0x5: {  	s11 =	simm.s32 $0x100;
	s12 =	simm.s32 $0x9000;
	s13 =	simm.s32 $0xD000  }
0x6: {  	s14 =	simm.s32 $0x1;
	s15 =	simm.s32 $0x2;
	s16 =	simm.s32 $0x0  }
0x7: {  	s5 =	sand.u32 $0x1, s5;
	s6 =	smul.u32 $0xF8000, s1;
	[smem:$0x7FF] =	sst s3  }
0x8: {  	s8 =	sshll.u32 s1, $0xA;
	s7 =	smul.u32 $0x7C000, s5;
	s9 =	sshll.u32 s5, $0x9  }
0x9: {  	_ =	strace $0x80000053;
	s5 =	ssub.s32 $0x2, s5;
	s8 =	sor.u32 s9, s8  }
0xa: {  	s31 =	sshrl.u32 s5, $0x1;
	s9 =	simm.s32 $0x1000;
	s6 =	sadd.s32 s7, s6  }
0xb: {  	s30 =	sadd.s32 s8, s4;
	s5 =	ssub.s32 s5, s31;
	s6 =	sshrl.u32 s6, $0x3  }
0xc: {  	s7 =	simm.s32 $0x3;
	s8 =	simm.s32 $0x80;
	s6 =	sadd.s32 s6, s4  }
0xd: {  	s5 =	smax.u32 s5, $0x1;
	s4 =	sadd.s32 $0x18EAC00, s30;
	s6 =	sadd.s32 $0x72C00, s6  }
.LBB2_1:
0xe: {  	[tilespmem:s3], [sflag:$0x3] =	stream.linear.gather [hbm4b:s4+s3], $0xF80, $0x38;
	[tilespmem:$0x11000] =	vst v63  }
0xf: {  	_ =	swait.ge [sflag:s7], $0xF80  }
0x10: {  	[sflag:s7] =	ssyncset.done $0x0  }
0x11: {  	[sflag:s7] =	ssyncadd.s32 $0xFFFFF080  }
0x12: {  	[tilespmem:s9], [sflag:$0x1] =	stream.indirect.gather [hbm4b:s2+s8], $0x80, s3, s8, $0xb8;
	[tilespmem:$0x11000] =	vst v63  }
0x13: {  	_ = 	snop  }
0x14: {  	[tilespmem:s10], [sflag:$0x1] =	stream.indirect.gather [hbm4b:s2+s8], $0x80, s8, s8, $0xb8;
	[tilespmem:$0x11000] =	vst v63  }
0x15: {  	p0 =	por $0x1, $0x1  }
0x16: {  	[tilespmem:s12], [sflag:$0x1] =	stream.indirect.gather [hbm4b:s2+s8], $0x80, s11, s8, $0xb8;
	[tilespmem:$0x11000] =	vst v63  }
0x17: {  	s19 =	simm.s32 $0x180;
	s17 =	simm.s32 $0xC000;
	s20 =	simm.s32 @!p0 $0x2  }
0x18: {  	[tilespmem:s13], [sflag:$0x1] =	stream.indirect.gather [hbm4b:s2+s8], $0x80, s19, s8, $0xb8;
	[tilespmem:$0x11000] =	vst v63  }
0x19: {  	s30 =	sand.u32 $0x30000, s3;
	s22 =	smov.u32 s6;
	_ =	swait.ge @!p0 [sflag:s20], $0x4000  }
0x1a: {  	s18 =	sand.u32 @!p0 $0xC000, s17;
	s17 =	simm.s32 $0x10000;
	[sflag:s20] =	ssyncset.done @!p0 $0x0  }
0x1b: {  	s21 =	sor.u32 @!p0 $0x1000, s18;
	[sflag:s20] =	ssyncadd.s32 @!p0 $0xFFFFC000;
	s20 =	simm.s32 @!p0 $0x80  }
0x1c: {  	[tilespmem:s21], [sflag:$0x1] =	stream.indirect.gather @!p0 [hbm4b:s2+s20], $0x80, s19, s20, $0xb8;
	[tilespmem:$0x11000] =	vst v63  }
0x1d: {  	s31 =	sshrl.u32 s30, $0x2;
	s18 =	simm.s32 $0x10000;
	_ =	swait.ge [sflag:s14], $0x4000  }
0x1e: {  	s23 =	sor.u32 $0x1000, s31;
	s19 =	simm.s32 $0x200;
	[sflag:s14] =	ssyncset.done $0x0  }
0x1f: {  	s20 =	simm.s32 $0x0;
	s21 =	sadd.s32 $0x800, s6;
	[sflag:s14] =	ssyncadd.s32 $0xFFFFC000  }
.LBB2_2:
0x20: {  	[hbm4b:s22+s3] =	stream.linear.scatter [tilespmem:s23], [sflag:$0x2], $0x4000, $0x38;
	[tilespmem:$0x11000] =	vst v63  }
0x21: {  	p1 =	sgt.u32 s20, $0x1A;
	s22 =	smov.u32 s17;
	s17 =	sadd.s32 $0x4000, s17  }
0x22: {  	s22 =	sand.u32 @!p1 $0xC000, s22;
	s23 =	simm.s32 @!p1 $0x2;
	p0 =	sne.s32 s17, $0x88000  }
0x23: {  	s25 =	smov.u32 s18;
	s24 =	sor.u32 @!p1 $0x1000, s22;
	_ =	swait.ge @!p1 [sflag:s23], $0x4000  }
0x24: {  	s18 =	sadd.s32 $0x10000, s18;
	s22 =	smov.u32 s21;
	[sflag:s23] =	ssyncset.done @!p1 $0x0  }
.Ltmp0:
0x25: {  	[sflag:s23] =	ssyncadd.s32 @!p1 $0xFFFFC000;
	s23 =	simm.s32 @!p1 $0x80;
	(pc) =	sbr.rel @p0 .LBB2_2-.Ltmp0, $4  }
0x26: {  	[tilespmem:s24], [sflag:$0x1] =	stream.indirect.gather @!p1 [hbm4b:s2+s23], $0x80, s19, s23, $0xb8;
	[tilespmem:$0x11000] =	vst v63  }
0x27: {  	s23 =	sand.u32 $0x30000, s25;
	s19 =	sadd.s32 $0x80, s19;
	_ =	swait.ge [sflag:s14], $0x4000  }
0x28: {  	s20 =	sadd.s32 $0x1, s20;
	s23 =	sshrl.u32 s23, $0x2;
	[sflag:s14] =	ssyncset.done $0x0  }
0x29: {  	s21 =	sadd.s32 $0x800, s21;
	s23 =	sor.u32 $0x1000, s23;
	[sflag:s14] =	ssyncadd.s32 $0xFFFFC000  }
0x2a: {  	[hbm4b:s22+s3] =	stream.linear.scatter [tilespmem:s23], [sflag:$0x2], $0x4000, $0x38;
	[tilespmem:$0x11000] =	vst v63  }
0x2b: {  	_ =	swait.ge [sflag:s15], $0x4000  }
0x2c: {  	[sflag:s15] =	ssyncset.done $0x0  }
0x2d: {  	[sflag:s15] =	ssyncadd.s32 $0xFFFFC000  }
0x2e: {  	_ =	swait.ge [sflag:s15], $0x4000  }
0x2f: {  	[sflag:s15] =	ssyncset.done $0x0  }
0x30: {  	s16 =	sadd.s32 $0x1, s16;
	[sflag:s15] =	ssyncadd.s32 $0xFFFFC000  }
0x31: {  	p0 =	sne.s32 s16, s5;
	_ =	swait.ge [sflag:s15], $0x4000  }
.Ltmp1:
0x32: {  	[sflag:s15] =	ssyncset.done $0x0;
	(pc) =	sbr.rel @p0 .LBB2_1-.Ltmp1, $4  }
0x33: {  	[sflag:s15] =	ssyncadd.s32 $0xFFFFC000  }
0x34: {  	_ =	swait.ge [sflag:s15], $0x4000  }
0x35: {  	[sflag:s15] =	ssyncset.done $0x0  }
0x36: {  	[sflag:s15] =	ssyncadd.s32 $0xFFFFC000  }
0x37: {  	_ =	sfence.sel $0x180000  }
0x38: {  	[bflag:$0x0] =	sbarrier.arrive $0xFFFF  }
0x39: {  	p0 =	sne.s32 s1, $0x0;
	_ =	strace $0x90000053  }
0x3a: {  	s0 =	sadd.s32 @!p0 $0x100000, s0;
	[bflag:$0x2] =	sbarrier.arrive $0xFFFF  }
0x3b: {  	[sflag:s0] =	ssyncadd.tile.s32 @!p0 $0x1;
	_ =	shalt  }
.Lfunc_end2:
_tile_overlayer_lowered:
.L_overlay_start_2:
0x3c: {  	(tag) =	ssettag $0x2  }
0x3d: {  	s0 =	rddreg [dreg:$0x0];
	s2 =	stileid.u32  }
0x3e: {  	s1 =	rddreg [dreg:$0x1];
	p0 =	sne.s32 s2, $0x0  }
0x3f: {  	s3 =	rddreg [dreg:$0x2];
	[bflag:$0x3] =	sbarrier.arrive $0xFFFF;
	s2 =	simm.s32 @!p0 $0x1C03  }
0x40: {  	[timem:s3], [sflag:s2] =	dma.local @!p0 [hbm:s0], s1  }
0x41: {  	s0 =	simm.s32 @!p0 $0x3  }
0x42: {  	_ =	swait.ge @!p0 [sflag:s0], s1  }
0x43: {  	s1 =	ssub.s32 @!p0 $0x0, s1;
	[sflag:s0] =	ssyncset.done @!p0 $0x0  }
0x44: {  	[sflag:s0] =	ssyncadd.s32 @!p0 s1  }
0x45: {  	[bflag:$0x3] =	sbarrier.arrive $0xFFFF  }
0x46: {  	_ =	shalt  }

// kernel: kernel.18.cloned.1.call-start
scs
__scs_entry_jumppad:
0x0: {  	(pc) =	sbr.rel $0x88, $3  }
0x1: {  	(tag) =	ssettag $0x0;
	lr =	simm.s32 $0x1  }
0x2: {  	[smem:$0x3F85] =	sst lr;
	_ =	strace $0xD0000000  }
0x3: {  	_ = 	snop  }
0x4: {  	_ = 	snop  }
0x5: {  	_ = 	snop  }
0x6: {  	_ = 	snop  }
0x7: {  	_ = 	snop  }
__scs_overlays_trampoline_lowered:
0x8: {  	[smem:$0x3F94] =	sst s0  }
0x9: {  	[smem:$0x3F95] =	sst s1  }
0xa: {  	[smem:$0x3F96] =	sst s2  }
0xb: {  	[smem:$0x3F97] =	sst s3  }
0xc: {  	[smem:$0x3F98] =	sst s4  }
0xd: {  	[smem:$0x3F99] =	sst s5  }
0xe: {  	[smem:$0x3F9A] =	sst s6  }
0xf: {  	[smem:$0x3F9B] =	sst s7  }
0x10: {  	[smem:$0x3F9C] =	sst s8  }
0x11: {  	[smem:$0x3F9D] =	sst s9;
	s0 =	simm.s32 @!p0 $0x0  }
0x12: {  	s1 =	sld [smem:$0x3F83];
	s0 =	simm.s32 @p0 $0x1  }
0x13: {  	[smem:$0x3F9E] =	sst s0;
	s0 =	simm.s32 @!p1 $0x0  }
0x14: {  	s2 =	sld [smem:$0x3F82];
	s0 =	simm.s32 @p1 $0x1  }
0x15: {  	[smem:$0x3F9F] =	sst s0;
	s0 =	simm.s32 @!p2 $0x0  }
0x16: {  	s3 =	sld [smem:$0x3FDB];
	s0 =	simm.s32 @p2 $0x1  }
0x17: {  	s4 =	simm.s32 $0x1BF5;
	[smem:$0x3FA1] =	sst s0  }
0x18: {  	s0 =	sld [smem:$0x3F84];
	_ =	swait.ge [sflag:s4], $0x0  }
0x19: {  	s7 =	sld [smem:$0x3F85]  }
0x1a: {  	s8 =	sadd.s32 $0xFFFFE003, lr  }
0x1b: {  	s9 =	sadd.s32 $0xFFFFFEF7, lr;
	s5 =	simm.s32 $0xFFFFFFFF;
	p2 =	slt.u32 s8, $0xFFFFF086  }
0x1c: {  	p1 =	slt.u32 s9, $0xF7A;
	s5 =	simm.s32 @!p2 $0x0  }
0x1d: {  	s5 =	simm.s32 @p1 $0x1;
	p0 =	seq.s32 s7, s2  }
0x1e: {  	s7 =	smul.u32 @!p0 $0xF7A, s2;
	p2 =	seq.s32 @!p0 s5, $0x0  }
0x1f: {  	s9 =	smul.u32 $0xF7A, s1;
	s8 =	simm.s32 @!p0 $0x1BF5;
	p2 =	por !p2, p0  }
0x20: {  	[sflag:s8] =	ssyncset.s32 @!p0 $0xFFFFF086;
	s6 =	sadd.s32 @!p0 s3, s7;
	s7 =	simm.s32 @!p0 $0x108  }
0x21: {  	s3 =	sadd.s32 s3, s9;
	s6 =	sadd.s32 @!p0 $0x88, s6;
	s7 =	simm.s32 @p2 $0x1082  }
0x22: {  	[simem:s7], [sflag:s8] =	dma.local @!p0 [hbm:s6], $0xF7A  }
0x23: {  	s9 =	sor.u32 $0xD0000000, s2;
	s6 =	simm.s32 $0x108;
	_ =	swait.ge @!p0 [sflag:s8], $0x0  }
0x24: {  	s3 =	sadd.s32 $0x88, s3;
	s6 =	simm.s32 @!p1 $0x1082;
	[sflag:s4] =	ssyncset.s32 $0xFFFFF086  }
0x25: {  	[simem:s6], [sflag:s4] =	dma.local [hbm:s3], $0xF7A  }
0x26: {  	[smem:$0x3F85] =	sst s1;
	(tag) =	ssettag s2;
	_ =	strace s9  }
0x27: {  	s1 =	sld [smem:$0x3F95]  }
0x28: {  	s2 =	sld [smem:$0x3F96]  }
0x29: {  	s4 =	sld [smem:$0x3F98]  }
0x2a: {  	p0 =	seq.s32 s5, $0x0;
	s5 =	sld [smem:$0x3F99]  }
0x2b: {  	s6 =	sld [smem:$0x3F9A]  }
0x2c: {  	s7 =	sld [smem:$0x3F9B]  }
0x2d: {  	s3 =	simm.s32 $0x108;
	s8 =	sld [smem:$0x3F9C]  }
0x2e: {  	s3 =	simm.s32 @!p0 $0x1082;
	s9 =	sld [smem:$0x3F9D]  }
0x2f: {  	lr =	sadd.s32 s0, s3;
	s0 =	sld [smem:$0x3F94]  }
0x30: {  	s3 =	sld [smem:$0x3F97]  }
0x31: {  	[smem:$0x3FA0] =	sst s10  }
0x32: {  	s10 =	sld [smem:$0x3F9E];
	_ =	sdelay $0x3  }
0x33: {  	p0 =	seq.s32 s10, $0x1;
	s10 =	sld [smem:$0x3FA0];
	_ =	sdelay $0x3  }
0x34: {  	[smem:$0x3FA0] =	sst s10  }
0x35: {  	s10 =	sld [smem:$0x3F9F];
	_ =	sdelay $0x3  }
0x36: {  	p1 =	seq.s32 s10, $0x1;
	s10 =	sld [smem:$0x3FA0];
	_ =	sdelay $0x3  }
0x37: {  	[smem:$0x3FA0] =	sst s10  }
0x38: {  	s10 =	sld [smem:$0x3FA1]  }
0x39: {  	_ = 	snop;
	(pc) =	sbr.ind lr, $3  }
0x3a: {  	_ = 	snop  }
0x3b: {  	_ = 	snop  }
0x3c: {  	p2 =	seq.s32 s10, $0x1;
	s10 =	sld [smem:$0x3FA0]  }
0x3d: {  	_ =	shalt  }
0x3e: {  	_ =	shalt  }
0x3f: {  	_ =	shalt  }
0x40: {  	_ =	shalt  }
0x41: {  	_ =	shalt  }
0x42: {  	_ =	shalt  }
0x43: {  	_ =	shalt  }
0x44: {  	_ =	shalt  }
0x45: {  	_ =	shalt  }
0x46: {  	_ =	shalt  }
0x47: {  	_ =	shalt  }
0x48: {  	_ =	shalt  }
0x49: {  	_ =	shalt  }
0x4a: {  	_ =	shalt  }
0x4b: {  	_ =	shalt  }
0x4c: {  	_ =	shalt  }
0x4d: {  	_ =	shalt  }
0x4e: {  	_ =	shalt  }
0x4f: {  	_ =	shalt  }
0x50: {  	_ =	shalt  }
0x51: {  	_ =	shalt  }
0x52: {  	_ =	shalt  }
0x53: {  	_ =	shalt  }
0x54: {  	_ =	shalt  }
0x55: {  	_ =	shalt  }
0x56: {  	_ =	shalt  }
0x57: {  	_ =	shalt  }
0x58: {  	_ =	shalt  }
0x59: {  	_ =	shalt  }
0x5a: {  	_ =	shalt  }
0x5b: {  	_ =	shalt  }
0x5c: {  	_ =	shalt  }
0x5d: {  	_ =	shalt  }
0x5e: {  	_ =	shalt  }
0x5f: {  	_ =	shalt  }
0x60: {  	_ =	shalt  }
0x61: {  	_ =	shalt  }
0x62: {  	_ =	shalt  }
0x63: {  	_ =	shalt  }
0x64: {  	_ =	shalt  }
0x65: {  	_ =	shalt  }
0x66: {  	_ =	shalt  }
0x67: {  	_ =	shalt  }
0x68: {  	_ =	shalt  }
0x69: {  	_ =	shalt  }
0x6a: {  	_ =	shalt  }
0x6b: {  	_ =	shalt  }
0x6c: {  	_ =	shalt  }
0x6d: {  	_ =	shalt  }
0x6e: {  	_ =	shalt  }
0x6f: {  	_ =	shalt  }
0x70: {  	_ =	shalt  }
0x71: {  	_ =	shalt  }
0x72: {  	_ =	shalt  }
0x73: {  	_ =	shalt  }
0x74: {  	_ =	shalt  }
0x75: {  	_ =	shalt  }
0x76: {  	_ =	shalt  }
0x77: {  	_ =	shalt  }
0x78: {  	_ =	shalt  }
0x79: {  	_ =	shalt  }
0x7a: {  	_ =	shalt  }
0x7b: {  	_ =	shalt  }
0x7c: {  	_ =	shalt  }
0x7d: {  	_ =	shalt  }
0x7e: {  	_ =	shalt  }
0x7f: {  	_ =	shalt  }
0x80: {  	_ =	shalt  }
0x81: {  	_ =	shalt  }
0x82: {  	_ =	shalt  }
0x83: {  	_ =	shalt  }
0x84: {  	_ =	shalt  }
0x85: {  	_ =	shalt  }
0x86: {  	_ =	shalt  }
0x87: {  	_ =	shalt  }
.Lfunc_end0:
.L_simem_size_0:
called_computation.4_lowered:
.L_overlay_start_0:
0x88: {  	s2 =	sld [smem:$0x3FD9]  }
0x89: {  	s3 =	sld [smem:$0x3FFE];
	_ =	sdelay $0x1  }
0x8a: {  	s1 =	srdreg.scid  }
0x8b: {  	s0 =	sand.u32 $0x1, s1  }
0x8c: {  	s16 =	sshll.u32 s0, $0xA;
	s2 =	sadd.s32 s3, s2  }
0x8d: {  	s2 =	sadd.s32 s2, s16  }
0x8e: {  	[smem:$0x3FAC] =	sst s2  }
0x8f: {  	_ = 	snop  }
0x90: {  	(tm) =	ssettm $0x1  }
0x91: {  	s17 =	sld [smem:$0x3FFB];
	_ =	sdelay $0x3  }
0x92: {  	_ =	strace s17  }
0x93: {  	s2 =	sld [smem:$0x3FFC];
	_ =	sdelay $0x3  }
0x94: {  	_ =	strace s2  }
0x95: {  	s2 =	sld [smem:$0x3FFD];
	_ =	sdelay $0x3  }
0x96: {  	_ =	strace s2  }
0x97: {  	_ =	strace $0x8FFFFFFF  }
0x98: {  	s18 =	sld [smem:$0x3FDB];
	_ =	sdelay $0x1  }
0x99: {  	s19 =	simm.s32 $_scs_section_size  }
0x9a: {  	s4 =	simm.s32 $_size__tile_overlayer_lowered;
	s5 =	simm.s32 $_tile_overlayer_lowered  }
0x9b: {  	s22 =	simm.s32 $0x1BFF;
	s21 =	sshll.u32 s5, $0x1;
	s2 =	sadd.s32 s19, s18  }
0x9c: {  	s6 =	simm.s32 $0x0;
	s20 =	sshll.u32 s4, $0x1;
	s4 =	sadd.s32 s21, s2  }
0x9d: {  	[timem:s6], [sflag:s22] =	dma.local [hbm:s4], s20  }
0x9e: {  	_ =	swait.ge [sflag:s22], s20  }
0x9f: {  	s3 =	ssub.s32 $0x0, s20;
	[sflag:s22] =	ssyncset.done $0x0  }
0xa0: {  	[sflag:s22] =	ssyncadd.s32 s3;
	_ =	sdelay $0x1  }
0xa1: {  	s23 =	simm.s32 $0x1B8B  }
0xa2: {  	_ =	swait.ge [sflag:s23], $0x1  }
0xa3: {  	[sflag:s23] =	ssyncset.done $0x0  }
0xa4: {  	s25 =	simm.s32 $0x1B8E;
	s24 =	sld [smem:$0x3FFE];
	[sflag:s23] =	ssyncadd.s32 $0xFFFFFFFF  }
0xa5: {  	s26 =	simm.s32 $execute0_lowered;
	[smem:$0x3FD2] =	sst s25  }
0xa6: {  	s4 =	sshll.u32 s26, $0x1;
	_ =	strace $0x8000004F;
	[dreg:$0x1] =	wrdreg $0xFFFFFFFF  }
0xa7: {  	s28 =	simm.s32 $_size_execute0_lowered;
	s2 =	sadd.s32 s2, s4;
	[dreg:$0x0] =	wrdreg $0x0  }
0xa8: {  	s4 =	sshll.u32 s28, $0x1;
	[dreg:$0x2] =	wrdreg s2  }
0xa9: {  	[dreg:$0x3] =	wrdreg s4  }
0xaa: {  	[dreg:$0x4] =	wrdreg $0xC0  }
0xab: {  	_ =	task [dreg:s6], $0x5FFFF  }
0xac: {  	[dreg:$0x1] =	wrdreg $0xFFFFFFFF  }
0xad: {  	[dreg:$0x0] =	wrdreg $0x60  }
0xae: {  	[dreg:$0x2] =	wrdreg s24  }
0xaf: {  	[dreg:$0x3] =	wrdreg $0xA  }
0xb0: {  	_ =	task.clear_ibuf [dreg:s6], $0x4FFFF;
	_ =	strace $0x9000004F  }
0xb1: {  	s29 =	simm.s32 $0xA;
	_ =	strace $0x80000051  }
0xb2: {  	_ =	swait.ge [sflag:s29], $0x1  }
0xb3: {  	[sflag:s29] =	ssyncadd.s32 $0xFFFFFFFF  }
0xb4: {  	_ =	strace $0x90000051  }
0xb5: {  	_ =	sfence  }
0xb6: {  	s30 =	sld [smem:$0x0];
	_ =	sdelay $0x2  }
0xb7: {  	s31 =	sshll.u32 s1, $0xD;
	s1 =	sshrl.u32 s1, $0x2  }
0xb8: {  	s3 =	sand.u32 $0x4000, s31;
	s1 =	sadd.s32 s1, s30  }
0xb9: {  	s0 =	sor.u32 s3, s0;
	s1 =	sshll.u32 s1, $0x11  }
0xba: {  	s0 =	sor.u32 s1, s0  }
0xbb: {  	s0 =	sadd.s32 $0x8F2B, s0  }
0xbc: {  	[sflag:s0] =	ssyncadd.remote.s32 $0x1  }
0xbd: {  	_ =	sfence.sel $0xFFFF  }
0xbe: {  	[dreg:$0x0] =	wrdreg $0xFFFFFFFF;
	(pc) =	sbr.abs _section_cstart, $3  }
0xbf: {  	[dreg:$0x1] =	wrdreg $0xFFFFFFFF  }
0xc0: {  	_ =	task.clear_ibuf [dreg:s6], $0x2FFFF;
	_ =	strace $0x9FFFFFFF  }
0xc1: {  	(tm) =	ssettm $0x7FFFFFFF  }
tec
execute0_lowered:
.L_overlay_start_1:
0x0: {  	(tag) =	ssettag $0x1  }
0x1: {  	s4 =	rddreg [dreg:$0x0]  }
0x2: {  	s0 =	rddreg [dreg:$0x1];
	s2 =	simm.s32 $0x0;
	s3 =	srdreg.scid  }
0x3: {  	s1 =	stileid.u32;
	s9 =	simm.s32 $0xF00;
	s10 =	simm.s32 $0x1700  }
0x4: {  	s11 =	simm.s32 $0x100;
	s12 =	simm.s32 $0x1F00;
	s13 =	simm.s32 $0x2700  }
0x5: {  	s14 =	simm.s32 $0x1;
	s15 =	simm.s32 $0x2;
	s16 =	simm.s32 $0x0  }
0x6: {  	s5 =	sand.u32 $0x1, s3;
	s29 =	sshll.u32 s1, $0x1;
	s6 =	smul.u32 $0x1E000, s1  }
0x7: {  	[smem:$0x7FF] =	sst s2;
	s3 =	sor.u32 s5, s29;
	s7 =	smul.u32 $0xF000, s5  }
0x8: {  	_ =	strace $0x80000050;
	s5 =	ssub.s32 $0x2, s5;
	s8 =	smul.u32 $0x1E0, s3  }
0x9: {  	s3 =	sadd.s32 $0x18F3600, s4;
	s31 =	sshrl.u32 s5, $0x1;
	s6 =	sadd.s32 s7, s6  }
0xa: {  	s5 =	ssub.s32 s5, s31;
	s7 =	simm.s32 $0x3;
	s6 =	sshrl.u32 s6, $0x3  }
0xb: {  	s30 =	sadd.s32 s8, s4;
	s5 =	smax.u32 s5, $0x1;
	s6 =	sadd.s32 s6, s4  }
0xc: {  	s8 =	simm.s32 $0x80;
	s4 =	sadd.s32 $0x18E7000, s30;
	s6 =	sadd.s32 $0x36C00, s6  }
.LBB2_1:
0xd: {  	[tilespmem:s2], [sflag:$0x3] =	stream.linear.gather [hbm4b:s4+s2], $0xF00, $0x38;
	[tilespmem:$0x2F00] =	vst v63  }
0xe: {  	_ =	swait.ge [sflag:s7], $0xF00  }
0xf: {  	[sflag:s7] =	ssyncset.done $0x0  }
0x10: {  	[sflag:s7] =	ssyncadd.s32 $0xFFFFF100  }
0x11: {  	[tilespmem:s9], [sflag:$0x1] =	stream.indirect.gather [hbm4b:s3+s8], $0x10, s2, s8, $0xb8;
	[tilespmem:$0x2F00] =	vst v63  }
0x12: {  	_ = 	snop  }
0x13: {  	[tilespmem:s10], [sflag:$0x1] =	stream.indirect.gather [hbm4b:s3+s8], $0x10, s8, s8, $0xb8;
	[tilespmem:$0x2F00] =	vst v63  }
0x14: {  	p0 =	por $0x1, $0x1  }
0x15: {  	[tilespmem:s12], [sflag:$0x1] =	stream.indirect.gather [hbm4b:s3+s8], $0x10, s11, s8, $0xb8;
	[tilespmem:$0x2F00] =	vst v63  }
0x16: {  	s19 =	simm.s32 $0x180;
	s17 =	simm.s32 $0x1800;
	s20 =	simm.s32 @!p0 $0x2  }
0x17: {  	[tilespmem:s13], [sflag:$0x1] =	stream.indirect.gather [hbm4b:s3+s8], $0x10, s19, s8, $0xb8;
	[tilespmem:$0x2F00] =	vst v63  }
0x18: {  	s30 =	sand.u32 $0x6000, s2;
	s22 =	smov.u32 s6;
	_ =	swait.ge @!p0 [sflag:s20], $0x800  }
0x19: {  	s18 =	sand.u32 @!p0 $0x1800, s17;
	s17 =	simm.s32 $0x2000;
	[sflag:s20] =	ssyncset.done @!p0 $0x0  }
0x1a: {  	s21 =	sadd.s32 @!p0 $0xF00, s18;
	[sflag:s20] =	ssyncadd.s32 @!p0 $0xFFFFF800;
	s20 =	simm.s32 @!p0 $0x80  }
0x1b: {  	[tilespmem:s21], [sflag:$0x1] =	stream.indirect.gather @!p0 [hbm4b:s3+s20], $0x10, s19, s20, $0xb8;
	[tilespmem:$0x2F00] =	vst v63  }
0x1c: {  	s31 =	sshrl.u32 s30, $0x2;
	s18 =	simm.s32 $0x2000;
	_ =	swait.ge [sflag:s14], $0x800  }
0x1d: {  	s23 =	sadd.s32 $0xF00, s31;
	s19 =	simm.s32 $0x200;
	[sflag:s14] =	ssyncset.done $0x0  }
0x1e: {  	s20 =	simm.s32 $0x0;
	s21 =	sadd.s32 $0x100, s6;
	[sflag:s14] =	ssyncadd.s32 $0xFFFFF800  }
.LBB2_2:
0x1f: {  	[hbm4b:s22+s2] =	stream.linear.scatter [tilespmem:s23], [sflag:$0x2], $0x800, $0x38;
	[tilespmem:$0x2F00] =	vst v63  }
0x20: {  	p1 =	sgt.u32 s20, $0x19;
	s22 =	smov.u32 s17;
	s17 =	sadd.s32 $0x800, s17  }
0x21: {  	s22 =	sand.u32 @!p1 $0x1800, s22;
	s23 =	simm.s32 @!p1 $0x2;
	p0 =	sne.s32 s17, $0x10800  }
0x22: {  	s25 =	smov.u32 s18;
	s24 =	sadd.s32 @!p1 $0xF00, s22;
	_ =	swait.ge @!p1 [sflag:s23], $0x800  }
0x23: {  	s18 =	sadd.s32 $0x2000, s18;
	s22 =	smov.u32 s21;
	[sflag:s23] =	ssyncset.done @!p1 $0x0  }
.Ltmp0:
0x24: {  	[sflag:s23] =	ssyncadd.s32 @!p1 $0xFFFFF800;
	s23 =	simm.s32 @!p1 $0x80;
	(pc) =	sbr.rel @p0 .LBB2_2-.Ltmp0, $4  }
0x25: {  	[tilespmem:s24], [sflag:$0x1] =	stream.indirect.gather @!p1 [hbm4b:s3+s23], $0x10, s19, s23, $0xb8;
	[tilespmem:$0x2F00] =	vst v63  }
0x26: {  	s23 =	sand.u32 $0x6000, s25;
	s19 =	sadd.s32 $0x80, s19;
	_ =	swait.ge [sflag:s14], $0x800  }
0x27: {  	s20 =	sadd.s32 $0x1, s20;
	s23 =	sshrl.u32 s23, $0x2;
	[sflag:s14] =	ssyncset.done $0x0  }
0x28: {  	s21 =	sadd.s32 $0x100, s21;
	s23 =	sadd.s32 $0xF00, s23;
	[sflag:s14] =	ssyncadd.s32 $0xFFFFF800  }
0x29: {  	[hbm4b:s22+s2] =	stream.linear.scatter [tilespmem:s23], [sflag:$0x2], $0x800, $0x38;
	[tilespmem:$0x2F00] =	vst v63  }
0x2a: {  	_ =	swait.ge [sflag:s15], $0x800  }
0x2b: {  	[sflag:s15] =	ssyncset.done $0x0  }
0x2c: {  	[sflag:s15] =	ssyncadd.s32 $0xFFFFF800  }
0x2d: {  	_ =	swait.ge [sflag:s15], $0x800  }
0x2e: {  	[sflag:s15] =	ssyncset.done $0x0  }
0x2f: {  	s16 =	sadd.s32 $0x1, s16;
	[sflag:s15] =	ssyncadd.s32 $0xFFFFF800  }
0x30: {  	p0 =	sne.s32 s16, s5;
	_ =	swait.ge [sflag:s15], $0x800  }
.Ltmp1:
0x31: {  	[sflag:s15] =	ssyncset.done $0x0;
	(pc) =	sbr.rel @p0 .LBB2_1-.Ltmp1, $4  }
0x32: {  	[sflag:s15] =	ssyncadd.s32 $0xFFFFF800  }
0x33: {  	_ =	swait.ge [sflag:s15], $0x800  }
0x34: {  	[sflag:s15] =	ssyncset.done $0x0  }
0x35: {  	[sflag:s15] =	ssyncadd.s32 $0xFFFFF800  }
0x36: {  	_ =	sfence.sel $0x180000  }
0x37: {  	[bflag:$0x0] =	sbarrier.arrive $0xFFFF  }
0x38: {  	p0 =	sne.s32 s1, $0x0;
	_ =	strace $0x90000050  }
0x39: {  	s0 =	sadd.s32 @!p0 $0x100000, s0;
	[bflag:$0x2] =	sbarrier.arrive $0xFFFF  }
0x3a: {  	[sflag:s0] =	ssyncadd.tile.s32 @!p0 $0x1;
	_ =	shalt  }
.Lfunc_end2:
_tile_overlayer_lowered:
.L_overlay_start_2:
0x3b: {  	(tag) =	ssettag $0x2  }
0x3c: {  	s0 =	rddreg [dreg:$0x0];
	s2 =	stileid.u32  }
0x3d: {  	s1 =	rddreg [dreg:$0x1];
	p0 =	sne.s32 s2, $0x0  }
0x3e: {  	s3 =	rddreg [dreg:$0x2];
	[bflag:$0x3] =	sbarrier.arrive $0xFFFF;
	s2 =	simm.s32 @!p0 $0x1C03  }
0x3f: {  	[timem:s3], [sflag:s2] =	dma.local @!p0 [hbm:s0], s1  }
0x40: {  	s0 =	simm.s32 @!p0 $0x3  }
0x41: {  	_ =	swait.ge @!p0 [sflag:s0], s1  }
0x42: {  	s1 =	ssub.s32 @!p0 $0x0, s1;
	[sflag:s0] =	ssyncset.done @!p0 $0x0  }
0x43: {  	[sflag:s0] =	ssyncadd.s32 @!p0 s1  }
0x44: {  	[bflag:$0x3] =	sbarrier.arrive $0xFFFF  }
0x45: {  	_ =	shalt  }

// kernel: kernel.9.cloned.1.call-start
scs
__scs_entry_jumppad:
0x0: {  	(pc) =	sbr.rel $0x88, $3  }
0x1: {  	(tag) =	ssettag $0x0;
	lr =	simm.s32 $0x1  }
0x2: {  	[smem:$0x3F85] =	sst lr;
	_ =	strace $0xD0000000  }
0x3: {  	_ = 	snop  }
0x4: {  	_ = 	snop  }
0x5: {  	_ = 	snop  }
0x6: {  	_ = 	snop  }
0x7: {  	_ = 	snop  }
__scs_overlays_trampoline_lowered:
0x8: {  	[smem:$0x3F94] =	sst s0  }
0x9: {  	[smem:$0x3F95] =	sst s1  }
0xa: {  	[smem:$0x3F96] =	sst s2  }
0xb: {  	[smem:$0x3F97] =	sst s3  }
0xc: {  	[smem:$0x3F98] =	sst s4  }
0xd: {  	[smem:$0x3F99] =	sst s5  }
0xe: {  	[smem:$0x3F9A] =	sst s6  }
0xf: {  	[smem:$0x3F9B] =	sst s7  }
0x10: {  	[smem:$0x3F9C] =	sst s8  }
0x11: {  	[smem:$0x3F9D] =	sst s9;
	s0 =	simm.s32 @!p0 $0x0  }
0x12: {  	s1 =	sld [smem:$0x3F83];
	s0 =	simm.s32 @p0 $0x1  }
0x13: {  	[smem:$0x3F9E] =	sst s0;
	s0 =	simm.s32 @!p1 $0x0  }
0x14: {  	s2 =	sld [smem:$0x3F82];
	s0 =	simm.s32 @p1 $0x1  }
0x15: {  	[smem:$0x3F9F] =	sst s0;
	s0 =	simm.s32 @!p2 $0x0  }
0x16: {  	s3 =	sld [smem:$0x3FDB];
	s0 =	simm.s32 @p2 $0x1  }
0x17: {  	s4 =	simm.s32 $0x1BF5;
	[smem:$0x3FA1] =	sst s0  }
0x18: {  	s0 =	sld [smem:$0x3F84];
	_ =	swait.ge [sflag:s4], $0x0  }
0x19: {  	s7 =	sld [smem:$0x3F85]  }
0x1a: {  	s8 =	sadd.s32 $0xFFFFE003, lr  }
0x1b: {  	s9 =	sadd.s32 $0xFFFFFEF7, lr;
	s5 =	simm.s32 $0xFFFFFFFF;
	p2 =	slt.u32 s8, $0xFFFFF086  }
0x1c: {  	p1 =	slt.u32 s9, $0xF7A;
	s5 =	simm.s32 @!p2 $0x0  }
0x1d: {  	s5 =	simm.s32 @p1 $0x1;
	p0 =	seq.s32 s7, s2  }
0x1e: {  	s7 =	smul.u32 @!p0 $0xF7A, s2;
	p2 =	seq.s32 @!p0 s5, $0x0  }
0x1f: {  	s9 =	smul.u32 $0xF7A, s1;
	s8 =	simm.s32 @!p0 $0x1BF5;
	p2 =	por !p2, p0  }
0x20: {  	[sflag:s8] =	ssyncset.s32 @!p0 $0xFFFFF086;
	s6 =	sadd.s32 @!p0 s3, s7;
	s7 =	simm.s32 @!p0 $0x108  }
0x21: {  	s3 =	sadd.s32 s3, s9;
	s6 =	sadd.s32 @!p0 $0x88, s6;
	s7 =	simm.s32 @p2 $0x1082  }
0x22: {  	[simem:s7], [sflag:s8] =	dma.local @!p0 [hbm:s6], $0xF7A  }
0x23: {  	s9 =	sor.u32 $0xD0000000, s2;
	s6 =	simm.s32 $0x108;
	_ =	swait.ge @!p0 [sflag:s8], $0x0  }
0x24: {  	s3 =	sadd.s32 $0x88, s3;
	s6 =	simm.s32 @!p1 $0x1082;
	[sflag:s4] =	ssyncset.s32 $0xFFFFF086  }
0x25: {  	[simem:s6], [sflag:s4] =	dma.local [hbm:s3], $0xF7A  }
0x26: {  	[smem:$0x3F85] =	sst s1;
	(tag) =	ssettag s2;
	_ =	strace s9  }
0x27: {  	s1 =	sld [smem:$0x3F95]  }
0x28: {  	s2 =	sld [smem:$0x3F96]  }
0x29: {  	s4 =	sld [smem:$0x3F98]  }
0x2a: {  	p0 =	seq.s32 s5, $0x0;
	s5 =	sld [smem:$0x3F99]  }
0x2b: {  	s6 =	sld [smem:$0x3F9A]  }
0x2c: {  	s7 =	sld [smem:$0x3F9B]  }
0x2d: {  	s3 =	simm.s32 $0x108;
	s8 =	sld [smem:$0x3F9C]  }
0x2e: {  	s3 =	simm.s32 @!p0 $0x1082;
	s9 =	sld [smem:$0x3F9D]  }
0x2f: {  	lr =	sadd.s32 s0, s3;
	s0 =	sld [smem:$0x3F94]  }
0x30: {  	s3 =	sld [smem:$0x3F97]  }
0x31: {  	[smem:$0x3FA0] =	sst s10  }
0x32: {  	s10 =	sld [smem:$0x3F9E];
	_ =	sdelay $0x3  }
0x33: {  	p0 =	seq.s32 s10, $0x1;
	s10 =	sld [smem:$0x3FA0];
	_ =	sdelay $0x3  }
0x34: {  	[smem:$0x3FA0] =	sst s10  }
0x35: {  	s10 =	sld [smem:$0x3F9F];
	_ =	sdelay $0x3  }
0x36: {  	p1 =	seq.s32 s10, $0x1;
	s10 =	sld [smem:$0x3FA0];
	_ =	sdelay $0x3  }
0x37: {  	[smem:$0x3FA0] =	sst s10  }
0x38: {  	s10 =	sld [smem:$0x3FA1]  }
0x39: {  	_ = 	snop;
	(pc) =	sbr.ind lr, $3  }
0x3a: {  	_ = 	snop  }
0x3b: {  	_ = 	snop  }
0x3c: {  	p2 =	seq.s32 s10, $0x1;
	s10 =	sld [smem:$0x3FA0]  }
0x3d: {  	_ =	shalt  }
0x3e: {  	_ =	shalt  }
0x3f: {  	_ =	shalt  }
0x40: {  	_ =	shalt  }
0x41: {  	_ =	shalt  }
0x42: {  	_ =	shalt  }
0x43: {  	_ =	shalt  }
0x44: {  	_ =	shalt  }
0x45: {  	_ =	shalt  }
0x46: {  	_ =	shalt  }
0x47: {  	_ =	shalt  }
0x48: {  	_ =	shalt  }
0x49: {  	_ =	shalt  }
0x4a: {  	_ =	shalt  }
0x4b: {  	_ =	shalt  }
0x4c: {  	_ =	shalt  }
0x4d: {  	_ =	shalt  }
0x4e: {  	_ =	shalt  }
0x4f: {  	_ =	shalt  }
0x50: {  	_ =	shalt  }
0x51: {  	_ =	shalt  }
0x52: {  	_ =	shalt  }
0x53: {  	_ =	shalt  }
0x54: {  	_ =	shalt  }
0x55: {  	_ =	shalt  }
0x56: {  	_ =	shalt  }
0x57: {  	_ =	shalt  }
0x58: {  	_ =	shalt  }
0x59: {  	_ =	shalt  }
0x5a: {  	_ =	shalt  }
0x5b: {  	_ =	shalt  }
0x5c: {  	_ =	shalt  }
0x5d: {  	_ =	shalt  }
0x5e: {  	_ =	shalt  }
0x5f: {  	_ =	shalt  }
0x60: {  	_ =	shalt  }
0x61: {  	_ =	shalt  }
0x62: {  	_ =	shalt  }
0x63: {  	_ =	shalt  }
0x64: {  	_ =	shalt  }
0x65: {  	_ =	shalt  }
0x66: {  	_ =	shalt  }
0x67: {  	_ =	shalt  }
0x68: {  	_ =	shalt  }
0x69: {  	_ =	shalt  }
0x6a: {  	_ =	shalt  }
0x6b: {  	_ =	shalt  }
0x6c: {  	_ =	shalt  }
0x6d: {  	_ =	shalt  }
0x6e: {  	_ =	shalt  }
0x6f: {  	_ =	shalt  }
0x70: {  	_ =	shalt  }
0x71: {  	_ =	shalt  }
0x72: {  	_ =	shalt  }
0x73: {  	_ =	shalt  }
0x74: {  	_ =	shalt  }
0x75: {  	_ =	shalt  }
0x76: {  	_ =	shalt  }
0x77: {  	_ =	shalt  }
0x78: {  	_ =	shalt  }
0x79: {  	_ =	shalt  }
0x7a: {  	_ =	shalt  }
0x7b: {  	_ =	shalt  }
0x7c: {  	_ =	shalt  }
0x7d: {  	_ =	shalt  }
0x7e: {  	_ =	shalt  }
0x7f: {  	_ =	shalt  }
0x80: {  	_ =	shalt  }
0x81: {  	_ =	shalt  }
0x82: {  	_ =	shalt  }
0x83: {  	_ =	shalt  }
0x84: {  	_ =	shalt  }
0x85: {  	_ =	shalt  }
0x86: {  	_ =	shalt  }
0x87: {  	_ =	shalt  }
.Lfunc_end0:
.L_simem_size_0:
called_computation.1_lowered:
.L_overlay_start_0:
0x88: {  	s2 =	sld [smem:$0x3FD9]  }
0x89: {  	s3 =	sld [smem:$0x3FFE];
	_ =	sdelay $0x1  }
0x8a: {  	s1 =	srdreg.scid  }
0x8b: {  	s0 =	sand.u32 $0x1, s1  }
0x8c: {  	s16 =	sshll.u32 s0, $0xA;
	s2 =	sadd.s32 s3, s2  }
0x8d: {  	s2 =	sadd.s32 s2, s16  }
0x8e: {  	[smem:$0x3FAC] =	sst s2  }
0x8f: {  	_ = 	snop  }
0x90: {  	(tm) =	ssettm $0x1  }
0x91: {  	s17 =	sld [smem:$0x3FFB];
	_ =	sdelay $0x3  }
0x92: {  	_ =	strace s17  }
0x93: {  	s2 =	sld [smem:$0x3FFC];
	_ =	sdelay $0x3  }
0x94: {  	_ =	strace s2  }
0x95: {  	s2 =	sld [smem:$0x3FFD];
	_ =	sdelay $0x3  }
0x96: {  	_ =	strace s2  }
0x97: {  	_ =	strace $0x8FFFFFFF  }
0x98: {  	s18 =	sld [smem:$0x3FDB];
	_ =	sdelay $0x1  }
0x99: {  	s19 =	simm.s32 $_scs_section_size  }
0x9a: {  	s4 =	simm.s32 $_size__tile_overlayer_lowered;
	s5 =	simm.s32 $_tile_overlayer_lowered  }
0x9b: {  	s22 =	simm.s32 $0x1BFF;
	s21 =	sshll.u32 s5, $0x1;
	s2 =	sadd.s32 s19, s18  }
0x9c: {  	s6 =	simm.s32 $0x0;
	s20 =	sshll.u32 s4, $0x1;
	s4 =	sadd.s32 s21, s2  }
0x9d: {  	[timem:s6], [sflag:s22] =	dma.local [hbm:s4], s20  }
0x9e: {  	_ =	swait.ge [sflag:s22], s20  }
0x9f: {  	s3 =	ssub.s32 $0x0, s20;
	[sflag:s22] =	ssyncset.done $0x0  }
0xa0: {  	[sflag:s22] =	ssyncadd.s32 s3;
	_ =	sdelay $0x1  }
0xa1: {  	s23 =	simm.s32 $0x1B8B  }
0xa2: {  	_ =	swait.ge [sflag:s23], $0x1  }
0xa3: {  	[sflag:s23] =	ssyncset.done $0x0  }
0xa4: {  	s25 =	simm.s32 $0x1B8E;
	s24 =	sld [smem:$0x3FFE];
	[sflag:s23] =	ssyncadd.s32 $0xFFFFFFFF  }
0xa5: {  	s26 =	simm.s32 $execute0_lowered;
	[smem:$0x3FD2] =	sst s25  }
0xa6: {  	s4 =	sshll.u32 s26, $0x1;
	_ =	strace $0x80000046;
	[dreg:$0x1] =	wrdreg $0xFFFFFFFF  }
0xa7: {  	s28 =	simm.s32 $_size_execute0_lowered;
	s2 =	sadd.s32 s2, s4;
	[dreg:$0x0] =	wrdreg $0x0  }
0xa8: {  	s4 =	sshll.u32 s28, $0x1;
	[dreg:$0x2] =	wrdreg s2  }
0xa9: {  	[dreg:$0x3] =	wrdreg s4  }
0xaa: {  	[dreg:$0x4] =	wrdreg $0xC0  }
0xab: {  	_ =	task [dreg:s6], $0x5FFFF  }
0xac: {  	[dreg:$0x1] =	wrdreg $0xFFFFFFFF  }
0xad: {  	[dreg:$0x0] =	wrdreg $0x60  }
0xae: {  	[dreg:$0x2] =	wrdreg s24  }
0xaf: {  	[dreg:$0x3] =	wrdreg $0xA  }
0xb0: {  	_ =	task.clear_ibuf [dreg:s6], $0x4FFFF;
	_ =	strace $0x90000046  }
0xb1: {  	s29 =	simm.s32 $0xA;
	_ =	strace $0x80000048  }
0xb2: {  	_ =	swait.ge [sflag:s29], $0x1  }
0xb3: {  	[sflag:s29] =	ssyncadd.s32 $0xFFFFFFFF  }
0xb4: {  	_ =	strace $0x90000048  }
0xb5: {  	_ =	sfence  }
0xb6: {  	s30 =	sld [smem:$0x0];
	_ =	sdelay $0x2  }
0xb7: {  	s31 =	sshll.u32 s1, $0xD;
	s1 =	sshrl.u32 s1, $0x2  }
0xb8: {  	s3 =	sand.u32 $0x4000, s31;
	s1 =	sadd.s32 s1, s30  }
0xb9: {  	s0 =	sor.u32 s3, s0;
	s1 =	sshll.u32 s1, $0x11  }
0xba: {  	s0 =	sor.u32 s1, s0  }
0xbb: {  	s0 =	sadd.s32 $0x8F2B, s0  }
0xbc: {  	[sflag:s0] =	ssyncadd.remote.s32 $0x1  }
0xbd: {  	_ =	sfence.sel $0xFFFF  }
0xbe: {  	[dreg:$0x0] =	wrdreg $0xFFFFFFFF;
	(pc) =	sbr.abs _section_cstart, $3  }
0xbf: {  	[dreg:$0x1] =	wrdreg $0xFFFFFFFF  }
0xc0: {  	_ =	task.clear_ibuf [dreg:s6], $0x2FFFF;
	_ =	strace $0x9FFFFFFF  }
0xc1: {  	(tm) =	ssettm $0x7FFFFFFF  }
tec
execute0_lowered:
.L_overlay_start_1:
0x0: {  	(tag) =	ssettag $0x1  }
0x1: {  	s1 =	srdreg.scid  }
0x2: {  	s0 =	stileid.u32;
	s6 =	sand.u32 $0x1, s1  }
0x3: {  	s8 =	rddreg [dreg:$0x0];
	s30 =	sshll.u32 s0, $0x8;
	s2 =	sshll.u32 s6, $0x7  }
0x4: {  	s4 =	simm.s32 $0x3;
	s1 =	rddreg [dreg:$0x1];
	s7 =	sor.u32 s2, s30  }
0x5: {  	s5 =	sadd.s32 $0x6C00, s8;
	s2 =	simm.s32 $0x0;
	s3 =	sshrl.u32 s7, $0x3  }
0x6: {  	s10 =	ssub.s32 $0x2, s6;
	[smem:$0x7FF] =	sst s2;
	s3 =	sadd.s32 s3, s8  }
0x7: {  	s6 =	simm.s32 $0x80;
	_ =	strace $0x80000047;
	s3 =	sadd.s32 $0x68800, s3  }
0x8: {  	[tilespmem:s2], [sflag:$0x3] =	stream.linear.gather [hbm4b:s3+s2], $0x80, $0x38;
	[tilespmem:$0x4080] =	vst v63  }
0x9: {  	s31 =	sshrl.u32 s10, $0x1;
	s9 =	sshll.u32 s7, $0x2;
	_ =	swait.ge [sflag:s4], $0x80  }
0xa: {  	s8 =	sadd.s32 s9, s8;
	s9 =	ssub.s32 s10, s31;
	[sflag:s4] =	ssyncset.done $0x0  }
0xb: {  	s7 =	simm.s32 $0x1;
	s10 =	smax.u32 s9, $0x1;
	[sflag:s4] =	ssyncadd.s32 $0xFFFFFF80  }
0xc: {  	[tilespmem:s6], [sflag:$0x1] =	stream.indirect.gather [hbm4b:s5+s6], $0x20, s2, s6, $0xb8;
	[tilespmem:$0x4080] =	vst v63  }
0xd: {  	p0 =	sne.s32 s10, $0x1;
	_ =	swait.ge [sflag:s7], $0x1000  }
.Ltmp0:
0xe: {  	[sflag:s7] =	ssyncset.done $0x0;
	(pc) =	sbr.rel @!p0 .LBB2_2-.Ltmp0, $4  }
0xf: {  	s8 =	sadd.s32 $0x68A00, s8;
	s9 =	simm.s32 $0x2;
	[sflag:s7] =	ssyncadd.s32 $0xFFFFF000  }
0x10: {  	[hbm4b:s8+s2] =	stream.linear.scatter [tilespmem:s6], [sflag:$0x2], $0x1000, $0x38;
	[tilespmem:$0x4080] =	vst v63  }
0x11: {  	_ =	swait.ge [sflag:s9], $0x1000  }
0x12: {  	s10 =	sadd.s32 $0xFFFFFFFF, s10;
	[sflag:s9] =	ssyncset.done $0x0  }
.LBB2_1:
0x13: {  	p0 =	sne.s32 s10, $0x1;
	s10 =	sadd.s32 $0xFFFFFFFF, s10;
	[sflag:s9] =	ssyncadd.s32 $0xFFFFF000  }
0x14: {  	[tilespmem:s2], [sflag:$0x3] =	stream.linear.gather [hbm4b:s3+s2], $0x80, $0x38;
	[tilespmem:$0x4080] =	vst v63  }
0x15: {  	_ =	swait.ge [sflag:s4], $0x80  }
0x16: {  	[sflag:s4] =	ssyncset.done $0x0  }
0x17: {  	[sflag:s4] =	ssyncadd.s32 $0xFFFFFF80  }
0x18: {  	[tilespmem:s6], [sflag:$0x1] =	stream.indirect.gather [hbm4b:s5+s6], $0x20, s2, s6, $0xb8;
	[tilespmem:$0x4080] =	vst v63  }
0x19: {  	_ =	swait.ge [sflag:s7], $0x1000  }
.Ltmp1:
0x1a: {  	[sflag:s7] =	ssyncset.done $0x0;
	(pc) =	sbr.rel @p0 .LBB2_1-.Ltmp1, $4  }
0x1b: {  	[sflag:s7] =	ssyncadd.s32 $0xFFFFF000  }
0x1c: {  	[hbm4b:s8+s2] =	stream.linear.scatter [tilespmem:s6], [sflag:$0x2], $0x1000, $0x38;
	[tilespmem:$0x4080] =	vst v63  }
0x1d: {  	_ =	swait.ge [sflag:s9], $0x1000  }
0x1e: {  	[sflag:s9] =	ssyncset.done $0x0  }
.LBB2_2:
0x1f: {  	[sflag:s9] =	ssyncadd.s32 $0xFFFFF000  }
0x20: {  	_ =	sfence.sel $0x180000  }
0x21: {  	[bflag:$0x0] =	sbarrier.arrive $0xFFFF  }
0x22: {  	p0 =	sne.s32 s0, $0x0;
	_ =	strace $0x90000047  }
0x23: {  	s0 =	sadd.s32 @!p0 $0x100000, s1;
	[bflag:$0x2] =	sbarrier.arrive $0xFFFF  }
0x24: {  	[sflag:s0] =	ssyncadd.tile.s32 @!p0 $0x1;
	_ =	shalt  }
.Lfunc_end2:
_tile_overlayer_lowered:
.L_overlay_start_2:
0x25: {  	(tag) =	ssettag $0x2  }
0x26: {  	s0 =	rddreg [dreg:$0x0];
	s2 =	stileid.u32  }
0x27: {  	s1 =	rddreg [dreg:$0x1];
	p0 =	sne.s32 s2, $0x0  }
0x28: {  	s3 =	rddreg [dreg:$0x2];
	[bflag:$0x3] =	sbarrier.arrive $0xFFFF;
	s2 =	simm.s32 @!p0 $0x1C03  }
0x29: {  	[timem:s3], [sflag:s2] =	dma.local @!p0 [hbm:s0], s1  }
0x2a: {  	s0 =	simm.s32 @!p0 $0x3  }
0x2b: {  	_ =	swait.ge @!p0 [sflag:s0], s1  }
0x2c: {  	s1 =	ssub.s32 @!p0 $0x0, s1;
	[sflag:s0] =	ssyncset.done @!p0 $0x0  }
0x2d: {  	[sflag:s0] =	ssyncadd.s32 @!p0 s1  }
0x2e: {  	[bflag:$0x3] =	sbarrier.arrive $0xFFFF  }
0x2f: {  	_ =	shalt  }

// kernel: sparse-core-data-format-call.cloned.1.call-start
scs
called_computation_lowered:
.L_overlay_start_0:
0x0: {  	s2 =	sld [smem:$0x3FD9]  }
0x1: {  	s3 =	sld [smem:$0x3FFE];
	_ =	sdelay $0x1  }
0x2: {  	s1 =	srdreg.scid  }
0x3: {  	s0 =	sand.u32 $0x1, s1  }
0x4: {  	s18 =	sshll.u32 s0, $0xA;
	s2 =	sadd.s32 s3, s2  }
0x5: {  	s2 =	sadd.s32 s2, s18  }
0x6: {  	[smem:$0x3FAC] =	sst s2  }
0x7: {  	_ = 	snop  }
0x8: {  	s19 =	sld [smem:$0x3FBA];
	(tm) =	ssettm $0x1  }
0x9: {  	s20 =	sld [smem:$0x3FFB];
	_ =	sdelay $0x3  }
0xa: {  	_ =	strace s20  }
0xb: {  	s2 =	sld [smem:$0x3FFC];
	_ =	sdelay $0x3  }
0xc: {  	_ =	strace s2  }
0xd: {  	s2 =	sld [smem:$0x3FFD];
	_ =	sdelay $0x3  }
0xe: {  	_ =	strace s2  }
0xf: {  	_ =	strace $0x8FFFFFFF  }
0x10: {  	s21 =	sld [smem:$0x3FDB];
	_ =	sdelay $0x1  }
0x11: {  	s4 =	simm.s32 $_scs_section_size  }
0x12: {  	s5 =	simm.s32 $_size__tile_overlayer_lowered;
	s6 =	simm.s32 $_tile_overlayer_lowered  }
0x13: {  	s7 =	simm.s32 $0x1BFF;
	s22 =	sshll.u32 s6, $0x1;
	s4 =	sadd.s32 s4, s21  }
0x14: {  	s23 =	simm.s32 $0x0;
	s5 =	sshll.u32 s5, $0x1;
	s6 =	sadd.s32 s22, s4  }
0x15: {  	[timem:s23], [sflag:s7] =	dma.local [hbm:s6], s5  }
0x16: {  	_ =	swait.ge [sflag:s7], s5  }
0x17: {  	s5 =	ssub.s32 $0x0, s5;
	[sflag:s7] =	ssyncset.done $0x0  }
0x18: {  	[sflag:s7] =	ssyncadd.s32 s5;
	_ =	sdelay $0x1  }
0x19: {  	s24 =	simm.s32 $0x1B8B  }
0x1a: {  	_ =	swait.ge [sflag:s24], $0x1  }
0x1b: {  	[sflag:s24] =	ssyncset.done $0x0  }
0x1c: {  	[sflag:s24] =	ssyncadd.s32 $0xFFFFFFFF  }
0x1d: {  	s5 =	sld [smem:$0x0]  }
0x1e: {  	s6 =	sand.u32 $0xFFFFFFFE, s1  }
0x1f: {  	p0 =	sne.s32 s1, s6  }
0x20: {  	s6 =	sshll.u32 @p0 s6, $0xE  }
0x21: {  	s6 =	sadd.s32 @p0 $0x11B8D, s6;
	s7 =	sshll.u32 @p0 s5, $0x11  }
0x22: {  	s6 =	sor.u32 @p0 s7, s6  }
0x23: {  	[sflag:s6] =	ssyncadd.remote.s32 @p0 $0x1;
	_ =	sdelay $0x1  }
0x24: {  	s6 =	simm.s32 @p0 $0x1B8D  }
0x25: {  	_ =	swait.eq @p0 [sflag:s6], $0x1  }
0x26: {  	[sflag:s6] =	ssyncadd.s32 @p0 $0xFFFFFFFF  }
0x27: {  	s7 =	sshll.u32 @!p0 s1, $0xE  }
0x28: {  	s7 =	sor.u32 @!p0 $0x4000, s7;
	s6 =	simm.s32 @!p0 $0x1B8D  }
0x29: {  	s5 =	sshll.u32 @!p0 s5, $0x11;
	s7 =	sadd.s32 @!p0 $0x11B8D, s7;
	_ =	swait.eq @!p0 [sflag:s6], $0x1  }
0x2a: {  	s5 =	sor.u32 @!p0 s5, s7;
	[sflag:s6] =	ssyncadd.s32 @!p0 $0xFFFFFFFF  }
0x2b: {  	s26 =	simm.s32 $0x1B8E;
	s25 =	sld [smem:$0x3FFE];
	[sflag:s5] =	ssyncadd.remote.s32 @!p0 $0x1  }
0x2c: {  	s27 =	simm.s32 $execute0_lowered;
	[smem:$0x3FD2] =	sst s26  }
0x2d: {  	s6 =	sshll.u32 s27, $0x1;
	_ =	strace $0x80000049;
	[dreg:$0x1] =	wrdreg $0xFFFFFFFF  }
0x2e: {  	s28 =	simm.s32 $_size_execute0_lowered;
	s4 =	sadd.s32 s4, s6;
	[dreg:$0x0] =	wrdreg $0x0  }
0x2f: {  	s6 =	sshll.u32 s28, $0x1;
	[dreg:$0x2] =	wrdreg s4  }
0x30: {  	[dreg:$0x3] =	wrdreg s6  }
0x31: {  	[dreg:$0x4] =	wrdreg $0xC0  }
0x32: {  	_ =	task [dreg:s23], $0x5FFFF  }
0x33: {  	[dreg:$0x1] =	wrdreg $0xFFFFFFFF  }
0x34: {  	[dreg:$0x0] =	wrdreg $0x60  }
0x35: {  	[dreg:$0x2] =	wrdreg s19  }
0x36: {  	[dreg:$0x3] =	wrdreg s25  }
0x37: {  	[dreg:$0x4] =	wrdreg $0x9  }
0x38: {  	_ =	task.clear_ibuf [dreg:s23], $0x5FFFF;
	_ =	strace $0x90000049  }
0x39: {  	s29 =	simm.s32 $0x9;
	_ =	strace $0x8000004B  }
0x3a: {  	_ =	swait.ge [sflag:s29], $0x1  }
0x3b: {  	[sflag:s29] =	ssyncadd.s32 $0xFFFFFFFF  }
0x3c: {  	_ =	strace $0x9000004B  }
0x3d: {  	_ =	sfence  }
0x3e: {  	s30 =	sld [smem:$0x0];
	_ =	sdelay $0x2  }
0x3f: {  	s31 =	sshll.u32 s1, $0xD;
	s1 =	sshrl.u32 s1, $0x2  }
0x40: {  	s4 =	sand.u32 $0x4000, s31;
	s1 =	sadd.s32 s1, s30  }
0x41: {  	s0 =	sor.u32 s4, s0;
	s1 =	sshll.u32 s1, $0x11  }
0x42: {  	s0 =	sor.u32 s1, s0  }
0x43: {  	s0 =	sadd.s32 $0x8F2B, s0  }
0x44: {  	[sflag:s0] =	ssyncadd.remote.s32 $0x1  }
0x45: {  	_ =	sfence.sel $0xFFFF  }
0x46: {  	[dreg:$0x0] =	wrdreg $0xFFFFFFFF;
	(pc) =	sbr.abs _section_cstart, $3  }
0x47: {  	[dreg:$0x1] =	wrdreg $0xFFFFFFFF  }
0x48: {  	_ =	task.clear_ibuf [dreg:s23], $0x2FFFF;
	_ =	strace $0x9FFFFFFF  }
0x49: {  	(tm) =	ssettm $0x7FFFFFFF  }
tec
execute0_lowered:
.L_overlay_start_1:
0x0: {  	(tag) =	ssettag $0x1  }
0x1: {  	s0 =	srdreg.scid;
	s2 =	rddreg [dreg:$0x0]  }
0x2: {  	s6 =	rddreg [dreg:$0x1];
	s1 =	sshll.u32 s0, $0x4  }
0x3: {  	s7 =	simm.s32 $0x1;
	s0 =	stileid.u32;
	s1 =	sand.u32 $0x10, s1  }
0x4: {  	s8 =	simm.s32 $0x2;
	s13 =	simm.s32 $0x0;
	s1 =	sor.u32 s0, s1  }
0x5: {  	s12 =	simm.s32 $0x0;
	s10 =	simm.s32 $0x0;
	s3 =	sshll.u32 s1, $0x9  }
0x6: {  	s11 =	simm.s32 $0x0;
	s6 =	sadd.s32 $0x6CA00, s6;
	s5 =	ssub.s32 $0x186A00, s3  }
.Ltmp0:
0x7: {  	s1 =	rddreg [dreg:$0x2];
	s4 =	sand.u32 $0x3E00, s5;
	(pc) =	sbr.rel .LBB1_1-.Ltmp0, $4  }
0x8: {  	_ =	strace $0x8000004A;
	s9 =	smov.u32 s3;
	p0 =	sne.s32 s4, $0x0  }
0x9: {  	s5 =	sshrl.u32 s5, $0xE;
	s4 =	simm.s32 $0x1;
	s7 =	simm.s32 @!p0 $0x0  }
0xa: {  	[sflag:s4] =	ssyncpa.u1 $0x0;
	p0 =	por $0x0, $0x0;
	s5 =	sadd.s32 s7, s5  }
0xb: {  	[sflag:s8] =	ssyncpa.u1 $0x0;
	s8 =	simm.s32 $0x80;
	s7 =	sadd.s32 $0x1, s5  }
.LBB1_4:
0xc: {  	_ = 	snop  }
0xd: {  	[tilespmem:s18+$0x1760 ss:$0x11] =	vst.msk $0xffff, v7  }
0xe: {  	[tilespmem:s18+$0x1870 ss:$0x11] =	vst.msk $0xffff, v6  }
0xf: {  	[tilespmem:s18+$0x1A90 ss:$0x11] =	vst.msk $0xffff, v3  }
0x10: {  	s21 =	sor.u32 s24, s23;
	v31 =	vld.idx.msk [tilespmem:v0+s16+$0xC70 ss:$0x1], $0xffff;
	[tilespmem:s18+$0x1BA0 ss:$0x11] =	vst.msk $0xffff, v1  }
0x11: {  	[tilespmem:s18+$0x1CB0 ss:$0x11] =	vst.msk $0xffff, v2;
	v43 =	vld.idx.msk [tilespmem:v0+s21+$0x410 ss:$0x1], $0xffff  }
0x12: {  	[tilespmem:s18+$0x1DC0 ss:$0x11] =	vst.msk $0xffff, v4;
	v44 =	vld.idx.msk [tilespmem:v0+s21+$0x420 ss:$0x1], $0xffff  }
0x13: {  	[tilespmem:s18+$0x1ED0 ss:$0x11] =	vst.msk $0xffff, v5;
	s22 =	sand.u32 $0x1200, s21;
	v45 =	vld.idx.msk [tilespmem:v0+s21+$0x430 ss:$0x1], $0xffff  }
0x14: {  	s20 =	sand.u32 $0x180, s20;
	s25 =	sshra.s32 s19, $0x2;
	[tilespmem:s18+$0x1FE0 ss:$0x11] =	vst.msk $0xffff, v8;
	v46 =	vld.idx.msk [tilespmem:v0+s21+$0x440 ss:$0x1], $0xffff;
	s15 =	sadd.s32 s22, s15  }
0x15: {  	v47 =	vld.idx.msk [tilespmem:v0+s21+$0x450 ss:$0x1], $0xffff;
	s24 =	sadd.s32 s20, s15;
	s15 =	sadd.s32 s25, s17;
	[tilespmem:s18+$0x20F0 ss:$0x11] =	vst.msk $0xffff, v31  }
0x16: {  	v48 =	vld.idx.msk [tilespmem:v0+s21+$0x460 ss:$0x1], $0xffff;
	[tilespmem:s15+$0x990 ss:$0x11] =	vst.msk $0xffff, v43  }
0x17: {  	v49 =	vld.idx.msk [tilespmem:v0+s21+$0x470 ss:$0x1], $0xffff;
	[tilespmem:s15+$0xAA0 ss:$0x11] =	vst.msk $0xffff, v44  }
0x18: {  	v50 =	vld.idx.msk [tilespmem:v0+s21+$0x810 ss:$0x1], $0xffff;
	[tilespmem:s15+$0xBB0 ss:$0x11] =	vst.msk $0xffff, v45  }
0x19: {  	v51 =	vld.idx.msk [tilespmem:v0+s21+$0x820 ss:$0x1], $0xffff;
	[tilespmem:s15+$0xCC0 ss:$0x11] =	vst.msk $0xffff, v46  }
0x1a: {  	v52 =	vld.idx.msk [tilespmem:v0+s21+$0x830 ss:$0x1], $0xffff;
	[tilespmem:s15+$0xDD0 ss:$0x11] =	vst.msk $0xffff, v47  }
0x1b: {  	v53 =	vld.idx.msk [tilespmem:v0+s21+$0x840 ss:$0x1], $0xffff;
	[tilespmem:s15+$0xEE0 ss:$0x11] =	vst.msk $0xffff, v48  }
0x1c: {  	v54 =	vld.idx.msk [tilespmem:v0+s21+$0x850 ss:$0x1], $0xffff;
	[tilespmem:s15+$0xFF0 ss:$0x11] =	vst.msk $0xffff, v49  }
0x1d: {  	v55 =	vld.idx.msk [tilespmem:v0+s21+$0x860 ss:$0x1], $0xffff;
	[tilespmem:s15+$0x1210 ss:$0x11] =	vst.msk $0xffff, v50  }
0x1e: {  	v56 =	vld.idx.msk [tilespmem:v0+s21+$0x870 ss:$0x1], $0xffff;
	[tilespmem:s15+$0x1320 ss:$0x11] =	vst.msk $0xffff, v51  }
0x1f: {  	v57 =	vld.idx.msk [tilespmem:v0+s21+$0xC10 ss:$0x1], $0xffff;
	[tilespmem:s15+$0x1430 ss:$0x11] =	vst.msk $0xffff, v52  }
0x20: {  	v58 =	vld.idx.msk [tilespmem:v0+s21+$0xC20 ss:$0x1], $0xffff;
	[tilespmem:s15+$0x1540 ss:$0x11] =	vst.msk $0xffff, v53  }
0x21: {  	v59 =	vld.idx.msk [tilespmem:v0+s21+$0xC30 ss:$0x1], $0xffff;
	[tilespmem:s15+$0x1650 ss:$0x11] =	vst.msk $0xffff, v54  }
0x22: {  	v60 =	vld.idx.msk [tilespmem:v0+s21+$0xC40 ss:$0x1], $0xffff;
	[tilespmem:s15+$0x1760 ss:$0x11] =	vst.msk $0xffff, v55  }
0x23: {  	v61 =	vld.idx.msk [tilespmem:v0+s21+$0xC50 ss:$0x1], $0xffff;
	[tilespmem:s15+$0x1870 ss:$0x11] =	vst.msk $0xffff, v56  }
0x24: {  	v62 =	vld.idx.msk [tilespmem:v0+s21+$0xC60 ss:$0x1], $0xffff;
	[tilespmem:s15+$0x1A90 ss:$0x11] =	vst.msk $0xffff, v57  }
0x25: {  	v63 =	vld.idx.msk [tilespmem:v0+s21+$0xC70 ss:$0x1], $0xffff;
	[tilespmem:s15+$0x1BA0 ss:$0x11] =	vst.msk $0xffff, v58  }
0x26: {  	v32 =	vld [tilespmem:s24+$0xC00];
	[tilespmem:s15+$0x1CB0 ss:$0x11] =	vst.msk $0xffff, v59  }
0x27: {  	v33 =	vld [tilespmem:s24+$0x0];
	[tilespmem:s15+$0x1DC0 ss:$0x11] =	vst.msk $0xffff, v60  }
0x28: {  	v34 =	vld [tilespmem:s24+$0x10];
	[tilespmem:s15+$0x1ED0 ss:$0x11] =	vst.msk $0xffff, v61  }
0x29: {  	s13 =	sshll.u32 s13, $0x7;
	s26 =	sshll.u32 s12, $0x3;
	v35 =	vld [tilespmem:s24+$0x20];
	[tilespmem:s15+$0x1FE0 ss:$0x11] =	vst.msk $0xffff, v62  }
0x2a: {  	s27 =	sand.u32 $0xFFFFFC00, s13;
	s16 =	sand.u32 $0xFFFFFC00, s26;
	v36 =	vld [tilespmem:s24+$0x30];
	[tilespmem:s15+$0x20F0 ss:$0x11] =	vst.msk $0xffff, v63  }
0x2b: {  	s13 =	sand.u32 $0x380, s13;
	s16 =	sadd.s32 s16, s27;
	v37 =	vld [tilespmem:s24+$0x40];
	[tilespmem:s15+$0x1980 ss:$0x11] =	vst.msk $0xffff, v32  }
0x2c: {  	s13 =	sor.u32 s13, s16;
	v38 =	vld [tilespmem:s24+$0x50];
	[tilespmem:s15+$0x0 ss:$0x11] =	vst.msk $0xffff, v33  }
0x2d: {  	v39 =	vld [tilespmem:s24+$0x60];
	s13 =	sshrl.u32 s13, $0x7;
	[tilespmem:s15+$0x110 ss:$0x11] =	vst.msk $0xffff, v34  }
0x2e: {  	v40 =	vld [tilespmem:s24+$0x70];
	s28 =	smulhi.u32 $0x14F8B59, s13;
	[tilespmem:s15+$0x220 ss:$0x11] =	vst.msk $0xffff, v35  }
0x2f: {  	v41 =	vld [tilespmem:s24+$0x400];
	[tilespmem:s15+$0x330 ss:$0x11] =	vst.msk $0xffff, v36  }
0x30: {  	v42 =	vld [tilespmem:s24+$0x800];
	s16 =	sshrl.u32 s28, $0xD;
	[tilespmem:s15+$0x440 ss:$0x11] =	vst.msk $0xffff, v37  }
0x31: {  	s16 =	smul.u32 $0x186A00, s16;
	[tilespmem:s15+$0x550 ss:$0x11] =	vst.msk $0xffff, v38  }
0x32: {  	s29 =	sshrl.u32 s12, $0x3;
	[tilespmem:s15+$0x660 ss:$0x11] =	vst.msk $0xffff, v39  }
0x33: {  	s31 =	sand.u32 $0x7, s12;
	s30 =	sand.u32 $0xF, s29;
	[tilespmem:s15+$0x770 ss:$0x11] =	vst.msk $0xffff, v40;
	s13 =	ssub.s32 s13, s16  }
0x34: {  	s12 =	sshll.u32 s31, $0x12;
	[tilespmem:s15+$0x880 ss:$0x11] =	vst.msk $0xffff, v41;
	s16 =	sadd.s32 s6, s30;
	s13 =	sshll.u32 s13, $0x4  }
0x35: {  	s12 =	sor.u32 $0x10, s12;
	[tilespmem:s15+$0x1100 ss:$0x11] =	vst.msk $0xffff, v42;
	s13 =	sadd.s32 s13, s16  }
0x36: {  	[hbm4b:s13+s12] =	stream.strided.scatter [tilespmem:s14], [sflag:$0x2], $0x2000, s8, s12, $0x8;
	[tilespmem:$0x8400] =	vst v63  }
.LBB1_5:
0x37: {  	s14 =	sadd.s32 $0x4000, s9  }
0x38: {  	s12 =	sadd.s32 $0x10, s10;
	s16 =	smov.u32 s10;
	p2 =	sgt.s32 s14, $0x1869FF  }
0x39: {  	s16 =	smov.u32 @p2 s12  }
0x3a: {  	s14 =	smov.u32 @p2 s3;
	p2 =	sgt.s32 s16, $0xF  }
0x3b: {  	s16 =	simm.s32 @p2 $0x0;
	p2 =	sne.s32 s11, s7  }
.Ltmp1:
0x3c: {  	p1 =	slt.u32 s11, $0x2;
	(pc) =	sbr.rel @!p2 .LBB1_6-.Ltmp1, $4  }
0x3d: {  	s15 =	simm.s32 @!p1 $0x2  }
0x3e: {  	s13 =	smov.u32 s9;
	p0 =	por !p0, !p0;
	_ =	swait.ge @!p1 [sflag:s15], $0x2000  }
0x3f: {  	s12 =	smov.u32 s10;
	[sflag:s15] =	ssyncset.done @!p1 $0x0;
	s9 =	smov.u32 s14  }
0x40: {  	s11 =	sadd.s32 $0x1, s11;
	[sflag:s15] =	ssyncadd.s32 @!p1 $0xFFFFE000;
	s10 =	smov.u32 s16  }
.LBB1_1:
0x41: {  	p1 =	sge.u32 s11, s5  }
0x42: {  	s14 =	sshrl.u32 @!p1 s10, $0x3  }
0x43: {  	s15 =	sshll.u32 @!p1 s9, $0x3;
	s14 =	smul.u32 @!p1 $0xC35000, s14  }
0x44: {  	s16 =	sshll.u32 @!p1 s10, $0x7;
	s15 =	sand.u32 @!p1 $0xFFFFFC00, s15  }
0x45: {  	s14 =	sadd.s32 @!p1 s14, s15;
	s15 =	sand.u32 @!p1 $0x380, s16  }
0x46: {  	s14 =	sor.u32 @!p1 s15, s14  }
0x47: {  	s15 =	sshrl.u32 @!p1 s14, $0x9  }
0x48: {  	s15 =	smulhi.u32 @!p1 $0xA7C5AD, s15;
	_ =	sdelay $0x1  }
0x49: {  	s15 =	sshrl.u32 @!p1 s15, $0x3  }
0x4a: {  	s16 =	sand.u32 @!p1 $0x7F, s9;
	s17 =	smul.u32 @!p1 $0x186A00, s15  }
0x4b: {  	s31 =	sadd.s32 $0xFFFFFFFF, s11;
	s14 =	sor.u32 @!p1 s16, s14;
	s16 =	sxor.u32 @!p1 $0xFFFFFFFF, s11  }
0x4c: {  	s16 =	sshll.u32 @!p1 s16, $0xD;
	s15 =	sand.u32 @!p1 $0xF, s15;
	s14 =	ssub.s32 @!p1 s14, s17  }
0x4d: {  	s15 =	smul.u32 @!p1 $0x30D40, s15;
	s17 =	sshrl.u32 @!p1 s14, $0x3;
	s14 =	sand.u32 @!p1 $0x7, s14  }
0x4e: {  	s16 =	sand.u32 @!p1 $0x2000, s16;
	s17 =	sadd.s32 @!p1 s2, s17;
	s14 =	sshll.u32 @!p1 s14, $0x12  }
0x4f: {  	s15 =	sadd.s32 @!p1 s15, s17;
	s14 =	sor.u32 @!p1 $0x1000, s14;
	s17 =	simm.s32 @!p1 $0xC35000  }
0x50: {  	[tilespmem:s16], [sflag:$0x1] =	stream.strided.gather @!p1 [hbm4b:s15+s14], $0x2000, s17, s14, $0x38;
	[tilespmem:$0x8400] =	vst v63  }
0x51: {  	p1 =	sge.u32 s31, s5  }
.Ltmp2:
0x52: {  	_ = 	snop;
	(pc) =	sbr.rel @p1 .LBB1_5-.Ltmp2, $1  }
0x53: {  	_ =	sdelay $0x3  }
0x54: {  	s17 =	simm.s32 $0x0  }
0x55: {  	s16 =	sand.u32 $0x1000, s17;
	s18 =	sand.u32 $0x380, s17  }
0x56: {  	s14 =	sand.u32 $0x1, s11;
	s16 =	sor.u32 s18, s16  }
0x57: {  	_ =	swait.ge [sflag:s4], $0x2000;
	s15 =	sshll.u32 s14, $0xD;
	s18 =	sand.u32 $0x1200, s16  }
0x58: {  	[sflag:s4] =	ssyncset.done $0x0;
	s17 =	sand.u32 $0x180, s17;
	s18 =	sadd.s32 s18, s15  }
0x59: {  	[sflag:s4] =	ssyncadd.s32 $0xFFFFE000;
	s20 =	sadd.s32 s17, s18  }
0x5a: {  	v4 =	vld [tilespmem:s20+$0xC00]  }
0x5b: {  	s19 =	simm.s32 $0x1;
	v0 =	vmov s15;
	v5 =	vld [tilespmem:s20+$0x0]  }
0x5c: {  	s19 =	simm.s32 @!p0 $0x0;
	v6 =	vld [tilespmem:s20+$0x10]  }
0x5d: {  	s31 =	smul.u32 $0x8800, s19;
	v7 =	vld [tilespmem:s20+$0x20]  }
0x5e: {  	v8 =	vld [tilespmem:s20+$0x30]  }
0x5f: {  	s17 =	sshrl.u32 s31, $0x2;
	v9 =	vld [tilespmem:s20+$0x40]  }
0x60: {  	s17 =	sor.u32 $0x4000, s17;
	v1 =	vld.idx.msk [tilespmem:v0+s16+$0x410 ss:$0x1], $0xffff  }
0x61: {  	v2 =	vld.idx.msk [tilespmem:v0+s16+$0x420 ss:$0x1], $0xffff;
	s18 =	sadd.s32 $0x0, s17  }
0x62: {  	v3 =	vld.idx.msk [tilespmem:v0+s16+$0x430 ss:$0x1], $0xffff;
	[tilespmem:s18+$0x1980 ss:$0x11] =	vst.msk $0xffff, v4  }
0x63: {  	v10 =	vld.idx.msk [tilespmem:v0+s16+$0x820 ss:$0x1], $0xffff;
	[tilespmem:s18+$0x0 ss:$0x11] =	vst.msk $0xffff, v5  }
0x64: {  	v11 =	vld.idx.msk [tilespmem:v0+s16+$0x830 ss:$0x1], $0xffff;
	[tilespmem:s18+$0x110 ss:$0x11] =	vst.msk $0xffff, v6  }
0x65: {  	v12 =	vld.idx.msk [tilespmem:v0+s16+$0x840 ss:$0x1], $0xffff;
	[tilespmem:s18+$0x220 ss:$0x11] =	vst.msk $0xffff, v7  }
0x66: {  	v13 =	vld.idx.msk [tilespmem:v0+s16+$0x850 ss:$0x1], $0xffff;
	[tilespmem:s18+$0x330 ss:$0x11] =	vst.msk $0xffff, v8  }
0x67: {  	v4 =	vld [tilespmem:s20+$0x50];
	[tilespmem:s18+$0x440 ss:$0x11] =	vst.msk $0xffff, v9  }
0x68: {  	v5 =	vld [tilespmem:s20+$0x60];
	[tilespmem:s18+$0x990 ss:$0x11] =	vst.msk $0xffff, v1  }
0x69: {  	v6 =	vld [tilespmem:s20+$0x70];
	[tilespmem:s18+$0xAA0 ss:$0x11] =	vst.msk $0xffff, v2  }
0x6a: {  	v7 =	vld [tilespmem:s20+$0x400];
	[tilespmem:s18+$0xBB0 ss:$0x11] =	vst.msk $0xffff, v3  }
0x6b: {  	v8 =	vld [tilespmem:s20+$0x800];
	[tilespmem:s18+$0x1320 ss:$0x11] =	vst.msk $0xffff, v10  }
0x6c: {  	v9 =	vld.idx.msk [tilespmem:v0+s16+$0x470 ss:$0x1], $0xffff;
	[tilespmem:s18+$0x1430 ss:$0x11] =	vst.msk $0xffff, v11  }
0x6d: {  	v3 =	vld.idx.msk [tilespmem:v0+s16+$0xC10 ss:$0x1], $0xffff;
	[tilespmem:s18+$0x1540 ss:$0x11] =	vst.msk $0xffff, v12  }
0x6e: {  	v1 =	vld.idx.msk [tilespmem:v0+s16+$0xC20 ss:$0x1], $0xffff;
	[tilespmem:s18+$0x1650 ss:$0x11] =	vst.msk $0xffff, v13  }
0x6f: {  	v2 =	vld.idx.msk [tilespmem:v0+s16+$0xC30 ss:$0x1], $0xffff;
	[tilespmem:s18+$0x550 ss:$0x11] =	vst.msk $0xffff, v4  }
0x70: {  	[tilespmem:s18+$0x770 ss:$0x11] =	vst.msk $0xffff, v6;
	v6 =	vld.idx.msk [tilespmem:v0+s16+$0x460 ss:$0x1], $0xffff  }
0x71: {  	v4 =	vld.idx.msk [tilespmem:v0+s16+$0x440 ss:$0x1], $0xffff;
	[tilespmem:s18+$0x660 ss:$0x11] =	vst.msk $0xffff, v5  }
0x72: {  	v5 =	vld.idx.msk [tilespmem:v0+s16+$0x450 ss:$0x1], $0xffff;
	[tilespmem:s18+$0x880 ss:$0x11] =	vst.msk $0xffff, v7  }
0x73: {  	[tilespmem:s18+$0x1100 ss:$0x11] =	vst.msk $0xffff, v8;
	v8 =	vld.idx.msk [tilespmem:v0+s16+$0x810 ss:$0x1], $0xffff  }
0x74: {  	v7 =	vld.idx.msk [tilespmem:v0+s16+$0x860 ss:$0x1], $0xffff;
	[tilespmem:s18+$0xFF0 ss:$0x11] =	vst.msk $0xffff, v9  }
0x75: {  	s14 =	smul.u32 $0x8800, s14;
	[tilespmem:s18+$0xEE0 ss:$0x11] =	vst.msk $0xffff, v6;
	v6 =	vld.idx.msk [tilespmem:v0+s16+$0x870 ss:$0x1], $0xffff  }
0x76: {  	s21 =	simm.s32 $0x200;
	s22 =	simm.s32 $0x8;
	[tilespmem:s18+$0xCC0 ss:$0x11] =	vst.msk $0xffff, v4;
	v4 =	vld.idx.msk [tilespmem:v0+s16+$0xC40 ss:$0x1], $0xffff  }
0x77: {  	s23 =	sand.u32 $0x1000, s21;
	s14 =	sshrl.u32 s14, $0x2;
	s20 =	simm.s32 $0x80;
	[tilespmem:s18+$0xDD0 ss:$0x11] =	vst.msk $0xffff, v5;
	v5 =	vld.idx.msk [tilespmem:v0+s16+$0xC50 ss:$0x1], $0xffff  }
0x78: {  	s19 =	simm.s32 $0x4;
	s14 =	sor.u32 $0x4000, s14;
	s24 =	sand.u32 $0x380, s20;
	[tilespmem:s18+$0x1210 ss:$0x11] =	vst.msk $0xffff, v8;
	v8 =	vld.idx.msk [tilespmem:v0+s16+$0xC60 ss:$0x1], $0xffff  }
.LBB1_3:
0x79: {  	p1 =	sne.s32 s22, $0x3C;
	[tilespmem:s18+$0x1760 ss:$0x11] =	vst.msk $0xffff, v7;
	v7 =	vld.idx.msk [tilespmem:v0+s16+$0xC70 ss:$0x1], $0xffff;
	s16 =	sor.u32 s24, s23  }
0x7a: {  	s23 =	sand.u32 $0x1200, s16;
	v9 =	vld.idx.msk [tilespmem:v0+s16+$0x410 ss:$0x1], $0xffff;
	[tilespmem:s18+$0x1870 ss:$0x11] =	vst.msk $0xffff, v6  }
0x7b: {  	s24 =	sand.u32 $0x180, s20;
	s23 =	sadd.s32 s23, s15;
	v6 =	vld.idx.msk [tilespmem:v0+s16+$0x420 ss:$0x1], $0xffff;
	[tilespmem:s18+$0x1A90 ss:$0x11] =	vst.msk $0xffff, v3  }
0x7c: {  	s23 =	sadd.s32 s24, s23;
	v3 =	vld.idx.msk [tilespmem:v0+s16+$0x430 ss:$0x1], $0xffff;
	[tilespmem:s18+$0x1BA0 ss:$0x11] =	vst.msk $0xffff, v1  }
0x7d: {  	v1 =	vld [tilespmem:s23+$0xC00];
	[tilespmem:s18+$0x1CB0 ss:$0x11] =	vst.msk $0xffff, v2  }
0x7e: {  	v2 =	vld [tilespmem:s23+$0x0];
	[tilespmem:s18+$0x1DC0 ss:$0x11] =	vst.msk $0xffff, v4  }
0x7f: {  	v4 =	vld [tilespmem:s23+$0x10];
	[tilespmem:s18+$0x1ED0 ss:$0x11] =	vst.msk $0xffff, v5  }
0x80: {  	s24 =	sshra.s32 s19, $0x2;
	s19 =	smov.u32 s22;
	v5 =	vld [tilespmem:s23+$0x20];
	[tilespmem:s18+$0x1FE0 ss:$0x11] =	vst.msk $0xffff, v8  }
0x81: {  	v8 =	vld [tilespmem:s23+$0x30];
	[tilespmem:s18+$0x20F0 ss:$0x11] =	vst.msk $0xffff, v7;
	s18 =	sadd.s32 s24, s17  }
0x82: {  	v7 =	vld [tilespmem:s23+$0x40];
	[tilespmem:s18+$0x1980 ss:$0x11] =	vst.msk $0xffff, v1  }
0x83: {  	[tilespmem:s18+$0x0 ss:$0x11] =	vst.msk $0xffff, v2;
	v1 =	vld [tilespmem:s23+$0x50]  }
0x84: {  	[tilespmem:s18+$0x110 ss:$0x11] =	vst.msk $0xffff, v4;
	v2 =	vld [tilespmem:s23+$0x60]  }
0x85: {  	[tilespmem:s18+$0x220 ss:$0x11] =	vst.msk $0xffff, v5;
	v4 =	vld [tilespmem:s23+$0x70]  }
0x86: {  	[tilespmem:s18+$0x330 ss:$0x11] =	vst.msk $0xffff, v8;
	v5 =	vld [tilespmem:s23+$0x400]  }
0x87: {  	[tilespmem:s18+$0x440 ss:$0x11] =	vst.msk $0xffff, v7;
	v7 =	vld [tilespmem:s23+$0x800]  }
0x88: {  	[tilespmem:s18+$0x550 ss:$0x11] =	vst.msk $0xffff, v1;
	v1 =	vld.idx.msk [tilespmem:v0+s16+$0x440 ss:$0x1], $0xffff  }
0x89: {  	[tilespmem:s18+$0x660 ss:$0x11] =	vst.msk $0xffff, v2;
	v2 =	vld.idx.msk [tilespmem:v0+s16+$0x450 ss:$0x1], $0xffff  }
0x8a: {  	[tilespmem:s18+$0x770 ss:$0x11] =	vst.msk $0xffff, v4;
	v4 =	vld.idx.msk [tilespmem:v0+s16+$0x460 ss:$0x1], $0xffff  }
0x8b: {  	[tilespmem:s18+$0x880 ss:$0x11] =	vst.msk $0xffff, v5;
	v5 =	vld.idx.msk [tilespmem:v0+s16+$0x470 ss:$0x1], $0xffff  }
0x8c: {  	[tilespmem:s18+$0x1100 ss:$0x11] =	vst.msk $0xffff, v7;
	v8 =	vld.idx.msk [tilespmem:v0+s16+$0x810 ss:$0x1], $0xffff  }
0x8d: {  	[tilespmem:s18+$0x990 ss:$0x11] =	vst.msk $0xffff, v9;
	v9 =	vld.idx.msk [tilespmem:v0+s16+$0x820 ss:$0x1], $0xffff  }
0x8e: {  	[tilespmem:s18+$0xAA0 ss:$0x11] =	vst.msk $0xffff, v6;
	v10 =	vld.idx.msk [tilespmem:v0+s16+$0x830 ss:$0x1], $0xffff  }
0x8f: {  	[tilespmem:s18+$0xBB0 ss:$0x11] =	vst.msk $0xffff, v3;
	v11 =	vld.idx.msk [tilespmem:v0+s16+$0x840 ss:$0x1], $0xffff  }
0x90: {  	[tilespmem:s18+$0xCC0 ss:$0x11] =	vst.msk $0xffff, v1;
	v12 =	vld.idx.msk [tilespmem:v0+s16+$0x850 ss:$0x1], $0xffff  }
0x91: {  	[tilespmem:s18+$0xDD0 ss:$0x11] =	vst.msk $0xffff, v2;
	v7 =	vld.idx.msk [tilespmem:v0+s16+$0x860 ss:$0x1], $0xffff  }
0x92: {  	[tilespmem:s18+$0xEE0 ss:$0x11] =	vst.msk $0xffff, v4;
	v6 =	vld.idx.msk [tilespmem:v0+s16+$0x870 ss:$0x1], $0xffff  }
0x93: {  	[tilespmem:s18+$0xFF0 ss:$0x11] =	vst.msk $0xffff, v5;
	v3 =	vld.idx.msk [tilespmem:v0+s16+$0xC10 ss:$0x1], $0xffff  }
.Ltmp3:
0x94: {  	[tilespmem:s18+$0x1210 ss:$0x11] =	vst.msk $0xffff, v8;
	v1 =	vld.idx.msk [tilespmem:v0+s16+$0xC20 ss:$0x1], $0xffff;
	(pc) =	sbr.rel @p1 .LBB1_3-.Ltmp3, $4  }
0x95: {  	[tilespmem:s18+$0x1320 ss:$0x11] =	vst.msk $0xffff, v9;
	v2 =	vld.idx.msk [tilespmem:v0+s16+$0xC30 ss:$0x1], $0xffff  }
0x96: {  	[tilespmem:s18+$0x1430 ss:$0x11] =	vst.msk $0xffff, v10;
	v4 =	vld.idx.msk [tilespmem:v0+s16+$0xC40 ss:$0x1], $0xffff  }
0x97: {  	s20 =	sadd.s32 $0x80, s20;
	s21 =	sadd.s32 $0x200, s21;
	[tilespmem:s18+$0x1540 ss:$0x11] =	vst.msk $0xffff, v11;
	v5 =	vld.idx.msk [tilespmem:v0+s16+$0xC50 ss:$0x1], $0xffff  }
0x98: {  	s22 =	sadd.s32 $0x4, s22;
	s24 =	sand.u32 $0x380, s20;
	s23 =	sand.u32 $0x1000, s21;
	[tilespmem:s18+$0x1650 ss:$0x11] =	vst.msk $0xffff, v12;
	v8 =	vld.idx.msk [tilespmem:v0+s16+$0xC60 ss:$0x1], $0xffff  }
.Ltmp4:
0x99: {  	_ = 	snop;
	(pc) =	sbr.rel .LBB1_4-.Ltmp4, $1  }
0x9a: {  	_ =	sdelay $0x3  }
.LBB1_6:
0x9b: {  	_ =	sfence.sel $0x180000  }
0x9c: {  	s2 =	simm.s32 $0x1;
	[bflag:$0x0] =	sbarrier.arrive $0xFFFF  }
0x9d: {  	s31 =	simm.s32 $0x2;
	[sflag:s2] =	ssyncpa.u1 $0x1  }
0x9e: {  	[sflag:s31] =	ssyncpa.u1 $0x1  }
0x9f: {  	p0 =	sne.s32 s0, $0x0;
	_ =	strace $0x9000004A  }
0xa0: {  	s0 =	sadd.s32 @!p0 $0x100000, s1;
	[bflag:$0x2] =	sbarrier.arrive $0xFFFF  }
0xa1: {  	[sflag:s0] =	ssyncadd.tile.s32 @!p0 $0x1;
	_ =	shalt  }
.Lfunc_end1:
_tile_overlayer_lowered:
.L_overlay_start_2:
0xa2: {  	(tag) =	ssettag $0x2  }
0xa3: {  	s0 =	rddreg [dreg:$0x0];
	s2 =	stileid.u32  }
0xa4: {  	s1 =	rddreg [dreg:$0x1];
	p0 =	sne.s32 s2, $0x0  }
0xa5: {  	s3 =	rddreg [dreg:$0x2];
	[bflag:$0x3] =	sbarrier.arrive $0xFFFF;
	s2 =	simm.s32 @!p0 $0x1C01  }
0xa6: {  	[timem:s3], [sflag:s2] =	dma.local @!p0 [hbm:s0], s1  }
0xa7: {  	s0 =	simm.s32 @!p0 $0x1  }
0xa8: {  	_ =	swait.ge @!p0 [sflag:s0], s1  }
0xa9: {  	s1 =	ssub.s32 @!p0 $0x0, s1;
	[sflag:s0] =	ssyncset.done @!p0 $0x0  }
0xaa: {  	[sflag:s0] =	ssyncadd.s32 @!p0 s1  }
0xab: {  	[bflag:$0x3] =	sbarrier.arrive $0xFFFF  }
0xac: {  	_ =	shalt  }

</sc_bundles>
